<compile_context>
chip_gen: v7x
topology: tpu7x:2x2x1
jax: 0.10.2.dev20260603
libtpu: 0.0.44.dev20260713+nightly
codegen_flags: <defaults>
</compile_context>

<pallas_src>
import functools

import jax
import jax.numpy as jnp
from jax import lax
from jax.experimental import pallas as pl
from jax.experimental.pallas import tpu as pltpu
from jax.experimental.pallas import tpu_sc as plsc

N_NODES = 10000
N_EDGES = 320000
NUM_GRAPHS = 64
BN_EPS = 1e-5

HID = 300
HPAD = 320
QW = HPAD // 4
NS = 16
CHUNK = 80
E_PER_SUB = N_EDGES // NS
NCHUNK = E_PER_SUB // CHUNK
ROWS_MAIN = 624
ROWS_TAIL_BASE = ROWS_MAIN * NS

NB = 1000
NBLK = N_NODES // NB


def _sc_body(hh, src_both, dst_all, out, src_v, dst_v, buf0, buf1, acc,
             sem0, sem1):
  cid = lax.axis_index("c")
  sid = lax.axis_index("s")
  pltpu.sync_copy(src_both.at[cid, sid], src_v)
  pltpu.sync_copy(dst_all.at[sid], dst_v)

  @pl.when(sid == 0)
  def _init():
    pltpu.sync_copy(hh.at[pl.ds(cid * N_NODES, N_NODES)], acc)

  plsc.subcore_barrier()

  pltpu.async_copy(hh.at[src_v.at[0]], buf0, sem0)
  pltpu.async_copy(hh.at[src_v.at[1]], buf1, sem1)

  def pair(p, carry):
    g = 2 * p
    pltpu.make_async_copy(hh.at[src_v.at[g]], buf0, sem0).wait()
    pltpu.sync_copy(buf0, acc.at[dst_v.at[g]], add=True)

    @pl.when(g + 2 < NCHUNK)
    def _():
      pltpu.async_copy(hh.at[src_v.at[g + 2]], buf0, sem0)

    pltpu.make_async_copy(hh.at[src_v.at[g + 1]], buf1, sem1).wait()
    pltpu.sync_copy(buf1, acc.at[dst_v.at[g + 1]], add=True)

    @pl.when(g + 3 < NCHUNK)
    def _():
      pltpu.async_copy(hh.at[src_v.at[g + 3]], buf1, sem1)

    return carry

  lax.fori_loop(0, NCHUNK // 2, pair, 0)

  plsc.subcore_barrier()

  base = sid * ROWS_MAIN
  pltpu.sync_copy(acc.at[pl.ds(base, ROWS_MAIN)],
                  out.at[pl.ds(cid * N_NODES + base, ROWS_MAIN)])

  @pl.when(sid == NS - 1)
  def _tail():
    pltpu.sync_copy(acc.at[pl.ds(ROWS_TAIL_BASE, N_NODES - ROWS_TAIL_BASE)],
                    out.at[pl.ds(cid * N_NODES + ROWS_TAIL_BASE,
                                 N_NODES - ROWS_TAIL_BASE)])


@functools.lru_cache(maxsize=None)
def _sc_aggr():
  mesh = plsc.VectorSubcoreMesh(core_axis_name="c", subcore_axis_name="s")
  return pl.kernel(
      _sc_body,
      out_type=jax.ShapeDtypeStruct((2 * N_NODES, QW), jnp.float32),
      mesh=mesh,
      scratch_types=[
          pltpu.VMEM((NCHUNK, CHUNK), jnp.int32),
          pltpu.VMEM((NCHUNK, CHUNK), jnp.int32),
          pltpu.VMEM((CHUNK, QW), jnp.float32),
          pltpu.VMEM((CHUNK, QW), jnp.float32),
          pltpu.VMEM_SHARED((N_NODES, QW), jnp.float32),
          pltpu.SemaphoreType.DMA,
          pltpu.SemaphoreType.DMA,
      ],
      compiler_params=pltpu.CompilerParams(use_tc_tiling_on_sc=False),
  )


def _mlp(zza, zzb, w1, b1, w2, b2, last):

  def body(z0_ref, z1_ref, z2_ref, z3_ref, w1_ref, b1_ref, w2_ref, b2_ref,
           *outs):
    a = (z0_ref[...] @ w1_ref[pl.ds(0, QW), :]
         + z1_ref[...] @ w1_ref[pl.ds(QW, QW), :]
         + z2_ref[...] @ w1_ref[pl.ds(2 * QW, QW), :]
         + z3_ref[...] @ w1_ref[pl.ds(3 * QW, QW), :]
         + b1_ref[...])
    a = jnp.maximum(a, 0.0)
    o = jnp.maximum(a @ w2_ref[...] + b2_ref[...], 0.0)
    if last:
      outs[0][...] = o
    else:
      op = jnp.concatenate([o, jnp.zeros((NB, HPAD - HID), jnp.float32)], 1)
      outs[0][0] = op[:, :QW]
      outs[0][1] = op[:, QW:2 * QW]
      outs[1][0] = op[:, 2 * QW:3 * QW]
      outs[1][1] = op[:, 3 * QW:]

  if last:
    out_shape = jax.ShapeDtypeStruct((N_NODES, HID), jnp.float32)
    out_specs = pl.BlockSpec((NB, HID), lambda i: (i, 0))
  else:
    out_shape = [jax.ShapeDtypeStruct((2, N_NODES, QW), jnp.float32)] * 2
    out_specs = [pl.BlockSpec((2, NB, QW), lambda i: (0, i, 0))] * 2

  return pl.pallas_call(
      body,
      grid=(NBLK,),
      in_specs=[
          pl.BlockSpec((NB, QW), lambda i: (i, 0)),
          pl.BlockSpec((NB, QW), lambda i: (i + NBLK, 0)),
          pl.BlockSpec((NB, QW), lambda i: (i, 0)),
          pl.BlockSpec((NB, QW), lambda i: (i + NBLK, 0)),
          pl.BlockSpec((HPAD, HID), lambda i: (0, 0)),
          pl.BlockSpec((1, HID), lambda i: (0, 0)),
          pl.BlockSpec((HID, HID), lambda i: (0, 0)),
          pl.BlockSpec((1, HID), lambda i: (0, 0)),
      ],
      out_specs=out_specs,
      out_shape=out_shape,
  )(zza, zza, zzb, zzb, w1, b1, w2, b2)


def _pool_classify(h, batch3, w1, b1, gamma, beta, w2, b2):
  ncls = w2.shape[1]

  def body(h_ref, b_ref, w1_ref, b1_ref, g_ref, bt_ref, w2_ref, b2_ref,
           out_ref, acc_ref):
    i = pl.program_id(0)

    @pl.when(i == 0)
    def _():
      acc_ref[...] = jnp.zeros((NUM_GRAPHS, HID), jnp.float32)

    bid = b_ref[0, 0, :]
    onehot = (bid[:, None] == lax.broadcasted_iota(
        jnp.int32, (NB, NUM_GRAPHS), 1)).astype(jnp.float32)
    acc_ref[...] += lax.dot_general(onehot, h_ref[...],
                                    (((0,), (0,)), ((), ())))

    @pl.when(i == NBLK - 1)
    def _():
      z = acc_ref[...] @ w1_ref[...] + b1_ref[...]
      z = z * (g_ref[...] / jnp.sqrt(1.0 + BN_EPS)) + bt_ref[...]
      z = jnp.maximum(z, 0.0)
      out_ref[...] = z @ w2_ref[...] + b2_ref[...]

  return pl.pallas_call(
      body,
      grid=(NBLK,),
      in_specs=[
          pl.BlockSpec((NB, HID), lambda i: (i, 0)),
          pl.BlockSpec((1, 1, NB), lambda i: (i, 0, 0)),
          pl.BlockSpec((HID, HID), lambda i: (0, 0)),
          pl.BlockSpec((1, HID), lambda i: (0, 0)),
          pl.BlockSpec((1, HID), lambda i: (0, 0)),
          pl.BlockSpec((1, HID), lambda i: (0, 0)),
          pl.BlockSpec((HID, ncls), lambda i: (0, 0)),
          pl.BlockSpec((1, ncls), lambda i: (0, 0)),
      ],
      out_specs=pl.BlockSpec((NUM_GRAPHS, ncls), lambda i: (0, 0)),
      out_shape=jax.ShapeDtypeStruct((NUM_GRAPHS, ncls), jnp.float32),
      scratch_shapes=[pltpu.VMEM((NUM_GRAPHS, HID), jnp.float32)],
  )(h, batch3, w1, b1, gamma, beta, w2, b2)


def kernel(x, edge_index, batch,
           W1_0, b1_0, W2_0, b2_0,
           W1_1, b1_1, W2_1, b2_1,
           W1_2, b1_2, W2_2, b2_2,
           W1_3, b1_3, W2_3, b2_3,
           W1_4, b1_4, W2_4, b2_4,
           clf_W1, clf_b1, bn_gamma, bn_beta, clf_W2, clf_b2):
  src = edge_index[0].reshape(NS, NCHUNK, CHUNK)
  src_both = jnp.stack([src, src + N_NODES])
  dst = edge_index[1].reshape(NS, NCHUNK, CHUNK)

  xp = jnp.pad(x, ((0, 0), (0, HPAD - x.shape[1])))
  hha = jnp.concatenate([xp[:, :QW], xp[:, QW:2 * QW]], axis=0)
  hhb = jnp.concatenate([xp[:, 2 * QW:3 * QW], xp[:, 3 * QW:]], axis=0)

  layers = [(W1_0, b1_0, W2_0, b2_0), (W1_1, b1_1, W2_1, b2_1),
            (W1_2, b1_2, W2_2, b2_2), (W1_3, b1_3, W2_3, b2_3),
            (W1_4, b1_4, W2_4, b2_4)]
  layers = [(jnp.pad(w1, ((0, HPAD - w1.shape[0]), (0, 0))), b1, w2, b2)
            for (w1, b1, w2, b2) in layers]

  aggr = _sc_aggr()
  for l, (w1, b1, w2, b2) in enumerate(layers):
    zza = aggr(hha, src_both, dst)
    if l == 0:
      zzb = hhb
    else:
      zzb = aggr(hhb, src_both, dst)
    last = l == len(layers) - 1
    res = _mlp(zza, zzb, w1, b1.reshape(1, -1), w2, b2.reshape(1, -1), last)
    if last:
      hfin = res
    else:
      hha = res[0].reshape(2 * N_NODES, QW)
      hhb = res[1].reshape(2 * N_NODES, QW)

  batch3 = batch.reshape(NBLK, 1, NB)
  return _pool_classify(hfin, batch3, clf_W1, clf_b1.reshape(1, -1),
                        bn_gamma.reshape(1, -1), bn_beta.reshape(1, -1),
                        clf_W2, clf_b2.reshape(1, -1))

# --- scband reference (transcript-rebuilt; emitter-appended) ---
"""Pipeline reference for scband-ginwith-classifier-9380208574710 (READ-ONLY COPY).

The authoritative reference and input builder live on the scoring server;
editing this copy changes nothing except your own understanding.
"""

import jax, jax.numpy as jnp
import numpy as np

N_NODES = 10000
N_EDGES = 320000
D_FEAT = 128
HIDDEN = 300
NUM_CLASSES = 10
NUM_LAYERS = 5
NUM_GRAPHS = 64
BN_EPS = 1e-5


def setup_inputs(seed=0) -> dict:
    key = jax.random.key(seed)
    ks = jax.random.split(key, 20)
    inp = {}
    inp["x"] = jax.random.normal(ks[0], (N_NODES, D_FEAT), dtype=jnp.float32)
    inp["edge_index"] = jax.random.randint(ks[1], (2, N_EDGES), 0, N_NODES, dtype=jnp.int32)
    inp["batch"] = jnp.sort(jax.random.randint(ks[2], (N_NODES,), 0, NUM_GRAPHS, dtype=jnp.int32))
    # GIN conv parameters: each GINConv holds MLP([in, hidden, hidden]) with ReLU between
    dims_in = [D_FEAT] + [HIDDEN] * (NUM_LAYERS - 1)
    ki = 3
    for l in range(NUM_LAYERS):
        inp["W1_%d" % l] = jax.random.normal(ks[ki], (dims_in[l], HIDDEN), dtype=jnp.float32) * 0.05; ki += 1
        inp["b1_%d" % l] = jnp.zeros((HIDDEN,), dtype=jnp.float32)
        inp["W2_%d" % l] = jax.random.normal(ks[ki], (HIDDEN, HIDDEN), dtype=jnp.float32) * 0.05; ki += 1
        inp["b2_%d" % l] = jnp.zeros((HIDDEN,), dtype=jnp.float32)
    # Classifier MLP([hidden, hidden, num_classes], norm='batch_norm')
    inp["clf_W1"] = jax.random.normal(ks[ki], (HIDDEN, HIDDEN), dtype=jnp.float32) * 0.05; ki += 1
    inp["clf_b1"] = jnp.zeros((HIDDEN,), dtype=jnp.float32)
    inp["bn_gamma"] = jnp.ones((HIDDEN,), dtype=jnp.float32)
    inp["bn_beta"] = jnp.zeros((HIDDEN,), dtype=jnp.float32)
    inp["clf_W2"] = jax.random.normal(ks[ki], (HIDDEN, NUM_CLASSES), dtype=jnp.float32) * 0.05; ki += 1
    inp["clf_b2"] = jnp.zeros((NUM_CLASSES,), dtype=jnp.float32)
    return inp


def _forward(x, edge_index, batch, p):
    # PyG GIN (BasicGNN) in eval mode: dropout = identity.
    src = edge_index[0]
    dst = edge_index[1]
    h = x
    for l in range(NUM_LAYERS):
        # GINConv: nn((1 + eps) * x + sum_{j in N(i)} x_j), eps = 0
        msgs = jnp.take(h, src, axis=0)
        aggr = jax.ops.segment_sum(msgs, dst, num_segments=N_NODES)
        z = h + aggr
        z = jax.nn.relu(z @ p["W1_%d" % l] + p["b1_%d" % l])
        z = z @ p["W2_%d" % l] + p["b2_%d" % l]
        # jk='last' -> act applied after every conv (dropout identity in eval)
        h = jax.nn.relu(z)
    # global_add_pool
    pooled = jax.ops.segment_sum(h, batch, num_segments=NUM_GRAPHS)
    # classifier: Linear -> BatchNorm (eval, running mean=0 var=1) -> ReLU -> Dropout(id) -> Linear
    z = pooled @ p["clf_W1"] + p["clf_b1"]
    z = (z / jnp.sqrt(1.0 + BN_EPS)) * p["bn_gamma"] + p["bn_beta"]
    z = jax.nn.relu(z)
    out = z @ p["clf_W2"] + p["clf_b2"]
    return out


def reference(x, edge_index, batch,
              W1_0, b1_0, W2_0, b2_0,
              W1_1, b1_1, W2_1, b2_1,
              W1_2, b1_2, W2_2, b2_2,
              W1_3, b1_3, W2_3, b2_3,
              W1_4, b1_4, W2_4, b2_4,
              clf_W1, clf_b1, bn_gamma, bn_beta, clf_W2, clf_b2):
    p = dict(locals())
    p.pop("x")
    p.pop("edge_index")
    p.pop("batch")
    return _forward(x, edge_index, batch, p)

if __name__ == "__main__":
    import jax
    _d = setup_inputs()
    print(jax.jit(kernel)(*tuple(_d.values())))

</pallas_src>

<mosaic_0001>
#map = affine_map<(d0, d1) -> (0, 0)>
#map1 = affine_map<(d0, d1) -> (0, 0, 0, 0)>
#map2 = affine_map<(d0, d1) -> (0, 0, 0)>
module attributes {stable_mosaic.version = 14 : i64} {
  func.func @_sc_body(%arg0: i32, %arg1: i32, %arg2: memref<20000x80xf32, #tpu.memory_space<hbm>>, %arg3: memref<2x16x250x80xi32, #tpu.memory_space<hbm>>, %arg4: memref<16x250x80xi32, #tpu.memory_space<hbm>>, %arg5: memref<20000x80xf32, #tpu.memory_space<hbm>>, %arg6: memref<250x80xi32, #tpu.memory_space<vmem>>, %arg7: memref<250x80xi32, #tpu.memory_space<vmem>>, %arg8: memref<80x80xf32, #tpu.memory_space<vmem>>, %arg9: memref<80x80xf32, #tpu.memory_space<vmem>>, %arg10: memref<10000x80xf32, #tpu.memory_space<vmem_shared>>, %arg11: memref<!tpu.dma_semaphore, #tpu.memory_space<semaphore_mem>>, %arg12: memref<!tpu.dma_semaphore, #tpu.memory_space<semaphore_mem>>) attributes {dimension_semantics = [#tpu.dimension_semantics<core_parallel>, #tpu.dimension_semantics<subcore_parallel>], iteration_bounds = array<i64: 2, 16>, scalar_prefetch = 0 : i64, scratch_operands = 7 : i64, tpu.core_type = #tpu.core_type<sc_vector_subcore>, window_params = [{transform_indices = #map}, {transform_indices = #map1}, {transform_indices = #map2}, {transform_indices = #map}]} {
    "tpu.region"() ({
      %run_scoped3A = tpu.sem_alloc : memref<!tpu.dma_semaphore, #tpu.memory_space<semaphore_mem>>
      %dma_start3A_29 = arith.constant 0 : i32
      %dma_start3A_30 = arith.constant 0 : i32
      %dma_start3A_31 = tpu.memref_slice %arg3[%arg0, %arg1, %dma_start3A_29, %dma_start3A_30] : memref<2x16x250x80xi32, #tpu.memory_space<hbm>> -> memref<1x1x250x80xi32, #tpu.memory_space<hbm>>
      %dma_start3A_32 = tpu.memref_squeeze %dma_start3A_31 : memref<1x1x250x80xi32, #tpu.memory_space<hbm>> -> memref<250x80xi32, #tpu.memory_space<hbm>>
      %dma_start3A_33 = arith.constant 0 : i32
      %dma_start3A_34 = arith.constant 0 : i32
      %dma_start3A_35 = tpu.memref_slice %arg3[%arg0, %arg1, %dma_start3A_33, %dma_start3A_34] : memref<2x16x250x80xi32, #tpu.memory_space<hbm>> -> memref<1x1x250x80xi32, #tpu.memory_space<hbm>>
      %dma_start3A_36 = tpu.memref_squeeze %dma_start3A_35 : memref<1x1x250x80xi32, #tpu.memory_space<hbm>> -> memref<250x80xi32, #tpu.memory_space<hbm>>
      tpu.enqueue_dma source(%dma_start3A_36 : memref<250x80xi32, #tpu.memory_space<hbm>>) target(%arg6 : memref<250x80xi32, #tpu.memory_space<vmem>>) target_semaphore(%run_scoped3A : memref<!tpu.dma_semaphore, #tpu.memory_space<semaphore_mem>>)
      %dma_wait3A = arith.constant 0 : i32
      %dma_wait3A_37 = arith.constant 0 : i32
      %dma_wait3A_38 = tpu.memref_slice %arg3[%arg0, %arg1, %dma_wait3A, %dma_wait3A_37] : memref<2x16x250x80xi32, #tpu.memory_space<hbm>> -> memref<1x1x250x80xi32, #tpu.memory_space<hbm>>
      %dma_wait3A_39 = tpu.memref_squeeze %dma_wait3A_38 : memref<1x1x250x80xi32, #tpu.memory_space<hbm>> -> memref<250x80xi32, #tpu.memory_space<hbm>>
      %dma_wait3A_40 = arith.constant 0 : i32
      %dma_wait3A_41 = arith.constant 0 : i32
      %dma_wait3A_42 = tpu.memref_slice %arg3[%arg0, %arg1, %dma_wait3A_40, %dma_wait3A_41] : memref<2x16x250x80xi32, #tpu.memory_space<hbm>> -> memref<1x1x250x80xi32, #tpu.memory_space<hbm>>
      %dma_wait3A_43 = tpu.memref_squeeze %dma_wait3A_42 : memref<1x1x250x80xi32, #tpu.memory_space<hbm>> -> memref<250x80xi32, #tpu.memory_space<hbm>>
      tpu.wait_dma2 semaphore(%run_scoped3A : memref<!tpu.dma_semaphore, #tpu.memory_space<semaphore_mem>>) src(%dma_wait3A_43 : memref<250x80xi32, #tpu.memory_space<hbm>>) dst(%arg6 : memref<250x80xi32, #tpu.memory_space<vmem>>)
      tpu.yield
    }) : () -> ()
    "tpu.region"() ({
      %run_scoped3A = tpu.sem_alloc : memref<!tpu.dma_semaphore, #tpu.memory_space<semaphore_mem>>
      %dma_start3A_29 = arith.constant 0 : i32
      %dma_start3A_30 = arith.constant 0 : i32
      %dma_start3A_31 = tpu.memref_slice %arg4[%arg1, %dma_start3A_29, %dma_start3A_30] : memref<16x250x80xi32, #tpu.memory_space<hbm>> -> memref<1x250x80xi32, #tpu.memory_space<hbm>>
      %dma_start3A_32 = tpu.memref_squeeze %dma_start3A_31 : memref<1x250x80xi32, #tpu.memory_space<hbm>> -> memref<250x80xi32, #tpu.memory_space<hbm>>
      %dma_start3A_33 = arith.constant 0 : i32
      %dma_start3A_34 = arith.constant 0 : i32
      %dma_start3A_35 = tpu.memref_slice %arg4[%arg1, %dma_start3A_33, %dma_start3A_34] : memref<16x250x80xi32, #tpu.memory_space<hbm>> -> memref<1x250x80xi32, #tpu.memory_space<hbm>>
      %dma_start3A_36 = tpu.memref_squeeze %dma_start3A_35 : memref<1x250x80xi32, #tpu.memory_space<hbm>> -> memref<250x80xi32, #tpu.memory_space<hbm>>
      tpu.enqueue_dma source(%dma_start3A_36 : memref<250x80xi32, #tpu.memory_space<hbm>>) target(%arg7 : memref<250x80xi32, #tpu.memory_space<vmem>>) target_semaphore(%run_scoped3A : memref<!tpu.dma_semaphore, #tpu.memory_space<semaphore_mem>>)
      %dma_wait3A = arith.constant 0 : i32
      %dma_wait3A_37 = arith.constant 0 : i32
      %dma_wait3A_38 = tpu.memref_slice %arg4[%arg1, %dma_wait3A, %dma_wait3A_37] : memref<16x250x80xi32, #tpu.memory_space<hbm>> -> memref<1x250x80xi32, #tpu.memory_space<hbm>>
      %dma_wait3A_39 = tpu.memref_squeeze %dma_wait3A_38 : memref<1x250x80xi32, #tpu.memory_space<hbm>> -> memref<250x80xi32, #tpu.memory_space<hbm>>
      %dma_wait3A_40 = arith.constant 0 : i32
      %dma_wait3A_41 = arith.constant 0 : i32
      %dma_wait3A_42 = tpu.memref_slice %arg4[%arg1, %dma_wait3A_40, %dma_wait3A_41] : memref<16x250x80xi32, #tpu.memory_space<hbm>> -> memref<1x250x80xi32, #tpu.memory_space<hbm>>
      %dma_wait3A_43 = tpu.memref_squeeze %dma_wait3A_42 : memref<1x250x80xi32, #tpu.memory_space<hbm>> -> memref<250x80xi32, #tpu.memory_space<hbm>>
      tpu.wait_dma2 semaphore(%run_scoped3A : memref<!tpu.dma_semaphore, #tpu.memory_space<semaphore_mem>>) src(%dma_wait3A_43 : memref<250x80xi32, #tpu.memory_space<hbm>>) dst(%arg7 : memref<250x80xi32, #tpu.memory_space<vmem>>)
      tpu.yield
    }) : () -> ()
    %eq3A = arith.constant 0 : i32
    %eq3A_0 = arith.cmpi eq, %arg1, %eq3A : i32
    %convert_element_type3A = arith.extui %eq3A_0 : i1 to i32
    %cond3A = arith.constant 0 : i32
    %cond3A_1 = arith.cmpi ne, %convert_element_type3A, %cond3A : i32
    scf.if %cond3A_1 {
      %mul3A_29 = arith.constant 10000 : i32
      %mul3A_30 = arith.muli %arg0, %mul3A_29 : i32
      "tpu.region"() ({
        %run_scoped3A = tpu.sem_alloc : memref<!tpu.dma_semaphore, #tpu.memory_space<semaphore_mem>>
        %dma_start3A_31 = arith.constant 0 : i32
        %dma_start3A_32 = tpu.memref_slice %arg2[%mul3A_30, %dma_start3A_31] : memref<20000x80xf32, #tpu.memory_space<hbm>> -> memref<10000x80xf32, #tpu.memory_space<hbm>>
        tpu.enqueue_dma source(%dma_start3A_32 : memref<10000x80xf32, #tpu.memory_space<hbm>>) target(%arg10 : memref<10000x80xf32, #tpu.memory_space<vmem_shared>>) target_semaphore(%run_scoped3A : memref<!tpu.dma_semaphore, #tpu.memory_space<semaphore_mem>>)
        %dma_wait3A = arith.constant 0 : i32
        %dma_wait3A_33 = tpu.memref_slice %arg2[%mul3A_30, %dma_wait3A] : memref<20000x80xf32, #tpu.memory_space<hbm>> -> memref<10000x80xf32, #tpu.memory_space<hbm>>
        tpu.wait_dma2 semaphore(%run_scoped3A : memref<!tpu.dma_semaphore, #tpu.memory_space<semaphore_mem>>) src(%dma_wait3A_33 : memref<10000x80xf32, #tpu.memory_space<hbm>>) dst(%arg10 : memref<10000x80xf32, #tpu.memory_space<vmem_shared>>)
        tpu.yield
      }) : () -> ()
    } else {
    }
    %barrier3A = arith.constant 0 : index
    tpu.barrier barrier_id(%barrier3A)
    %dma_start3A = arith.constant 0 : i32
    %dma_start3A_2 = arith.constant 0 : i32
    %dma_start3A_3 = tpu.memref_slice %arg6[%dma_start3A, %dma_start3A_2] : memref<250x80xi32, #tpu.memory_space<vmem>> -> memref<1x80xi32, #tpu.memory_space<vmem>>
    %dma_start3A_4 = tpu.memref_squeeze %dma_start3A_3 : memref<1x80xi32, #tpu.memory_space<vmem>> -> memref<80xi32, #tpu.memory_space<vmem>>
    %dma_start3A_5 = arith.constant 0 : i32
    %dma_start3A_6 = arith.constant 0 : i32
    %dma_start3A_7 = tpu.memref_slice %arg2[%dma_start3A_5, %dma_start3A_6] : memref<20000x80xf32, #tpu.memory_space<hbm>> -> memref<20000x80xf32, #tpu.memory_space<hbm>>
    tpu.enqueue_indirect_dma source(%dma_start3A_7 : memref<20000x80xf32, #tpu.memory_space<hbm>>) target(%arg8 : memref<80x80xf32, #tpu.memory_space<vmem>>) offsets(%dma_start3A_4 : memref<80xi32, #tpu.memory_space<vmem>>) semaphore(%arg11 : memref<!tpu.dma_semaphore, #tpu.memory_space<semaphore_mem>>)
    %dma_start3A_8 = arith.constant 1 : i32
    %dma_start3A_9 = arith.constant 0 : i32
    %dma_start3A_10 = tpu.memref_slice %arg6[%dma_start3A_8, %dma_start3A_9] : memref<250x80xi32, #tpu.memory_space<vmem>> -> memref<1x80xi32, #tpu.memory_space<vmem>>
    %dma_start3A_11 = tpu.memref_squeeze %dma_start3A_10 : memref<1x80xi32, #tpu.memory_space<vmem>> -> memref<80xi32, #tpu.memory_space<vmem>>
    %dma_start3A_12 = arith.constant 0 : i32
    %dma_start3A_13 = arith.constant 0 : i32
    %dma_start3A_14 = tpu.memref_slice %arg2[%dma_start3A_12, %dma_start3A_13] : memref<20000x80xf32, #tpu.memory_space<hbm>> -> memref<20000x80xf32, #tpu.memory_space<hbm>>
    tpu.enqueue_indirect_dma source(%dma_start3A_14 : memref<20000x80xf32, #tpu.memory_space<hbm>>) target(%arg9 : memref<80x80xf32, #tpu.memory_space<vmem>>) offsets(%dma_start3A_11 : memref<80xi32, #tpu.memory_space<vmem>>) semaphore(%arg12 : memref<!tpu.dma_semaphore, #tpu.memory_space<semaphore_mem>>)
    %scan3A = arith.constant 0 : i32
    %scan3A_15 = arith.constant 0 : i32
    %scan3A_16 = arith.constant 125 : i32
    %scan3A_17 = arith.addi %scan3A_15, %scan3A_16 : i32
    %scan3A_18 = arith.constant 1 : i32
    scf.for %scan3A_29 = %scan3A_15 to %scan3A_17 step %scan3A_18  : i32 {
      %mul3A_30 = arith.constant 2 : i32
      %mul3A_31 = arith.muli %mul3A_30, %scan3A_29 : i32
      %dma_wait3A = arith.constant 0 : i32
      %dma_wait3A_32 = tpu.memref_slice %arg6[%mul3A_31, %dma_wait3A] : memref<250x80xi32, #tpu.memory_space<vmem>> -> memref<1x80xi32, #tpu.memory_space<vmem>>
      %dma_wait3A_33 = tpu.memref_squeeze %dma_wait3A_32 : memref<1x80xi32, #tpu.memory_space<vmem>> -> memref<80xi32, #tpu.memory_space<vmem>>
      %dma_wait3A_34 = arith.constant 0 : i32
      %dma_wait3A_35 = arith.constant 0 : i32
      %dma_wait3A_36 = tpu.memref_slice %arg2[%dma_wait3A_34, %dma_wait3A_35] : memref<20000x80xf32, #tpu.memory_space<hbm>> -> memref<20000x80xf32, #tpu.memory_space<hbm>>
      tpu.wait_indirect_dma semaphore(%arg11 : memref<!tpu.dma_semaphore, #tpu.memory_space<semaphore_mem>>) src(%dma_wait3A_36 : memref<20000x80xf32, #tpu.memory_space<hbm>>) dst(%arg8 : memref<80x80xf32, #tpu.memory_space<vmem>>)
      "tpu.region"() ({
        %run_scoped3A = tpu.sem_alloc : memref<!tpu.dma_semaphore, #tpu.memory_space<semaphore_mem>>
        %dma_start3A_60 = arith.constant 0 : i32
        %dma_start3A_61 = tpu.memref_slice %arg7[%mul3A_31, %dma_start3A_60] : memref<250x80xi32, #tpu.memory_space<vmem>> -> memref<1x80xi32, #tpu.memory_space<vmem>>
        %dma_start3A_62 = tpu.memref_squeeze %dma_start3A_61 : memref<1x80xi32, #tpu.memory_space<vmem>> -> memref<80xi32, #tpu.memory_space<vmem>>
        %dma_start3A_63 = arith.constant 0 : i32
        %dma_start3A_64 = arith.constant 0 : i32
        %dma_start3A_65 = tpu.memref_slice %arg10[%dma_start3A_63, %dma_start3A_64] : memref<10000x80xf32, #tpu.memory_space<vmem_shared>> -> memref<10000x80xf32, #tpu.memory_space<vmem_shared>>
        tpu.enqueue_indirect_dma source(%arg8 : memref<80x80xf32, #tpu.memory_space<vmem>>) target(%dma_start3A_65 : memref<10000x80xf32, #tpu.memory_space<vmem_shared>>) offsets(%dma_start3A_62 : memref<80xi32, #tpu.memory_space<vmem>>) semaphore(%run_scoped3A : memref<!tpu.dma_semaphore, #tpu.memory_space<semaphore_mem>>) {add = true}
        %dma_wait3A_66 = arith.constant 0 : i32
        %dma_wait3A_67 = tpu.memref_slice %arg7[%mul3A_31, %dma_wait3A_66] : memref<250x80xi32, #tpu.memory_space<vmem>> -> memref<1x80xi32, #tpu.memory_space<vmem>>
        %dma_wait3A_68 = tpu.memref_squeeze %dma_wait3A_67 : memref<1x80xi32, #tpu.memory_space<vmem>> -> memref<80xi32, #tpu.memory_space<vmem>>
        %dma_wait3A_69 = arith.constant 0 : i32
        %dma_wait3A_70 = arith.constant 0 : i32
        %dma_wait3A_71 = tpu.memref_slice %arg10[%dma_wait3A_69, %dma_wait3A_70] : memref<10000x80xf32, #tpu.memory_space<vmem_shared>> -> memref<10000x80xf32, #tpu.memory_space<vmem_shared>>
        tpu.wait_indirect_dma semaphore(%run_scoped3A : memref<!tpu.dma_semaphore, #tpu.memory_space<semaphore_mem>>) src(%arg8 : memref<80x80xf32, #tpu.memory_space<vmem>>) dst(%dma_wait3A_71 : memref<10000x80xf32, #tpu.memory_space<vmem_shared>>)
        tpu.yield
      }) : () -> ()
      %add3A_37 = arith.constant 2 : i32
      %add3A_38 = arith.addi %mul3A_31, %add3A_37 : i32
      %lt3A = arith.constant 250 : i32
      %lt3A_39 = arith.cmpi slt, %add3A_38, %lt3A : i32
      %convert_element_type3A_40 = arith.extui %lt3A_39 : i1 to i32
      %cond3A_41 = arith.constant 0 : i32
      %cond3A_42 = arith.cmpi ne, %convert_element_type3A_40, %cond3A_41 : i32
      scf.if %cond3A_42 {
        %add3A_60 = arith.constant 2 : i32
        %add3A_61 = arith.addi %mul3A_31, %add3A_60 : i32
        %dma_start3A_62 = arith.constant 0 : i32
        %dma_start3A_63 = tpu.memref_slice %arg6[%add3A_61, %dma_start3A_62] : memref<250x80xi32, #tpu.memory_space<vmem>> -> memref<1x80xi32, #tpu.memory_space<vmem>>
        %dma_start3A_64 = tpu.memref_squeeze %dma_start3A_63 : memref<1x80xi32, #tpu.memory_space<vmem>> -> memref<80xi32, #tpu.memory_space<vmem>>
        %dma_start3A_65 = arith.constant 0 : i32
        %dma_start3A_66 = arith.constant 0 : i32
        %dma_start3A_67 = tpu.memref_slice %arg2[%dma_start3A_65, %dma_start3A_66] : memref<20000x80xf32, #tpu.memory_space<hbm>> -> memref<20000x80xf32, #tpu.memory_space<hbm>>
        tpu.enqueue_indirect_dma source(%dma_start3A_67 : memref<20000x80xf32, #tpu.memory_space<hbm>>) target(%arg8 : memref<80x80xf32, #tpu.memory_space<vmem>>) offsets(%dma_start3A_64 : memref<80xi32, #tpu.memory_space<vmem>>) semaphore(%arg11 : memref<!tpu.dma_semaphore, #tpu.memory_space<semaphore_mem>>)
      } else {
      }
      %add3A_43 = arith.constant 1 : i32
      %add3A_44 = arith.addi %mul3A_31, %add3A_43 : i32
      %dma_wait3A_45 = arith.constant 0 : i32
      %dma_wait3A_46 = tpu.memref_slice %arg6[%add3A_44, %dma_wait3A_45] : memref<250x80xi32, #tpu.memory_space<vmem>> -> memref<1x80xi32, #tpu.memory_space<vmem>>
      %dma_wait3A_47 = tpu.memref_squeeze %dma_wait3A_46 : memref<1x80xi32, #tpu.memory_space<vmem>> -> memref<80xi32, #tpu.memory_space<vmem>>
      %dma_wait3A_48 = arith.constant 0 : i32
      %dma_wait3A_49 = arith.constant 0 : i32
      %dma_wait3A_50 = tpu.memref_slice %arg2[%dma_wait3A_48, %dma_wait3A_49] : memref<20000x80xf32, #tpu.memory_space<hbm>> -> memref<20000x80xf32, #tpu.memory_space<hbm>>
      tpu.wait_indirect_dma semaphore(%arg12 : memref<!tpu.dma_semaphore, #tpu.memory_space<semaphore_mem>>) src(%dma_wait3A_50 : memref<20000x80xf32, #tpu.memory_space<hbm>>) dst(%arg9 : memref<80x80xf32, #tpu.memory_space<vmem>>)
      %add3A_51 = arith.constant 1 : i32
      %add3A_52 = arith.addi %mul3A_31, %add3A_51 : i32
      "tpu.region"() ({
        %run_scoped3A = tpu.sem_alloc : memref<!tpu.dma_semaphore, #tpu.memory_space<semaphore_mem>>
        %dma_start3A_60 = arith.constant 0 : i32
        %dma_start3A_61 = tpu.memref_slice %arg7[%add3A_52, %dma_start3A_60] : memref<250x80xi32, #tpu.memory_space<vmem>> -> memref<1x80xi32, #tpu.memory_space<vmem>>
        %dma_start3A_62 = tpu.memref_squeeze %dma_start3A_61 : memref<1x80xi32, #tpu.memory_space<vmem>> -> memref<80xi32, #tpu.memory_space<vmem>>
        %dma_start3A_63 = arith.constant 0 : i32
        %dma_start3A_64 = arith.constant 0 : i32
        %dma_start3A_65 = tpu.memref_slice %arg10[%dma_start3A_63, %dma_start3A_64] : memref<10000x80xf32, #tpu.memory_space<vmem_shared>> -> memref<10000x80xf32, #tpu.memory_space<vmem_shared>>
        tpu.enqueue_indirect_dma source(%arg9 : memref<80x80xf32, #tpu.memory_space<vmem>>) target(%dma_start3A_65 : memref<10000x80xf32, #tpu.memory_space<vmem_shared>>) offsets(%dma_start3A_62 : memref<80xi32, #tpu.memory_space<vmem>>) semaphore(%run_scoped3A : memref<!tpu.dma_semaphore, #tpu.memory_space<semaphore_mem>>) {add = true}
        %dma_wait3A_66 = arith.constant 0 : i32
        %dma_wait3A_67 = tpu.memref_slice %arg7[%add3A_52, %dma_wait3A_66] : memref<250x80xi32, #tpu.memory_space<vmem>> -> memref<1x80xi32, #tpu.memory_space<vmem>>
        %dma_wait3A_68 = tpu.memref_squeeze %dma_wait3A_67 : memref<1x80xi32, #tpu.memory_space<vmem>> -> memref<80xi32, #tpu.memory_space<vmem>>
        %dma_wait3A_69 = arith.constant 0 : i32
        %dma_wait3A_70 = arith.constant 0 : i32
        %dma_wait3A_71 = tpu.memref_slice %arg10[%dma_wait3A_69, %dma_wait3A_70] : memref<10000x80xf32, #tpu.memory_space<vmem_shared>> -> memref<10000x80xf32, #tpu.memory_space<vmem_shared>>
        tpu.wait_indirect_dma semaphore(%run_scoped3A : memref<!tpu.dma_semaphore, #tpu.memory_space<semaphore_mem>>) src(%arg9 : memref<80x80xf32, #tpu.memory_space<vmem>>) dst(%dma_wait3A_71 : memref<10000x80xf32, #tpu.memory_space<vmem_shared>>)
        tpu.yield
      }) : () -> ()
      %add3A_53 = arith.constant 3 : i32
      %add3A_54 = arith.addi %mul3A_31, %add3A_53 : i32
      %lt3A_55 = arith.constant 250 : i32
      %lt3A_56 = arith.cmpi slt, %add3A_54, %lt3A_55 : i32
      %convert_element_type3A_57 = arith.extui %lt3A_56 : i1 to i32
      %cond3A_58 = arith.constant 0 : i32
      %cond3A_59 = arith.cmpi ne, %convert_element_type3A_57, %cond3A_58 : i32
      scf.if %cond3A_59 {
        %add3A_60 = arith.constant 3 : i32
        %add3A_61 = arith.addi %mul3A_31, %add3A_60 : i32
        %dma_start3A_62 = arith.constant 0 : i32
        %dma_start3A_63 = tpu.memref_slice %arg6[%add3A_61, %dma_start3A_62] : memref<250x80xi32, #tpu.memory_space<vmem>> -> memref<1x80xi32, #tpu.memory_space<vmem>>
        %dma_start3A_64 = tpu.memref_squeeze %dma_start3A_63 : memref<1x80xi32, #tpu.memory_space<vmem>> -> memref<80xi32, #tpu.memory_space<vmem>>
        %dma_start3A_65 = arith.constant 0 : i32
        %dma_start3A_66 = arith.constant 0 : i32
        %dma_start3A_67 = tpu.memref_slice %arg2[%dma_start3A_65, %dma_start3A_66] : memref<20000x80xf32, #tpu.memory_space<hbm>> -> memref<20000x80xf32, #tpu.memory_space<hbm>>
        tpu.enqueue_indirect_dma source(%dma_start3A_67 : memref<20000x80xf32, #tpu.memory_space<hbm>>) target(%arg9 : memref<80x80xf32, #tpu.memory_space<vmem>>) offsets(%dma_start3A_64 : memref<80xi32, #tpu.memory_space<vmem>>) semaphore(%arg12 : memref<!tpu.dma_semaphore, #tpu.memory_space<semaphore_mem>>)
      } else {
      }
    }
    %scan3A_19 = arith.constant 125 : i32
    %barrier3A_20 = arith.constant 0 : index
    tpu.barrier barrier_id(%barrier3A_20)
    %mul3A = arith.constant 624 : i32
    %mul3A_21 = arith.muli %arg1, %mul3A : i32
    %mul3A_22 = arith.constant 10000 : i32
    %mul3A_23 = arith.muli %arg0, %mul3A_22 : i32
    %add3A = arith.addi %mul3A_23, %mul3A_21 : i32
    "tpu.region"() ({
      %run_scoped3A = tpu.sem_alloc : memref<!tpu.dma_semaphore, #tpu.memory_space<semaphore_mem>>
      %dma_start3A_29 = arith.constant 0 : i32
      %dma_start3A_30 = tpu.memref_slice %arg5[%add3A, %dma_start3A_29] : memref<20000x80xf32, #tpu.memory_space<hbm>> -> memref<624x80xf32, #tpu.memory_space<hbm>>
      %dma_start3A_31 = arith.constant 0 : i32
      %dma_start3A_32 = tpu.memref_slice %arg10[%mul3A_21, %dma_start3A_31] : memref<10000x80xf32, #tpu.memory_space<vmem_shared>> -> memref<624x80xf32, #tpu.memory_space<vmem_shared>>
      tpu.enqueue_dma source(%dma_start3A_32 : memref<624x80xf32, #tpu.memory_space<vmem_shared>>) target(%dma_start3A_30 : memref<624x80xf32, #tpu.memory_space<hbm>>) target_semaphore(%run_scoped3A : memref<!tpu.dma_semaphore, #tpu.memory_space<semaphore_mem>>)
      %dma_wait3A = arith.constant 0 : i32
      %dma_wait3A_33 = tpu.memref_slice %arg5[%add3A, %dma_wait3A] : memref<20000x80xf32, #tpu.memory_space<hbm>> -> memref<624x80xf32, #tpu.memory_space<hbm>>
      %dma_wait3A_34 = arith.constant 0 : i32
      %dma_wait3A_35 = tpu.memref_slice %arg10[%mul3A_21, %dma_wait3A_34] : memref<10000x80xf32, #tpu.memory_space<vmem_shared>> -> memref<624x80xf32, #tpu.memory_space<vmem_shared>>
      tpu.wait_dma2 semaphore(%run_scoped3A : memref<!tpu.dma_semaphore, #tpu.memory_space<semaphore_mem>>) src(%dma_wait3A_35 : memref<624x80xf32, #tpu.memory_space<vmem_shared>>) dst(%dma_wait3A_33 : memref<624x80xf32, #tpu.memory_space<hbm>>)
      tpu.yield
    }) : () -> ()
    %eq3A_24 = arith.constant 15 : i32
    %eq3A_25 = arith.cmpi eq, %arg1, %eq3A_24 : i32
    %convert_element_type3A_26 = arith.extui %eq3A_25 : i1 to i32
    %cond3A_27 = arith.constant 0 : i32
    %cond3A_28 = arith.cmpi ne, %convert_element_type3A_26, %cond3A_27 : i32
    scf.if %cond3A_28 {
      %mul3A_29 = arith.constant 10000 : i32
      %mul3A_30 = arith.muli %arg0, %mul3A_29 : i32
      %add3A_31 = arith.constant 9984 : i32
      %add3A_32 = arith.addi %mul3A_30, %add3A_31 : i32
      "tpu.region"() ({
        %run_scoped3A = tpu.sem_alloc : memref<!tpu.dma_semaphore, #tpu.memory_space<semaphore_mem>>
        %dma_start3A_33 = arith.constant 0 : i32
        %dma_start3A_34 = tpu.memref_slice %arg5[%add3A_32, %dma_start3A_33] : memref<20000x80xf32, #tpu.memory_space<hbm>> -> memref<16x80xf32, #tpu.memory_space<hbm>>
        %dma_start3A_35 = arith.constant 9984 : i32
        %dma_start3A_36 = arith.constant 0 : i32
        %dma_start3A_37 = tpu.memref_slice %arg10[%dma_start3A_35, %dma_start3A_36] : memref<10000x80xf32, #tpu.memory_space<vmem_shared>> -> memref<16x80xf32, #tpu.memory_space<vmem_shared>>
        tpu.enqueue_dma source(%dma_start3A_37 : memref<16x80xf32, #tpu.memory_space<vmem_shared>>) target(%dma_start3A_34 : memref<16x80xf32, #tpu.memory_space<hbm>>) target_semaphore(%run_scoped3A : memref<!tpu.dma_semaphore, #tpu.memory_space<semaphore_mem>>)
        %dma_wait3A = arith.constant 0 : i32
        %dma_wait3A_38 = tpu.memref_slice %arg5[%add3A_32, %dma_wait3A] : memref<20000x80xf32, #tpu.memory_space<hbm>> -> memref<16x80xf32, #tpu.memory_space<hbm>>
        %dma_wait3A_39 = arith.constant 9984 : i32
        %dma_wait3A_40 = arith.constant 0 : i32
        %dma_wait3A_41 = tpu.memref_slice %arg10[%dma_wait3A_39, %dma_wait3A_40] : memref<10000x80xf32, #tpu.memory_space<vmem_shared>> -> memref<16x80xf32, #tpu.memory_space<vmem_shared>>
        tpu.wait_dma2 semaphore(%run_scoped3A : memref<!tpu.dma_semaphore, #tpu.memory_space<semaphore_mem>>) src(%dma_wait3A_41 : memref<16x80xf32, #tpu.memory_space<vmem_shared>>) dst(%dma_wait3A_38 : memref<16x80xf32, #tpu.memory_space<hbm>>)
        tpu.yield
      }) : () -> ()
    } else {
    }
    return
  }
}

#map = affine_map<(d0, d1) -> (0, 0)>
#map1 = affine_map<(d0, d1) -> (0, 0, 0, 0)>
#map2 = affine_map<(d0, d1) -> (0, 0, 0)>
module attributes {stable_mosaic.version = 14 : i64} {
  func.func @_sc_body(%arg0: i32, %arg1: i32, %arg2: memref<20000x80xf32, #tpu.memory_space<hbm>>, %arg3: memref<2x16x250x80xi32, #tpu.memory_space<hbm>>, %arg4: memref<16x250x80xi32, #tpu.memory_space<hbm>>, %arg5: memref<20000x80xf32, #tpu.memory_space<hbm>>, %arg6: memref<250x80xi32, #tpu.memory_space<vmem>>, %arg7: memref<250x80xi32, #tpu.memory_space<vmem>>, %arg8: memref<80x80xf32, #tpu.memory_space<vmem>>, %arg9: memref<80x80xf32, #tpu.memory_space<vmem>>, %arg10: memref<10000x80xf32, #tpu.memory_space<vmem_shared>>, %arg11: memref<!tpu.dma_semaphore, #tpu.memory_space<semaphore_mem>>, %arg12: memref<!tpu.dma_semaphore, #tpu.memory_space<semaphore_mem>>) attributes {dimension_semantics = [#tpu.dimension_semantics<core_parallel>, #tpu.dimension_semantics<subcore_parallel>], iteration_bounds = array<i64: 2, 16>, scalar_prefetch = 0 : i64, scratch_operands = 7 : i64, tpu.core_type = #tpu.core_type<sc_vector_subcore>, window_params = [{transform_indices = #map}, {transform_indices = #map1}, {transform_indices = #map2}, {transform_indices = #map}]} {
    "tpu.region"() ({
      %run_scoped3A = tpu.sem_alloc : memref<!tpu.dma_semaphore, #tpu.memory_space<semaphore_mem>>
      %dma_start3A_29 = arith.constant 0 : i32
      %dma_start3A_30 = arith.constant 0 : i32
      %dma_start3A_31 = tpu.memref_slice %arg3[%arg0, %arg1, %dma_start3A_29, %dma_start3A_30] : memref<2x16x250x80xi32, #tpu.memory_space<hbm>> -> memref<1x1x250x80xi32, #tpu.memory_space<hbm>>
      %dma_start3A_32 = tpu.memref_squeeze %dma_start3A_31 : memref<1x1x250x80xi32, #tpu.memory_space<hbm>> -> memref<250x80xi32, #tpu.memory_space<hbm>>
      %dma_start3A_33 = arith.constant 0 : i32
      %dma_start3A_34 = arith.constant 0 : i32
      %dma_start3A_35 = tpu.memref_slice %arg3[%arg0, %arg1, %dma_start3A_33, %dma_start3A_34] : memref<2x16x250x80xi32, #tpu.memory_space<hbm>> -> memref<1x1x250x80xi32, #tpu.memory_space<hbm>>
      %dma_start3A_36 = tpu.memref_squeeze %dma_start3A_35 : memref<1x1x250x80xi32, #tpu.memory_space<hbm>> -> memref<250x80xi32, #tpu.memory_space<hbm>>
      tpu.enqueue_dma source(%dma_start3A_36 : memref<250x80xi32, #tpu.memory_space<hbm>>) target(%arg6 : memref<250x80xi32, #tpu.memory_space<vmem>>) target_semaphore(%run_scoped3A : memref<!tpu.dma_semaphore, #tpu.memory_space<semaphore_mem>>)
      %dma_wait3A = arith.constant 0 : i32
      %dma_wait3A_37 = arith.constant 0 : i32
      %dma_wait3A_38 = tpu.memref_slice %arg3[%arg0, %arg1, %dma_wait3A, %dma_wait3A_37] : memref<2x16x250x80xi32, #tpu.memory_space<hbm>> -> memref<1x1x250x80xi32, #tpu.memory_space<hbm>>
      %dma_wait3A_39 = tpu.memref_squeeze %dma_wait3A_38 : memref<1x1x250x80xi32, #tpu.memory_space<hbm>> -> memref<250x80xi32, #tpu.memory_space<hbm>>
      %dma_wait3A_40 = arith.constant 0 : i32
      %dma_wait3A_41 = arith.constant 0 : i32
      %dma_wait3A_42 = tpu.memref_slice %arg3[%arg0, %arg1, %dma_wait3A_40, %dma_wait3A_41] : memref<2x16x250x80xi32, #tpu.memory_space<hbm>> -> memref<1x1x250x80xi32, #tpu.memory_space<hbm>>
      %dma_wait3A_43 = tpu.memref_squeeze %dma_wait3A_42 : memref<1x1x250x80xi32, #tpu.memory_space<hbm>> -> memref<250x80xi32, #tpu.memory_space<hbm>>
      tpu.wait_dma2 semaphore(%run_scoped3A : memref<!tpu.dma_semaphore, #tpu.memory_space<semaphore_mem>>) src(%dma_wait3A_43 : memref<250x80xi32, #tpu.memory_space<hbm>>) dst(%arg6 : memref<250x80xi32, #tpu.memory_space<vmem>>)
      tpu.yield
    }) : () -> ()
    "tpu.region"() ({
      %run_scoped3A = tpu.sem_alloc : memref<!tpu.dma_semaphore, #tpu.memory_space<semaphore_mem>>
      %dma_start3A_29 = arith.constant 0 : i32
      %dma_start3A_30 = arith.constant 0 : i32
      %dma_start3A_31 = tpu.memref_slice %arg4[%arg1, %dma_start3A_29, %dma_start3A_30] : memref<16x250x80xi32, #tpu.memory_space<hbm>> -> memref<1x250x80xi32, #tpu.memory_space<hbm>>
      %dma_start3A_32 = tpu.memref_squeeze %dma_start3A_31 : memref<1x250x80xi32, #tpu.memory_space<hbm>> -> memref<250x80xi32, #tpu.memory_space<hbm>>
      %dma_start3A_33 = arith.constant 0 : i32
      %dma_start3A_34 = arith.constant 0 : i32
      %dma_start3A_35 = tpu.memref_slice %arg4[%arg1, %dma_start3A_33, %dma_start3A_34] : memref<16x250x80xi32, #tpu.memory_space<hbm>> -> memref<1x250x80xi32, #tpu.memory_space<hbm>>
      %dma_start3A_36 = tpu.memref_squeeze %dma_start3A_35 : memref<1x250x80xi32, #tpu.memory_space<hbm>> -> memref<250x80xi32, #tpu.memory_space<hbm>>
      tpu.enqueue_dma source(%dma_start3A_36 : memref<250x80xi32, #tpu.memory_space<hbm>>) target(%arg7 : memref<250x80xi32, #tpu.memory_space<vmem>>) target_semaphore(%run_scoped3A : memref<!tpu.dma_semaphore, #tpu.memory_space<semaphore_mem>>)
      %dma_wait3A = arith.constant 0 : i32
      %dma_wait3A_37 = arith.constant 0 : i32
      %dma_wait3A_38 = tpu.memref_slice %arg4[%arg1, %dma_wait3A, %dma_wait3A_37] : memref<16x250x80xi32, #tpu.memory_space<hbm>> -> memref<1x250x80xi32, #tpu.memory_space<hbm>>
      %dma_wait3A_39 = tpu.memref_squeeze %dma_wait3A_38 : memref<1x250x80xi32, #tpu.memory_space<hbm>> -> memref<250x80xi32, #tpu.memory_space<hbm>>
      %dma_wait3A_40 = arith.constant 0 : i32
      %dma_wait3A_41 = arith.constant 0 : i32
      %dma_wait3A_42 = tpu.memref_slice %arg4[%arg1, %dma_wait3A_40, %dma_wait3A_41] : memref<16x250x80xi32, #tpu.memory_space<hbm>> -> memref<1x250x80xi32, #tpu.memory_space<hbm>>
      %dma_wait3A_43 = tpu.memref_squeeze %dma_wait3A_42 : memref<1x250x80xi32, #tpu.memory_space<hbm>> -> memref<250x80xi32, #tpu.memory_space<hbm>>
      tpu.wait_dma2 semaphore(%run_scoped3A : memref<!tpu.dma_semaphore, #tpu.memory_space<semaphore_mem>>) src(%dma_wait3A_43 : memref<250x80xi32, #tpu.memory_space<hbm>>) dst(%arg7 : memref<250x80xi32, #tpu.memory_space<vmem>>)
      tpu.yield
    }) : () -> ()
    %eq3A = arith.constant 0 : i32
    %eq3A_0 = arith.cmpi eq, %arg1, %eq3A : i32
    %convert_element_type3A = arith.extui %eq3A_0 : i1 to i32
    %cond3A = arith.constant 0 : i32
    %cond3A_1 = arith.cmpi ne, %convert_element_type3A, %cond3A : i32
    scf.if %cond3A_1 {
      %mul3A_29 = arith.constant 10000 : i32
      %mul3A_30 = arith.muli %arg0, %mul3A_29 : i32
      "tpu.region"() ({
        %run_scoped3A = tpu.sem_alloc : memref<!tpu.dma_semaphore, #tpu.memory_space<semaphore_mem>>
        %dma_start3A_31 = arith.constant 0 : i32
        %dma_start3A_32 = tpu.memref_slice %arg2[%mul3A_30, %dma_start3A_31] : memref<20000x80xf32, #tpu.memory_space<hbm>> -> memref<10000x80xf32, #tpu.memory_space<hbm>>
        tpu.enqueue_dma source(%dma_start3A_32 : memref<10000x80xf32, #tpu.memory_space<hbm>>) target(%arg10 : memref<10000x80xf32, #tpu.memory_space<vmem_shared>>) target_semaphore(%run_scoped3A : memref<!tpu.dma_semaphore, #tpu.memory_space<semaphore_mem>>)
        %dma_wait3A = arith.constant 0 : i32
        %dma_wait3A_33 = tpu.memref_slice %arg2[%mul3A_30, %dma_wait3A] : memref<20000x80xf32, #tpu.memory_space<hbm>> -> memref<10000x80xf32, #tpu.memory_space<hbm>>
        tpu.wait_dma2 semaphore(%run_scoped3A : memref<!tpu.dma_semaphore, #tpu.memory_space<semaphore_mem>>) src(%dma_wait3A_33 : memref<10000x80xf32, #tpu.memory_space<hbm>>) dst(%arg10 : memref<10000x80xf32, #tpu.memory_space<vmem_shared>>)
        tpu.yield
      }) : () -> ()
    } else {
    }
    %barrier3A = arith.constant 0 : index
    tpu.barrier barrier_id(%barrier3A)
    %dma_start3A = arith.constant 0 : i32
    %dma_start3A_2 = arith.constant 0 : i32
    %dma_start3A_3 = tpu.memref_slice %arg6[%dma_start3A, %dma_start3A_2] : memref<250x80xi32, #tpu.memory_space<vmem>> -> memref<1x80xi32, #tpu.memory_space<vmem>>
    %dma_start3A_4 = tpu.memref_squeeze %dma_start3A_3 : memref<1x80xi32, #tpu.memory_space<vmem>> -> memref<80xi32, #tpu.memory_space<vmem>>
    %dma_start3A_5 = arith.constant 0 : i32
    %dma_start3A_6 = arith.constant 0 : i32
    %dma_start3A_7 = tpu.memref_slice %arg2[%dma_start3A_5, %dma_start3A_6] : memref<20000x80xf32, #tpu.memory_space<hbm>> -> memref<20000x80xf32, #tpu.memory_space<hbm>>
    tpu.enqueue_indirect_dma source(%dma_start3A_7 : memref<20000x80xf32, #tpu.memory_space<hbm>>) target(%arg8 : memref<80x80xf32, #tpu.memory_space<vmem>>) offsets(%dma_start3A_4 : memref<80xi32, #tpu.memory_space<vmem>>) semaphore(%arg11 : memref<!tpu.dma_semaphore, #tpu.memory_space<semaphore_mem>>)
    %dma_start3A_8 = arith.constant 1 : i32
    %dma_start3A_9 = arith.constant 0 : i32
    %dma_start3A_10 = tpu.memref_slice %arg6[%dma_start3A_8, %dma_start3A_9] : memref<250x80xi32, #tpu.memory_space<vmem>> -> memref<1x80xi32, #tpu.memory_space<vmem>>
    %dma_start3A_11 = tpu.memref_squeeze %dma_start3A_10 : memref<1x80xi32, #tpu.memory_space<vmem>> -> memref<80xi32, #tpu.memory_space<vmem>>
    %dma_start3A_12 = arith.constant 0 : i32
    %dma_start3A_13 = arith.constant 0 : i32
    %dma_start3A_14 = tpu.memref_slice %arg2[%dma_start3A_12, %dma_start3A_13] : memref<20000x80xf32, #tpu.memory_space<hbm>> -> memref<20000x80xf32, #tpu.memory_space<hbm>>
    tpu.enqueue_indirect_dma source(%dma_start3A_14 : memref<20000x80xf32, #tpu.memory_space<hbm>>) target(%arg9 : memref<80x80xf32, #tpu.memory_space<vmem>>) offsets(%dma_start3A_11 : memref<80xi32, #tpu.memory_space<vmem>>) semaphore(%arg12 : memref<!tpu.dma_semaphore, #tpu.memory_space<semaphore_mem>>)
    %scan3A = arith.constant 0 : i32
    %scan3A_15 = arith.constant 0 : i32
    %scan3A_16 = arith.constant 125 : i32
    %scan3A_17 = arith.addi %scan3A_15, %scan3A_16 : i32
    %scan3A_18 = arith.constant 1 : i32
    scf.for %scan3A_29 = %scan3A_15 to %scan3A_17 step %scan3A_18  : i32 {
      %mul3A_30 = arith.constant 2 : i32
      %mul3A_31 = arith.muli %mul3A_30, %scan3A_29 : i32
      %dma_wait3A = arith.constant 0 : i32
      %dma_wait3A_32 = tpu.memref_slice %arg6[%mul3A_31, %dma_wait3A] : memref<250x80xi32, #tpu.memory_space<vmem>> -> memref<1x80xi32, #tpu.memory_space<vmem>>
      %dma_wait3A_33 = tpu.memref_squeeze %dma_wait3A_32 : memref<1x80xi32, #tpu.memory_space<vmem>> -> memref<80xi32, #tpu.memory_space<vmem>>
      %dma_wait3A_34 = arith.constant 0 : i32
      %dma_wait3A_35 = arith.constant 0 : i32
      %dma_wait3A_36 = tpu.memref_slice %arg2[%dma_wait3A_34, %dma_wait3A_35] : memref<20000x80xf32, #tpu.memory_space<hbm>> -> memref<20000x80xf32, #tpu.memory_space<hbm>>
      tpu.wait_indirect_dma semaphore(%arg11 : memref<!tpu.dma_semaphore, #tpu.memory_space<semaphore_mem>>) src(%dma_wait3A_36 : memref<20000x80xf32, #tpu.memory_space<hbm>>) dst(%arg8 : memref<80x80xf32, #tpu.memory_space<vmem>>)
      "tpu.region"() ({
        %run_scoped3A = tpu.sem_alloc : memref<!tpu.dma_semaphore, #tpu.memory_space<semaphore_mem>>
        %dma_start3A_60 = arith.constant 0 : i32
        %dma_start3A_61 = tpu.memref_slice %arg7[%mul3A_31, %dma_start3A_60] : memref<250x80xi32, #tpu.memory_space<vmem>> -> memref<1x80xi32, #tpu.memory_space<vmem>>
        %dma_start3A_62 = tpu.memref_squeeze %dma_start3A_61 : memref<1x80xi32, #tpu.memory_space<vmem>> -> memref<80xi32, #tpu.memory_space<vmem>>
        %dma_start3A_63 = arith.constant 0 : i32
        %dma_start3A_64 = arith.constant 0 : i32
        %dma_start3A_65 = tpu.memref_slice %arg10[%dma_start3A_63, %dma_start3A_64] : memref<10000x80xf32, #tpu.memory_space<vmem_shared>> -> memref<10000x80xf32, #tpu.memory_space<vmem_shared>>
        tpu.enqueue_indirect_dma source(%arg8 : memref<80x80xf32, #tpu.memory_space<vmem>>) target(%dma_start3A_65 : memref<10000x80xf32, #tpu.memory_space<vmem_shared>>) offsets(%dma_start3A_62 : memref<80xi32, #tpu.memory_space<vmem>>) semaphore(%run_scoped3A : memref<!tpu.dma_semaphore, #tpu.memory_space<semaphore_mem>>) {add = true}
        %dma_wait3A_66 = arith.constant 0 : i32
        %dma_wait3A_67 = tpu.memref_slice %arg7[%mul3A_31, %dma_wait3A_66] : memref<250x80xi32, #tpu.memory_space<vmem>> -> memref<1x80xi32, #tpu.memory_space<vmem>>
        %dma_wait3A_68 = tpu.memref_squeeze %dma_wait3A_67 : memref<1x80xi32, #tpu.memory_space<vmem>> -> memref<80xi32, #tpu.memory_space<vmem>>
        %dma_wait3A_69 = arith.constant 0 : i32
        %dma_wait3A_70 = arith.constant 0 : i32
        %dma_wait3A_71 = tpu.memref_slice %arg10[%dma_wait3A_69, %dma_wait3A_70] : memref<10000x80xf32, #tpu.memory_space<vmem_shared>> -> memref<10000x80xf32, #tpu.memory_space<vmem_shared>>
        tpu.wait_indirect_dma semaphore(%run_scoped3A : memref<!tpu.dma_semaphore, #tpu.memory_space<semaphore_mem>>) src(%arg8 : memref<80x80xf32, #tpu.memory_space<vmem>>) dst(%dma_wait3A_71 : memref<10000x80xf32, #tpu.memory_space<vmem_shared>>)
        tpu.yield
      }) : () -> ()
      %add3A_37 = arith.constant 2 : i32
      %add3A_38 = arith.addi %mul3A_31, %add3A_37 : i32
      %lt3A = arith.constant 250 : i32
      %lt3A_39 = arith.cmpi slt, %add3A_38, %lt3A : i32
      %convert_element_type3A_40 = arith.extui %lt3A_39 : i1 to i32
      %cond3A_41 = arith.constant 0 : i32
      %cond3A_42 = arith.cmpi ne, %convert_element_type3A_40, %cond3A_41 : i32
      scf.if %cond3A_42 {
        %add3A_60 = arith.constant 2 : i32
        %add3A_61 = arith.addi %mul3A_31, %add3A_60 : i32
        %dma_start3A_62 = arith.constant 0 : i32
        %dma_start3A_63 = tpu.memref_slice %arg6[%add3A_61, %dma_start3A_62] : memref<250x80xi32, #tpu.memory_space<vmem>> -> memref<1x80xi32, #tpu.memory_space<vmem>>
        %dma_start3A_64 = tpu.memref_squeeze %dma_start3A_63 : memref<1x80xi32, #tpu.memory_space<vmem>> -> memref<80xi32, #tpu.memory_space<vmem>>
        %dma_start3A_65 = arith.constant 0 : i32
        %dma_start3A_66 = arith.constant 0 : i32
        %dma_start3A_67 = tpu.memref_slice %arg2[%dma_start3A_65, %dma_start3A_66] : memref<20000x80xf32, #tpu.memory_space<hbm>> -> memref<20000x80xf32, #tpu.memory_space<hbm>>
        tpu.enqueue_indirect_dma source(%dma_start3A_67 : memref<20000x80xf32, #tpu.memory_space<hbm>>) target(%arg8 : memref<80x80xf32, #tpu.memory_space<vmem>>) offsets(%dma_start3A_64 : memref<80xi32, #tpu.memory_space<vmem>>) semaphore(%arg11 : memref<!tpu.dma_semaphore, #tpu.memory_space<semaphore_mem>>)
      } else {
      }
      %add3A_43 = arith.constant 1 : i32
      %add3A_44 = arith.addi %mul3A_31, %add3A_43 : i32
      %dma_wait3A_45 = arith.constant 0 : i32
      %dma_wait3A_46 = tpu.memref_slice %arg6[%add3A_44, %dma_wait3A_45] : memref<250x80xi32, #tpu.memory_space<vmem>> -> memref<1x80xi32, #tpu.memory_space<vmem>>
      %dma_wait3A_47 = tpu.memref_squeeze %dma_wait3A_46 : memref<1x80xi32, #tpu.memory_space<vmem>> -> memref<80xi32, #tpu.memory_space<vmem>>
      %dma_wait3A_48 = arith.constant 0 : i32
      %dma_wait3A_49 = arith.constant 0 : i32
      %dma_wait3A_50 = tpu.memref_slice %arg2[%dma_wait3A_48, %dma_wait3A_49] : memref<20000x80xf32, #tpu.memory_space<hbm>> -> memref<20000x80xf32, #tpu.memory_space<hbm>>
      tpu.wait_indirect_dma semaphore(%arg12 : memref<!tpu.dma_semaphore, #tpu.memory_space<semaphore_mem>>) src(%dma_wait3A_50 : memref<20000x80xf32, #tpu.memory_space<hbm>>) dst(%arg9 : memref<80x80xf32, #tpu.memory_space<vmem>>)
      %add3A_51 = arith.constant 1 : i32
      %add3A_52 = arith.addi %mul3A_31, %add3A_51 : i32
      "tpu.region"() ({
        %run_scoped3A = tpu.sem_alloc : memref<!tpu.dma_semaphore, #tpu.memory_space<semaphore_mem>>
        %dma_start3A_60 = arith.constant 0 : i32
        %dma_start3A_61 = tpu.memref_slice %arg7[%add3A_52, %dma_start3A_60] : memref<250x80xi32, #tpu.memory_space<vmem>> -> memref<1x80xi32, #tpu.memory_space<vmem>>
        %dma_start3A_62 = tpu.memref_squeeze %dma_start3A_61 : memref<1x80xi32, #tpu.memory_space<vmem>> -> memref<80xi32, #tpu.memory_space<vmem>>
        %dma_start3A_63 = arith.constant 0 : i32
        %dma_start3A_64 = arith.constant 0 : i32
        %dma_start3A_65 = tpu.memref_slice %arg10[%dma_start3A_63, %dma_start3A_64] : memref<10000x80xf32, #tpu.memory_space<vmem_shared>> -> memref<10000x80xf32, #tpu.memory_space<vmem_shared>>
        tpu.enqueue_indirect_dma source(%arg9 : memref<80x80xf32, #tpu.memory_space<vmem>>) target(%dma_start3A_65 : memref<10000x80xf32, #tpu.memory_space<vmem_shared>>) offsets(%dma_start3A_62 : memref<80xi32, #tpu.memory_space<vmem>>) semaphore(%run_scoped3A : memref<!tpu.dma_semaphore, #tpu.memory_space<semaphore_mem>>) {add = true}
        %dma_wait3A_66 = arith.constant 0 : i32
        %dma_wait3A_67 = tpu.memref_slice %arg7[%add3A_52, %dma_wait3A_66] : memref<250x80xi32, #tpu.memory_space<vmem>> -> memref<1x80xi32, #tpu.memory_space<vmem>>
        %dma_wait3A_68 = tpu.memref_squeeze %dma_wait3A_67 : memref<1x80xi32, #tpu.memory_space<vmem>> -> memref<80xi32, #tpu.memory_space<vmem>>
        %dma_wait3A_69 = arith.constant 0 : i32
        %dma_wait3A_70 = arith.constant 0 : i32
        %dma_wait3A_71 = tpu.memref_slice %arg10[%dma_wait3A_69, %dma_wait3A_70] : memref<10000x80xf32, #tpu.memory_space<vmem_shared>> -> memref<10000x80xf32, #tpu.memory_space<vmem_shared>>
        tpu.wait_indirect_dma semaphore(%run_scoped3A : memref<!tpu.dma_semaphore, #tpu.memory_space<semaphore_mem>>) src(%arg9 : memref<80x80xf32, #tpu.memory_space<vmem>>) dst(%dma_wait3A_71 : memref<10000x80xf32, #tpu.memory_space<vmem_shared>>)
        tpu.yield
      }) : () -> ()
      %add3A_53 = arith.constant 3 : i32
      %add3A_54 = arith.addi %mul3A_31, %add3A_53 : i32
      %lt3A_55 = arith.constant 250 : i32
      %lt3A_56 = arith.cmpi slt, %add3A_54, %lt3A_55 : i32
      %convert_element_type3A_57 = arith.extui %lt3A_56 : i1 to i32
      %cond3A_58 = arith.constant 0 : i32
      %cond3A_59 = arith.cmpi ne, %convert_element_type3A_57, %cond3A_58 : i32
      scf.if %cond3A_59 {
        %add3A_60 = arith.constant 3 : i32
        %add3A_61 = arith.addi %mul3A_31, %add3A_60 : i32
        %dma_start3A_62 = arith.constant 0 : i32
        %dma_start3A_63 = tpu.memref_slice %arg6[%add3A_61, %dma_start3A_62] : memref<250x80xi32, #tpu.memory_space<vmem>> -> memref<1x80xi32, #tpu.memory_space<vmem>>
        %dma_start3A_64 = tpu.memref_squeeze %dma_start3A_63 : memref<1x80xi32, #tpu.memory_space<vmem>> -> memref<80xi32, #tpu.memory_space<vmem>>
        %dma_start3A_65 = arith.constant 0 : i32
        %dma_start3A_66 = arith.constant 0 : i32
        %dma_start3A_67 = tpu.memref_slice %arg2[%dma_start3A_65, %dma_start3A_66] : memref<20000x80xf32, #tpu.memory_space<hbm>> -> memref<20000x80xf32, #tpu.memory_space<hbm>>
        tpu.enqueue_indirect_dma source(%dma_start3A_67 : memref<20000x80xf32, #tpu.memory_space<hbm>>) target(%arg9 : memref<80x80xf32, #tpu.memory_space<vmem>>) offsets(%dma_start3A_64 : memref<80xi32, #tpu.memory_space<vmem>>) semaphore(%arg12 : memref<!tpu.dma_semaphore, #tpu.memory_space<semaphore_mem>>)
      } else {
      }
    }
    %scan3A_19 = arith.constant 125 : i32
    %barrier3A_20 = arith.constant 0 : index
    tpu.barrier barrier_id(%barrier3A_20)
    %mul3A = arith.constant 624 : i32
    %mul3A_21 = arith.muli %arg1, %mul3A : i32
    %mul3A_22 = arith.constant 10000 : i32
    %mul3A_23 = arith.muli %arg0, %mul3A_22 : i32
    %add3A = arith.addi %mul3A_23, %mul3A_21 : i32
    "tpu.region"() ({
      %run_scoped3A = tpu.sem_alloc : memref<!tpu.dma_semaphore, #tpu.memory_space<semaphore_mem>>
      %dma_start3A_29 = arith.constant 0 : i32
      %dma_start3A_30 = tpu.memref_slice %arg5[%add3A, %dma_start3A_29] : memref<20000x80xf32, #tpu.memory_space<hbm>> -> memref<624x80xf32, #tpu.memory_space<hbm>>
      %dma_start3A_31 = arith.constant 0 : i32
      %dma_start3A_32 = tpu.memref_slice %arg10[%mul3A_21, %dma_start3A_31] : memref<10000x80xf32, #tpu.memory_space<vmem_shared>> -> memref<624x80xf32, #tpu.memory_space<vmem_shared>>
      tpu.enqueue_dma source(%dma_start3A_32 : memref<624x80xf32, #tpu.memory_space<vmem_shared>>) target(%dma_start3A_30 : memref<624x80xf32, #tpu.memory_space<hbm>>) target_semaphore(%run_scoped3A : memref<!tpu.dma_semaphore, #tpu.memory_space<semaphore_mem>>)
      %dma_wait3A = arith.constant 0 : i32
      %dma_wait3A_33 = tpu.memref_slice %arg5[%add3A, %dma_wait3A] : memref<20000x80xf32, #tpu.memory_space<hbm>> -> memref<624x80xf32, #tpu.memory_space<hbm>>
      %dma_wait3A_34 = arith.constant 0 : i32
      %dma_wait3A_35 = tpu.memref_slice %arg10[%mul3A_21, %dma_wait3A_34] : memref<10000x80xf32, #tpu.memory_space<vmem_shared>> -> memref<624x80xf32, #tpu.memory_space<vmem_shared>>
      tpu.wait_dma2 semaphore(%run_scoped3A : memref<!tpu.dma_semaphore, #tpu.memory_space<semaphore_mem>>) src(%dma_wait3A_35 : memref<624x80xf32, #tpu.memory_space<vmem_shared>>) dst(%dma_wait3A_33 : memref<624x80xf32, #tpu.memory_space<hbm>>)
      tpu.yield
    }) : () -> ()
    %eq3A_24 = arith.constant 15 : i32
    %eq3A_25 = arith.cmpi eq, %arg1, %eq3A_24 : i32
    %convert_element_type3A_26 = arith.extui %eq3A_25 : i1 to i32
    %cond3A_27 = arith.constant 0 : i32
    %cond3A_28 = arith.cmpi ne, %convert_element_type3A_26, %cond3A_27 : i32
    scf.if %cond3A_28 {
      %mul3A_29 = arith.constant 10000 : i32
      %mul3A_30 = arith.muli %arg0, %mul3A_29 : i32
      %add3A_31 = arith.constant 9984 : i32
      %add3A_32 = arith.addi %mul3A_30, %add3A_31 : i32
      "tpu.region"() ({
        %run_scoped3A = tpu.sem_alloc : memref<!tpu.dma_semaphore, #tpu.memory_space<semaphore_mem>>
        %dma_start3A_33 = arith.constant 0 : i32
        %dma_start3A_34 = tpu.memref_slice %arg5[%add3A_32, %dma_start3A_33] : memref<20000x80xf32, #tpu.memory_space<hbm>> -> memref<16x80xf32, #tpu.memory_space<hbm>>
        %dma_start3A_35 = arith.constant 9984 : i32
        %dma_start3A_36 = arith.constant 0 : i32
        %dma_start3A_37 = tpu.memref_slice %arg10[%dma_start3A_35, %dma_start3A_36] : memref<10000x80xf32, #tpu.memory_space<vmem_shared>> -> memref<16x80xf32, #tpu.memory_space<vmem_shared>>
        tpu.enqueue_dma source(%dma_start3A_37 : memref<16x80xf32, #tpu.memory_space<vmem_shared>>) target(%dma_start3A_34 : memref<16x80xf32, #tpu.memory_space<hbm>>) target_semaphore(%run_scoped3A : memref<!tpu.dma_semaphore, #tpu.memory_space<semaphore_mem>>)
        %dma_wait3A = arith.constant 0 : i32
        %dma_wait3A_38 = tpu.memref_slice %arg5[%add3A_32, %dma_wait3A] : memref<20000x80xf32, #tpu.memory_space<hbm>> -> memref<16x80xf32, #tpu.memory_space<hbm>>
        %dma_wait3A_39 = arith.constant 9984 : i32
        %dma_wait3A_40 = arith.constant 0 : i32
        %dma_wait3A_41 = tpu.memref_slice %arg10[%dma_wait3A_39, %dma_wait3A_40] : memref<10000x80xf32, #tpu.memory_space<vmem_shared>> -> memref<16x80xf32, #tpu.memory_space<vmem_shared>>
        tpu.wait_dma2 semaphore(%run_scoped3A : memref<!tpu.dma_semaphore, #tpu.memory_space<semaphore_mem>>) src(%dma_wait3A_41 : memref<16x80xf32, #tpu.memory_space<vmem_shared>>) dst(%dma_wait3A_38 : memref<16x80xf32, #tpu.memory_space<hbm>>)
        tpu.yield
      }) : () -> ()
    } else {
    }
    return
  }
}

#map = affine_map<(d0, d1) -> (0, 0)>
#map1 = affine_map<(d0, d1) -> (0, 0, 0, 0)>
#map2 = affine_map<(d0, d1) -> (0, 0, 0)>
module attributes {stable_mosaic.version = 14 : i64} {
  func.func @_sc_body(%arg0: i32, %arg1: i32, %arg2: memref<20000x80xf32, #tpu.memory_space<hbm>>, %arg3: memref<2x16x250x80xi32, #tpu.memory_space<hbm>>, %arg4: memref<16x250x80xi32, #tpu.memory_space<hbm>>, %arg5: memref<20000x80xf32, #tpu.memory_space<hbm>>, %arg6: memref<250x80xi32, #tpu.memory_space<vmem>>, %arg7: memref<250x80xi32, #tpu.memory_space<vmem>>, %arg8: memref<80x80xf32, #tpu.memory_space<vmem>>, %arg9: memref<80x80xf32, #tpu.memory_space<vmem>>, %arg10: memref<10000x80xf32, #tpu.memory_space<vmem_shared>>, %arg11: memref<!tpu.dma_semaphore, #tpu.memory_space<semaphore_mem>>, %arg12: memref<!tpu.dma_semaphore, #tpu.memory_space<semaphore_mem>>) attributes {dimension_semantics = [#tpu.dimension_semantics<core_parallel>, #tpu.dimension_semantics<subcore_parallel>], iteration_bounds = array<i64: 2, 16>, scalar_prefetch = 0 : i64, scratch_operands = 7 : i64, tpu.core_type = #tpu.core_type<sc_vector_subcore>, window_params = [{transform_indices = #map}, {transform_indices = #map1}, {transform_indices = #map2}, {transform_indices = #map}]} {
    "tpu.region"() ({
      %run_scoped3A = tpu.sem_alloc : memref<!tpu.dma_semaphore, #tpu.memory_space<semaphore_mem>>
      %dma_start3A_29 = arith.constant 0 : i32
      %dma_start3A_30 = arith.constant 0 : i32
      %dma_start3A_31 = tpu.memref_slice %arg3[%arg0, %arg1, %dma_start3A_29, %dma_start3A_30] : memref<2x16x250x80xi32, #tpu.memory_space<hbm>> -> memref<1x1x250x80xi32, #tpu.memory_space<hbm>>
      %dma_start3A_32 = tpu.memref_squeeze %dma_start3A_31 : memref<1x1x250x80xi32, #tpu.memory_space<hbm>> -> memref<250x80xi32, #tpu.memory_space<hbm>>
      %dma_start3A_33 = arith.constant 0 : i32
      %dma_start3A_34 = arith.constant 0 : i32
      %dma_start3A_35 = tpu.memref_slice %arg3[%arg0, %arg1, %dma_start3A_33, %dma_start3A_34] : memref<2x16x250x80xi32, #tpu.memory_space<hbm>> -> memref<1x1x250x80xi32, #tpu.memory_space<hbm>>
      %dma_start3A_36 = tpu.memref_squeeze %dma_start3A_35 : memref<1x1x250x80xi32, #tpu.memory_space<hbm>> -> memref<250x80xi32, #tpu.memory_space<hbm>>
      tpu.enqueue_dma source(%dma_start3A_36 : memref<250x80xi32, #tpu.memory_space<hbm>>) target(%arg6 : memref<250x80xi32, #tpu.memory_space<vmem>>) target_semaphore(%run_scoped3A : memref<!tpu.dma_semaphore, #tpu.memory_space<semaphore_mem>>)
      %dma_wait3A = arith.constant 0 : i32
      %dma_wait3A_37 = arith.constant 0 : i32
      %dma_wait3A_38 = tpu.memref_slice %arg3[%arg0, %arg1, %dma_wait3A, %dma_wait3A_37] : memref<2x16x250x80xi32, #tpu.memory_space<hbm>> -> memref<1x1x250x80xi32, #tpu.memory_space<hbm>>
      %dma_wait3A_39 = tpu.memref_squeeze %dma_wait3A_38 : memref<1x1x250x80xi32, #tpu.memory_space<hbm>> -> memref<250x80xi32, #tpu.memory_space<hbm>>
      %dma_wait3A_40 = arith.constant 0 : i32
      %dma_wait3A_41 = arith.constant 0 : i32
      %dma_wait3A_42 = tpu.memref_slice %arg3[%arg0, %arg1, %dma_wait3A_40, %dma_wait3A_41] : memref<2x16x250x80xi32, #tpu.memory_space<hbm>> -> memref<1x1x250x80xi32, #tpu.memory_space<hbm>>
      %dma_wait3A_43 = tpu.memref_squeeze %dma_wait3A_42 : memref<1x1x250x80xi32, #tpu.memory_space<hbm>> -> memref<250x80xi32, #tpu.memory_space<hbm>>
      tpu.wait_dma2 semaphore(%run_scoped3A : memref<!tpu.dma_semaphore, #tpu.memory_space<semaphore_mem>>) src(%dma_wait3A_43 : memref<250x80xi32, #tpu.memory_space<hbm>>) dst(%arg6 : memref<250x80xi32, #tpu.memory_space<vmem>>)
      tpu.yield
    }) : () -> ()
    "tpu.region"() ({
      %run_scoped3A = tpu.sem_alloc : memref<!tpu.dma_semaphore, #tpu.memory_space<semaphore_mem>>
      %dma_start3A_29 = arith.constant 0 : i32
      %dma_start3A_30 = arith.constant 0 : i32
      %dma_start3A_31 = tpu.memref_slice %arg4[%arg1, %dma_start3A_29, %dma_start3A_30] : memref<16x250x80xi32, #tpu.memory_space<hbm>> -> memref<1x250x80xi32, #tpu.memory_space<hbm>>
      %dma_start3A_32 = tpu.memref_squeeze %dma_start3A_31 : memref<1x250x80xi32, #tpu.memory_space<hbm>> -> memref<250x80xi32, #tpu.memory_space<hbm>>
      %dma_start3A_33 = arith.constant 0 : i32
      %dma_start3A_34 = arith.constant 0 : i32
      %dma_start3A_35 = tpu.memref_slice %arg4[%arg1, %dma_start3A_33, %dma_start3A_34] : memref<16x250x80xi32, #tpu.memory_space<hbm>> -> memref<1x250x80xi32, #tpu.memory_space<hbm>>
      %dma_start3A_36 = tpu.memref_squeeze %dma_start3A_35 : memref<1x250x80xi32, #tpu.memory_space<hbm>> -> memref<250x80xi32, #tpu.memory_space<hbm>>
      tpu.enqueue_dma source(%dma_start3A_36 : memref<250x80xi32, #tpu.memory_space<hbm>>) target(%arg7 : memref<250x80xi32, #tpu.memory_space<vmem>>) target_semaphore(%run_scoped3A : memref<!tpu.dma_semaphore, #tpu.memory_space<semaphore_mem>>)
      %dma_wait3A = arith.constant 0 : i32
      %dma_wait3A_37 = arith.constant 0 : i32
      %dma_wait3A_38 = tpu.memref_slice %arg4[%arg1, %dma_wait3A, %dma_wait3A_37] : memref<16x250x80xi32, #tpu.memory_space<hbm>> -> memref<1x250x80xi32, #tpu.memory_space<hbm>>
      %dma_wait3A_39 = tpu.memref_squeeze %dma_wait3A_38 : memref<1x250x80xi32, #tpu.memory_space<hbm>> -> memref<250x80xi32, #tpu.memory_space<hbm>>
      %dma_wait3A_40 = arith.constant 0 : i32
      %dma_wait3A_41 = arith.constant 0 : i32
      %dma_wait3A_42 = tpu.memref_slice %arg4[%arg1, %dma_wait3A_40, %dma_wait3A_41] : memref<16x250x80xi32, #tpu.memory_space<hbm>> -> memref<1x250x80xi32, #tpu.memory_space<hbm>>
      %dma_wait3A_43 = tpu.memref_squeeze %dma_wait3A_42 : memref<1x250x80xi32, #tpu.memory_space<hbm>> -> memref<250x80xi32, #tpu.memory_space<hbm>>
      tpu.wait_dma2 semaphore(%run_scoped3A : memref<!tpu.dma_semaphore, #tpu.memory_space<semaphore_mem>>) src(%dma_wait3A_43 : memref<250x80xi32, #tpu.memory_space<hbm>>) dst(%arg7 : memref<250x80xi32, #tpu.memory_space<vmem>>)
      tpu.yield
    }) : () -> ()
    %eq3A = arith.constant 0 : i32
    %eq3A_0 = arith.cmpi eq, %arg1, %eq3A : i32
    %convert_element_type3A = arith.extui %eq3A_0 : i1 to i32
    %cond3A = arith.constant 0 : i32
    %cond3A_1 = arith.cmpi ne, %convert_element_type3A, %cond3A : i32
    scf.if %cond3A_1 {
      %mul3A_29 = arith.constant 10000 : i32
      %mul3A_30 = arith.muli %arg0, %mul3A_29 : i32
      "tpu.region"() ({
        %run_scoped3A = tpu.sem_alloc : memref<!tpu.dma_semaphore, #tpu.memory_space<semaphore_mem>>
        %dma_start3A_31 = arith.constant 0 : i32
        %dma_start3A_32 = tpu.memref_slice %arg2[%mul3A_30, %dma_start3A_31] : memref<20000x80xf32, #tpu.memory_space<hbm>> -> memref<10000x80xf32, #tpu.memory_space<hbm>>
        tpu.enqueue_dma source(%dma_start3A_32 : memref<10000x80xf32, #tpu.memory_space<hbm>>) target(%arg10 : memref<10000x80xf32, #tpu.memory_space<vmem_shared>>) target_semaphore(%run_scoped3A : memref<!tpu.dma_semaphore, #tpu.memory_space<semaphore_mem>>)
        %dma_wait3A = arith.constant 0 : i32
        %dma_wait3A_33 = tpu.memref_slice %arg2[%mul3A_30, %dma_wait3A] : memref<20000x80xf32, #tpu.memory_space<hbm>> -> memref<10000x80xf32, #tpu.memory_space<hbm>>
        tpu.wait_dma2 semaphore(%run_scoped3A : memref<!tpu.dma_semaphore, #tpu.memory_space<semaphore_mem>>) src(%dma_wait3A_33 : memref<10000x80xf32, #tpu.memory_space<hbm>>) dst(%arg10 : memref<10000x80xf32, #tpu.memory_space<vmem_shared>>)
        tpu.yield
      }) : () -> ()
    } else {
    }
    %barrier3A = arith.constant 0 : index
    tpu.barrier barrier_id(%barrier3A)
    %dma_start3A = arith.constant 0 : i32
    %dma_start3A_2 = arith.constant 0 : i32
    %dma_start3A_3 = tpu.memref_slice %arg6[%dma_start3A, %dma_start3A_2] : memref<250x80xi32, #tpu.memory_space<vmem>> -> memref<1x80xi32, #tpu.memory_space<vmem>>
    %dma_start3A_4 = tpu.memref_squeeze %dma_start3A_3 : memref<1x80xi32, #tpu.memory_space<vmem>> -> memref<80xi32, #tpu.memory_space<vmem>>
    %dma_start3A_5 = arith.constant 0 : i32
    %dma_start3A_6 = arith.constant 0 : i32
    %dma_start3A_7 = tpu.memref_slice %arg2[%dma_start3A_5, %dma_start3A_6] : memref<20000x80xf32, #tpu.memory_space<hbm>> -> memref<20000x80xf32, #tpu.memory_space<hbm>>
    tpu.enqueue_indirect_dma source(%dma_start3A_7 : memref<20000x80xf32, #tpu.memory_space<hbm>>) target(%arg8 : memref<80x80xf32, #tpu.memory_space<vmem>>) offsets(%dma_start3A_4 : memref<80xi32, #tpu.memory_space<vmem>>) semaphore(%arg11 : memref<!tpu.dma_semaphore, #tpu.memory_space<semaphore_mem>>)
    %dma_start3A_8 = arith.constant 1 : i32
    %dma_start3A_9 = arith.constant 0 : i32
    %dma_start3A_10 = tpu.memref_slice %arg6[%dma_start3A_8, %dma_start3A_9] : memref<250x80xi32, #tpu.memory_space<vmem>> -> memref<1x80xi32, #tpu.memory_space<vmem>>
    %dma_start3A_11 = tpu.memref_squeeze %dma_start3A_10 : memref<1x80xi32, #tpu.memory_space<vmem>> -> memref<80xi32, #tpu.memory_space<vmem>>
    %dma_start3A_12 = arith.constant 0 : i32
    %dma_start3A_13 = arith.constant 0 : i32
    %dma_start3A_14 = tpu.memref_slice %arg2[%dma_start3A_12, %dma_start3A_13] : memref<20000x80xf32, #tpu.memory_space<hbm>> -> memref<20000x80xf32, #tpu.memory_space<hbm>>
    tpu.enqueue_indirect_dma source(%dma_start3A_14 : memref<20000x80xf32, #tpu.memory_space<hbm>>) target(%arg9 : memref<80x80xf32, #tpu.memory_space<vmem>>) offsets(%dma_start3A_11 : memref<80xi32, #tpu.memory_space<vmem>>) semaphore(%arg12 : memref<!tpu.dma_semaphore, #tpu.memory_space<semaphore_mem>>)
    %scan3A = arith.constant 0 : i32
    %scan3A_15 = arith.constant 0 : i32
    %scan3A_16 = arith.constant 125 : i32
    %scan3A_17 = arith.addi %scan3A_15, %scan3A_16 : i32
    %scan3A_18 = arith.constant 1 : i32
    scf.for %scan3A_29 = %scan3A_15 to %scan3A_17 step %scan3A_18  : i32 {
      %mul3A_30 = arith.constant 2 : i32
      %mul3A_31 = arith.muli %mul3A_30, %scan3A_29 : i32
      %dma_wait3A = arith.constant 0 : i32
      %dma_wait3A_32 = tpu.memref_slice %arg6[%mul3A_31, %dma_wait3A] : memref<250x80xi32, #tpu.memory_space<vmem>> -> memref<1x80xi32, #tpu.memory_space<vmem>>
      %dma_wait3A_33 = tpu.memref_squeeze %dma_wait3A_32 : memref<1x80xi32, #tpu.memory_space<vmem>> -> memref<80xi32, #tpu.memory_space<vmem>>
      %dma_wait3A_34 = arith.constant 0 : i32
      %dma_wait3A_35 = arith.constant 0 : i32
      %dma_wait3A_36 = tpu.memref_slice %arg2[%dma_wait3A_34, %dma_wait3A_35] : memref<20000x80xf32, #tpu.memory_space<hbm>> -> memref<20000x80xf32, #tpu.memory_space<hbm>>
      tpu.wait_indirect_dma semaphore(%arg11 : memref<!tpu.dma_semaphore, #tpu.memory_space<semaphore_mem>>) src(%dma_wait3A_36 : memref<20000x80xf32, #tpu.memory_space<hbm>>) dst(%arg8 : memref<80x80xf32, #tpu.memory_space<vmem>>)
      "tpu.region"() ({
        %run_scoped3A = tpu.sem_alloc : memref<!tpu.dma_semaphore, #tpu.memory_space<semaphore_mem>>
        %dma_start3A_60 = arith.constant 0 : i32
        %dma_start3A_61 = tpu.memref_slice %arg7[%mul3A_31, %dma_start3A_60] : memref<250x80xi32, #tpu.memory_space<vmem>> -> memref<1x80xi32, #tpu.memory_space<vmem>>
        %dma_start3A_62 = tpu.memref_squeeze %dma_start3A_61 : memref<1x80xi32, #tpu.memory_space<vmem>> -> memref<80xi32, #tpu.memory_space<vmem>>
        %dma_start3A_63 = arith.constant 0 : i32
        %dma_start3A_64 = arith.constant 0 : i32
        %dma_start3A_65 = tpu.memref_slice %arg10[%dma_start3A_63, %dma_start3A_64] : memref<10000x80xf32, #tpu.memory_space<vmem_shared>> -> memref<10000x80xf32, #tpu.memory_space<vmem_shared>>
        tpu.enqueue_indirect_dma source(%arg8 : memref<80x80xf32, #tpu.memory_space<vmem>>) target(%dma_start3A_65 : memref<10000x80xf32, #tpu.memory_space<vmem_shared>>) offsets(%dma_start3A_62 : memref<80xi32, #tpu.memory_space<vmem>>) semaphore(%run_scoped3A : memref<!tpu.dma_semaphore, #tpu.memory_space<semaphore_mem>>) {add = true}
        %dma_wait3A_66 = arith.constant 0 : i32
        %dma_wait3A_67 = tpu.memref_slice %arg7[%mul3A_31, %dma_wait3A_66] : memref<250x80xi32, #tpu.memory_space<vmem>> -> memref<1x80xi32, #tpu.memory_space<vmem>>
        %dma_wait3A_68 = tpu.memref_squeeze %dma_wait3A_67 : memref<1x80xi32, #tpu.memory_space<vmem>> -> memref<80xi32, #tpu.memory_space<vmem>>
        %dma_wait3A_69 = arith.constant 0 : i32
        %dma_wait3A_70 = arith.constant 0 : i32
        %dma_wait3A_71 = tpu.memref_slice %arg10[%dma_wait3A_69, %dma_wait3A_70] : memref<10000x80xf32, #tpu.memory_space<vmem_shared>> -> memref<10000x80xf32, #tpu.memory_space<vmem_shared>>
        tpu.wait_indirect_dma semaphore(%run_scoped3A : memref<!tpu.dma_semaphore, #tpu.memory_space<semaphore_mem>>) src(%arg8 : memref<80x80xf32, #tpu.memory_space<vmem>>) dst(%dma_wait3A_71 : memref<10000x80xf32, #tpu.memory_space<vmem_shared>>)
        tpu.yield
      }) : () -> ()
      %add3A_37 = arith.constant 2 : i32
      %add3A_38 = arith.addi %mul3A_31, %add3A_37 : i32
      %lt3A = arith.constant 250 : i32
      %lt3A_39 = arith.cmpi slt, %add3A_38, %lt3A : i32
      %convert_element_type3A_40 = arith.extui %lt3A_39 : i1 to i32
      %cond3A_41 = arith.constant 0 : i32
      %cond3A_42 = arith.cmpi ne, %convert_element_type3A_40, %cond3A_41 : i32
      scf.if %cond3A_42 {
        %add3A_60 = arith.constant 2 : i32
        %add3A_61 = arith.addi %mul3A_31, %add3A_60 : i32
        %dma_start3A_62 = arith.constant 0 : i32
        %dma_start3A_63 = tpu.memref_slice %arg6[%add3A_61, %dma_start3A_62] : memref<250x80xi32, #tpu.memory_space<vmem>> -> memref<1x80xi32, #tpu.memory_space<vmem>>
        %dma_start3A_64 = tpu.memref_squeeze %dma_start3A_63 : memref<1x80xi32, #tpu.memory_space<vmem>> -> memref<80xi32, #tpu.memory_space<vmem>>
        %dma_start3A_65 = arith.constant 0 : i32
        %dma_start3A_66 = arith.constant 0 : i32
        %dma_start3A_67 = tpu.memref_slice %arg2[%dma_start3A_65, %dma_start3A_66] : memref<20000x80xf32, #tpu.memory_space<hbm>> -> memref<20000x80xf32, #tpu.memory_space<hbm>>
        tpu.enqueue_indirect_dma source(%dma_start3A_67 : memref<20000x80xf32, #tpu.memory_space<hbm>>) target(%arg8 : memref<80x80xf32, #tpu.memory_space<vmem>>) offsets(%dma_start3A_64 : memref<80xi32, #tpu.memory_space<vmem>>) semaphore(%arg11 : memref<!tpu.dma_semaphore, #tpu.memory_space<semaphore_mem>>)
      } else {
      }
      %add3A_43 = arith.constant 1 : i32
      %add3A_44 = arith.addi %mul3A_31, %add3A_43 : i32
      %dma_wait3A_45 = arith.constant 0 : i32
      %dma_wait3A_46 = tpu.memref_slice %arg6[%add3A_44, %dma_wait3A_45] : memref<250x80xi32, #tpu.memory_space<vmem>> -> memref<1x80xi32, #tpu.memory_space<vmem>>
      %dma_wait3A_47 = tpu.memref_squeeze %dma_wait3A_46 : memref<1x80xi32, #tpu.memory_space<vmem>> -> memref<80xi32, #tpu.memory_space<vmem>>
      %dma_wait3A_48 = arith.constant 0 : i32
      %dma_wait3A_49 = arith.constant 0 : i32
      %dma_wait3A_50 = tpu.memref_slice %arg2[%dma_wait3A_48, %dma_wait3A_49] : memref<20000x80xf32, #tpu.memory_space<hbm>> -> memref<20000x80xf32, #tpu.memory_space<hbm>>
      tpu.wait_indirect_dma semaphore(%arg12 : memref<!tpu.dma_semaphore, #tpu.memory_space<semaphore_mem>>) src(%dma_wait3A_50 : memref<20000x80xf32, #tpu.memory_space<hbm>>) dst(%arg9 : memref<80x80xf32, #tpu.memory_space<vmem>>)
      %add3A_51 = arith.constant 1 : i32
      %add3A_52 = arith.addi %mul3A_31, %add3A_51 : i32
      "tpu.region"() ({
        %run_scoped3A = tpu.sem_alloc : memref<!tpu.dma_semaphore, #tpu.memory_space<semaphore_mem>>
        %dma_start3A_60 = arith.constant 0 : i32
        %dma_start3A_61 = tpu.memref_slice %arg7[%add3A_52, %dma_start3A_60] : memref<250x80xi32, #tpu.memory_space<vmem>> -> memref<1x80xi32, #tpu.memory_space<vmem>>
        %dma_start3A_62 = tpu.memref_squeeze %dma_start3A_61 : memref<1x80xi32, #tpu.memory_space<vmem>> -> memref<80xi32, #tpu.memory_space<vmem>>
        %dma_start3A_63 = arith.constant 0 : i32
        %dma_start3A_64 = arith.constant 0 : i32
        %dma_start3A_65 = tpu.memref_slice %arg10[%dma_start3A_63, %dma_start3A_64] : memref<10000x80xf32, #tpu.memory_space<vmem_shared>> -> memref<10000x80xf32, #tpu.memory_space<vmem_shared>>
        tpu.enqueue_indirect_dma source(%arg9 : memref<80x80xf32, #tpu.memory_space<vmem>>) target(%dma_start3A_65 : memref<10000x80xf32, #tpu.memory_space<vmem_shared>>) offsets(%dma_start3A_62 : memref<80xi32, #tpu.memory_space<vmem>>) semaphore(%run_scoped3A : memref<!tpu.dma_semaphore, #tpu.memory_space<semaphore_mem>>) {add = true}
        %dma_wait3A_66 = arith.constant 0 : i32
        %dma_wait3A_67 = tpu.memref_slice %arg7[%add3A_52, %dma_wait3A_66] : memref<250x80xi32, #tpu.memory_space<vmem>> -> memref<1x80xi32, #tpu.memory_space<vmem>>
        %dma_wait3A_68 = tpu.memref_squeeze %dma_wait3A_67 : memref<1x80xi32, #tpu.memory_space<vmem>> -> memref<80xi32, #tpu.memory_space<vmem>>
        %dma_wait3A_69 = arith.constant 0 : i32
        %dma_wait3A_70 = arith.constant 0 : i32
        %dma_wait3A_71 = tpu.memref_slice %arg10[%dma_wait3A_69, %dma_wait3A_70] : memref<10000x80xf32, #tpu.memory_space<vmem_shared>> -> memref<10000x80xf32, #tpu.memory_space<vmem_shared>>
        tpu.wait_indirect_dma semaphore(%run_scoped3A : memref<!tpu.dma_semaphore, #tpu.memory_space<semaphore_mem>>) src(%arg9 : memref<80x80xf32, #tpu.memory_space<vmem>>) dst(%dma_wait3A_71 : memref<10000x80xf32, #tpu.memory_space<vmem_shared>>)
        tpu.yield
      }) : () -> ()
      %add3A_53 = arith.constant 3 : i32
      %add3A_54 = arith.addi %mul3A_31, %add3A_53 : i32
      %lt3A_55 = arith.constant 250 : i32
      %lt3A_56 = arith.cmpi slt, %add3A_54, %lt3A_55 : i32
      %convert_element_type3A_57 = arith.extui %lt3A_56 : i1 to i32
      %cond3A_58 = arith.constant 0 : i32
      %cond3A_59 = arith.cmpi ne, %convert_element_type3A_57, %cond3A_58 : i32
      scf.if %cond3A_59 {
        %add3A_60 = arith.constant 3 : i32
        %add3A_61 = arith.addi %mul3A_31, %add3A_60 : i32
        %dma_start3A_62 = arith.constant 0 : i32
        %dma_start3A_63 = tpu.memref_slice %arg6[%add3A_61, %dma_start3A_62] : memref<250x80xi32, #tpu.memory_space<vmem>> -> memref<1x80xi32, #tpu.memory_space<vmem>>
        %dma_start3A_64 = tpu.memref_squeeze %dma_start3A_63 : memref<1x80xi32, #tpu.memory_space<vmem>> -> memref<80xi32, #tpu.memory_space<vmem>>
        %dma_start3A_65 = arith.constant 0 : i32
        %dma_start3A_66 = arith.constant 0 : i32
        %dma_start3A_67 = tpu.memref_slice %arg2[%dma_start3A_65, %dma_start3A_66] : memref<20000x80xf32, #tpu.memory_space<hbm>> -> memref<20000x80xf32, #tpu.memory_space<hbm>>
        tpu.enqueue_indirect_dma source(%dma_start3A_67 : memref<20000x80xf32, #tpu.memory_space<hbm>>) target(%arg9 : memref<80x80xf32, #tpu.memory_space<vmem>>) offsets(%dma_start3A_64 : memref<80xi32, #tpu.memory_space<vmem>>) semaphore(%arg12 : memref<!tpu.dma_semaphore, #tpu.memory_space<semaphore_mem>>)
      } else {
      }
    }
    %scan3A_19 = arith.constant 125 : i32
    %barrier3A_20 = arith.constant 0 : index
    tpu.barrier barrier_id(%barrier3A_20)
    %mul3A = arith.constant 624 : i32
    %mul3A_21 = arith.muli %arg1, %mul3A : i32
    %mul3A_22 = arith.constant 10000 : i32
    %mul3A_23 = arith.muli %arg0, %mul3A_22 : i32
    %add3A = arith.addi %mul3A_23, %mul3A_21 : i32
    "tpu.region"() ({
      %run_scoped3A = tpu.sem_alloc : memref<!tpu.dma_semaphore, #tpu.memory_space<semaphore_mem>>
      %dma_start3A_29 = arith.constant 0 : i32
      %dma_start3A_30 = tpu.memref_slice %arg5[%add3A, %dma_start3A_29] : memref<20000x80xf32, #tpu.memory_space<hbm>> -> memref<624x80xf32, #tpu.memory_space<hbm>>
      %dma_start3A_31 = arith.constant 0 : i32
      %dma_start3A_32 = tpu.memref_slice %arg10[%mul3A_21, %dma_start3A_31] : memref<10000x80xf32, #tpu.memory_space<vmem_shared>> -> memref<624x80xf32, #tpu.memory_space<vmem_shared>>
      tpu.enqueue_dma source(%dma_start3A_32 : memref<624x80xf32, #tpu.memory_space<vmem_shared>>) target(%dma_start3A_30 : memref<624x80xf32, #tpu.memory_space<hbm>>) target_semaphore(%run_scoped3A : memref<!tpu.dma_semaphore, #tpu.memory_space<semaphore_mem>>)
      %dma_wait3A = arith.constant 0 : i32
      %dma_wait3A_33 = tpu.memref_slice %arg5[%add3A, %dma_wait3A] : memref<20000x80xf32, #tpu.memory_space<hbm>> -> memref<624x80xf32, #tpu.memory_space<hbm>>
      %dma_wait3A_34 = arith.constant 0 : i32
      %dma_wait3A_35 = tpu.memref_slice %arg10[%mul3A_21, %dma_wait3A_34] : memref<10000x80xf32, #tpu.memory_space<vmem_shared>> -> memref<624x80xf32, #tpu.memory_space<vmem_shared>>
      tpu.wait_dma2 semaphore(%run_scoped3A : memref<!tpu.dma_semaphore, #tpu.memory_space<semaphore_mem>>) src(%dma_wait3A_35 : memref<624x80xf32, #tpu.memory_space<vmem_shared>>) dst(%dma_wait3A_33 : memref<624x80xf32, #tpu.memory_space<hbm>>)
      tpu.yield
    }) : () -> ()
    %eq3A_24 = arith.constant 15 : i32
    %eq3A_25 = arith.cmpi eq, %arg1, %eq3A_24 : i32
    %convert_element_type3A_26 = arith.extui %eq3A_25 : i1 to i32
    %cond3A_27 = arith.constant 0 : i32
    %cond3A_28 = arith.cmpi ne, %convert_element_type3A_26, %cond3A_27 : i32
    scf.if %cond3A_28 {
      %mul3A_29 = arith.constant 10000 : i32
      %mul3A_30 = arith.muli %arg0, %mul3A_29 : i32
      %add3A_31 = arith.constant 9984 : i32
      %add3A_32 = arith.addi %mul3A_30, %add3A_31 : i32
      "tpu.region"() ({
        %run_scoped3A = tpu.sem_alloc : memref<!tpu.dma_semaphore, #tpu.memory_space<semaphore_mem>>
        %dma_start3A_33 = arith.constant 0 : i32
        %dma_start3A_34 = tpu.memref_slice %arg5[%add3A_32, %dma_start3A_33] : memref<20000x80xf32, #tpu.memory_space<hbm>> -> memref<16x80xf32, #tpu.memory_space<hbm>>
        %dma_start3A_35 = arith.constant 9984 : i32
        %dma_start3A_36 = arith.constant 0 : i32
        %dma_start3A_37 = tpu.memref_slice %arg10[%dma_start3A_35, %dma_start3A_36] : memref<10000x80xf32, #tpu.memory_space<vmem_shared>> -> memref<16x80xf32, #tpu.memory_space<vmem_shared>>
        tpu.enqueue_dma source(%dma_start3A_37 : memref<16x80xf32, #tpu.memory_space<vmem_shared>>) target(%dma_start3A_34 : memref<16x80xf32, #tpu.memory_space<hbm>>) target_semaphore(%run_scoped3A : memref<!tpu.dma_semaphore, #tpu.memory_space<semaphore_mem>>)
        %dma_wait3A = arith.constant 0 : i32
        %dma_wait3A_38 = tpu.memref_slice %arg5[%add3A_32, %dma_wait3A] : memref<20000x80xf32, #tpu.memory_space<hbm>> -> memref<16x80xf32, #tpu.memory_space<hbm>>
        %dma_wait3A_39 = arith.constant 9984 : i32
        %dma_wait3A_40 = arith.constant 0 : i32
        %dma_wait3A_41 = tpu.memref_slice %arg10[%dma_wait3A_39, %dma_wait3A_40] : memref<10000x80xf32, #tpu.memory_space<vmem_shared>> -> memref<16x80xf32, #tpu.memory_space<vmem_shared>>
        tpu.wait_dma2 semaphore(%run_scoped3A : memref<!tpu.dma_semaphore, #tpu.memory_space<semaphore_mem>>) src(%dma_wait3A_41 : memref<16x80xf32, #tpu.memory_space<vmem_shared>>) dst(%dma_wait3A_38 : memref<16x80xf32, #tpu.memory_space<hbm>>)
        tpu.yield
      }) : () -> ()
    } else {
    }
    return
  }
}

#map = affine_map<(d0, d1) -> (0, 0)>
#map1 = affine_map<(d0, d1) -> (0, 0, 0, 0)>
#map2 = affine_map<(d0, d1) -> (0, 0, 0)>
module attributes {stable_mosaic.version = 14 : i64} {
  func.func @_sc_body(%arg0: i32, %arg1: i32, %arg2: memref<20000x80xf32, #tpu.memory_space<hbm>>, %arg3: memref<2x16x250x80xi32, #tpu.memory_space<hbm>>, %arg4: memref<16x250x80xi32, #tpu.memory_space<hbm>>, %arg5: memref<20000x80xf32, #tpu.memory_space<hbm>>, %arg6: memref<250x80xi32, #tpu.memory_space<vmem>>, %arg7: memref<250x80xi32, #tpu.memory_space<vmem>>, %arg8: memref<80x80xf32, #tpu.memory_space<vmem>>, %arg9: memref<80x80xf32, #tpu.memory_space<vmem>>, %arg10: memref<10000x80xf32, #tpu.memory_space<vmem_shared>>, %arg11: memref<!tpu.dma_semaphore, #tpu.memory_space<semaphore_mem>>, %arg12: memref<!tpu.dma_semaphore, #tpu.memory_space<semaphore_mem>>) attributes {dimension_semantics = [#tpu.dimension_semantics<core_parallel>, #tpu.dimension_semantics<subcore_parallel>], iteration_bounds = array<i64: 2, 16>, scalar_prefetch = 0 : i64, scratch_operands = 7 : i64, tpu.core_type = #tpu.core_type<sc_vector_subcore>, window_params = [{transform_indices = #map}, {transform_indices = #map1}, {transform_indices = #map2}, {transform_indices = #map}]} {
    "tpu.region"() ({
      %run_scoped3A = tpu.sem_alloc : memref<!tpu.dma_semaphore, #tpu.memory_space<semaphore_mem>>
      %dma_start3A_29 = arith.constant 0 : i32
      %dma_start3A_30 = arith.constant 0 : i32
      %dma_start3A_31 = tpu.memref_slice %arg3[%arg0, %arg1, %dma_start3A_29, %dma_start3A_30] : memref<2x16x250x80xi32, #tpu.memory_space<hbm>> -> memref<1x1x250x80xi32, #tpu.memory_space<hbm>>
      %dma_start3A_32 = tpu.memref_squeeze %dma_start3A_31 : memref<1x1x250x80xi32, #tpu.memory_space<hbm>> -> memref<250x80xi32, #tpu.memory_space<hbm>>
      %dma_start3A_33 = arith.constant 0 : i32
      %dma_start3A_34 = arith.constant 0 : i32
      %dma_start3A_35 = tpu.memref_slice %arg3[%arg0, %arg1, %dma_start3A_33, %dma_start3A_34] : memref<2x16x250x80xi32, #tpu.memory_space<hbm>> -> memref<1x1x250x80xi32, #tpu.memory_space<hbm>>
      %dma_start3A_36 = tpu.memref_squeeze %dma_start3A_35 : memref<1x1x250x80xi32, #tpu.memory_space<hbm>> -> memref<250x80xi32, #tpu.memory_space<hbm>>
      tpu.enqueue_dma source(%dma_start3A_36 : memref<250x80xi32, #tpu.memory_space<hbm>>) target(%arg6 : memref<250x80xi32, #tpu.memory_space<vmem>>) target_semaphore(%run_scoped3A : memref<!tpu.dma_semaphore, #tpu.memory_space<semaphore_mem>>)
      %dma_wait3A = arith.constant 0 : i32
      %dma_wait3A_37 = arith.constant 0 : i32
      %dma_wait3A_38 = tpu.memref_slice %arg3[%arg0, %arg1, %dma_wait3A, %dma_wait3A_37] : memref<2x16x250x80xi32, #tpu.memory_space<hbm>> -> memref<1x1x250x80xi32, #tpu.memory_space<hbm>>
      %dma_wait3A_39 = tpu.memref_squeeze %dma_wait3A_38 : memref<1x1x250x80xi32, #tpu.memory_space<hbm>> -> memref<250x80xi32, #tpu.memory_space<hbm>>
      %dma_wait3A_40 = arith.constant 0 : i32
      %dma_wait3A_41 = arith.constant 0 : i32
      %dma_wait3A_42 = tpu.memref_slice %arg3[%arg0, %arg1, %dma_wait3A_40, %dma_wait3A_41] : memref<2x16x250x80xi32, #tpu.memory_space<hbm>> -> memref<1x1x250x80xi32, #tpu.memory_space<hbm>>
      %dma_wait3A_43 = tpu.memref_squeeze %dma_wait3A_42 : memref<1x1x250x80xi32, #tpu.memory_space<hbm>> -> memref<250x80xi32, #tpu.memory_space<hbm>>
      tpu.wait_dma2 semaphore(%run_scoped3A : memref<!tpu.dma_semaphore, #tpu.memory_space<semaphore_mem>>) src(%dma_wait3A_43 : memref<250x80xi32, #tpu.memory_space<hbm>>) dst(%arg6 : memref<250x80xi32, #tpu.memory_space<vmem>>)
      tpu.yield
    }) : () -> ()
    "tpu.region"() ({
      %run_scoped3A = tpu.sem_alloc : memref<!tpu.dma_semaphore, #tpu.memory_space<semaphore_mem>>
      %dma_start3A_29 = arith.constant 0 : i32
      %dma_start3A_30 = arith.constant 0 : i32
      %dma_start3A_31 = tpu.memref_slice %arg4[%arg1, %dma_start3A_29, %dma_start3A_30] : memref<16x250x80xi32, #tpu.memory_space<hbm>> -> memref<1x250x80xi32, #tpu.memory_space<hbm>>
      %dma_start3A_32 = tpu.memref_squeeze %dma_start3A_31 : memref<1x250x80xi32, #tpu.memory_space<hbm>> -> memref<250x80xi32, #tpu.memory_space<hbm>>
      %dma_start3A_33 = arith.constant 0 : i32
      %dma_start3A_34 = arith.constant 0 : i32
      %dma_start3A_35 = tpu.memref_slice %arg4[%arg1, %dma_start3A_33, %dma_start3A_34] : memref<16x250x80xi32, #tpu.memory_space<hbm>> -> memref<1x250x80xi32, #tpu.memory_space<hbm>>
      %dma_start3A_36 = tpu.memref_squeeze %dma_start3A_35 : memref<1x250x80xi32, #tpu.memory_space<hbm>> -> memref<250x80xi32, #tpu.memory_space<hbm>>
      tpu.enqueue_dma source(%dma_start3A_36 : memref<250x80xi32, #tpu.memory_space<hbm>>) target(%arg7 : memref<250x80xi32, #tpu.memory_space<vmem>>) target_semaphore(%run_scoped3A : memref<!tpu.dma_semaphore, #tpu.memory_space<semaphore_mem>>)
      %dma_wait3A = arith.constant 0 : i32
      %dma_wait3A_37 = arith.constant 0 : i32
      %dma_wait3A_38 = tpu.memref_slice %arg4[%arg1, %dma_wait3A, %dma_wait3A_37] : memref<16x250x80xi32, #tpu.memory_space<hbm>> -> memref<1x250x80xi32, #tpu.memory_space<hbm>>
      %dma_wait3A_39 = tpu.memref_squeeze %dma_wait3A_38 : memref<1x250x80xi32, #tpu.memory_space<hbm>> -> memref<250x80xi32, #tpu.memory_space<hbm>>
      %dma_wait3A_40 = arith.constant 0 : i32
      %dma_wait3A_41 = arith.constant 0 : i32
      %dma_wait3A_42 = tpu.memref_slice %arg4[%arg1, %dma_wait3A_40, %dma_wait3A_41] : memref<16x250x80xi32, #tpu.memory_space<hbm>> -> memref<1x250x80xi32, #tpu.memory_space<hbm>>
      %dma_wait3A_43 = tpu.memref_squeeze %dma_wait3A_42 : memref<1x250x80xi32, #tpu.memory_space<hbm>> -> memref<250x80xi32, #tpu.memory_space<hbm>>
      tpu.wait_dma2 semaphore(%run_scoped3A : memref<!tpu.dma_semaphore, #tpu.memory_space<semaphore_mem>>) src(%dma_wait3A_43 : memref<250x80xi32, #tpu.memory_space<hbm>>) dst(%arg7 : memref<250x80xi32, #tpu.memory_space<vmem>>)
      tpu.yield
    }) : () -> ()
    %eq3A = arith.constant 0 : i32
    %eq3A_0 = arith.cmpi eq, %arg1, %eq3A : i32
    %convert_element_type3A = arith.extui %eq3A_0 : i1 to i32
    %cond3A = arith.constant 0 : i32
    %cond3A_1 = arith.cmpi ne, %convert_element_type3A, %cond3A : i32
    scf.if %cond3A_1 {
      %mul3A_29 = arith.constant 10000 : i32
      %mul3A_30 = arith.muli %arg0, %mul3A_29 : i32
      "tpu.region"() ({
        %run_scoped3A = tpu.sem_alloc : memref<!tpu.dma_semaphore, #tpu.memory_space<semaphore_mem>>
        %dma_start3A_31 = arith.constant 0 : i32
        %dma_start3A_32 = tpu.memref_slice %arg2[%mul3A_30, %dma_start3A_31] : memref<20000x80xf32, #tpu.memory_space<hbm>> -> memref<10000x80xf32, #tpu.memory_space<hbm>>
        tpu.enqueue_dma source(%dma_start3A_32 : memref<10000x80xf32, #tpu.memory_space<hbm>>) target(%arg10 : memref<10000x80xf32, #tpu.memory_space<vmem_shared>>) target_semaphore(%run_scoped3A : memref<!tpu.dma_semaphore, #tpu.memory_space<semaphore_mem>>)
        %dma_wait3A = arith.constant 0 : i32
        %dma_wait3A_33 = tpu.memref_slice %arg2[%mul3A_30, %dma_wait3A] : memref<20000x80xf32, #tpu.memory_space<hbm>> -> memref<10000x80xf32, #tpu.memory_space<hbm>>
        tpu.wait_dma2 semaphore(%run_scoped3A : memref<!tpu.dma_semaphore, #tpu.memory_space<semaphore_mem>>) src(%dma_wait3A_33 : memref<10000x80xf32, #tpu.memory_space<hbm>>) dst(%arg10 : memref<10000x80xf32, #tpu.memory_space<vmem_shared>>)
        tpu.yield
      }) : () -> ()
    } else {
    }
    %barrier3A = arith.constant 0 : index
    tpu.barrier barrier_id(%barrier3A)
    %dma_start3A = arith.constant 0 : i32
    %dma_start3A_2 = arith.constant 0 : i32
    %dma_start3A_3 = tpu.memref_slice %arg6[%dma_start3A, %dma_start3A_2] : memref<250x80xi32, #tpu.memory_space<vmem>> -> memref<1x80xi32, #tpu.memory_space<vmem>>
    %dma_start3A_4 = tpu.memref_squeeze %dma_start3A_3 : memref<1x80xi32, #tpu.memory_space<vmem>> -> memref<80xi32, #tpu.memory_space<vmem>>
    %dma_start3A_5 = arith.constant 0 : i32
    %dma_start3A_6 = arith.constant 0 : i32
    %dma_start3A_7 = tpu.memref_slice %arg2[%dma_start3A_5, %dma_start3A_6] : memref<20000x80xf32, #tpu.memory_space<hbm>> -> memref<20000x80xf32, #tpu.memory_space<hbm>>
    tpu.enqueue_indirect_dma source(%dma_start3A_7 : memref<20000x80xf32, #tpu.memory_space<hbm>>) target(%arg8 : memref<80x80xf32, #tpu.memory_space<vmem>>) offsets(%dma_start3A_4 : memref<80xi32, #tpu.memory_space<vmem>>) semaphore(%arg11 : memref<!tpu.dma_semaphore, #tpu.memory_space<semaphore_mem>>)
    %dma_start3A_8 = arith.constant 1 : i32
    %dma_start3A_9 = arith.constant 0 : i32
    %dma_start3A_10 = tpu.memref_slice %arg6[%dma_start3A_8, %dma_start3A_9] : memref<250x80xi32, #tpu.memory_space<vmem>> -> memref<1x80xi32, #tpu.memory_space<vmem>>
    %dma_start3A_11 = tpu.memref_squeeze %dma_start3A_10 : memref<1x80xi32, #tpu.memory_space<vmem>> -> memref<80xi32, #tpu.memory_space<vmem>>
    %dma_start3A_12 = arith.constant 0 : i32
    %dma_start3A_13 = arith.constant 0 : i32
    %dma_start3A_14 = tpu.memref_slice %arg2[%dma_start3A_12, %dma_start3A_13] : memref<20000x80xf32, #tpu.memory_space<hbm>> -> memref<20000x80xf32, #tpu.memory_space<hbm>>
    tpu.enqueue_indirect_dma source(%dma_start3A_14 : memref<20000x80xf32, #tpu.memory_space<hbm>>) target(%arg9 : memref<80x80xf32, #tpu.memory_space<vmem>>) offsets(%dma_start3A_11 : memref<80xi32, #tpu.memory_space<vmem>>) semaphore(%arg12 : memref<!tpu.dma_semaphore, #tpu.memory_space<semaphore_mem>>)
    %scan3A = arith.constant 0 : i32
    %scan3A_15 = arith.constant 0 : i32
    %scan3A_16 = arith.constant 125 : i32
    %scan3A_17 = arith.addi %scan3A_15, %scan3A_16 : i32
    %scan3A_18 = arith.constant 1 : i32
    scf.for %scan3A_29 = %scan3A_15 to %scan3A_17 step %scan3A_18  : i32 {
      %mul3A_30 = arith.constant 2 : i32
      %mul3A_31 = arith.muli %mul3A_30, %scan3A_29 : i32
      %dma_wait3A = arith.constant 0 : i32
      %dma_wait3A_32 = tpu.memref_slice %arg6[%mul3A_31, %dma_wait3A] : memref<250x80xi32, #tpu.memory_space<vmem>> -> memref<1x80xi32, #tpu.memory_space<vmem>>
      %dma_wait3A_33 = tpu.memref_squeeze %dma_wait3A_32 : memref<1x80xi32, #tpu.memory_space<vmem>> -> memref<80xi32, #tpu.memory_space<vmem>>
      %dma_wait3A_34 = arith.constant 0 : i32
      %dma_wait3A_35 = arith.constant 0 : i32
      %dma_wait3A_36 = tpu.memref_slice %arg2[%dma_wait3A_34, %dma_wait3A_35] : memref<20000x80xf32, #tpu.memory_space<hbm>> -> memref<20000x80xf32, #tpu.memory_space<hbm>>
      tpu.wait_indirect_dma semaphore(%arg11 : memref<!tpu.dma_semaphore, #tpu.memory_space<semaphore_mem>>) src(%dma_wait3A_36 : memref<20000x80xf32, #tpu.memory_space<hbm>>) dst(%arg8 : memref<80x80xf32, #tpu.memory_space<vmem>>)
      "tpu.region"() ({
        %run_scoped3A = tpu.sem_alloc : memref<!tpu.dma_semaphore, #tpu.memory_space<semaphore_mem>>
        %dma_start3A_60 = arith.constant 0 : i32
        %dma_start3A_61 = tpu.memref_slice %arg7[%mul3A_31, %dma_start3A_60] : memref<250x80xi32, #tpu.memory_space<vmem>> -> memref<1x80xi32, #tpu.memory_space<vmem>>
        %dma_start3A_62 = tpu.memref_squeeze %dma_start3A_61 : memref<1x80xi32, #tpu.memory_space<vmem>> -> memref<80xi32, #tpu.memory_space<vmem>>
        %dma_start3A_63 = arith.constant 0 : i32
        %dma_start3A_64 = arith.constant 0 : i32
        %dma_start3A_65 = tpu.memref_slice %arg10[%dma_start3A_63, %dma_start3A_64] : memref<10000x80xf32, #tpu.memory_space<vmem_shared>> -> memref<10000x80xf32, #tpu.memory_space<vmem_shared>>
        tpu.enqueue_indirect_dma source(%arg8 : memref<80x80xf32, #tpu.memory_space<vmem>>) target(%dma_start3A_65 : memref<10000x80xf32, #tpu.memory_space<vmem_shared>>) offsets(%dma_start3A_62 : memref<80xi32, #tpu.memory_space<vmem>>) semaphore(%run_scoped3A : memref<!tpu.dma_semaphore, #tpu.memory_space<semaphore_mem>>) {add = true}
        %dma_wait3A_66 = arith.constant 0 : i32
        %dma_wait3A_67 = tpu.memref_slice %arg7[%mul3A_31, %dma_wait3A_66] : memref<250x80xi32, #tpu.memory_space<vmem>> -> memref<1x80xi32, #tpu.memory_space<vmem>>
        %dma_wait3A_68 = tpu.memref_squeeze %dma_wait3A_67 : memref<1x80xi32, #tpu.memory_space<vmem>> -> memref<80xi32, #tpu.memory_space<vmem>>
        %dma_wait3A_69 = arith.constant 0 : i32
        %dma_wait3A_70 = arith.constant 0 : i32
        %dma_wait3A_71 = tpu.memref_slice %arg10[%dma_wait3A_69, %dma_wait3A_70] : memref<10000x80xf32, #tpu.memory_space<vmem_shared>> -> memref<10000x80xf32, #tpu.memory_space<vmem_shared>>
        tpu.wait_indirect_dma semaphore(%run_scoped3A : memref<!tpu.dma_semaphore, #tpu.memory_space<semaphore_mem>>) src(%arg8 : memref<80x80xf32, #tpu.memory_space<vmem>>) dst(%dma_wait3A_71 : memref<10000x80xf32, #tpu.memory_space<vmem_shared>>)
        tpu.yield
      }) : () -> ()
      %add3A_37 = arith.constant 2 : i32
      %add3A_38 = arith.addi %mul3A_31, %add3A_37 : i32
      %lt3A = arith.constant 250 : i32
      %lt3A_39 = arith.cmpi slt, %add3A_38, %lt3A : i32
      %convert_element_type3A_40 = arith.extui %lt3A_39 : i1 to i32
      %cond3A_41 = arith.constant 0 : i32
      %cond3A_42 = arith.cmpi ne, %convert_element_type3A_40, %cond3A_41 : i32
      scf.if %cond3A_42 {
        %add3A_60 = arith.constant 2 : i32
        %add3A_61 = arith.addi %mul3A_31, %add3A_60 : i32
        %dma_start3A_62 = arith.constant 0 : i32
        %dma_start3A_63 = tpu.memref_slice %arg6[%add3A_61, %dma_start3A_62] : memref<250x80xi32, #tpu.memory_space<vmem>> -> memref<1x80xi32, #tpu.memory_space<vmem>>
        %dma_start3A_64 = tpu.memref_squeeze %dma_start3A_63 : memref<1x80xi32, #tpu.memory_space<vmem>> -> memref<80xi32, #tpu.memory_space<vmem>>
        %dma_start3A_65 = arith.constant 0 : i32
        %dma_start3A_66 = arith.constant 0 : i32
        %dma_start3A_67 = tpu.memref_slice %arg2[%dma_start3A_65, %dma_start3A_66] : memref<20000x80xf32, #tpu.memory_space<hbm>> -> memref<20000x80xf32, #tpu.memory_space<hbm>>
        tpu.enqueue_indirect_dma source(%dma_start3A_67 : memref<20000x80xf32, #tpu.memory_space<hbm>>) target(%arg8 : memref<80x80xf32, #tpu.memory_space<vmem>>) offsets(%dma_start3A_64 : memref<80xi32, #tpu.memory_space<vmem>>) semaphore(%arg11 : memref<!tpu.dma_semaphore, #tpu.memory_space<semaphore_mem>>)
      } else {
      }
      %add3A_43 = arith.constant 1 : i32
      %add3A_44 = arith.addi %mul3A_31, %add3A_43 : i32
      %dma_wait3A_45 = arith.constant 0 : i32
      %dma_wait3A_46 = tpu.memref_slice %arg6[%add3A_44, %dma_wait3A_45] : memref<250x80xi32, #tpu.memory_space<vmem>> -> memref<1x80xi32, #tpu.memory_space<vmem>>
      %dma_wait3A_47 = tpu.memref_squeeze %dma_wait3A_46 : memref<1x80xi32, #tpu.memory_space<vmem>> -> memref<80xi32, #tpu.memory_space<vmem>>
      %dma_wait3A_48 = arith.constant 0 : i32
      %dma_wait3A_49 = arith.constant 0 : i32
      %dma_wait3A_50 = tpu.memref_slice %arg2[%dma_wait3A_48, %dma_wait3A_49] : memref<20000x80xf32, #tpu.memory_space<hbm>> -> memref<20000x80xf32, #tpu.memory_space<hbm>>
      tpu.wait_indirect_dma semaphore(%arg12 : memref<!tpu.dma_semaphore, #tpu.memory_space<semaphore_mem>>) src(%dma_wait3A_50 : memref<20000x80xf32, #tpu.memory_space<hbm>>) dst(%arg9 : memref<80x80xf32, #tpu.memory_space<vmem>>)
      %add3A_51 = arith.constant 1 : i32
      %add3A_52 = arith.addi %mul3A_31, %add3A_51 : i32
      "tpu.region"() ({
        %run_scoped3A = tpu.sem_alloc : memref<!tpu.dma_semaphore, #tpu.memory_space<semaphore_mem>>
        %dma_start3A_60 = arith.constant 0 : i32
        %dma_start3A_61 = tpu.memref_slice %arg7[%add3A_52, %dma_start3A_60] : memref<250x80xi32, #tpu.memory_space<vmem>> -> memref<1x80xi32, #tpu.memory_space<vmem>>
        %dma_start3A_62 = tpu.memref_squeeze %dma_start3A_61 : memref<1x80xi32, #tpu.memory_space<vmem>> -> memref<80xi32, #tpu.memory_space<vmem>>
        %dma_start3A_63 = arith.constant 0 : i32
        %dma_start3A_64 = arith.constant 0 : i32
        %dma_start3A_65 = tpu.memref_slice %arg10[%dma_start3A_63, %dma_start3A_64] : memref<10000x80xf32, #tpu.memory_space<vmem_shared>> -> memref<10000x80xf32, #tpu.memory_space<vmem_shared>>
        tpu.enqueue_indirect_dma source(%arg9 : memref<80x80xf32, #tpu.memory_space<vmem>>) target(%dma_start3A_65 : memref<10000x80xf32, #tpu.memory_space<vmem_shared>>) offsets(%dma_start3A_62 : memref<80xi32, #tpu.memory_space<vmem>>) semaphore(%run_scoped3A : memref<!tpu.dma_semaphore, #tpu.memory_space<semaphore_mem>>) {add = true}
        %dma_wait3A_66 = arith.constant 0 : i32
        %dma_wait3A_67 = tpu.memref_slice %arg7[%add3A_52, %dma_wait3A_66] : memref<250x80xi32, #tpu.memory_space<vmem>> -> memref<1x80xi32, #tpu.memory_space<vmem>>
        %dma_wait3A_68 = tpu.memref_squeeze %dma_wait3A_67 : memref<1x80xi32, #tpu.memory_space<vmem>> -> memref<80xi32, #tpu.memory_space<vmem>>
        %dma_wait3A_69 = arith.constant 0 : i32
        %dma_wait3A_70 = arith.constant 0 : i32
        %dma_wait3A_71 = tpu.memref_slice %arg10[%dma_wait3A_69, %dma_wait3A_70] : memref<10000x80xf32, #tpu.memory_space<vmem_shared>> -> memref<10000x80xf32, #tpu.memory_space<vmem_shared>>
        tpu.wait_indirect_dma semaphore(%run_scoped3A : memref<!tpu.dma_semaphore, #tpu.memory_space<semaphore_mem>>) src(%arg9 : memref<80x80xf32, #tpu.memory_space<vmem>>) dst(%dma_wait3A_71 : memref<10000x80xf32, #tpu.memory_space<vmem_shared>>)
        tpu.yield
      }) : () -> ()
      %add3A_53 = arith.constant 3 : i32
      %add3A_54 = arith.addi %mul3A_31, %add3A_53 : i32
      %lt3A_55 = arith.constant 250 : i32
      %lt3A_56 = arith.cmpi slt, %add3A_54, %lt3A_55 : i32
      %convert_element_type3A_57 = arith.extui %lt3A_56 : i1 to i32
      %cond3A_58 = arith.constant 0 : i32
      %cond3A_59 = arith.cmpi ne, %convert_element_type3A_57, %cond3A_58 : i32
      scf.if %cond3A_59 {
        %add3A_60 = arith.constant 3 : i32
        %add3A_61 = arith.addi %mul3A_31, %add3A_60 : i32
        %dma_start3A_62 = arith.constant 0 : i32
        %dma_start3A_63 = tpu.memref_slice %arg6[%add3A_61, %dma_start3A_62] : memref<250x80xi32, #tpu.memory_space<vmem>> -> memref<1x80xi32, #tpu.memory_space<vmem>>
        %dma_start3A_64 = tpu.memref_squeeze %dma_start3A_63 : memref<1x80xi32, #tpu.memory_space<vmem>> -> memref<80xi32, #tpu.memory_space<vmem>>
        %dma_start3A_65 = arith.constant 0 : i32
        %dma_start3A_66 = arith.constant 0 : i32
        %dma_start3A_67 = tpu.memref_slice %arg2[%dma_start3A_65, %dma_start3A_66] : memref<20000x80xf32, #tpu.memory_space<hbm>> -> memref<20000x80xf32, #tpu.memory_space<hbm>>
        tpu.enqueue_indirect_dma source(%dma_start3A_67 : memref<20000x80xf32, #tpu.memory_space<hbm>>) target(%arg9 : memref<80x80xf32, #tpu.memory_space<vmem>>) offsets(%dma_start3A_64 : memref<80xi32, #tpu.memory_space<vmem>>) semaphore(%arg12 : memref<!tpu.dma_semaphore, #tpu.memory_space<semaphore_mem>>)
      } else {
      }
    }
    %scan3A_19 = arith.constant 125 : i32
    %barrier3A_20 = arith.constant 0 : index
    tpu.barrier barrier_id(%barrier3A_20)
    %mul3A = arith.constant 624 : i32
    %mul3A_21 = arith.muli %arg1, %mul3A : i32
    %mul3A_22 = arith.constant 10000 : i32
    %mul3A_23 = arith.muli %arg0, %mul3A_22 : i32
    %add3A = arith.addi %mul3A_23, %mul3A_21 : i32
    "tpu.region"() ({
      %run_scoped3A = tpu.sem_alloc : memref<!tpu.dma_semaphore, #tpu.memory_space<semaphore_mem>>
      %dma_start3A_29 = arith.constant 0 : i32
      %dma_start3A_30 = tpu.memref_slice %arg5[%add3A, %dma_start3A_29] : memref<20000x80xf32, #tpu.memory_space<hbm>> -> memref<624x80xf32, #tpu.memory_space<hbm>>
      %dma_start3A_31 = arith.constant 0 : i32
      %dma_start3A_32 = tpu.memref_slice %arg10[%mul3A_21, %dma_start3A_31] : memref<10000x80xf32, #tpu.memory_space<vmem_shared>> -> memref<624x80xf32, #tpu.memory_space<vmem_shared>>
      tpu.enqueue_dma source(%dma_start3A_32 : memref<624x80xf32, #tpu.memory_space<vmem_shared>>) target(%dma_start3A_30 : memref<624x80xf32, #tpu.memory_space<hbm>>) target_semaphore(%run_scoped3A : memref<!tpu.dma_semaphore, #tpu.memory_space<semaphore_mem>>)
      %dma_wait3A = arith.constant 0 : i32
      %dma_wait3A_33 = tpu.memref_slice %arg5[%add3A, %dma_wait3A] : memref<20000x80xf32, #tpu.memory_space<hbm>> -> memref<624x80xf32, #tpu.memory_space<hbm>>
      %dma_wait3A_34 = arith.constant 0 : i32
      %dma_wait3A_35 = tpu.memref_slice %arg10[%mul3A_21, %dma_wait3A_34] : memref<10000x80xf32, #tpu.memory_space<vmem_shared>> -> memref<624x80xf32, #tpu.memory_space<vmem_shared>>
      tpu.wait_dma2 semaphore(%run_scoped3A : memref<!tpu.dma_semaphore, #tpu.memory_space<semaphore_mem>>) src(%dma_wait3A_35 : memref<624x80xf32, #tpu.memory_space<vmem_shared>>) dst(%dma_wait3A_33 : memref<624x80xf32, #tpu.memory_space<hbm>>)
      tpu.yield
    }) : () -> ()
    %eq3A_24 = arith.constant 15 : i32
    %eq3A_25 = arith.cmpi eq, %arg1, %eq3A_24 : i32
    %convert_element_type3A_26 = arith.extui %eq3A_25 : i1 to i32
    %cond3A_27 = arith.constant 0 : i32
    %cond3A_28 = arith.cmpi ne, %convert_element_type3A_26, %cond3A_27 : i32
    scf.if %cond3A_28 {
      %mul3A_29 = arith.constant 10000 : i32
      %mul3A_30 = arith.muli %arg0, %mul3A_29 : i32
      %add3A_31 = arith.constant 9984 : i32
      %add3A_32 = arith.addi %mul3A_30, %add3A_31 : i32
      "tpu.region"() ({
        %run_scoped3A = tpu.sem_alloc : memref<!tpu.dma_semaphore, #tpu.memory_space<semaphore_mem>>
        %dma_start3A_33 = arith.constant 0 : i32
        %dma_start3A_34 = tpu.memref_slice %arg5[%add3A_32, %dma_start3A_33] : memref<20000x80xf32, #tpu.memory_space<hbm>> -> memref<16x80xf32, #tpu.memory_space<hbm>>
        %dma_start3A_35 = arith.constant 9984 : i32
        %dma_start3A_36 = arith.constant 0 : i32
        %dma_start3A_37 = tpu.memref_slice %arg10[%dma_start3A_35, %dma_start3A_36] : memref<10000x80xf32, #tpu.memory_space<vmem_shared>> -> memref<16x80xf32, #tpu.memory_space<vmem_shared>>
        tpu.enqueue_dma source(%dma_start3A_37 : memref<16x80xf32, #tpu.memory_space<vmem_shared>>) target(%dma_start3A_34 : memref<16x80xf32, #tpu.memory_space<hbm>>) target_semaphore(%run_scoped3A : memref<!tpu.dma_semaphore, #tpu.memory_space<semaphore_mem>>)
        %dma_wait3A = arith.constant 0 : i32
        %dma_wait3A_38 = tpu.memref_slice %arg5[%add3A_32, %dma_wait3A] : memref<20000x80xf32, #tpu.memory_space<hbm>> -> memref<16x80xf32, #tpu.memory_space<hbm>>
        %dma_wait3A_39 = arith.constant 9984 : i32
        %dma_wait3A_40 = arith.constant 0 : i32
        %dma_wait3A_41 = tpu.memref_slice %arg10[%dma_wait3A_39, %dma_wait3A_40] : memref<10000x80xf32, #tpu.memory_space<vmem_shared>> -> memref<16x80xf32, #tpu.memory_space<vmem_shared>>
        tpu.wait_dma2 semaphore(%run_scoped3A : memref<!tpu.dma_semaphore, #tpu.memory_space<semaphore_mem>>) src(%dma_wait3A_41 : memref<16x80xf32, #tpu.memory_space<vmem_shared>>) dst(%dma_wait3A_38 : memref<16x80xf32, #tpu.memory_space<hbm>>)
        tpu.yield
      }) : () -> ()
    } else {
    }
    return
  }
}

#map = affine_map<(d0, d1) -> (0, 0)>
#map1 = affine_map<(d0, d1) -> (0, 0, 0, 0)>
#map2 = affine_map<(d0, d1) -> (0, 0, 0)>
module attributes {stable_mosaic.version = 14 : i64} {
  func.func @_sc_body(%arg0: i32, %arg1: i32, %arg2: memref<20000x80xf32, #tpu.memory_space<hbm>>, %arg3: memref<2x16x250x80xi32, #tpu.memory_space<hbm>>, %arg4: memref<16x250x80xi32, #tpu.memory_space<hbm>>, %arg5: memref<20000x80xf32, #tpu.memory_space<hbm>>, %arg6: memref<250x80xi32, #tpu.memory_space<vmem>>, %arg7: memref<250x80xi32, #tpu.memory_space<vmem>>, %arg8: memref<80x80xf32, #tpu.memory_space<vmem>>, %arg9: memref<80x80xf32, #tpu.memory_space<vmem>>, %arg10: memref<10000x80xf32, #tpu.memory_space<vmem_shared>>, %arg11: memref<!tpu.dma_semaphore, #tpu.memory_space<semaphore_mem>>, %arg12: memref<!tpu.dma_semaphore, #tpu.memory_space<semaphore_mem>>) attributes {dimension_semantics = [#tpu.dimension_semantics<core_parallel>, #tpu.dimension_semantics<subcore_parallel>], iteration_bounds = array<i64: 2, 16>, scalar_prefetch = 0 : i64, scratch_operands = 7 : i64, tpu.core_type = #tpu.core_type<sc_vector_subcore>, window_params = [{transform_indices = #map}, {transform_indices = #map1}, {transform_indices = #map2}, {transform_indices = #map}]} {
    "tpu.region"() ({
      %run_scoped3A = tpu.sem_alloc : memref<!tpu.dma_semaphore, #tpu.memory_space<semaphore_mem>>
      %dma_start3A_29 = arith.constant 0 : i32
      %dma_start3A_30 = arith.constant 0 : i32
      %dma_start3A_31 = tpu.memref_slice %arg3[%arg0, %arg1, %dma_start3A_29, %dma_start3A_30] : memref<2x16x250x80xi32, #tpu.memory_space<hbm>> -> memref<1x1x250x80xi32, #tpu.memory_space<hbm>>
      %dma_start3A_32 = tpu.memref_squeeze %dma_start3A_31 : memref<1x1x250x80xi32, #tpu.memory_space<hbm>> -> memref<250x80xi32, #tpu.memory_space<hbm>>
      %dma_start3A_33 = arith.constant 0 : i32
      %dma_start3A_34 = arith.constant 0 : i32
      %dma_start3A_35 = tpu.memref_slice %arg3[%arg0, %arg1, %dma_start3A_33, %dma_start3A_34] : memref<2x16x250x80xi32, #tpu.memory_space<hbm>> -> memref<1x1x250x80xi32, #tpu.memory_space<hbm>>
      %dma_start3A_36 = tpu.memref_squeeze %dma_start3A_35 : memref<1x1x250x80xi32, #tpu.memory_space<hbm>> -> memref<250x80xi32, #tpu.memory_space<hbm>>
      tpu.enqueue_dma source(%dma_start3A_36 : memref<250x80xi32, #tpu.memory_space<hbm>>) target(%arg6 : memref<250x80xi32, #tpu.memory_space<vmem>>) target_semaphore(%run_scoped3A : memref<!tpu.dma_semaphore, #tpu.memory_space<semaphore_mem>>)
      %dma_wait3A = arith.constant 0 : i32
      %dma_wait3A_37 = arith.constant 0 : i32
      %dma_wait3A_38 = tpu.memref_slice %arg3[%arg0, %arg1, %dma_wait3A, %dma_wait3A_37] : memref<2x16x250x80xi32, #tpu.memory_space<hbm>> -> memref<1x1x250x80xi32, #tpu.memory_space<hbm>>
      %dma_wait3A_39 = tpu.memref_squeeze %dma_wait3A_38 : memref<1x1x250x80xi32, #tpu.memory_space<hbm>> -> memref<250x80xi32, #tpu.memory_space<hbm>>
      %dma_wait3A_40 = arith.constant 0 : i32
      %dma_wait3A_41 = arith.constant 0 : i32
      %dma_wait3A_42 = tpu.memref_slice %arg3[%arg0, %arg1, %dma_wait3A_40, %dma_wait3A_41] : memref<2x16x250x80xi32, #tpu.memory_space<hbm>> -> memref<1x1x250x80xi32, #tpu.memory_space<hbm>>
      %dma_wait3A_43 = tpu.memref_squeeze %dma_wait3A_42 : memref<1x1x250x80xi32, #tpu.memory_space<hbm>> -> memref<250x80xi32, #tpu.memory_space<hbm>>
      tpu.wait_dma2 semaphore(%run_scoped3A : memref<!tpu.dma_semaphore, #tpu.memory_space<semaphore_mem>>) src(%dma_wait3A_43 : memref<250x80xi32, #tpu.memory_space<hbm>>) dst(%arg6 : memref<250x80xi32, #tpu.memory_space<vmem>>)
      tpu.yield
    }) : () -> ()
    "tpu.region"() ({
      %run_scoped3A = tpu.sem_alloc : memref<!tpu.dma_semaphore, #tpu.memory_space<semaphore_mem>>
      %dma_start3A_29 = arith.constant 0 : i32
      %dma_start3A_30 = arith.constant 0 : i32
      %dma_start3A_31 = tpu.memref_slice %arg4[%arg1, %dma_start3A_29, %dma_start3A_30] : memref<16x250x80xi32, #tpu.memory_space<hbm>> -> memref<1x250x80xi32, #tpu.memory_space<hbm>>
      %dma_start3A_32 = tpu.memref_squeeze %dma_start3A_31 : memref<1x250x80xi32, #tpu.memory_space<hbm>> -> memref<250x80xi32, #tpu.memory_space<hbm>>
      %dma_start3A_33 = arith.constant 0 : i32
      %dma_start3A_34 = arith.constant 0 : i32
      %dma_start3A_35 = tpu.memref_slice %arg4[%arg1, %dma_start3A_33, %dma_start3A_34] : memref<16x250x80xi32, #tpu.memory_space<hbm>> -> memref<1x250x80xi32, #tpu.memory_space<hbm>>
      %dma_start3A_36 = tpu.memref_squeeze %dma_start3A_35 : memref<1x250x80xi32, #tpu.memory_space<hbm>> -> memref<250x80xi32, #tpu.memory_space<hbm>>
      tpu.enqueue_dma source(%dma_start3A_36 : memref<250x80xi32, #tpu.memory_space<hbm>>) target(%arg7 : memref<250x80xi32, #tpu.memory_space<vmem>>) target_semaphore(%run_scoped3A : memref<!tpu.dma_semaphore, #tpu.memory_space<semaphore_mem>>)
      %dma_wait3A = arith.constant 0 : i32
      %dma_wait3A_37 = arith.constant 0 : i32
      %dma_wait3A_38 = tpu.memref_slice %arg4[%arg1, %dma_wait3A, %dma_wait3A_37] : memref<16x250x80xi32, #tpu.memory_space<hbm>> -> memref<1x250x80xi32, #tpu.memory_space<hbm>>
      %dma_wait3A_39 = tpu.memref_squeeze %dma_wait3A_38 : memref<1x250x80xi32, #tpu.memory_space<hbm>> -> memref<250x80xi32, #tpu.memory_space<hbm>>
      %dma_wait3A_40 = arith.constant 0 : i32
      %dma_wait3A_41 = arith.constant 0 : i32
      %dma_wait3A_42 = tpu.memref_slice %arg4[%arg1, %dma_wait3A_40, %dma_wait3A_41] : memref<16x250x80xi32, #tpu.memory_space<hbm>> -> memref<1x250x80xi32, #tpu.memory_space<hbm>>
      %dma_wait3A_43 = tpu.memref_squeeze %dma_wait3A_42 : memref<1x250x80xi32, #tpu.memory_space<hbm>> -> memref<250x80xi32, #tpu.memory_space<hbm>>
      tpu.wait_dma2 semaphore(%run_scoped3A : memref<!tpu.dma_semaphore, #tpu.memory_space<semaphore_mem>>) src(%dma_wait3A_43 : memref<250x80xi32, #tpu.memory_space<hbm>>) dst(%arg7 : memref<250x80xi32, #tpu.memory_space<vmem>>)
      tpu.yield
    }) : () -> ()
    %eq3A = arith.constant 0 : i32
    %eq3A_0 = arith.cmpi eq, %arg1, %eq3A : i32
    %convert_element_type3A = arith.extui %eq3A_0 : i1 to i32
    %cond3A = arith.constant 0 : i32
    %cond3A_1 = arith.cmpi ne, %convert_element_type3A, %cond3A : i32
    scf.if %cond3A_1 {
      %mul3A_29 = arith.constant 10000 : i32
      %mul3A_30 = arith.muli %arg0, %mul3A_29 : i32
      "tpu.region"() ({
        %run_scoped3A = tpu.sem_alloc : memref<!tpu.dma_semaphore, #tpu.memory_space<semaphore_mem>>
        %dma_start3A_31 = arith.constant 0 : i32
        %dma_start3A_32 = tpu.memref_slice %arg2[%mul3A_30, %dma_start3A_31] : memref<20000x80xf32, #tpu.memory_space<hbm>> -> memref<10000x80xf32, #tpu.memory_space<hbm>>
        tpu.enqueue_dma source(%dma_start3A_32 : memref<10000x80xf32, #tpu.memory_space<hbm>>) target(%arg10 : memref<10000x80xf32, #tpu.memory_space<vmem_shared>>) target_semaphore(%run_scoped3A : memref<!tpu.dma_semaphore, #tpu.memory_space<semaphore_mem>>)
        %dma_wait3A = arith.constant 0 : i32
        %dma_wait3A_33 = tpu.memref_slice %arg2[%mul3A_30, %dma_wait3A] : memref<20000x80xf32, #tpu.memory_space<hbm>> -> memref<10000x80xf32, #tpu.memory_space<hbm>>
        tpu.wait_dma2 semaphore(%run_scoped3A : memref<!tpu.dma_semaphore, #tpu.memory_space<semaphore_mem>>) src(%dma_wait3A_33 : memref<10000x80xf32, #tpu.memory_space<hbm>>) dst(%arg10 : memref<10000x80xf32, #tpu.memory_space<vmem_shared>>)
        tpu.yield
      }) : () -> ()
    } else {
    }
    %barrier3A = arith.constant 0 : index
    tpu.barrier barrier_id(%barrier3A)
    %dma_start3A = arith.constant 0 : i32
    %dma_start3A_2 = arith.constant 0 : i32
    %dma_start3A_3 = tpu.memref_slice %arg6[%dma_start3A, %dma_start3A_2] : memref<250x80xi32, #tpu.memory_space<vmem>> -> memref<1x80xi32, #tpu.memory_space<vmem>>
    %dma_start3A_4 = tpu.memref_squeeze %dma_start3A_3 : memref<1x80xi32, #tpu.memory_space<vmem>> -> memref<80xi32, #tpu.memory_space<vmem>>
    %dma_start3A_5 = arith.constant 0 : i32
    %dma_start3A_6 = arith.constant 0 : i32
    %dma_start3A_7 = tpu.memref_slice %arg2[%dma_start3A_5, %dma_start3A_6] : memref<20000x80xf32, #tpu.memory_space<hbm>> -> memref<20000x80xf32, #tpu.memory_space<hbm>>
    tpu.enqueue_indirect_dma source(%dma_start3A_7 : memref<20000x80xf32, #tpu.memory_space<hbm>>) target(%arg8 : memref<80x80xf32, #tpu.memory_space<vmem>>) offsets(%dma_start3A_4 : memref<80xi32, #tpu.memory_space<vmem>>) semaphore(%arg11 : memref<!tpu.dma_semaphore, #tpu.memory_space<semaphore_mem>>)
    %dma_start3A_8 = arith.constant 1 : i32
    %dma_start3A_9 = arith.constant 0 : i32
    %dma_start3A_10 = tpu.memref_slice %arg6[%dma_start3A_8, %dma_start3A_9] : memref<250x80xi32, #tpu.memory_space<vmem>> -> memref<1x80xi32, #tpu.memory_space<vmem>>
    %dma_start3A_11 = tpu.memref_squeeze %dma_start3A_10 : memref<1x80xi32, #tpu.memory_space<vmem>> -> memref<80xi32, #tpu.memory_space<vmem>>
    %dma_start3A_12 = arith.constant 0 : i32
    %dma_start3A_13 = arith.constant 0 : i32
    %dma_start3A_14 = tpu.memref_slice %arg2[%dma_start3A_12, %dma_start3A_13] : memref<20000x80xf32, #tpu.memory_space<hbm>> -> memref<20000x80xf32, #tpu.memory_space<hbm>>
    tpu.enqueue_indirect_dma source(%dma_start3A_14 : memref<20000x80xf32, #tpu.memory_space<hbm>>) target(%arg9 : memref<80x80xf32, #tpu.memory_space<vmem>>) offsets(%dma_start3A_11 : memref<80xi32, #tpu.memory_space<vmem>>) semaphore(%arg12 : memref<!tpu.dma_semaphore, #tpu.memory_space<semaphore_mem>>)
    %scan3A = arith.constant 0 : i32
    %scan3A_15 = arith.constant 0 : i32
    %scan3A_16 = arith.constant 125 : i32
    %scan3A_17 = arith.addi %scan3A_15, %scan3A_16 : i32
    %scan3A_18 = arith.constant 1 : i32
    scf.for %scan3A_29 = %scan3A_15 to %scan3A_17 step %scan3A_18  : i32 {
      %mul3A_30 = arith.constant 2 : i32
      %mul3A_31 = arith.muli %mul3A_30, %scan3A_29 : i32
      %dma_wait3A = arith.constant 0 : i32
      %dma_wait3A_32 = tpu.memref_slice %arg6[%mul3A_31, %dma_wait3A] : memref<250x80xi32, #tpu.memory_space<vmem>> -> memref<1x80xi32, #tpu.memory_space<vmem>>
      %dma_wait3A_33 = tpu.memref_squeeze %dma_wait3A_32 : memref<1x80xi32, #tpu.memory_space<vmem>> -> memref<80xi32, #tpu.memory_space<vmem>>
      %dma_wait3A_34 = arith.constant 0 : i32
      %dma_wait3A_35 = arith.constant 0 : i32
      %dma_wait3A_36 = tpu.memref_slice %arg2[%dma_wait3A_34, %dma_wait3A_35] : memref<20000x80xf32, #tpu.memory_space<hbm>> -> memref<20000x80xf32, #tpu.memory_space<hbm>>
      tpu.wait_indirect_dma semaphore(%arg11 : memref<!tpu.dma_semaphore, #tpu.memory_space<semaphore_mem>>) src(%dma_wait3A_36 : memref<20000x80xf32, #tpu.memory_space<hbm>>) dst(%arg8 : memref<80x80xf32, #tpu.memory_space<vmem>>)
      "tpu.region"() ({
        %run_scoped3A = tpu.sem_alloc : memref<!tpu.dma_semaphore, #tpu.memory_space<semaphore_mem>>
        %dma_start3A_60 = arith.constant 0 : i32
        %dma_start3A_61 = tpu.memref_slice %arg7[%mul3A_31, %dma_start3A_60] : memref<250x80xi32, #tpu.memory_space<vmem>> -> memref<1x80xi32, #tpu.memory_space<vmem>>
        %dma_start3A_62 = tpu.memref_squeeze %dma_start3A_61 : memref<1x80xi32, #tpu.memory_space<vmem>> -> memref<80xi32, #tpu.memory_space<vmem>>
        %dma_start3A_63 = arith.constant 0 : i32
        %dma_start3A_64 = arith.constant 0 : i32
        %dma_start3A_65 = tpu.memref_slice %arg10[%dma_start3A_63, %dma_start3A_64] : memref<10000x80xf32, #tpu.memory_space<vmem_shared>> -> memref<10000x80xf32, #tpu.memory_space<vmem_shared>>
        tpu.enqueue_indirect_dma source(%arg8 : memref<80x80xf32, #tpu.memory_space<vmem>>) target(%dma_start3A_65 : memref<10000x80xf32, #tpu.memory_space<vmem_shared>>) offsets(%dma_start3A_62 : memref<80xi32, #tpu.memory_space<vmem>>) semaphore(%run_scoped3A : memref<!tpu.dma_semaphore, #tpu.memory_space<semaphore_mem>>) {add = true}
        %dma_wait3A_66 = arith.constant 0 : i32
        %dma_wait3A_67 = tpu.memref_slice %arg7[%mul3A_31, %dma_wait3A_66] : memref<250x80xi32, #tpu.memory_space<vmem>> -> memref<1x80xi32, #tpu.memory_space<vmem>>
        %dma_wait3A_68 = tpu.memref_squeeze %dma_wait3A_67 : memref<1x80xi32, #tpu.memory_space<vmem>> -> memref<80xi32, #tpu.memory_space<vmem>>
        %dma_wait3A_69 = arith.constant 0 : i32
        %dma_wait3A_70 = arith.constant 0 : i32
        %dma_wait3A_71 = tpu.memref_slice %arg10[%dma_wait3A_69, %dma_wait3A_70] : memref<10000x80xf32, #tpu.memory_space<vmem_shared>> -> memref<10000x80xf32, #tpu.memory_space<vmem_shared>>
        tpu.wait_indirect_dma semaphore(%run_scoped3A : memref<!tpu.dma_semaphore, #tpu.memory_space<semaphore_mem>>) src(%arg8 : memref<80x80xf32, #tpu.memory_space<vmem>>) dst(%dma_wait3A_71 : memref<10000x80xf32, #tpu.memory_space<vmem_shared>>)
        tpu.yield
      }) : () -> ()
      %add3A_37 = arith.constant 2 : i32
      %add3A_38 = arith.addi %mul3A_31, %add3A_37 : i32
      %lt3A = arith.constant 250 : i32
      %lt3A_39 = arith.cmpi slt, %add3A_38, %lt3A : i32
      %convert_element_type3A_40 = arith.extui %lt3A_39 : i1 to i32
      %cond3A_41 = arith.constant 0 : i32
      %cond3A_42 = arith.cmpi ne, %convert_element_type3A_40, %cond3A_41 : i32
      scf.if %cond3A_42 {
        %add3A_60 = arith.constant 2 : i32
        %add3A_61 = arith.addi %mul3A_31, %add3A_60 : i32
        %dma_start3A_62 = arith.constant 0 : i32
        %dma_start3A_63 = tpu.memref_slice %arg6[%add3A_61, %dma_start3A_62] : memref<250x80xi32, #tpu.memory_space<vmem>> -> memref<1x80xi32, #tpu.memory_space<vmem>>
        %dma_start3A_64 = tpu.memref_squeeze %dma_start3A_63 : memref<1x80xi32, #tpu.memory_space<vmem>> -> memref<80xi32, #tpu.memory_space<vmem>>
        %dma_start3A_65 = arith.constant 0 : i32
        %dma_start3A_66 = arith.constant 0 : i32
        %dma_start3A_67 = tpu.memref_slice %arg2[%dma_start3A_65, %dma_start3A_66] : memref<20000x80xf32, #tpu.memory_space<hbm>> -> memref<20000x80xf32, #tpu.memory_space<hbm>>
        tpu.enqueue_indirect_dma source(%dma_start3A_67 : memref<20000x80xf32, #tpu.memory_space<hbm>>) target(%arg8 : memref<80x80xf32, #tpu.memory_space<vmem>>) offsets(%dma_start3A_64 : memref<80xi32, #tpu.memory_space<vmem>>) semaphore(%arg11 : memref<!tpu.dma_semaphore, #tpu.memory_space<semaphore_mem>>)
      } else {
      }
      %add3A_43 = arith.constant 1 : i32
      %add3A_44 = arith.addi %mul3A_31, %add3A_43 : i32
      %dma_wait3A_45 = arith.constant 0 : i32
      %dma_wait3A_46 = tpu.memref_slice %arg6[%add3A_44, %dma_wait3A_45] : memref<250x80xi32, #tpu.memory_space<vmem>> -> memref<1x80xi32, #tpu.memory_space<vmem>>
      %dma_wait3A_47 = tpu.memref_squeeze %dma_wait3A_46 : memref<1x80xi32, #tpu.memory_space<vmem>> -> memref<80xi32, #tpu.memory_space<vmem>>
      %dma_wait3A_48 = arith.constant 0 : i32
      %dma_wait3A_49 = arith.constant 0 : i32
      %dma_wait3A_50 = tpu.memref_slice %arg2[%dma_wait3A_48, %dma_wait3A_49] : memref<20000x80xf32, #tpu.memory_space<hbm>> -> memref<20000x80xf32, #tpu.memory_space<hbm>>
      tpu.wait_indirect_dma semaphore(%arg12 : memref<!tpu.dma_semaphore, #tpu.memory_space<semaphore_mem>>) src(%dma_wait3A_50 : memref<20000x80xf32, #tpu.memory_space<hbm>>) dst(%arg9 : memref<80x80xf32, #tpu.memory_space<vmem>>)
      %add3A_51 = arith.constant 1 : i32
      %add3A_52 = arith.addi %mul3A_31, %add3A_51 : i32
      "tpu.region"() ({
        %run_scoped3A = tpu.sem_alloc : memref<!tpu.dma_semaphore, #tpu.memory_space<semaphore_mem>>
        %dma_start3A_60 = arith.constant 0 : i32
        %dma_start3A_61 = tpu.memref_slice %arg7[%add3A_52, %dma_start3A_60] : memref<250x80xi32, #tpu.memory_space<vmem>> -> memref<1x80xi32, #tpu.memory_space<vmem>>
        %dma_start3A_62 = tpu.memref_squeeze %dma_start3A_61 : memref<1x80xi32, #tpu.memory_space<vmem>> -> memref<80xi32, #tpu.memory_space<vmem>>
        %dma_start3A_63 = arith.constant 0 : i32
        %dma_start3A_64 = arith.constant 0 : i32
        %dma_start3A_65 = tpu.memref_slice %arg10[%dma_start3A_63, %dma_start3A_64] : memref<10000x80xf32, #tpu.memory_space<vmem_shared>> -> memref<10000x80xf32, #tpu.memory_space<vmem_shared>>
        tpu.enqueue_indirect_dma source(%arg9 : memref<80x80xf32, #tpu.memory_space<vmem>>) target(%dma_start3A_65 : memref<10000x80xf32, #tpu.memory_space<vmem_shared>>) offsets(%dma_start3A_62 : memref<80xi32, #tpu.memory_space<vmem>>) semaphore(%run_scoped3A : memref<!tpu.dma_semaphore, #tpu.memory_space<semaphore_mem>>) {add = true}
        %dma_wait3A_66 = arith.constant 0 : i32
        %dma_wait3A_67 = tpu.memref_slice %arg7[%add3A_52, %dma_wait3A_66] : memref<250x80xi32, #tpu.memory_space<vmem>> -> memref<1x80xi32, #tpu.memory_space<vmem>>
        %dma_wait3A_68 = tpu.memref_squeeze %dma_wait3A_67 : memref<1x80xi32, #tpu.memory_space<vmem>> -> memref<80xi32, #tpu.memory_space<vmem>>
        %dma_wait3A_69 = arith.constant 0 : i32
        %dma_wait3A_70 = arith.constant 0 : i32
        %dma_wait3A_71 = tpu.memref_slice %arg10[%dma_wait3A_69, %dma_wait3A_70] : memref<10000x80xf32, #tpu.memory_space<vmem_shared>> -> memref<10000x80xf32, #tpu.memory_space<vmem_shared>>
        tpu.wait_indirect_dma semaphore(%run_scoped3A : memref<!tpu.dma_semaphore, #tpu.memory_space<semaphore_mem>>) src(%arg9 : memref<80x80xf32, #tpu.memory_space<vmem>>) dst(%dma_wait3A_71 : memref<10000x80xf32, #tpu.memory_space<vmem_shared>>)
        tpu.yield
      }) : () -> ()
      %add3A_53 = arith.constant 3 : i32
      %add3A_54 = arith.addi %mul3A_31, %add3A_53 : i32
      %lt3A_55 = arith.constant 250 : i32
      %lt3A_56 = arith.cmpi slt, %add3A_54, %lt3A_55 : i32
      %convert_element_type3A_57 = arith.extui %lt3A_56 : i1 to i32
      %cond3A_58 = arith.constant 0 : i32
      %cond3A_59 = arith.cmpi ne, %convert_element_type3A_57, %cond3A_58 : i32
      scf.if %cond3A_59 {
        %add3A_60 = arith.constant 3 : i32
        %add3A_61 = arith.addi %mul3A_31, %add3A_60 : i32
        %dma_start3A_62 = arith.constant 0 : i32
        %dma_start3A_63 = tpu.memref_slice %arg6[%add3A_61, %dma_start3A_62] : memref<250x80xi32, #tpu.memory_space<vmem>> -> memref<1x80xi32, #tpu.memory_space<vmem>>
        %dma_start3A_64 = tpu.memref_squeeze %dma_start3A_63 : memref<1x80xi32, #tpu.memory_space<vmem>> -> memref<80xi32, #tpu.memory_space<vmem>>
        %dma_start3A_65 = arith.constant 0 : i32
        %dma_start3A_66 = arith.constant 0 : i32
        %dma_start3A_67 = tpu.memref_slice %arg2[%dma_start3A_65, %dma_start3A_66] : memref<20000x80xf32, #tpu.memory_space<hbm>> -> memref<20000x80xf32, #tpu.memory_space<hbm>>
        tpu.enqueue_indirect_dma source(%dma_start3A_67 : memref<20000x80xf32, #tpu.memory_space<hbm>>) target(%arg9 : memref<80x80xf32, #tpu.memory_space<vmem>>) offsets(%dma_start3A_64 : memref<80xi32, #tpu.memory_space<vmem>>) semaphore(%arg12 : memref<!tpu.dma_semaphore, #tpu.memory_space<semaphore_mem>>)
      } else {
      }
    }
    %scan3A_19 = arith.constant 125 : i32
    %barrier3A_20 = arith.constant 0 : index
    tpu.barrier barrier_id(%barrier3A_20)
    %mul3A = arith.constant 624 : i32
    %mul3A_21 = arith.muli %arg1, %mul3A : i32
    %mul3A_22 = arith.constant 10000 : i32
    %mul3A_23 = arith.muli %arg0, %mul3A_22 : i32
    %add3A = arith.addi %mul3A_23, %mul3A_21 : i32
    "tpu.region"() ({
      %run_scoped3A = tpu.sem_alloc : memref<!tpu.dma_semaphore, #tpu.memory_space<semaphore_mem>>
      %dma_start3A_29 = arith.constant 0 : i32
      %dma_start3A_30 = tpu.memref_slice %arg5[%add3A, %dma_start3A_29] : memref<20000x80xf32, #tpu.memory_space<hbm>> -> memref<624x80xf32, #tpu.memory_space<hbm>>
      %dma_start3A_31 = arith.constant 0 : i32
      %dma_start3A_32 = tpu.memref_slice %arg10[%mul3A_21, %dma_start3A_31] : memref<10000x80xf32, #tpu.memory_space<vmem_shared>> -> memref<624x80xf32, #tpu.memory_space<vmem_shared>>
      tpu.enqueue_dma source(%dma_start3A_32 : memref<624x80xf32, #tpu.memory_space<vmem_shared>>) target(%dma_start3A_30 : memref<624x80xf32, #tpu.memory_space<hbm>>) target_semaphore(%run_scoped3A : memref<!tpu.dma_semaphore, #tpu.memory_space<semaphore_mem>>)
      %dma_wait3A = arith.constant 0 : i32
      %dma_wait3A_33 = tpu.memref_slice %arg5[%add3A, %dma_wait3A] : memref<20000x80xf32, #tpu.memory_space<hbm>> -> memref<624x80xf32, #tpu.memory_space<hbm>>
      %dma_wait3A_34 = arith.constant 0 : i32
      %dma_wait3A_35 = tpu.memref_slice %arg10[%mul3A_21, %dma_wait3A_34] : memref<10000x80xf32, #tpu.memory_space<vmem_shared>> -> memref<624x80xf32, #tpu.memory_space<vmem_shared>>
      tpu.wait_dma2 semaphore(%run_scoped3A : memref<!tpu.dma_semaphore, #tpu.memory_space<semaphore_mem>>) src(%dma_wait3A_35 : memref<624x80xf32, #tpu.memory_space<vmem_shared>>) dst(%dma_wait3A_33 : memref<624x80xf32, #tpu.memory_space<hbm>>)
      tpu.yield
    }) : () -> ()
    %eq3A_24 = arith.constant 15 : i32
    %eq3A_25 = arith.cmpi eq, %arg1, %eq3A_24 : i32
    %convert_element_type3A_26 = arith.extui %eq3A_25 : i1 to i32
    %cond3A_27 = arith.constant 0 : i32
    %cond3A_28 = arith.cmpi ne, %convert_element_type3A_26, %cond3A_27 : i32
    scf.if %cond3A_28 {
      %mul3A_29 = arith.constant 10000 : i32
      %mul3A_30 = arith.muli %arg0, %mul3A_29 : i32
      %add3A_31 = arith.constant 9984 : i32
      %add3A_32 = arith.addi %mul3A_30, %add3A_31 : i32
      "tpu.region"() ({
        %run_scoped3A = tpu.sem_alloc : memref<!tpu.dma_semaphore, #tpu.memory_space<semaphore_mem>>
        %dma_start3A_33 = arith.constant 0 : i32
        %dma_start3A_34 = tpu.memref_slice %arg5[%add3A_32, %dma_start3A_33] : memref<20000x80xf32, #tpu.memory_space<hbm>> -> memref<16x80xf32, #tpu.memory_space<hbm>>
        %dma_start3A_35 = arith.constant 9984 : i32
        %dma_start3A_36 = arith.constant 0 : i32
        %dma_start3A_37 = tpu.memref_slice %arg10[%dma_start3A_35, %dma_start3A_36] : memref<10000x80xf32, #tpu.memory_space<vmem_shared>> -> memref<16x80xf32, #tpu.memory_space<vmem_shared>>
        tpu.enqueue_dma source(%dma_start3A_37 : memref<16x80xf32, #tpu.memory_space<vmem_shared>>) target(%dma_start3A_34 : memref<16x80xf32, #tpu.memory_space<hbm>>) target_semaphore(%run_scoped3A : memref<!tpu.dma_semaphore, #tpu.memory_space<semaphore_mem>>)
        %dma_wait3A = arith.constant 0 : i32
        %dma_wait3A_38 = tpu.memref_slice %arg5[%add3A_32, %dma_wait3A] : memref<20000x80xf32, #tpu.memory_space<hbm>> -> memref<16x80xf32, #tpu.memory_space<hbm>>
        %dma_wait3A_39 = arith.constant 9984 : i32
        %dma_wait3A_40 = arith.constant 0 : i32
        %dma_wait3A_41 = tpu.memref_slice %arg10[%dma_wait3A_39, %dma_wait3A_40] : memref<10000x80xf32, #tpu.memory_space<vmem_shared>> -> memref<16x80xf32, #tpu.memory_space<vmem_shared>>
        tpu.wait_dma2 semaphore(%run_scoped3A : memref<!tpu.dma_semaphore, #tpu.memory_space<semaphore_mem>>) src(%dma_wait3A_41 : memref<16x80xf32, #tpu.memory_space<vmem_shared>>) dst(%dma_wait3A_38 : memref<16x80xf32, #tpu.memory_space<hbm>>)
        tpu.yield
      }) : () -> ()
    } else {
    }
    return
  }
}

#map = affine_map<(d0, d1) -> (0, 0)>
#map1 = affine_map<(d0, d1) -> (0, 0, 0, 0)>
#map2 = affine_map<(d0, d1) -> (0, 0, 0)>
module attributes {stable_mosaic.version = 14 : i64} {
  func.func @_sc_body(%arg0: i32, %arg1: i32, %arg2: memref<20000x80xf32, #tpu.memory_space<hbm>>, %arg3: memref<2x16x250x80xi32, #tpu.memory_space<hbm>>, %arg4: memref<16x250x80xi32, #tpu.memory_space<hbm>>, %arg5: memref<20000x80xf32, #tpu.memory_space<hbm>>, %arg6: memref<250x80xi32, #tpu.memory_space<vmem>>, %arg7: memref<250x80xi32, #tpu.memory_space<vmem>>, %arg8: memref<80x80xf32, #tpu.memory_space<vmem>>, %arg9: memref<80x80xf32, #tpu.memory_space<vmem>>, %arg10: memref<10000x80xf32, #tpu.memory_space<vmem_shared>>, %arg11: memref<!tpu.dma_semaphore, #tpu.memory_space<semaphore_mem>>, %arg12: memref<!tpu.dma_semaphore, #tpu.memory_space<semaphore_mem>>) attributes {dimension_semantics = [#tpu.dimension_semantics<core_parallel>, #tpu.dimension_semantics<subcore_parallel>], iteration_bounds = array<i64: 2, 16>, scalar_prefetch = 0 : i64, scratch_operands = 7 : i64, tpu.core_type = #tpu.core_type<sc_vector_subcore>, window_params = [{transform_indices = #map}, {transform_indices = #map1}, {transform_indices = #map2}, {transform_indices = #map}]} {
    "tpu.region"() ({
      %run_scoped3A = tpu.sem_alloc : memref<!tpu.dma_semaphore, #tpu.memory_space<semaphore_mem>>
      %dma_start3A_29 = arith.constant 0 : i32
      %dma_start3A_30 = arith.constant 0 : i32
      %dma_start3A_31 = tpu.memref_slice %arg3[%arg0, %arg1, %dma_start3A_29, %dma_start3A_30] : memref<2x16x250x80xi32, #tpu.memory_space<hbm>> -> memref<1x1x250x80xi32, #tpu.memory_space<hbm>>
      %dma_start3A_32 = tpu.memref_squeeze %dma_start3A_31 : memref<1x1x250x80xi32, #tpu.memory_space<hbm>> -> memref<250x80xi32, #tpu.memory_space<hbm>>
      %dma_start3A_33 = arith.constant 0 : i32
      %dma_start3A_34 = arith.constant 0 : i32
      %dma_start3A_35 = tpu.memref_slice %arg3[%arg0, %arg1, %dma_start3A_33, %dma_start3A_34] : memref<2x16x250x80xi32, #tpu.memory_space<hbm>> -> memref<1x1x250x80xi32, #tpu.memory_space<hbm>>
      %dma_start3A_36 = tpu.memref_squeeze %dma_start3A_35 : memref<1x1x250x80xi32, #tpu.memory_space<hbm>> -> memref<250x80xi32, #tpu.memory_space<hbm>>
      tpu.enqueue_dma source(%dma_start3A_36 : memref<250x80xi32, #tpu.memory_space<hbm>>) target(%arg6 : memref<250x80xi32, #tpu.memory_space<vmem>>) target_semaphore(%run_scoped3A : memref<!tpu.dma_semaphore, #tpu.memory_space<semaphore_mem>>)
      %dma_wait3A = arith.constant 0 : i32
      %dma_wait3A_37 = arith.constant 0 : i32
      %dma_wait3A_38 = tpu.memref_slice %arg3[%arg0, %arg1, %dma_wait3A, %dma_wait3A_37] : memref<2x16x250x80xi32, #tpu.memory_space<hbm>> -> memref<1x1x250x80xi32, #tpu.memory_space<hbm>>
      %dma_wait3A_39 = tpu.memref_squeeze %dma_wait3A_38 : memref<1x1x250x80xi32, #tpu.memory_space<hbm>> -> memref<250x80xi32, #tpu.memory_space<hbm>>
      %dma_wait3A_40 = arith.constant 0 : i32
      %dma_wait3A_41 = arith.constant 0 : i32
      %dma_wait3A_42 = tpu.memref_slice %arg3[%arg0, %arg1, %dma_wait3A_40, %dma_wait3A_41] : memref<2x16x250x80xi32, #tpu.memory_space<hbm>> -> memref<1x1x250x80xi32, #tpu.memory_space<hbm>>
      %dma_wait3A_43 = tpu.memref_squeeze %dma_wait3A_42 : memref<1x1x250x80xi32, #tpu.memory_space<hbm>> -> memref<250x80xi32, #tpu.memory_space<hbm>>
      tpu.wait_dma2 semaphore(%run_scoped3A : memref<!tpu.dma_semaphore, #tpu.memory_space<semaphore_mem>>) src(%dma_wait3A_43 : memref<250x80xi32, #tpu.memory_space<hbm>>) dst(%arg6 : memref<250x80xi32, #tpu.memory_space<vmem>>)
      tpu.yield
    }) : () -> ()
    "tpu.region"() ({
      %run_scoped3A = tpu.sem_alloc : memref<!tpu.dma_semaphore, #tpu.memory_space<semaphore_mem>>
      %dma_start3A_29 = arith.constant 0 : i32
      %dma_start3A_30 = arith.constant 0 : i32
      %dma_start3A_31 = tpu.memref_slice %arg4[%arg1, %dma_start3A_29, %dma_start3A_30] : memref<16x250x80xi32, #tpu.memory_space<hbm>> -> memref<1x250x80xi32, #tpu.memory_space<hbm>>
      %dma_start3A_32 = tpu.memref_squeeze %dma_start3A_31 : memref<1x250x80xi32, #tpu.memory_space<hbm>> -> memref<250x80xi32, #tpu.memory_space<hbm>>
      %dma_start3A_33 = arith.constant 0 : i32
      %dma_start3A_34 = arith.constant 0 : i32
      %dma_start3A_35 = tpu.memref_slice %arg4[%arg1, %dma_start3A_33, %dma_start3A_34] : memref<16x250x80xi32, #tpu.memory_space<hbm>> -> memref<1x250x80xi32, #tpu.memory_space<hbm>>
      %dma_start3A_36 = tpu.memref_squeeze %dma_start3A_35 : memref<1x250x80xi32, #tpu.memory_space<hbm>> -> memref<250x80xi32, #tpu.memory_space<hbm>>
      tpu.enqueue_dma source(%dma_start3A_36 : memref<250x80xi32, #tpu.memory_space<hbm>>) target(%arg7 : memref<250x80xi32, #tpu.memory_space<vmem>>) target_semaphore(%run_scoped3A : memref<!tpu.dma_semaphore, #tpu.memory_space<semaphore_mem>>)
      %dma_wait3A = arith.constant 0 : i32
      %dma_wait3A_37 = arith.constant 0 : i32
      %dma_wait3A_38 = tpu.memref_slice %arg4[%arg1, %dma_wait3A, %dma_wait3A_37] : memref<16x250x80xi32, #tpu.memory_space<hbm>> -> memref<1x250x80xi32, #tpu.memory_space<hbm>>
      %dma_wait3A_39 = tpu.memref_squeeze %dma_wait3A_38 : memref<1x250x80xi32, #tpu.memory_space<hbm>> -> memref<250x80xi32, #tpu.memory_space<hbm>>
      %dma_wait3A_40 = arith.constant 0 : i32
      %dma_wait3A_41 = arith.constant 0 : i32
      %dma_wait3A_42 = tpu.memref_slice %arg4[%arg1, %dma_wait3A_40, %dma_wait3A_41] : memref<16x250x80xi32, #tpu.memory_space<hbm>> -> memref<1x250x80xi32, #tpu.memory_space<hbm>>
      %dma_wait3A_43 = tpu.memref_squeeze %dma_wait3A_42 : memref<1x250x80xi32, #tpu.memory_space<hbm>> -> memref<250x80xi32, #tpu.memory_space<hbm>>
      tpu.wait_dma2 semaphore(%run_scoped3A : memref<!tpu.dma_semaphore, #tpu.memory_space<semaphore_mem>>) src(%dma_wait3A_43 : memref<250x80xi32, #tpu.memory_space<hbm>>) dst(%arg7 : memref<250x80xi32, #tpu.memory_space<vmem>>)
      tpu.yield
    }) : () -> ()
    %eq3A = arith.constant 0 : i32
    %eq3A_0 = arith.cmpi eq, %arg1, %eq3A : i32
    %convert_element_type3A = arith.extui %eq3A_0 : i1 to i32
    %cond3A = arith.constant 0 : i32
    %cond3A_1 = arith.cmpi ne, %convert_element_type3A, %cond3A : i32
    scf.if %cond3A_1 {
      %mul3A_29 = arith.constant 10000 : i32
      %mul3A_30 = arith.muli %arg0, %mul3A_29 : i32
      "tpu.region"() ({
        %run_scoped3A = tpu.sem_alloc : memref<!tpu.dma_semaphore, #tpu.memory_space<semaphore_mem>>
        %dma_start3A_31 = arith.constant 0 : i32
        %dma_start3A_32 = tpu.memref_slice %arg2[%mul3A_30, %dma_start3A_31] : memref<20000x80xf32, #tpu.memory_space<hbm>> -> memref<10000x80xf32, #tpu.memory_space<hbm>>
        tpu.enqueue_dma source(%dma_start3A_32 : memref<10000x80xf32, #tpu.memory_space<hbm>>) target(%arg10 : memref<10000x80xf32, #tpu.memory_space<vmem_shared>>) target_semaphore(%run_scoped3A : memref<!tpu.dma_semaphore, #tpu.memory_space<semaphore_mem>>)
        %dma_wait3A = arith.constant 0 : i32
        %dma_wait3A_33 = tpu.memref_slice %arg2[%mul3A_30, %dma_wait3A] : memref<20000x80xf32, #tpu.memory_space<hbm>> -> memref<10000x80xf32, #tpu.memory_space<hbm>>
        tpu.wait_dma2 semaphore(%run_scoped3A : memref<!tpu.dma_semaphore, #tpu.memory_space<semaphore_mem>>) src(%dma_wait3A_33 : memref<10000x80xf32, #tpu.memory_space<hbm>>) dst(%arg10 : memref<10000x80xf32, #tpu.memory_space<vmem_shared>>)
        tpu.yield
      }) : () -> ()
    } else {
    }
    %barrier3A = arith.constant 0 : index
    tpu.barrier barrier_id(%barrier3A)
    %dma_start3A = arith.constant 0 : i32
    %dma_start3A_2 = arith.constant 0 : i32
    %dma_start3A_3 = tpu.memref_slice %arg6[%dma_start3A, %dma_start3A_2] : memref<250x80xi32, #tpu.memory_space<vmem>> -> memref<1x80xi32, #tpu.memory_space<vmem>>
    %dma_start3A_4 = tpu.memref_squeeze %dma_start3A_3 : memref<1x80xi32, #tpu.memory_space<vmem>> -> memref<80xi32, #tpu.memory_space<vmem>>
    %dma_start3A_5 = arith.constant 0 : i32
    %dma_start3A_6 = arith.constant 0 : i32
    %dma_start3A_7 = tpu.memref_slice %arg2[%dma_start3A_5, %dma_start3A_6] : memref<20000x80xf32, #tpu.memory_space<hbm>> -> memref<20000x80xf32, #tpu.memory_space<hbm>>
    tpu.enqueue_indirect_dma source(%dma_start3A_7 : memref<20000x80xf32, #tpu.memory_space<hbm>>) target(%arg8 : memref<80x80xf32, #tpu.memory_space<vmem>>) offsets(%dma_start3A_4 : memref<80xi32, #tpu.memory_space<vmem>>) semaphore(%arg11 : memref<!tpu.dma_semaphore, #tpu.memory_space<semaphore_mem>>)
    %dma_start3A_8 = arith.constant 1 : i32
    %dma_start3A_9 = arith.constant 0 : i32
    %dma_start3A_10 = tpu.memref_slice %arg6[%dma_start3A_8, %dma_start3A_9] : memref<250x80xi32, #tpu.memory_space<vmem>> -> memref<1x80xi32, #tpu.memory_space<vmem>>
    %dma_start3A_11 = tpu.memref_squeeze %dma_start3A_10 : memref<1x80xi32, #tpu.memory_space<vmem>> -> memref<80xi32, #tpu.memory_space<vmem>>
    %dma_start3A_12 = arith.constant 0 : i32
    %dma_start3A_13 = arith.constant 0 : i32
    %dma_start3A_14 = tpu.memref_slice %arg2[%dma_start3A_12, %dma_start3A_13] : memref<20000x80xf32, #tpu.memory_space<hbm>> -> memref<20000x80xf32, #tpu.memory_space<hbm>>
    tpu.enqueue_indirect_dma source(%dma_start3A_14 : memref<20000x80xf32, #tpu.memory_space<hbm>>) target(%arg9 : memref<80x80xf32, #tpu.memory_space<vmem>>) offsets(%dma_start3A_11 : memref<80xi32, #tpu.memory_space<vmem>>) semaphore(%arg12 : memref<!tpu.dma_semaphore, #tpu.memory_space<semaphore_mem>>)
    %scan3A = arith.constant 0 : i32
    %scan3A_15 = arith.constant 0 : i32
    %scan3A_16 = arith.constant 125 : i32
    %scan3A_17 = arith.addi %scan3A_15, %scan3A_16 : i32
    %scan3A_18 = arith.constant 1 : i32
    scf.for %scan3A_29 = %scan3A_15 to %scan3A_17 step %scan3A_18  : i32 {
      %mul3A_30 = arith.constant 2 : i32
      %mul3A_31 = arith.muli %mul3A_30, %scan3A_29 : i32
      %dma_wait3A = arith.constant 0 : i32
      %dma_wait3A_32 = tpu.memref_slice %arg6[%mul3A_31, %dma_wait3A] : memref<250x80xi32, #tpu.memory_space<vmem>> -> memref<1x80xi32, #tpu.memory_space<vmem>>
      %dma_wait3A_33 = tpu.memref_squeeze %dma_wait3A_32 : memref<1x80xi32, #tpu.memory_space<vmem>> -> memref<80xi32, #tpu.memory_space<vmem>>
      %dma_wait3A_34 = arith.constant 0 : i32
      %dma_wait3A_35 = arith.constant 0 : i32
      %dma_wait3A_36 = tpu.memref_slice %arg2[%dma_wait3A_34, %dma_wait3A_35] : memref<20000x80xf32, #tpu.memory_space<hbm>> -> memref<20000x80xf32, #tpu.memory_space<hbm>>
      tpu.wait_indirect_dma semaphore(%arg11 : memref<!tpu.dma_semaphore, #tpu.memory_space<semaphore_mem>>) src(%dma_wait3A_36 : memref<20000x80xf32, #tpu.memory_space<hbm>>) dst(%arg8 : memref<80x80xf32, #tpu.memory_space<vmem>>)
      "tpu.region"() ({
        %run_scoped3A = tpu.sem_alloc : memref<!tpu.dma_semaphore, #tpu.memory_space<semaphore_mem>>
        %dma_start3A_60 = arith.constant 0 : i32
        %dma_start3A_61 = tpu.memref_slice %arg7[%mul3A_31, %dma_start3A_60] : memref<250x80xi32, #tpu.memory_space<vmem>> -> memref<1x80xi32, #tpu.memory_space<vmem>>
        %dma_start3A_62 = tpu.memref_squeeze %dma_start3A_61 : memref<1x80xi32, #tpu.memory_space<vmem>> -> memref<80xi32, #tpu.memory_space<vmem>>
        %dma_start3A_63 = arith.constant 0 : i32
        %dma_start3A_64 = arith.constant 0 : i32
        %dma_start3A_65 = tpu.memref_slice %arg10[%dma_start3A_63, %dma_start3A_64] : memref<10000x80xf32, #tpu.memory_space<vmem_shared>> -> memref<10000x80xf32, #tpu.memory_space<vmem_shared>>
        tpu.enqueue_indirect_dma source(%arg8 : memref<80x80xf32, #tpu.memory_space<vmem>>) target(%dma_start3A_65 : memref<10000x80xf32, #tpu.memory_space<vmem_shared>>) offsets(%dma_start3A_62 : memref<80xi32, #tpu.memory_space<vmem>>) semaphore(%run_scoped3A : memref<!tpu.dma_semaphore, #tpu.memory_space<semaphore_mem>>) {add = true}
        %dma_wait3A_66 = arith.constant 0 : i32
        %dma_wait3A_67 = tpu.memref_slice %arg7[%mul3A_31, %dma_wait3A_66] : memref<250x80xi32, #tpu.memory_space<vmem>> -> memref<1x80xi32, #tpu.memory_space<vmem>>
        %dma_wait3A_68 = tpu.memref_squeeze %dma_wait3A_67 : memref<1x80xi32, #tpu.memory_space<vmem>> -> memref<80xi32, #tpu.memory_space<vmem>>
        %dma_wait3A_69 = arith.constant 0 : i32
        %dma_wait3A_70 = arith.constant 0 : i32
        %dma_wait3A_71 = tpu.memref_slice %arg10[%dma_wait3A_69, %dma_wait3A_70] : memref<10000x80xf32, #tpu.memory_space<vmem_shared>> -> memref<10000x80xf32, #tpu.memory_space<vmem_shared>>
        tpu.wait_indirect_dma semaphore(%run_scoped3A : memref<!tpu.dma_semaphore, #tpu.memory_space<semaphore_mem>>) src(%arg8 : memref<80x80xf32, #tpu.memory_space<vmem>>) dst(%dma_wait3A_71 : memref<10000x80xf32, #tpu.memory_space<vmem_shared>>)
        tpu.yield
      }) : () -> ()
      %add3A_37 = arith.constant 2 : i32
      %add3A_38 = arith.addi %mul3A_31, %add3A_37 : i32
      %lt3A = arith.constant 250 : i32
      %lt3A_39 = arith.cmpi slt, %add3A_38, %lt3A : i32
      %convert_element_type3A_40 = arith.extui %lt3A_39 : i1 to i32
      %cond3A_41 = arith.constant 0 : i32
      %cond3A_42 = arith.cmpi ne, %convert_element_type3A_40, %cond3A_41 : i32
      scf.if %cond3A_42 {
        %add3A_60 = arith.constant 2 : i32
        %add3A_61 = arith.addi %mul3A_31, %add3A_60 : i32
        %dma_start3A_62 = arith.constant 0 : i32
        %dma_start3A_63 = tpu.memref_slice %arg6[%add3A_61, %dma_start3A_62] : memref<250x80xi32, #tpu.memory_space<vmem>> -> memref<1x80xi32, #tpu.memory_space<vmem>>
        %dma_start3A_64 = tpu.memref_squeeze %dma_start3A_63 : memref<1x80xi32, #tpu.memory_space<vmem>> -> memref<80xi32, #tpu.memory_space<vmem>>
        %dma_start3A_65 = arith.constant 0 : i32
        %dma_start3A_66 = arith.constant 0 : i32
        %dma_start3A_67 = tpu.memref_slice %arg2[%dma_start3A_65, %dma_start3A_66] : memref<20000x80xf32, #tpu.memory_space<hbm>> -> memref<20000x80xf32, #tpu.memory_space<hbm>>
        tpu.enqueue_indirect_dma source(%dma_start3A_67 : memref<20000x80xf32, #tpu.memory_space<hbm>>) target(%arg8 : memref<80x80xf32, #tpu.memory_space<vmem>>) offsets(%dma_start3A_64 : memref<80xi32, #tpu.memory_space<vmem>>) semaphore(%arg11 : memref<!tpu.dma_semaphore, #tpu.memory_space<semaphore_mem>>)
      } else {
      }
      %add3A_43 = arith.constant 1 : i32
      %add3A_44 = arith.addi %mul3A_31, %add3A_43 : i32
      %dma_wait3A_45 = arith.constant 0 : i32
      %dma_wait3A_46 = tpu.memref_slice %arg6[%add3A_44, %dma_wait3A_45] : memref<250x80xi32, #tpu.memory_space<vmem>> -> memref<1x80xi32, #tpu.memory_space<vmem>>
      %dma_wait3A_47 = tpu.memref_squeeze %dma_wait3A_46 : memref<1x80xi32, #tpu.memory_space<vmem>> -> memref<80xi32, #tpu.memory_space<vmem>>
      %dma_wait3A_48 = arith.constant 0 : i32
      %dma_wait3A_49 = arith.constant 0 : i32
      %dma_wait3A_50 = tpu.memref_slice %arg2[%dma_wait3A_48, %dma_wait3A_49] : memref<20000x80xf32, #tpu.memory_space<hbm>> -> memref<20000x80xf32, #tpu.memory_space<hbm>>
      tpu.wait_indirect_dma semaphore(%arg12 : memref<!tpu.dma_semaphore, #tpu.memory_space<semaphore_mem>>) src(%dma_wait3A_50 : memref<20000x80xf32, #tpu.memory_space<hbm>>) dst(%arg9 : memref<80x80xf32, #tpu.memory_space<vmem>>)
      %add3A_51 = arith.constant 1 : i32
      %add3A_52 = arith.addi %mul3A_31, %add3A_51 : i32
      "tpu.region"() ({
        %run_scoped3A = tpu.sem_alloc : memref<!tpu.dma_semaphore, #tpu.memory_space<semaphore_mem>>
        %dma_start3A_60 = arith.constant 0 : i32
        %dma_start3A_61 = tpu.memref_slice %arg7[%add3A_52, %dma_start3A_60] : memref<250x80xi32, #tpu.memory_space<vmem>> -> memref<1x80xi32, #tpu.memory_space<vmem>>
        %dma_start3A_62 = tpu.memref_squeeze %dma_start3A_61 : memref<1x80xi32, #tpu.memory_space<vmem>> -> memref<80xi32, #tpu.memory_space<vmem>>
        %dma_start3A_63 = arith.constant 0 : i32
        %dma_start3A_64 = arith.constant 0 : i32
        %dma_start3A_65 = tpu.memref_slice %arg10[%dma_start3A_63, %dma_start3A_64] : memref<10000x80xf32, #tpu.memory_space<vmem_shared>> -> memref<10000x80xf32, #tpu.memory_space<vmem_shared>>
        tpu.enqueue_indirect_dma source(%arg9 : memref<80x80xf32, #tpu.memory_space<vmem>>) target(%dma_start3A_65 : memref<10000x80xf32, #tpu.memory_space<vmem_shared>>) offsets(%dma_start3A_62 : memref<80xi32, #tpu.memory_space<vmem>>) semaphore(%run_scoped3A : memref<!tpu.dma_semaphore, #tpu.memory_space<semaphore_mem>>) {add = true}
        %dma_wait3A_66 = arith.constant 0 : i32
        %dma_wait3A_67 = tpu.memref_slice %arg7[%add3A_52, %dma_wait3A_66] : memref<250x80xi32, #tpu.memory_space<vmem>> -> memref<1x80xi32, #tpu.memory_space<vmem>>
        %dma_wait3A_68 = tpu.memref_squeeze %dma_wait3A_67 : memref<1x80xi32, #tpu.memory_space<vmem>> -> memref<80xi32, #tpu.memory_space<vmem>>
        %dma_wait3A_69 = arith.constant 0 : i32
        %dma_wait3A_70 = arith.constant 0 : i32
        %dma_wait3A_71 = tpu.memref_slice %arg10[%dma_wait3A_69, %dma_wait3A_70] : memref<10000x80xf32, #tpu.memory_space<vmem_shared>> -> memref<10000x80xf32, #tpu.memory_space<vmem_shared>>
        tpu.wait_indirect_dma semaphore(%run_scoped3A : memref<!tpu.dma_semaphore, #tpu.memory_space<semaphore_mem>>) src(%arg9 : memref<80x80xf32, #tpu.memory_space<vmem>>) dst(%dma_wait3A_71 : memref<10000x80xf32, #tpu.memory_space<vmem_shared>>)
        tpu.yield
      }) : () -> ()
      %add3A_53 = arith.constant 3 : i32
      %add3A_54 = arith.addi %mul3A_31, %add3A_53 : i32
      %lt3A_55 = arith.constant 250 : i32
      %lt3A_56 = arith.cmpi slt, %add3A_54, %lt3A_55 : i32
      %convert_element_type3A_57 = arith.extui %lt3A_56 : i1 to i32
      %cond3A_58 = arith.constant 0 : i32
      %cond3A_59 = arith.cmpi ne, %convert_element_type3A_57, %cond3A_58 : i32
      scf.if %cond3A_59 {
        %add3A_60 = arith.constant 3 : i32
        %add3A_61 = arith.addi %mul3A_31, %add3A_60 : i32
        %dma_start3A_62 = arith.constant 0 : i32
        %dma_start3A_63 = tpu.memref_slice %arg6[%add3A_61, %dma_start3A_62] : memref<250x80xi32, #tpu.memory_space<vmem>> -> memref<1x80xi32, #tpu.memory_space<vmem>>
        %dma_start3A_64 = tpu.memref_squeeze %dma_start3A_63 : memref<1x80xi32, #tpu.memory_space<vmem>> -> memref<80xi32, #tpu.memory_space<vmem>>
        %dma_start3A_65 = arith.constant 0 : i32
        %dma_start3A_66 = arith.constant 0 : i32
        %dma_start3A_67 = tpu.memref_slice %arg2[%dma_start3A_65, %dma_start3A_66] : memref<20000x80xf32, #tpu.memory_space<hbm>> -> memref<20000x80xf32, #tpu.memory_space<hbm>>
        tpu.enqueue_indirect_dma source(%dma_start3A_67 : memref<20000x80xf32, #tpu.memory_space<hbm>>) target(%arg9 : memref<80x80xf32, #tpu.memory_space<vmem>>) offsets(%dma_start3A_64 : memref<80xi32, #tpu.memory_space<vmem>>) semaphore(%arg12 : memref<!tpu.dma_semaphore, #tpu.memory_space<semaphore_mem>>)
      } else {
      }
    }
    %scan3A_19 = arith.constant 125 : i32
    %barrier3A_20 = arith.constant 0 : index
    tpu.barrier barrier_id(%barrier3A_20)
    %mul3A = arith.constant 624 : i32
    %mul3A_21 = arith.muli %arg1, %mul3A : i32
    %mul3A_22 = arith.constant 10000 : i32
    %mul3A_23 = arith.muli %arg0, %mul3A_22 : i32
    %add3A = arith.addi %mul3A_23, %mul3A_21 : i32
    "tpu.region"() ({
      %run_scoped3A = tpu.sem_alloc : memref<!tpu.dma_semaphore, #tpu.memory_space<semaphore_mem>>
      %dma_start3A_29 = arith.constant 0 : i32
      %dma_start3A_30 = tpu.memref_slice %arg5[%add3A, %dma_start3A_29] : memref<20000x80xf32, #tpu.memory_space<hbm>> -> memref<624x80xf32, #tpu.memory_space<hbm>>
      %dma_start3A_31 = arith.constant 0 : i32
      %dma_start3A_32 = tpu.memref_slice %arg10[%mul3A_21, %dma_start3A_31] : memref<10000x80xf32, #tpu.memory_space<vmem_shared>> -> memref<624x80xf32, #tpu.memory_space<vmem_shared>>
      tpu.enqueue_dma source(%dma_start3A_32 : memref<624x80xf32, #tpu.memory_space<vmem_shared>>) target(%dma_start3A_30 : memref<624x80xf32, #tpu.memory_space<hbm>>) target_semaphore(%run_scoped3A : memref<!tpu.dma_semaphore, #tpu.memory_space<semaphore_mem>>)
      %dma_wait3A = arith.constant 0 : i32
      %dma_wait3A_33 = tpu.memref_slice %arg5[%add3A, %dma_wait3A] : memref<20000x80xf32, #tpu.memory_space<hbm>> -> memref<624x80xf32, #tpu.memory_space<hbm>>
      %dma_wait3A_34 = arith.constant 0 : i32
      %dma_wait3A_35 = tpu.memref_slice %arg10[%mul3A_21, %dma_wait3A_34] : memref<10000x80xf32, #tpu.memory_space<vmem_shared>> -> memref<624x80xf32, #tpu.memory_space<vmem_shared>>
      tpu.wait_dma2 semaphore(%run_scoped3A : memref<!tpu.dma_semaphore, #tpu.memory_space<semaphore_mem>>) src(%dma_wait3A_35 : memref<624x80xf32, #tpu.memory_space<vmem_shared>>) dst(%dma_wait3A_33 : memref<624x80xf32, #tpu.memory_space<hbm>>)
      tpu.yield
    }) : () -> ()
    %eq3A_24 = arith.constant 15 : i32
    %eq3A_25 = arith.cmpi eq, %arg1, %eq3A_24 : i32
    %convert_element_type3A_26 = arith.extui %eq3A_25 : i1 to i32
    %cond3A_27 = arith.constant 0 : i32
    %cond3A_28 = arith.cmpi ne, %convert_element_type3A_26, %cond3A_27 : i32
    scf.if %cond3A_28 {
      %mul3A_29 = arith.constant 10000 : i32
      %mul3A_30 = arith.muli %arg0, %mul3A_29 : i32
      %add3A_31 = arith.constant 9984 : i32
      %add3A_32 = arith.addi %mul3A_30, %add3A_31 : i32
      "tpu.region"() ({
        %run_scoped3A = tpu.sem_alloc : memref<!tpu.dma_semaphore, #tpu.memory_space<semaphore_mem>>
        %dma_start3A_33 = arith.constant 0 : i32
        %dma_start3A_34 = tpu.memref_slice %arg5[%add3A_32, %dma_start3A_33] : memref<20000x80xf32, #tpu.memory_space<hbm>> -> memref<16x80xf32, #tpu.memory_space<hbm>>
        %dma_start3A_35 = arith.constant 9984 : i32
        %dma_start3A_36 = arith.constant 0 : i32
        %dma_start3A_37 = tpu.memref_slice %arg10[%dma_start3A_35, %dma_start3A_36] : memref<10000x80xf32, #tpu.memory_space<vmem_shared>> -> memref<16x80xf32, #tpu.memory_space<vmem_shared>>
        tpu.enqueue_dma source(%dma_start3A_37 : memref<16x80xf32, #tpu.memory_space<vmem_shared>>) target(%dma_start3A_34 : memref<16x80xf32, #tpu.memory_space<hbm>>) target_semaphore(%run_scoped3A : memref<!tpu.dma_semaphore, #tpu.memory_space<semaphore_mem>>)
        %dma_wait3A = arith.constant 0 : i32
        %dma_wait3A_38 = tpu.memref_slice %arg5[%add3A_32, %dma_wait3A] : memref<20000x80xf32, #tpu.memory_space<hbm>> -> memref<16x80xf32, #tpu.memory_space<hbm>>
        %dma_wait3A_39 = arith.constant 9984 : i32
        %dma_wait3A_40 = arith.constant 0 : i32
        %dma_wait3A_41 = tpu.memref_slice %arg10[%dma_wait3A_39, %dma_wait3A_40] : memref<10000x80xf32, #tpu.memory_space<vmem_shared>> -> memref<16x80xf32, #tpu.memory_space<vmem_shared>>
        tpu.wait_dma2 semaphore(%run_scoped3A : memref<!tpu.dma_semaphore, #tpu.memory_space<semaphore_mem>>) src(%dma_wait3A_41 : memref<16x80xf32, #tpu.memory_space<vmem_shared>>) dst(%dma_wait3A_38 : memref<16x80xf32, #tpu.memory_space<hbm>>)
        tpu.yield
      }) : () -> ()
    } else {
    }
    return
  }
}

#map = affine_map<(d0, d1) -> (0, 0)>
#map1 = affine_map<(d0, d1) -> (0, 0, 0, 0)>
#map2 = affine_map<(d0, d1) -> (0, 0, 0)>
module attributes {stable_mosaic.version = 14 : i64} {
  func.func @_sc_body(%arg0: i32, %arg1: i32, %arg2: memref<20000x80xf32, #tpu.memory_space<hbm>>, %arg3: memref<2x16x250x80xi32, #tpu.memory_space<hbm>>, %arg4: memref<16x250x80xi32, #tpu.memory_space<hbm>>, %arg5: memref<20000x80xf32, #tpu.memory_space<hbm>>, %arg6: memref<250x80xi32, #tpu.memory_space<vmem>>, %arg7: memref<250x80xi32, #tpu.memory_space<vmem>>, %arg8: memref<80x80xf32, #tpu.memory_space<vmem>>, %arg9: memref<80x80xf32, #tpu.memory_space<vmem>>, %arg10: memref<10000x80xf32, #tpu.memory_space<vmem_shared>>, %arg11: memref<!tpu.dma_semaphore, #tpu.memory_space<semaphore_mem>>, %arg12: memref<!tpu.dma_semaphore, #tpu.memory_space<semaphore_mem>>) attributes {dimension_semantics = [#tpu.dimension_semantics<core_parallel>, #tpu.dimension_semantics<subcore_parallel>], iteration_bounds = array<i64: 2, 16>, scalar_prefetch = 0 : i64, scratch_operands = 7 : i64, tpu.core_type = #tpu.core_type<sc_vector_subcore>, window_params = [{transform_indices = #map}, {transform_indices = #map1}, {transform_indices = #map2}, {transform_indices = #map}]} {
    "tpu.region"() ({
      %run_scoped3A = tpu.sem_alloc : memref<!tpu.dma_semaphore, #tpu.memory_space<semaphore_mem>>
      %dma_start3A_29 = arith.constant 0 : i32
      %dma_start3A_30 = arith.constant 0 : i32
      %dma_start3A_31 = tpu.memref_slice %arg3[%arg0, %arg1, %dma_start3A_29, %dma_start3A_30] : memref<2x16x250x80xi32, #tpu.memory_space<hbm>> -> memref<1x1x250x80xi32, #tpu.memory_space<hbm>>
      %dma_start3A_32 = tpu.memref_squeeze %dma_start3A_31 : memref<1x1x250x80xi32, #tpu.memory_space<hbm>> -> memref<250x80xi32, #tpu.memory_space<hbm>>
      %dma_start3A_33 = arith.constant 0 : i32
      %dma_start3A_34 = arith.constant 0 : i32
      %dma_start3A_35 = tpu.memref_slice %arg3[%arg0, %arg1, %dma_start3A_33, %dma_start3A_34] : memref<2x16x250x80xi32, #tpu.memory_space<hbm>> -> memref<1x1x250x80xi32, #tpu.memory_space<hbm>>
      %dma_start3A_36 = tpu.memref_squeeze %dma_start3A_35 : memref<1x1x250x80xi32, #tpu.memory_space<hbm>> -> memref<250x80xi32, #tpu.memory_space<hbm>>
      tpu.enqueue_dma source(%dma_start3A_36 : memref<250x80xi32, #tpu.memory_space<hbm>>) target(%arg6 : memref<250x80xi32, #tpu.memory_space<vmem>>) target_semaphore(%run_scoped3A : memref<!tpu.dma_semaphore, #tpu.memory_space<semaphore_mem>>)
      %dma_wait3A = arith.constant 0 : i32
      %dma_wait3A_37 = arith.constant 0 : i32
      %dma_wait3A_38 = tpu.memref_slice %arg3[%arg0, %arg1, %dma_wait3A, %dma_wait3A_37] : memref<2x16x250x80xi32, #tpu.memory_space<hbm>> -> memref<1x1x250x80xi32, #tpu.memory_space<hbm>>
      %dma_wait3A_39 = tpu.memref_squeeze %dma_wait3A_38 : memref<1x1x250x80xi32, #tpu.memory_space<hbm>> -> memref<250x80xi32, #tpu.memory_space<hbm>>
      %dma_wait3A_40 = arith.constant 0 : i32
      %dma_wait3A_41 = arith.constant 0 : i32
      %dma_wait3A_42 = tpu.memref_slice %arg3[%arg0, %arg1, %dma_wait3A_40, %dma_wait3A_41] : memref<2x16x250x80xi32, #tpu.memory_space<hbm>> -> memref<1x1x250x80xi32, #tpu.memory_space<hbm>>
      %dma_wait3A_43 = tpu.memref_squeeze %dma_wait3A_42 : memref<1x1x250x80xi32, #tpu.memory_space<hbm>> -> memref<250x80xi32, #tpu.memory_space<hbm>>
      tpu.wait_dma2 semaphore(%run_scoped3A : memref<!tpu.dma_semaphore, #tpu.memory_space<semaphore_mem>>) src(%dma_wait3A_43 : memref<250x80xi32, #tpu.memory_space<hbm>>) dst(%arg6 : memref<250x80xi32, #tpu.memory_space<vmem>>)
      tpu.yield
    }) : () -> ()
    "tpu.region"() ({
      %run_scoped3A = tpu.sem_alloc : memref<!tpu.dma_semaphore, #tpu.memory_space<semaphore_mem>>
      %dma_start3A_29 = arith.constant 0 : i32
      %dma_start3A_30 = arith.constant 0 : i32
      %dma_start3A_31 = tpu.memref_slice %arg4[%arg1, %dma_start3A_29, %dma_start3A_30] : memref<16x250x80xi32, #tpu.memory_space<hbm>> -> memref<1x250x80xi32, #tpu.memory_space<hbm>>
      %dma_start3A_32 = tpu.memref_squeeze %dma_start3A_31 : memref<1x250x80xi32, #tpu.memory_space<hbm>> -> memref<250x80xi32, #tpu.memory_space<hbm>>
      %dma_start3A_33 = arith.constant 0 : i32
      %dma_start3A_34 = arith.constant 0 : i32
      %dma_start3A_35 = tpu.memref_slice %arg4[%arg1, %dma_start3A_33, %dma_start3A_34] : memref<16x250x80xi32, #tpu.memory_space<hbm>> -> memref<1x250x80xi32, #tpu.memory_space<hbm>>
      %dma_start3A_36 = tpu.memref_squeeze %dma_start3A_35 : memref<1x250x80xi32, #tpu.memory_space<hbm>> -> memref<250x80xi32, #tpu.memory_space<hbm>>
      tpu.enqueue_dma source(%dma_start3A_36 : memref<250x80xi32, #tpu.memory_space<hbm>>) target(%arg7 : memref<250x80xi32, #tpu.memory_space<vmem>>) target_semaphore(%run_scoped3A : memref<!tpu.dma_semaphore, #tpu.memory_space<semaphore_mem>>)
      %dma_wait3A = arith.constant 0 : i32
      %dma_wait3A_37 = arith.constant 0 : i32
      %dma_wait3A_38 = tpu.memref_slice %arg4[%arg1, %dma_wait3A, %dma_wait3A_37] : memref<16x250x80xi32, #tpu.memory_space<hbm>> -> memref<1x250x80xi32, #tpu.memory_space<hbm>>
      %dma_wait3A_39 = tpu.memref_squeeze %dma_wait3A_38 : memref<1x250x80xi32, #tpu.memory_space<hbm>> -> memref<250x80xi32, #tpu.memory_space<hbm>>
      %dma_wait3A_40 = arith.constant 0 : i32
      %dma_wait3A_41 = arith.constant 0 : i32
      %dma_wait3A_42 = tpu.memref_slice %arg4[%arg1, %dma_wait3A_40, %dma_wait3A_41] : memref<16x250x80xi32, #tpu.memory_space<hbm>> -> memref<1x250x80xi32, #tpu.memory_space<hbm>>
      %dma_wait3A_43 = tpu.memref_squeeze %dma_wait3A_42 : memref<1x250x80xi32, #tpu.memory_space<hbm>> -> memref<250x80xi32, #tpu.memory_space<hbm>>
      tpu.wait_dma2 semaphore(%run_scoped3A : memref<!tpu.dma_semaphore, #tpu.memory_space<semaphore_mem>>) src(%dma_wait3A_43 : memref<250x80xi32, #tpu.memory_space<hbm>>) dst(%arg7 : memref<250x80xi32, #tpu.memory_space<vmem>>)
      tpu.yield
    }) : () -> ()
    %eq3A = arith.constant 0 : i32
    %eq3A_0 = arith.cmpi eq, %arg1, %eq3A : i32
    %convert_element_type3A = arith.extui %eq3A_0 : i1 to i32
    %cond3A = arith.constant 0 : i32
    %cond3A_1 = arith.cmpi ne, %convert_element_type3A, %cond3A : i32
    scf.if %cond3A_1 {
      %mul3A_29 = arith.constant 10000 : i32
      %mul3A_30 = arith.muli %arg0, %mul3A_29 : i32
      "tpu.region"() ({
        %run_scoped3A = tpu.sem_alloc : memref<!tpu.dma_semaphore, #tpu.memory_space<semaphore_mem>>
        %dma_start3A_31 = arith.constant 0 : i32
        %dma_start3A_32 = tpu.memref_slice %arg2[%mul3A_30, %dma_start3A_31] : memref<20000x80xf32, #tpu.memory_space<hbm>> -> memref<10000x80xf32, #tpu.memory_space<hbm>>
        tpu.enqueue_dma source(%dma_start3A_32 : memref<10000x80xf32, #tpu.memory_space<hbm>>) target(%arg10 : memref<10000x80xf32, #tpu.memory_space<vmem_shared>>) target_semaphore(%run_scoped3A : memref<!tpu.dma_semaphore, #tpu.memory_space<semaphore_mem>>)
        %dma_wait3A = arith.constant 0 : i32
        %dma_wait3A_33 = tpu.memref_slice %arg2[%mul3A_30, %dma_wait3A] : memref<20000x80xf32, #tpu.memory_space<hbm>> -> memref<10000x80xf32, #tpu.memory_space<hbm>>
        tpu.wait_dma2 semaphore(%run_scoped3A : memref<!tpu.dma_semaphore, #tpu.memory_space<semaphore_mem>>) src(%dma_wait3A_33 : memref<10000x80xf32, #tpu.memory_space<hbm>>) dst(%arg10 : memref<10000x80xf32, #tpu.memory_space<vmem_shared>>)
        tpu.yield
      }) : () -> ()
    } else {
    }
    %barrier3A = arith.constant 0 : index
    tpu.barrier barrier_id(%barrier3A)
    %dma_start3A = arith.constant 0 : i32
    %dma_start3A_2 = arith.constant 0 : i32
    %dma_start3A_3 = tpu.memref_slice %arg6[%dma_start3A, %dma_start3A_2] : memref<250x80xi32, #tpu.memory_space<vmem>> -> memref<1x80xi32, #tpu.memory_space<vmem>>
    %dma_start3A_4 = tpu.memref_squeeze %dma_start3A_3 : memref<1x80xi32, #tpu.memory_space<vmem>> -> memref<80xi32, #tpu.memory_space<vmem>>
    %dma_start3A_5 = arith.constant 0 : i32
    %dma_start3A_6 = arith.constant 0 : i32
    %dma_start3A_7 = tpu.memref_slice %arg2[%dma_start3A_5, %dma_start3A_6] : memref<20000x80xf32, #tpu.memory_space<hbm>> -> memref<20000x80xf32, #tpu.memory_space<hbm>>
    tpu.enqueue_indirect_dma source(%dma_start3A_7 : memref<20000x80xf32, #tpu.memory_space<hbm>>) target(%arg8 : memref<80x80xf32, #tpu.memory_space<vmem>>) offsets(%dma_start3A_4 : memref<80xi32, #tpu.memory_space<vmem>>) semaphore(%arg11 : memref<!tpu.dma_semaphore, #tpu.memory_space<semaphore_mem>>)
    %dma_start3A_8 = arith.constant 1 : i32
    %dma_start3A_9 = arith.constant 0 : i32
    %dma_start3A_10 = tpu.memref_slice %arg6[%dma_start3A_8, %dma_start3A_9] : memref<250x80xi32, #tpu.memory_space<vmem>> -> memref<1x80xi32, #tpu.memory_space<vmem>>
    %dma_start3A_11 = tpu.memref_squeeze %dma_start3A_10 : memref<1x80xi32, #tpu.memory_space<vmem>> -> memref<80xi32, #tpu.memory_space<vmem>>
    %dma_start3A_12 = arith.constant 0 : i32
    %dma_start3A_13 = arith.constant 0 : i32
    %dma_start3A_14 = tpu.memref_slice %arg2[%dma_start3A_12, %dma_start3A_13] : memref<20000x80xf32, #tpu.memory_space<hbm>> -> memref<20000x80xf32, #tpu.memory_space<hbm>>
    tpu.enqueue_indirect_dma source(%dma_start3A_14 : memref<20000x80xf32, #tpu.memory_space<hbm>>) target(%arg9 : memref<80x80xf32, #tpu.memory_space<vmem>>) offsets(%dma_start3A_11 : memref<80xi32, #tpu.memory_space<vmem>>) semaphore(%arg12 : memref<!tpu.dma_semaphore, #tpu.memory_space<semaphore_mem>>)
    %scan3A = arith.constant 0 : i32
    %scan3A_15 = arith.constant 0 : i32
    %scan3A_16 = arith.constant 125 : i32
    %scan3A_17 = arith.addi %scan3A_15, %scan3A_16 : i32
    %scan3A_18 = arith.constant 1 : i32
    scf.for %scan3A_29 = %scan3A_15 to %scan3A_17 step %scan3A_18  : i32 {
      %mul3A_30 = arith.constant 2 : i32
      %mul3A_31 = arith.muli %mul3A_30, %scan3A_29 : i32
      %dma_wait3A = arith.constant 0 : i32
      %dma_wait3A_32 = tpu.memref_slice %arg6[%mul3A_31, %dma_wait3A] : memref<250x80xi32, #tpu.memory_space<vmem>> -> memref<1x80xi32, #tpu.memory_space<vmem>>
      %dma_wait3A_33 = tpu.memref_squeeze %dma_wait3A_32 : memref<1x80xi32, #tpu.memory_space<vmem>> -> memref<80xi32, #tpu.memory_space<vmem>>
      %dma_wait3A_34 = arith.constant 0 : i32
      %dma_wait3A_35 = arith.constant 0 : i32
      %dma_wait3A_36 = tpu.memref_slice %arg2[%dma_wait3A_34, %dma_wait3A_35] : memref<20000x80xf32, #tpu.memory_space<hbm>> -> memref<20000x80xf32, #tpu.memory_space<hbm>>
      tpu.wait_indirect_dma semaphore(%arg11 : memref<!tpu.dma_semaphore, #tpu.memory_space<semaphore_mem>>) src(%dma_wait3A_36 : memref<20000x80xf32, #tpu.memory_space<hbm>>) dst(%arg8 : memref<80x80xf32, #tpu.memory_space<vmem>>)
      "tpu.region"() ({
        %run_scoped3A = tpu.sem_alloc : memref<!tpu.dma_semaphore, #tpu.memory_space<semaphore_mem>>
        %dma_start3A_60 = arith.constant 0 : i32
        %dma_start3A_61 = tpu.memref_slice %arg7[%mul3A_31, %dma_start3A_60] : memref<250x80xi32, #tpu.memory_space<vmem>> -> memref<1x80xi32, #tpu.memory_space<vmem>>
        %dma_start3A_62 = tpu.memref_squeeze %dma_start3A_61 : memref<1x80xi32, #tpu.memory_space<vmem>> -> memref<80xi32, #tpu.memory_space<vmem>>
        %dma_start3A_63 = arith.constant 0 : i32
        %dma_start3A_64 = arith.constant 0 : i32
        %dma_start3A_65 = tpu.memref_slice %arg10[%dma_start3A_63, %dma_start3A_64] : memref<10000x80xf32, #tpu.memory_space<vmem_shared>> -> memref<10000x80xf32, #tpu.memory_space<vmem_shared>>
        tpu.enqueue_indirect_dma source(%arg8 : memref<80x80xf32, #tpu.memory_space<vmem>>) target(%dma_start3A_65 : memref<10000x80xf32, #tpu.memory_space<vmem_shared>>) offsets(%dma_start3A_62 : memref<80xi32, #tpu.memory_space<vmem>>) semaphore(%run_scoped3A : memref<!tpu.dma_semaphore, #tpu.memory_space<semaphore_mem>>) {add = true}
        %dma_wait3A_66 = arith.constant 0 : i32
        %dma_wait3A_67 = tpu.memref_slice %arg7[%mul3A_31, %dma_wait3A_66] : memref<250x80xi32, #tpu.memory_space<vmem>> -> memref<1x80xi32, #tpu.memory_space<vmem>>
        %dma_wait3A_68 = tpu.memref_squeeze %dma_wait3A_67 : memref<1x80xi32, #tpu.memory_space<vmem>> -> memref<80xi32, #tpu.memory_space<vmem>>
        %dma_wait3A_69 = arith.constant 0 : i32
        %dma_wait3A_70 = arith.constant 0 : i32
        %dma_wait3A_71 = tpu.memref_slice %arg10[%dma_wait3A_69, %dma_wait3A_70] : memref<10000x80xf32, #tpu.memory_space<vmem_shared>> -> memref<10000x80xf32, #tpu.memory_space<vmem_shared>>
        tpu.wait_indirect_dma semaphore(%run_scoped3A : memref<!tpu.dma_semaphore, #tpu.memory_space<semaphore_mem>>) src(%arg8 : memref<80x80xf32, #tpu.memory_space<vmem>>) dst(%dma_wait3A_71 : memref<10000x80xf32, #tpu.memory_space<vmem_shared>>)
        tpu.yield
      }) : () -> ()
      %add3A_37 = arith.constant 2 : i32
      %add3A_38 = arith.addi %mul3A_31, %add3A_37 : i32
      %lt3A = arith.constant 250 : i32
      %lt3A_39 = arith.cmpi slt, %add3A_38, %lt3A : i32
      %convert_element_type3A_40 = arith.extui %lt3A_39 : i1 to i32
      %cond3A_41 = arith.constant 0 : i32
      %cond3A_42 = arith.cmpi ne, %convert_element_type3A_40, %cond3A_41 : i32
      scf.if %cond3A_42 {
        %add3A_60 = arith.constant 2 : i32
        %add3A_61 = arith.addi %mul3A_31, %add3A_60 : i32
        %dma_start3A_62 = arith.constant 0 : i32
        %dma_start3A_63 = tpu.memref_slice %arg6[%add3A_61, %dma_start3A_62] : memref<250x80xi32, #tpu.memory_space<vmem>> -> memref<1x80xi32, #tpu.memory_space<vmem>>
        %dma_start3A_64 = tpu.memref_squeeze %dma_start3A_63 : memref<1x80xi32, #tpu.memory_space<vmem>> -> memref<80xi32, #tpu.memory_space<vmem>>
        %dma_start3A_65 = arith.constant 0 : i32
        %dma_start3A_66 = arith.constant 0 : i32
        %dma_start3A_67 = tpu.memref_slice %arg2[%dma_start3A_65, %dma_start3A_66] : memref<20000x80xf32, #tpu.memory_space<hbm>> -> memref<20000x80xf32, #tpu.memory_space<hbm>>
        tpu.enqueue_indirect_dma source(%dma_start3A_67 : memref<20000x80xf32, #tpu.memory_space<hbm>>) target(%arg8 : memref<80x80xf32, #tpu.memory_space<vmem>>) offsets(%dma_start3A_64 : memref<80xi32, #tpu.memory_space<vmem>>) semaphore(%arg11 : memref<!tpu.dma_semaphore, #tpu.memory_space<semaphore_mem>>)
      } else {
      }
      %add3A_43 = arith.constant 1 : i32
      %add3A_44 = arith.addi %mul3A_31, %add3A_43 : i32
      %dma_wait3A_45 = arith.constant 0 : i32
      %dma_wait3A_46 = tpu.memref_slice %arg6[%add3A_44, %dma_wait3A_45] : memref<250x80xi32, #tpu.memory_space<vmem>> -> memref<1x80xi32, #tpu.memory_space<vmem>>
      %dma_wait3A_47 = tpu.memref_squeeze %dma_wait3A_46 : memref<1x80xi32, #tpu.memory_space<vmem>> -> memref<80xi32, #tpu.memory_space<vmem>>
      %dma_wait3A_48 = arith.constant 0 : i32
      %dma_wait3A_49 = arith.constant 0 : i32
      %dma_wait3A_50 = tpu.memref_slice %arg2[%dma_wait3A_48, %dma_wait3A_49] : memref<20000x80xf32, #tpu.memory_space<hbm>> -> memref<20000x80xf32, #tpu.memory_space<hbm>>
      tpu.wait_indirect_dma semaphore(%arg12 : memref<!tpu.dma_semaphore, #tpu.memory_space<semaphore_mem>>) src(%dma_wait3A_50 : memref<20000x80xf32, #tpu.memory_space<hbm>>) dst(%arg9 : memref<80x80xf32, #tpu.memory_space<vmem>>)
      %add3A_51 = arith.constant 1 : i32
      %add3A_52 = arith.addi %mul3A_31, %add3A_51 : i32
      "tpu.region"() ({
        %run_scoped3A = tpu.sem_alloc : memref<!tpu.dma_semaphore, #tpu.memory_space<semaphore_mem>>
        %dma_start3A_60 = arith.constant 0 : i32
        %dma_start3A_61 = tpu.memref_slice %arg7[%add3A_52, %dma_start3A_60] : memref<250x80xi32, #tpu.memory_space<vmem>> -> memref<1x80xi32, #tpu.memory_space<vmem>>
        %dma_start3A_62 = tpu.memref_squeeze %dma_start3A_61 : memref<1x80xi32, #tpu.memory_space<vmem>> -> memref<80xi32, #tpu.memory_space<vmem>>
        %dma_start3A_63 = arith.constant 0 : i32
        %dma_start3A_64 = arith.constant 0 : i32
        %dma_start3A_65 = tpu.memref_slice %arg10[%dma_start3A_63, %dma_start3A_64] : memref<10000x80xf32, #tpu.memory_space<vmem_shared>> -> memref<10000x80xf32, #tpu.memory_space<vmem_shared>>
        tpu.enqueue_indirect_dma source(%arg9 : memref<80x80xf32, #tpu.memory_space<vmem>>) target(%dma_start3A_65 : memref<10000x80xf32, #tpu.memory_space<vmem_shared>>) offsets(%dma_start3A_62 : memref<80xi32, #tpu.memory_space<vmem>>) semaphore(%run_scoped3A : memref<!tpu.dma_semaphore, #tpu.memory_space<semaphore_mem>>) {add = true}
        %dma_wait3A_66 = arith.constant 0 : i32
        %dma_wait3A_67 = tpu.memref_slice %arg7[%add3A_52, %dma_wait3A_66] : memref<250x80xi32, #tpu.memory_space<vmem>> -> memref<1x80xi32, #tpu.memory_space<vmem>>
        %dma_wait3A_68 = tpu.memref_squeeze %dma_wait3A_67 : memref<1x80xi32, #tpu.memory_space<vmem>> -> memref<80xi32, #tpu.memory_space<vmem>>
        %dma_wait3A_69 = arith.constant 0 : i32
        %dma_wait3A_70 = arith.constant 0 : i32
        %dma_wait3A_71 = tpu.memref_slice %arg10[%dma_wait3A_69, %dma_wait3A_70] : memref<10000x80xf32, #tpu.memory_space<vmem_shared>> -> memref<10000x80xf32, #tpu.memory_space<vmem_shared>>
        tpu.wait_indirect_dma semaphore(%run_scoped3A : memref<!tpu.dma_semaphore, #tpu.memory_space<semaphore_mem>>) src(%arg9 : memref<80x80xf32, #tpu.memory_space<vmem>>) dst(%dma_wait3A_71 : memref<10000x80xf32, #tpu.memory_space<vmem_shared>>)
        tpu.yield
      }) : () -> ()
      %add3A_53 = arith.constant 3 : i32
      %add3A_54 = arith.addi %mul3A_31, %add3A_53 : i32
      %lt3A_55 = arith.constant 250 : i32
      %lt3A_56 = arith.cmpi slt, %add3A_54, %lt3A_55 : i32
      %convert_element_type3A_57 = arith.extui %lt3A_56 : i1 to i32
      %cond3A_58 = arith.constant 0 : i32
      %cond3A_59 = arith.cmpi ne, %convert_element_type3A_57, %cond3A_58 : i32
      scf.if %cond3A_59 {
        %add3A_60 = arith.constant 3 : i32
        %add3A_61 = arith.addi %mul3A_31, %add3A_60 : i32
        %dma_start3A_62 = arith.constant 0 : i32
        %dma_start3A_63 = tpu.memref_slice %arg6[%add3A_61, %dma_start3A_62] : memref<250x80xi32, #tpu.memory_space<vmem>> -> memref<1x80xi32, #tpu.memory_space<vmem>>
        %dma_start3A_64 = tpu.memref_squeeze %dma_start3A_63 : memref<1x80xi32, #tpu.memory_space<vmem>> -> memref<80xi32, #tpu.memory_space<vmem>>
        %dma_start3A_65 = arith.constant 0 : i32
        %dma_start3A_66 = arith.constant 0 : i32
        %dma_start3A_67 = tpu.memref_slice %arg2[%dma_start3A_65, %dma_start3A_66] : memref<20000x80xf32, #tpu.memory_space<hbm>> -> memref<20000x80xf32, #tpu.memory_space<hbm>>
        tpu.enqueue_indirect_dma source(%dma_start3A_67 : memref<20000x80xf32, #tpu.memory_space<hbm>>) target(%arg9 : memref<80x80xf32, #tpu.memory_space<vmem>>) offsets(%dma_start3A_64 : memref<80xi32, #tpu.memory_space<vmem>>) semaphore(%arg12 : memref<!tpu.dma_semaphore, #tpu.memory_space<semaphore_mem>>)
      } else {
      }
    }
    %scan3A_19 = arith.constant 125 : i32
    %barrier3A_20 = arith.constant 0 : index
    tpu.barrier barrier_id(%barrier3A_20)
    %mul3A = arith.constant 624 : i32
    %mul3A_21 = arith.muli %arg1, %mul3A : i32
    %mul3A_22 = arith.constant 10000 : i32
    %mul3A_23 = arith.muli %arg0, %mul3A_22 : i32
    %add3A = arith.addi %mul3A_23, %mul3A_21 : i32
    "tpu.region"() ({
      %run_scoped3A = tpu.sem_alloc : memref<!tpu.dma_semaphore, #tpu.memory_space<semaphore_mem>>
      %dma_start3A_29 = arith.constant 0 : i32
      %dma_start3A_30 = tpu.memref_slice %arg5[%add3A, %dma_start3A_29] : memref<20000x80xf32, #tpu.memory_space<hbm>> -> memref<624x80xf32, #tpu.memory_space<hbm>>
      %dma_start3A_31 = arith.constant 0 : i32
      %dma_start3A_32 = tpu.memref_slice %arg10[%mul3A_21, %dma_start3A_31] : memref<10000x80xf32, #tpu.memory_space<vmem_shared>> -> memref<624x80xf32, #tpu.memory_space<vmem_shared>>
      tpu.enqueue_dma source(%dma_start3A_32 : memref<624x80xf32, #tpu.memory_space<vmem_shared>>) target(%dma_start3A_30 : memref<624x80xf32, #tpu.memory_space<hbm>>) target_semaphore(%run_scoped3A : memref<!tpu.dma_semaphore, #tpu.memory_space<semaphore_mem>>)
      %dma_wait3A = arith.constant 0 : i32
      %dma_wait3A_33 = tpu.memref_slice %arg5[%add3A, %dma_wait3A] : memref<20000x80xf32, #tpu.memory_space<hbm>> -> memref<624x80xf32, #tpu.memory_space<hbm>>
      %dma_wait3A_34 = arith.constant 0 : i32
      %dma_wait3A_35 = tpu.memref_slice %arg10[%mul3A_21, %dma_wait3A_34] : memref<10000x80xf32, #tpu.memory_space<vmem_shared>> -> memref<624x80xf32, #tpu.memory_space<vmem_shared>>
      tpu.wait_dma2 semaphore(%run_scoped3A : memref<!tpu.dma_semaphore, #tpu.memory_space<semaphore_mem>>) src(%dma_wait3A_35 : memref<624x80xf32, #tpu.memory_space<vmem_shared>>) dst(%dma_wait3A_33 : memref<624x80xf32, #tpu.memory_space<hbm>>)
      tpu.yield
    }) : () -> ()
    %eq3A_24 = arith.constant 15 : i32
    %eq3A_25 = arith.cmpi eq, %arg1, %eq3A_24 : i32
    %convert_element_type3A_26 = arith.extui %eq3A_25 : i1 to i32
    %cond3A_27 = arith.constant 0 : i32
    %cond3A_28 = arith.cmpi ne, %convert_element_type3A_26, %cond3A_27 : i32
    scf.if %cond3A_28 {
      %mul3A_29 = arith.constant 10000 : i32
      %mul3A_30 = arith.muli %arg0, %mul3A_29 : i32
      %add3A_31 = arith.constant 9984 : i32
      %add3A_32 = arith.addi %mul3A_30, %add3A_31 : i32
      "tpu.region"() ({
        %run_scoped3A = tpu.sem_alloc : memref<!tpu.dma_semaphore, #tpu.memory_space<semaphore_mem>>
        %dma_start3A_33 = arith.constant 0 : i32
        %dma_start3A_34 = tpu.memref_slice %arg5[%add3A_32, %dma_start3A_33] : memref<20000x80xf32, #tpu.memory_space<hbm>> -> memref<16x80xf32, #tpu.memory_space<hbm>>
        %dma_start3A_35 = arith.constant 9984 : i32
        %dma_start3A_36 = arith.constant 0 : i32
        %dma_start3A_37 = tpu.memref_slice %arg10[%dma_start3A_35, %dma_start3A_36] : memref<10000x80xf32, #tpu.memory_space<vmem_shared>> -> memref<16x80xf32, #tpu.memory_space<vmem_shared>>
        tpu.enqueue_dma source(%dma_start3A_37 : memref<16x80xf32, #tpu.memory_space<vmem_shared>>) target(%dma_start3A_34 : memref<16x80xf32, #tpu.memory_space<hbm>>) target_semaphore(%run_scoped3A : memref<!tpu.dma_semaphore, #tpu.memory_space<semaphore_mem>>)
        %dma_wait3A = arith.constant 0 : i32
        %dma_wait3A_38 = tpu.memref_slice %arg5[%add3A_32, %dma_wait3A] : memref<20000x80xf32, #tpu.memory_space<hbm>> -> memref<16x80xf32, #tpu.memory_space<hbm>>
        %dma_wait3A_39 = arith.constant 9984 : i32
        %dma_wait3A_40 = arith.constant 0 : i32
        %dma_wait3A_41 = tpu.memref_slice %arg10[%dma_wait3A_39, %dma_wait3A_40] : memref<10000x80xf32, #tpu.memory_space<vmem_shared>> -> memref<16x80xf32, #tpu.memory_space<vmem_shared>>
        tpu.wait_dma2 semaphore(%run_scoped3A : memref<!tpu.dma_semaphore, #tpu.memory_space<semaphore_mem>>) src(%dma_wait3A_41 : memref<16x80xf32, #tpu.memory_space<vmem_shared>>) dst(%dma_wait3A_38 : memref<16x80xf32, #tpu.memory_space<hbm>>)
        tpu.yield
      }) : () -> ()
    } else {
    }
    return
  }
}

#map = affine_map<(d0, d1) -> (0, 0)>
#map1 = affine_map<(d0, d1) -> (0, 0, 0, 0)>
#map2 = affine_map<(d0, d1) -> (0, 0, 0)>
module attributes {stable_mosaic.version = 14 : i64} {
  func.func @_sc_body(%arg0: i32, %arg1: i32, %arg2: memref<20000x80xf32, #tpu.memory_space<hbm>>, %arg3: memref<2x16x250x80xi32, #tpu.memory_space<hbm>>, %arg4: memref<16x250x80xi32, #tpu.memory_space<hbm>>, %arg5: memref<20000x80xf32, #tpu.memory_space<hbm>>, %arg6: memref<250x80xi32, #tpu.memory_space<vmem>>, %arg7: memref<250x80xi32, #tpu.memory_space<vmem>>, %arg8: memref<80x80xf32, #tpu.memory_space<vmem>>, %arg9: memref<80x80xf32, #tpu.memory_space<vmem>>, %arg10: memref<10000x80xf32, #tpu.memory_space<vmem_shared>>, %arg11: memref<!tpu.dma_semaphore, #tpu.memory_space<semaphore_mem>>, %arg12: memref<!tpu.dma_semaphore, #tpu.memory_space<semaphore_mem>>) attributes {dimension_semantics = [#tpu.dimension_semantics<core_parallel>, #tpu.dimension_semantics<subcore_parallel>], iteration_bounds = array<i64: 2, 16>, scalar_prefetch = 0 : i64, scratch_operands = 7 : i64, tpu.core_type = #tpu.core_type<sc_vector_subcore>, window_params = [{transform_indices = #map}, {transform_indices = #map1}, {transform_indices = #map2}, {transform_indices = #map}]} {
    "tpu.region"() ({
      %run_scoped3A = tpu.sem_alloc : memref<!tpu.dma_semaphore, #tpu.memory_space<semaphore_mem>>
      %dma_start3A_29 = arith.constant 0 : i32
      %dma_start3A_30 = arith.constant 0 : i32
      %dma_start3A_31 = tpu.memref_slice %arg3[%arg0, %arg1, %dma_start3A_29, %dma_start3A_30] : memref<2x16x250x80xi32, #tpu.memory_space<hbm>> -> memref<1x1x250x80xi32, #tpu.memory_space<hbm>>
      %dma_start3A_32 = tpu.memref_squeeze %dma_start3A_31 : memref<1x1x250x80xi32, #tpu.memory_space<hbm>> -> memref<250x80xi32, #tpu.memory_space<hbm>>
      %dma_start3A_33 = arith.constant 0 : i32
      %dma_start3A_34 = arith.constant 0 : i32
      %dma_start3A_35 = tpu.memref_slice %arg3[%arg0, %arg1, %dma_start3A_33, %dma_start3A_34] : memref<2x16x250x80xi32, #tpu.memory_space<hbm>> -> memref<1x1x250x80xi32, #tpu.memory_space<hbm>>
      %dma_start3A_36 = tpu.memref_squeeze %dma_start3A_35 : memref<1x1x250x80xi32, #tpu.memory_space<hbm>> -> memref<250x80xi32, #tpu.memory_space<hbm>>
      tpu.enqueue_dma source(%dma_start3A_36 : memref<250x80xi32, #tpu.memory_space<hbm>>) target(%arg6 : memref<250x80xi32, #tpu.memory_space<vmem>>) target_semaphore(%run_scoped3A : memref<!tpu.dma_semaphore, #tpu.memory_space<semaphore_mem>>)
      %dma_wait3A = arith.constant 0 : i32
      %dma_wait3A_37 = arith.constant 0 : i32
      %dma_wait3A_38 = tpu.memref_slice %arg3[%arg0, %arg1, %dma_wait3A, %dma_wait3A_37] : memref<2x16x250x80xi32, #tpu.memory_space<hbm>> -> memref<1x1x250x80xi32, #tpu.memory_space<hbm>>
      %dma_wait3A_39 = tpu.memref_squeeze %dma_wait3A_38 : memref<1x1x250x80xi32, #tpu.memory_space<hbm>> -> memref<250x80xi32, #tpu.memory_space<hbm>>
      %dma_wait3A_40 = arith.constant 0 : i32
      %dma_wait3A_41 = arith.constant 0 : i32
      %dma_wait3A_42 = tpu.memref_slice %arg3[%arg0, %arg1, %dma_wait3A_40, %dma_wait3A_41] : memref<2x16x250x80xi32, #tpu.memory_space<hbm>> -> memref<1x1x250x80xi32, #tpu.memory_space<hbm>>
      %dma_wait3A_43 = tpu.memref_squeeze %dma_wait3A_42 : memref<1x1x250x80xi32, #tpu.memory_space<hbm>> -> memref<250x80xi32, #tpu.memory_space<hbm>>
      tpu.wait_dma2 semaphore(%run_scoped3A : memref<!tpu.dma_semaphore, #tpu.memory_space<semaphore_mem>>) src(%dma_wait3A_43 : memref<250x80xi32, #tpu.memory_space<hbm>>) dst(%arg6 : memref<250x80xi32, #tpu.memory_space<vmem>>)
      tpu.yield
    }) : () -> ()
    "tpu.region"() ({
      %run_scoped3A = tpu.sem_alloc : memref<!tpu.dma_semaphore, #tpu.memory_space<semaphore_mem>>
      %dma_start3A_29 = arith.constant 0 : i32
      %dma_start3A_30 = arith.constant 0 : i32
      %dma_start3A_31 = tpu.memref_slice %arg4[%arg1, %dma_start3A_29, %dma_start3A_30] : memref<16x250x80xi32, #tpu.memory_space<hbm>> -> memref<1x250x80xi32, #tpu.memory_space<hbm>>
      %dma_start3A_32 = tpu.memref_squeeze %dma_start3A_31 : memref<1x250x80xi32, #tpu.memory_space<hbm>> -> memref<250x80xi32, #tpu.memory_space<hbm>>
      %dma_start3A_33 = arith.constant 0 : i32
      %dma_start3A_34 = arith.constant 0 : i32
      %dma_start3A_35 = tpu.memref_slice %arg4[%arg1, %dma_start3A_33, %dma_start3A_34] : memref<16x250x80xi32, #tpu.memory_space<hbm>> -> memref<1x250x80xi32, #tpu.memory_space<hbm>>
      %dma_start3A_36 = tpu.memref_squeeze %dma_start3A_35 : memref<1x250x80xi32, #tpu.memory_space<hbm>> -> memref<250x80xi32, #tpu.memory_space<hbm>>
      tpu.enqueue_dma source(%dma_start3A_36 : memref<250x80xi32, #tpu.memory_space<hbm>>) target(%arg7 : memref<250x80xi32, #tpu.memory_space<vmem>>) target_semaphore(%run_scoped3A : memref<!tpu.dma_semaphore, #tpu.memory_space<semaphore_mem>>)
      %dma_wait3A = arith.constant 0 : i32
      %dma_wait3A_37 = arith.constant 0 : i32
      %dma_wait3A_38 = tpu.memref_slice %arg4[%arg1, %dma_wait3A, %dma_wait3A_37] : memref<16x250x80xi32, #tpu.memory_space<hbm>> -> memref<1x250x80xi32, #tpu.memory_space<hbm>>
      %dma_wait3A_39 = tpu.memref_squeeze %dma_wait3A_38 : memref<1x250x80xi32, #tpu.memory_space<hbm>> -> memref<250x80xi32, #tpu.memory_space<hbm>>
      %dma_wait3A_40 = arith.constant 0 : i32
      %dma_wait3A_41 = arith.constant 0 : i32
      %dma_wait3A_42 = tpu.memref_slice %arg4[%arg1, %dma_wait3A_40, %dma_wait3A_41] : memref<16x250x80xi32, #tpu.memory_space<hbm>> -> memref<1x250x80xi32, #tpu.memory_space<hbm>>
      %dma_wait3A_43 = tpu.memref_squeeze %dma_wait3A_42 : memref<1x250x80xi32, #tpu.memory_space<hbm>> -> memref<250x80xi32, #tpu.memory_space<hbm>>
      tpu.wait_dma2 semaphore(%run_scoped3A : memref<!tpu.dma_semaphore, #tpu.memory_space<semaphore_mem>>) src(%dma_wait3A_43 : memref<250x80xi32, #tpu.memory_space<hbm>>) dst(%arg7 : memref<250x80xi32, #tpu.memory_space<vmem>>)
      tpu.yield
    }) : () -> ()
    %eq3A = arith.constant 0 : i32
    %eq3A_0 = arith.cmpi eq, %arg1, %eq3A : i32
    %convert_element_type3A = arith.extui %eq3A_0 : i1 to i32
    %cond3A = arith.constant 0 : i32
    %cond3A_1 = arith.cmpi ne, %convert_element_type3A, %cond3A : i32
    scf.if %cond3A_1 {
      %mul3A_29 = arith.constant 10000 : i32
      %mul3A_30 = arith.muli %arg0, %mul3A_29 : i32
      "tpu.region"() ({
        %run_scoped3A = tpu.sem_alloc : memref<!tpu.dma_semaphore, #tpu.memory_space<semaphore_mem>>
        %dma_start3A_31 = arith.constant 0 : i32
        %dma_start3A_32 = tpu.memref_slice %arg2[%mul3A_30, %dma_start3A_31] : memref<20000x80xf32, #tpu.memory_space<hbm>> -> memref<10000x80xf32, #tpu.memory_space<hbm>>
        tpu.enqueue_dma source(%dma_start3A_32 : memref<10000x80xf32, #tpu.memory_space<hbm>>) target(%arg10 : memref<10000x80xf32, #tpu.memory_space<vmem_shared>>) target_semaphore(%run_scoped3A : memref<!tpu.dma_semaphore, #tpu.memory_space<semaphore_mem>>)
        %dma_wait3A = arith.constant 0 : i32
        %dma_wait3A_33 = tpu.memref_slice %arg2[%mul3A_30, %dma_wait3A] : memref<20000x80xf32, #tpu.memory_space<hbm>> -> memref<10000x80xf32, #tpu.memory_space<hbm>>
        tpu.wait_dma2 semaphore(%run_scoped3A : memref<!tpu.dma_semaphore, #tpu.memory_space<semaphore_mem>>) src(%dma_wait3A_33 : memref<10000x80xf32, #tpu.memory_space<hbm>>) dst(%arg10 : memref<10000x80xf32, #tpu.memory_space<vmem_shared>>)
        tpu.yield
      }) : () -> ()
    } else {
    }
    %barrier3A = arith.constant 0 : index
    tpu.barrier barrier_id(%barrier3A)
    %dma_start3A = arith.constant 0 : i32
    %dma_start3A_2 = arith.constant 0 : i32
    %dma_start3A_3 = tpu.memref_slice %arg6[%dma_start3A, %dma_start3A_2] : memref<250x80xi32, #tpu.memory_space<vmem>> -> memref<1x80xi32, #tpu.memory_space<vmem>>
    %dma_start3A_4 = tpu.memref_squeeze %dma_start3A_3 : memref<1x80xi32, #tpu.memory_space<vmem>> -> memref<80xi32, #tpu.memory_space<vmem>>
    %dma_start3A_5 = arith.constant 0 : i32
    %dma_start3A_6 = arith.constant 0 : i32
    %dma_start3A_7 = tpu.memref_slice %arg2[%dma_start3A_5, %dma_start3A_6] : memref<20000x80xf32, #tpu.memory_space<hbm>> -> memref<20000x80xf32, #tpu.memory_space<hbm>>
    tpu.enqueue_indirect_dma source(%dma_start3A_7 : memref<20000x80xf32, #tpu.memory_space<hbm>>) target(%arg8 : memref<80x80xf32, #tpu.memory_space<vmem>>) offsets(%dma_start3A_4 : memref<80xi32, #tpu.memory_space<vmem>>) semaphore(%arg11 : memref<!tpu.dma_semaphore, #tpu.memory_space<semaphore_mem>>)
    %dma_start3A_8 = arith.constant 1 : i32
    %dma_start3A_9 = arith.constant 0 : i32
    %dma_start3A_10 = tpu.memref_slice %arg6[%dma_start3A_8, %dma_start3A_9] : memref<250x80xi32, #tpu.memory_space<vmem>> -> memref<1x80xi32, #tpu.memory_space<vmem>>
    %dma_start3A_11 = tpu.memref_squeeze %dma_start3A_10 : memref<1x80xi32, #tpu.memory_space<vmem>> -> memref<80xi32, #tpu.memory_space<vmem>>
    %dma_start3A_12 = arith.constant 0 : i32
    %dma_start3A_13 = arith.constant 0 : i32
    %dma_start3A_14 = tpu.memref_slice %arg2[%dma_start3A_12, %dma_start3A_13] : memref<20000x80xf32, #tpu.memory_space<hbm>> -> memref<20000x80xf32, #tpu.memory_space<hbm>>
    tpu.enqueue_indirect_dma source(%dma_start3A_14 : memref<20000x80xf32, #tpu.memory_space<hbm>>) target(%arg9 : memref<80x80xf32, #tpu.memory_space<vmem>>) offsets(%dma_start3A_11 : memref<80xi32, #tpu.memory_space<vmem>>) semaphore(%arg12 : memref<!tpu.dma_semaphore, #tpu.memory_space<semaphore_mem>>)
    %scan3A = arith.constant 0 : i32
    %scan3A_15 = arith.constant 0 : i32
    %scan3A_16 = arith.constant 125 : i32
    %scan3A_17 = arith.addi %scan3A_15, %scan3A_16 : i32
    %scan3A_18 = arith.constant 1 : i32
    scf.for %scan3A_29 = %scan3A_15 to %scan3A_17 step %scan3A_18  : i32 {
      %mul3A_30 = arith.constant 2 : i32
      %mul3A_31 = arith.muli %mul3A_30, %scan3A_29 : i32
      %dma_wait3A = arith.constant 0 : i32
      %dma_wait3A_32 = tpu.memref_slice %arg6[%mul3A_31, %dma_wait3A] : memref<250x80xi32, #tpu.memory_space<vmem>> -> memref<1x80xi32, #tpu.memory_space<vmem>>
      %dma_wait3A_33 = tpu.memref_squeeze %dma_wait3A_32 : memref<1x80xi32, #tpu.memory_space<vmem>> -> memref<80xi32, #tpu.memory_space<vmem>>
      %dma_wait3A_34 = arith.constant 0 : i32
      %dma_wait3A_35 = arith.constant 0 : i32
      %dma_wait3A_36 = tpu.memref_slice %arg2[%dma_wait3A_34, %dma_wait3A_35] : memref<20000x80xf32, #tpu.memory_space<hbm>> -> memref<20000x80xf32, #tpu.memory_space<hbm>>
      tpu.wait_indirect_dma semaphore(%arg11 : memref<!tpu.dma_semaphore, #tpu.memory_space<semaphore_mem>>) src(%dma_wait3A_36 : memref<20000x80xf32, #tpu.memory_space<hbm>>) dst(%arg8 : memref<80x80xf32, #tpu.memory_space<vmem>>)
      "tpu.region"() ({
        %run_scoped3A = tpu.sem_alloc : memref<!tpu.dma_semaphore, #tpu.memory_space<semaphore_mem>>
        %dma_start3A_60 = arith.constant 0 : i32
        %dma_start3A_61 = tpu.memref_slice %arg7[%mul3A_31, %dma_start3A_60] : memref<250x80xi32, #tpu.memory_space<vmem>> -> memref<1x80xi32, #tpu.memory_space<vmem>>
        %dma_start3A_62 = tpu.memref_squeeze %dma_start3A_61 : memref<1x80xi32, #tpu.memory_space<vmem>> -> memref<80xi32, #tpu.memory_space<vmem>>
        %dma_start3A_63 = arith.constant 0 : i32
        %dma_start3A_64 = arith.constant 0 : i32
        %dma_start3A_65 = tpu.memref_slice %arg10[%dma_start3A_63, %dma_start3A_64] : memref<10000x80xf32, #tpu.memory_space<vmem_shared>> -> memref<10000x80xf32, #tpu.memory_space<vmem_shared>>
        tpu.enqueue_indirect_dma source(%arg8 : memref<80x80xf32, #tpu.memory_space<vmem>>) target(%dma_start3A_65 : memref<10000x80xf32, #tpu.memory_space<vmem_shared>>) offsets(%dma_start3A_62 : memref<80xi32, #tpu.memory_space<vmem>>) semaphore(%run_scoped3A : memref<!tpu.dma_semaphore, #tpu.memory_space<semaphore_mem>>) {add = true}
        %dma_wait3A_66 = arith.constant 0 : i32
        %dma_wait3A_67 = tpu.memref_slice %arg7[%mul3A_31, %dma_wait3A_66] : memref<250x80xi32, #tpu.memory_space<vmem>> -> memref<1x80xi32, #tpu.memory_space<vmem>>
        %dma_wait3A_68 = tpu.memref_squeeze %dma_wait3A_67 : memref<1x80xi32, #tpu.memory_space<vmem>> -> memref<80xi32, #tpu.memory_space<vmem>>
        %dma_wait3A_69 = arith.constant 0 : i32
        %dma_wait3A_70 = arith.constant 0 : i32
        %dma_wait3A_71 = tpu.memref_slice %arg10[%dma_wait3A_69, %dma_wait3A_70] : memref<10000x80xf32, #tpu.memory_space<vmem_shared>> -> memref<10000x80xf32, #tpu.memory_space<vmem_shared>>
        tpu.wait_indirect_dma semaphore(%run_scoped3A : memref<!tpu.dma_semaphore, #tpu.memory_space<semaphore_mem>>) src(%arg8 : memref<80x80xf32, #tpu.memory_space<vmem>>) dst(%dma_wait3A_71 : memref<10000x80xf32, #tpu.memory_space<vmem_shared>>)
        tpu.yield
      }) : () -> ()
      %add3A_37 = arith.constant 2 : i32
      %add3A_38 = arith.addi %mul3A_31, %add3A_37 : i32
      %lt3A = arith.constant 250 : i32
      %lt3A_39 = arith.cmpi slt, %add3A_38, %lt3A : i32
      %convert_element_type3A_40 = arith.extui %lt3A_39 : i1 to i32
      %cond3A_41 = arith.constant 0 : i32
      %cond3A_42 = arith.cmpi ne, %convert_element_type3A_40, %cond3A_41 : i32
      scf.if %cond3A_42 {
        %add3A_60 = arith.constant 2 : i32
        %add3A_61 = arith.addi %mul3A_31, %add3A_60 : i32
        %dma_start3A_62 = arith.constant 0 : i32
        %dma_start3A_63 = tpu.memref_slice %arg6[%add3A_61, %dma_start3A_62] : memref<250x80xi32, #tpu.memory_space<vmem>> -> memref<1x80xi32, #tpu.memory_space<vmem>>
        %dma_start3A_64 = tpu.memref_squeeze %dma_start3A_63 : memref<1x80xi32, #tpu.memory_space<vmem>> -> memref<80xi32, #tpu.memory_space<vmem>>
        %dma_start3A_65 = arith.constant 0 : i32
        %dma_start3A_66 = arith.constant 0 : i32
        %dma_start3A_67 = tpu.memref_slice %arg2[%dma_start3A_65, %dma_start3A_66] : memref<20000x80xf32, #tpu.memory_space<hbm>> -> memref<20000x80xf32, #tpu.memory_space<hbm>>
        tpu.enqueue_indirect_dma source(%dma_start3A_67 : memref<20000x80xf32, #tpu.memory_space<hbm>>) target(%arg8 : memref<80x80xf32, #tpu.memory_space<vmem>>) offsets(%dma_start3A_64 : memref<80xi32, #tpu.memory_space<vmem>>) semaphore(%arg11 : memref<!tpu.dma_semaphore, #tpu.memory_space<semaphore_mem>>)
      } else {
      }
      %add3A_43 = arith.constant 1 : i32
      %add3A_44 = arith.addi %mul3A_31, %add3A_43 : i32
      %dma_wait3A_45 = arith.constant 0 : i32
      %dma_wait3A_46 = tpu.memref_slice %arg6[%add3A_44, %dma_wait3A_45] : memref<250x80xi32, #tpu.memory_space<vmem>> -> memref<1x80xi32, #tpu.memory_space<vmem>>
      %dma_wait3A_47 = tpu.memref_squeeze %dma_wait3A_46 : memref<1x80xi32, #tpu.memory_space<vmem>> -> memref<80xi32, #tpu.memory_space<vmem>>
      %dma_wait3A_48 = arith.constant 0 : i32
      %dma_wait3A_49 = arith.constant 0 : i32
      %dma_wait3A_50 = tpu.memref_slice %arg2[%dma_wait3A_48, %dma_wait3A_49] : memref<20000x80xf32, #tpu.memory_space<hbm>> -> memref<20000x80xf32, #tpu.memory_space<hbm>>
      tpu.wait_indirect_dma semaphore(%arg12 : memref<!tpu.dma_semaphore, #tpu.memory_space<semaphore_mem>>) src(%dma_wait3A_50 : memref<20000x80xf32, #tpu.memory_space<hbm>>) dst(%arg9 : memref<80x80xf32, #tpu.memory_space<vmem>>)
      %add3A_51 = arith.constant 1 : i32
      %add3A_52 = arith.addi %mul3A_31, %add3A_51 : i32
      "tpu.region"() ({
        %run_scoped3A = tpu.sem_alloc : memref<!tpu.dma_semaphore, #tpu.memory_space<semaphore_mem>>
        %dma_start3A_60 = arith.constant 0 : i32
        %dma_start3A_61 = tpu.memref_slice %arg7[%add3A_52, %dma_start3A_60] : memref<250x80xi32, #tpu.memory_space<vmem>> -> memref<1x80xi32, #tpu.memory_space<vmem>>
        %dma_start3A_62 = tpu.memref_squeeze %dma_start3A_61 : memref<1x80xi32, #tpu.memory_space<vmem>> -> memref<80xi32, #tpu.memory_space<vmem>>
        %dma_start3A_63 = arith.constant 0 : i32
        %dma_start3A_64 = arith.constant 0 : i32
        %dma_start3A_65 = tpu.memref_slice %arg10[%dma_start3A_63, %dma_start3A_64] : memref<10000x80xf32, #tpu.memory_space<vmem_shared>> -> memref<10000x80xf32, #tpu.memory_space<vmem_shared>>
        tpu.enqueue_indirect_dma source(%arg9 : memref<80x80xf32, #tpu.memory_space<vmem>>) target(%dma_start3A_65 : memref<10000x80xf32, #tpu.memory_space<vmem_shared>>) offsets(%dma_start3A_62 : memref<80xi32, #tpu.memory_space<vmem>>) semaphore(%run_scoped3A : memref<!tpu.dma_semaphore, #tpu.memory_space<semaphore_mem>>) {add = true}
        %dma_wait3A_66 = arith.constant 0 : i32
        %dma_wait3A_67 = tpu.memref_slice %arg7[%add3A_52, %dma_wait3A_66] : memref<250x80xi32, #tpu.memory_space<vmem>> -> memref<1x80xi32, #tpu.memory_space<vmem>>
        %dma_wait3A_68 = tpu.memref_squeeze %dma_wait3A_67 : memref<1x80xi32, #tpu.memory_space<vmem>> -> memref<80xi32, #tpu.memory_space<vmem>>
        %dma_wait3A_69 = arith.constant 0 : i32
        %dma_wait3A_70 = arith.constant 0 : i32
        %dma_wait3A_71 = tpu.memref_slice %arg10[%dma_wait3A_69, %dma_wait3A_70] : memref<10000x80xf32, #tpu.memory_space<vmem_shared>> -> memref<10000x80xf32, #tpu.memory_space<vmem_shared>>
        tpu.wait_indirect_dma semaphore(%run_scoped3A : memref<!tpu.dma_semaphore, #tpu.memory_space<semaphore_mem>>) src(%arg9 : memref<80x80xf32, #tpu.memory_space<vmem>>) dst(%dma_wait3A_71 : memref<10000x80xf32, #tpu.memory_space<vmem_shared>>)
        tpu.yield
      }) : () -> ()
      %add3A_53 = arith.constant 3 : i32
      %add3A_54 = arith.addi %mul3A_31, %add3A_53 : i32
      %lt3A_55 = arith.constant 250 : i32
      %lt3A_56 = arith.cmpi slt, %add3A_54, %lt3A_55 : i32
      %convert_element_type3A_57 = arith.extui %lt3A_56 : i1 to i32
      %cond3A_58 = arith.constant 0 : i32
      %cond3A_59 = arith.cmpi ne, %convert_element_type3A_57, %cond3A_58 : i32
      scf.if %cond3A_59 {
        %add3A_60 = arith.constant 3 : i32
        %add3A_61 = arith.addi %mul3A_31, %add3A_60 : i32
        %dma_start3A_62 = arith.constant 0 : i32
        %dma_start3A_63 = tpu.memref_slice %arg6[%add3A_61, %dma_start3A_62] : memref<250x80xi32, #tpu.memory_space<vmem>> -> memref<1x80xi32, #tpu.memory_space<vmem>>
        %dma_start3A_64 = tpu.memref_squeeze %dma_start3A_63 : memref<1x80xi32, #tpu.memory_space<vmem>> -> memref<80xi32, #tpu.memory_space<vmem>>
        %dma_start3A_65 = arith.constant 0 : i32
        %dma_start3A_66 = arith.constant 0 : i32
        %dma_start3A_67 = tpu.memref_slice %arg2[%dma_start3A_65, %dma_start3A_66] : memref<20000x80xf32, #tpu.memory_space<hbm>> -> memref<20000x80xf32, #tpu.memory_space<hbm>>
        tpu.enqueue_indirect_dma source(%dma_start3A_67 : memref<20000x80xf32, #tpu.memory_space<hbm>>) target(%arg9 : memref<80x80xf32, #tpu.memory_space<vmem>>) offsets(%dma_start3A_64 : memref<80xi32, #tpu.memory_space<vmem>>) semaphore(%arg12 : memref<!tpu.dma_semaphore, #tpu.memory_space<semaphore_mem>>)
      } else {
      }
    }
    %scan3A_19 = arith.constant 125 : i32
    %barrier3A_20 = arith.constant 0 : index
    tpu.barrier barrier_id(%barrier3A_20)
    %mul3A = arith.constant 624 : i32
    %mul3A_21 = arith.muli %arg1, %mul3A : i32
    %mul3A_22 = arith.constant 10000 : i32
    %mul3A_23 = arith.muli %arg0, %mul3A_22 : i32
    %add3A = arith.addi %mul3A_23, %mul3A_21 : i32
    "tpu.region"() ({
      %run_scoped3A = tpu.sem_alloc : memref<!tpu.dma_semaphore, #tpu.memory_space<semaphore_mem>>
      %dma_start3A_29 = arith.constant 0 : i32
      %dma_start3A_30 = tpu.memref_slice %arg5[%add3A, %dma_start3A_29] : memref<20000x80xf32, #tpu.memory_space<hbm>> -> memref<624x80xf32, #tpu.memory_space<hbm>>
      %dma_start3A_31 = arith.constant 0 : i32
      %dma_start3A_32 = tpu.memref_slice %arg10[%mul3A_21, %dma_start3A_31] : memref<10000x80xf32, #tpu.memory_space<vmem_shared>> -> memref<624x80xf32, #tpu.memory_space<vmem_shared>>
      tpu.enqueue_dma source(%dma_start3A_32 : memref<624x80xf32, #tpu.memory_space<vmem_shared>>) target(%dma_start3A_30 : memref<624x80xf32, #tpu.memory_space<hbm>>) target_semaphore(%run_scoped3A : memref<!tpu.dma_semaphore, #tpu.memory_space<semaphore_mem>>)
      %dma_wait3A = arith.constant 0 : i32
      %dma_wait3A_33 = tpu.memref_slice %arg5[%add3A, %dma_wait3A] : memref<20000x80xf32, #tpu.memory_space<hbm>> -> memref<624x80xf32, #tpu.memory_space<hbm>>
      %dma_wait3A_34 = arith.constant 0 : i32
      %dma_wait3A_35 = tpu.memref_slice %arg10[%mul3A_21, %dma_wait3A_34] : memref<10000x80xf32, #tpu.memory_space<vmem_shared>> -> memref<624x80xf32, #tpu.memory_space<vmem_shared>>
      tpu.wait_dma2 semaphore(%run_scoped3A : memref<!tpu.dma_semaphore, #tpu.memory_space<semaphore_mem>>) src(%dma_wait3A_35 : memref<624x80xf32, #tpu.memory_space<vmem_shared>>) dst(%dma_wait3A_33 : memref<624x80xf32, #tpu.memory_space<hbm>>)
      tpu.yield
    }) : () -> ()
    %eq3A_24 = arith.constant 15 : i32
    %eq3A_25 = arith.cmpi eq, %arg1, %eq3A_24 : i32
    %convert_element_type3A_26 = arith.extui %eq3A_25 : i1 to i32
    %cond3A_27 = arith.constant 0 : i32
    %cond3A_28 = arith.cmpi ne, %convert_element_type3A_26, %cond3A_27 : i32
    scf.if %cond3A_28 {
      %mul3A_29 = arith.constant 10000 : i32
      %mul3A_30 = arith.muli %arg0, %mul3A_29 : i32
      %add3A_31 = arith.constant 9984 : i32
      %add3A_32 = arith.addi %mul3A_30, %add3A_31 : i32
      "tpu.region"() ({
        %run_scoped3A = tpu.sem_alloc : memref<!tpu.dma_semaphore, #tpu.memory_space<semaphore_mem>>
        %dma_start3A_33 = arith.constant 0 : i32
        %dma_start3A_34 = tpu.memref_slice %arg5[%add3A_32, %dma_start3A_33] : memref<20000x80xf32, #tpu.memory_space<hbm>> -> memref<16x80xf32, #tpu.memory_space<hbm>>
        %dma_start3A_35 = arith.constant 9984 : i32
        %dma_start3A_36 = arith.constant 0 : i32
        %dma_start3A_37 = tpu.memref_slice %arg10[%dma_start3A_35, %dma_start3A_36] : memref<10000x80xf32, #tpu.memory_space<vmem_shared>> -> memref<16x80xf32, #tpu.memory_space<vmem_shared>>
        tpu.enqueue_dma source(%dma_start3A_37 : memref<16x80xf32, #tpu.memory_space<vmem_shared>>) target(%dma_start3A_34 : memref<16x80xf32, #tpu.memory_space<hbm>>) target_semaphore(%run_scoped3A : memref<!tpu.dma_semaphore, #tpu.memory_space<semaphore_mem>>)
        %dma_wait3A = arith.constant 0 : i32
        %dma_wait3A_38 = tpu.memref_slice %arg5[%add3A_32, %dma_wait3A] : memref<20000x80xf32, #tpu.memory_space<hbm>> -> memref<16x80xf32, #tpu.memory_space<hbm>>
        %dma_wait3A_39 = arith.constant 9984 : i32
        %dma_wait3A_40 = arith.constant 0 : i32
        %dma_wait3A_41 = tpu.memref_slice %arg10[%dma_wait3A_39, %dma_wait3A_40] : memref<10000x80xf32, #tpu.memory_space<vmem_shared>> -> memref<16x80xf32, #tpu.memory_space<vmem_shared>>
        tpu.wait_dma2 semaphore(%run_scoped3A : memref<!tpu.dma_semaphore, #tpu.memory_space<semaphore_mem>>) src(%dma_wait3A_41 : memref<16x80xf32, #tpu.memory_space<vmem_shared>>) dst(%dma_wait3A_38 : memref<16x80xf32, #tpu.memory_space<hbm>>)
        tpu.yield
      }) : () -> ()
    } else {
    }
    return
  }
}

#map = affine_map<(d0, d1) -> (0, 0)>
#map1 = affine_map<(d0, d1) -> (0, 0, 0, 0)>
#map2 = affine_map<(d0, d1) -> (0, 0, 0)>
module attributes {stable_mosaic.version = 14 : i64} {
  func.func @_sc_body(%arg0: i32, %arg1: i32, %arg2: memref<20000x80xf32, #tpu.memory_space<hbm>>, %arg3: memref<2x16x250x80xi32, #tpu.memory_space<hbm>>, %arg4: memref<16x250x80xi32, #tpu.memory_space<hbm>>, %arg5: memref<20000x80xf32, #tpu.memory_space<hbm>>, %arg6: memref<250x80xi32, #tpu.memory_space<vmem>>, %arg7: memref<250x80xi32, #tpu.memory_space<vmem>>, %arg8: memref<80x80xf32, #tpu.memory_space<vmem>>, %arg9: memref<80x80xf32, #tpu.memory_space<vmem>>, %arg10: memref<10000x80xf32, #tpu.memory_space<vmem_shared>>, %arg11: memref<!tpu.dma_semaphore, #tpu.memory_space<semaphore_mem>>, %arg12: memref<!tpu.dma_semaphore, #tpu.memory_space<semaphore_mem>>) attributes {dimension_semantics = [#tpu.dimension_semantics<core_parallel>, #tpu.dimension_semantics<subcore_parallel>], iteration_bounds = array<i64: 2, 16>, scalar_prefetch = 0 : i64, scratch_operands = 7 : i64, tpu.core_type = #tpu.core_type<sc_vector_subcore>, window_params = [{transform_indices = #map}, {transform_indices = #map1}, {transform_indices = #map2}, {transform_indices = #map}]} {
    "tpu.region"() ({
      %run_scoped3A = tpu.sem_alloc : memref<!tpu.dma_semaphore, #tpu.memory_space<semaphore_mem>>
      %dma_start3A_29 = arith.constant 0 : i32
      %dma_start3A_30 = arith.constant 0 : i32
      %dma_start3A_31 = tpu.memref_slice %arg3[%arg0, %arg1, %dma_start3A_29, %dma_start3A_30] : memref<2x16x250x80xi32, #tpu.memory_space<hbm>> -> memref<1x1x250x80xi32, #tpu.memory_space<hbm>>
      %dma_start3A_32 = tpu.memref_squeeze %dma_start3A_31 : memref<1x1x250x80xi32, #tpu.memory_space<hbm>> -> memref<250x80xi32, #tpu.memory_space<hbm>>
      %dma_start3A_33 = arith.constant 0 : i32
      %dma_start3A_34 = arith.constant 0 : i32
      %dma_start3A_35 = tpu.memref_slice %arg3[%arg0, %arg1, %dma_start3A_33, %dma_start3A_34] : memref<2x16x250x80xi32, #tpu.memory_space<hbm>> -> memref<1x1x250x80xi32, #tpu.memory_space<hbm>>
      %dma_start3A_36 = tpu.memref_squeeze %dma_start3A_35 : memref<1x1x250x80xi32, #tpu.memory_space<hbm>> -> memref<250x80xi32, #tpu.memory_space<hbm>>
      tpu.enqueue_dma source(%dma_start3A_36 : memref<250x80xi32, #tpu.memory_space<hbm>>) target(%arg6 : memref<250x80xi32, #tpu.memory_space<vmem>>) target_semaphore(%run_scoped3A : memref<!tpu.dma_semaphore, #tpu.memory_space<semaphore_mem>>)
      %dma_wait3A = arith.constant 0 : i32
      %dma_wait3A_37 = arith.constant 0 : i32
      %dma_wait3A_38 = tpu.memref_slice %arg3[%arg0, %arg1, %dma_wait3A, %dma_wait3A_37] : memref<2x16x250x80xi32, #tpu.memory_space<hbm>> -> memref<1x1x250x80xi32, #tpu.memory_space<hbm>>
      %dma_wait3A_39 = tpu.memref_squeeze %dma_wait3A_38 : memref<1x1x250x80xi32, #tpu.memory_space<hbm>> -> memref<250x80xi32, #tpu.memory_space<hbm>>
      %dma_wait3A_40 = arith.constant 0 : i32
      %dma_wait3A_41 = arith.constant 0 : i32
      %dma_wait3A_42 = tpu.memref_slice %arg3[%arg0, %arg1, %dma_wait3A_40, %dma_wait3A_41] : memref<2x16x250x80xi32, #tpu.memory_space<hbm>> -> memref<1x1x250x80xi32, #tpu.memory_space<hbm>>
      %dma_wait3A_43 = tpu.memref_squeeze %dma_wait3A_42 : memref<1x1x250x80xi32, #tpu.memory_space<hbm>> -> memref<250x80xi32, #tpu.memory_space<hbm>>
      tpu.wait_dma2 semaphore(%run_scoped3A : memref<!tpu.dma_semaphore, #tpu.memory_space<semaphore_mem>>) src(%dma_wait3A_43 : memref<250x80xi32, #tpu.memory_space<hbm>>) dst(%arg6 : memref<250x80xi32, #tpu.memory_space<vmem>>)
      tpu.yield
    }) : () -> ()
    "tpu.region"() ({
      %run_scoped3A = tpu.sem_alloc : memref<!tpu.dma_semaphore, #tpu.memory_space<semaphore_mem>>
      %dma_start3A_29 = arith.constant 0 : i32
      %dma_start3A_30 = arith.constant 0 : i32
      %dma_start3A_31 = tpu.memref_slice %arg4[%arg1, %dma_start3A_29, %dma_start3A_30] : memref<16x250x80xi32, #tpu.memory_space<hbm>> -> memref<1x250x80xi32, #tpu.memory_space<hbm>>
      %dma_start3A_32 = tpu.memref_squeeze %dma_start3A_31 : memref<1x250x80xi32, #tpu.memory_space<hbm>> -> memref<250x80xi32, #tpu.memory_space<hbm>>
      %dma_start3A_33 = arith.constant 0 : i32
      %dma_start3A_34 = arith.constant 0 : i32
      %dma_start3A_35 = tpu.memref_slice %arg4[%arg1, %dma_start3A_33, %dma_start3A_34] : memref<16x250x80xi32, #tpu.memory_space<hbm>> -> memref<1x250x80xi32, #tpu.memory_space<hbm>>
      %dma_start3A_36 = tpu.memref_squeeze %dma_start3A_35 : memref<1x250x80xi32, #tpu.memory_space<hbm>> -> memref<250x80xi32, #tpu.memory_space<hbm>>
      tpu.enqueue_dma source(%dma_start3A_36 : memref<250x80xi32, #tpu.memory_space<hbm>>) target(%arg7 : memref<250x80xi32, #tpu.memory_space<vmem>>) target_semaphore(%run_scoped3A : memref<!tpu.dma_semaphore, #tpu.memory_space<semaphore_mem>>)
      %dma_wait3A = arith.constant 0 : i32
      %dma_wait3A_37 = arith.constant 0 : i32
      %dma_wait3A_38 = tpu.memref_slice %arg4[%arg1, %dma_wait3A, %dma_wait3A_37] : memref<16x250x80xi32, #tpu.memory_space<hbm>> -> memref<1x250x80xi32, #tpu.memory_space<hbm>>
      %dma_wait3A_39 = tpu.memref_squeeze %dma_wait3A_38 : memref<1x250x80xi32, #tpu.memory_space<hbm>> -> memref<250x80xi32, #tpu.memory_space<hbm>>
      %dma_wait3A_40 = arith.constant 0 : i32
      %dma_wait3A_41 = arith.constant 0 : i32
      %dma_wait3A_42 = tpu.memref_slice %arg4[%arg1, %dma_wait3A_40, %dma_wait3A_41] : memref<16x250x80xi32, #tpu.memory_space<hbm>> -> memref<1x250x80xi32, #tpu.memory_space<hbm>>
      %dma_wait3A_43 = tpu.memref_squeeze %dma_wait3A_42 : memref<1x250x80xi32, #tpu.memory_space<hbm>> -> memref<250x80xi32, #tpu.memory_space<hbm>>
      tpu.wait_dma2 semaphore(%run_scoped3A : memref<!tpu.dma_semaphore, #tpu.memory_space<semaphore_mem>>) src(%dma_wait3A_43 : memref<250x80xi32, #tpu.memory_space<hbm>>) dst(%arg7 : memref<250x80xi32, #tpu.memory_space<vmem>>)
      tpu.yield
    }) : () -> ()
    %eq3A = arith.constant 0 : i32
    %eq3A_0 = arith.cmpi eq, %arg1, %eq3A : i32
    %convert_element_type3A = arith.extui %eq3A_0 : i1 to i32
    %cond3A = arith.constant 0 : i32
    %cond3A_1 = arith.cmpi ne, %convert_element_type3A, %cond3A : i32
    scf.if %cond3A_1 {
      %mul3A_29 = arith.constant 10000 : i32
      %mul3A_30 = arith.muli %arg0, %mul3A_29 : i32
      "tpu.region"() ({
        %run_scoped3A = tpu.sem_alloc : memref<!tpu.dma_semaphore, #tpu.memory_space<semaphore_mem>>
        %dma_start3A_31 = arith.constant 0 : i32
        %dma_start3A_32 = tpu.memref_slice %arg2[%mul3A_30, %dma_start3A_31] : memref<20000x80xf32, #tpu.memory_space<hbm>> -> memref<10000x80xf32, #tpu.memory_space<hbm>>
        tpu.enqueue_dma source(%dma_start3A_32 : memref<10000x80xf32, #tpu.memory_space<hbm>>) target(%arg10 : memref<10000x80xf32, #tpu.memory_space<vmem_shared>>) target_semaphore(%run_scoped3A : memref<!tpu.dma_semaphore, #tpu.memory_space<semaphore_mem>>)
        %dma_wait3A = arith.constant 0 : i32
        %dma_wait3A_33 = tpu.memref_slice %arg2[%mul3A_30, %dma_wait3A] : memref<20000x80xf32, #tpu.memory_space<hbm>> -> memref<10000x80xf32, #tpu.memory_space<hbm>>
        tpu.wait_dma2 semaphore(%run_scoped3A : memref<!tpu.dma_semaphore, #tpu.memory_space<semaphore_mem>>) src(%dma_wait3A_33 : memref<10000x80xf32, #tpu.memory_space<hbm>>) dst(%arg10 : memref<10000x80xf32, #tpu.memory_space<vmem_shared>>)
        tpu.yield
      }) : () -> ()
    } else {
    }
    %barrier3A = arith.constant 0 : index
    tpu.barrier barrier_id(%barrier3A)
    %dma_start3A = arith.constant 0 : i32
    %dma_start3A_2 = arith.constant 0 : i32
    %dma_start3A_3 = tpu.memref_slice %arg6[%dma_start3A, %dma_start3A_2] : memref<250x80xi32, #tpu.memory_space<vmem>> -> memref<1x80xi32, #tpu.memory_space<vmem>>
    %dma_start3A_4 = tpu.memref_squeeze %dma_start3A_3 : memref<1x80xi32, #tpu.memory_space<vmem>> -> memref<80xi32, #tpu.memory_space<vmem>>
    %dma_start3A_5 = arith.constant 0 : i32
    %dma_start3A_6 = arith.constant 0 : i32
    %dma_start3A_7 = tpu.memref_slice %arg2[%dma_start3A_5, %dma_start3A_6] : memref<20000x80xf32, #tpu.memory_space<hbm>> -> memref<20000x80xf32, #tpu.memory_space<hbm>>
    tpu.enqueue_indirect_dma source(%dma_start3A_7 : memref<20000x80xf32, #tpu.memory_space<hbm>>) target(%arg8 : memref<80x80xf32, #tpu.memory_space<vmem>>) offsets(%dma_start3A_4 : memref<80xi32, #tpu.memory_space<vmem>>) semaphore(%arg11 : memref<!tpu.dma_semaphore, #tpu.memory_space<semaphore_mem>>)
    %dma_start3A_8 = arith.constant 1 : i32
    %dma_start3A_9 = arith.constant 0 : i32
    %dma_start3A_10 = tpu.memref_slice %arg6[%dma_start3A_8, %dma_start3A_9] : memref<250x80xi32, #tpu.memory_space<vmem>> -> memref<1x80xi32, #tpu.memory_space<vmem>>
    %dma_start3A_11 = tpu.memref_squeeze %dma_start3A_10 : memref<1x80xi32, #tpu.memory_space<vmem>> -> memref<80xi32, #tpu.memory_space<vmem>>
    %dma_start3A_12 = arith.constant 0 : i32
    %dma_start3A_13 = arith.constant 0 : i32
    %dma_start3A_14 = tpu.memref_slice %arg2[%dma_start3A_12, %dma_start3A_13] : memref<20000x80xf32, #tpu.memory_space<hbm>> -> memref<20000x80xf32, #tpu.memory_space<hbm>>
    tpu.enqueue_indirect_dma source(%dma_start3A_14 : memref<20000x80xf32, #tpu.memory_space<hbm>>) target(%arg9 : memref<80x80xf32, #tpu.memory_space<vmem>>) offsets(%dma_start3A_11 : memref<80xi32, #tpu.memory_space<vmem>>) semaphore(%arg12 : memref<!tpu.dma_semaphore, #tpu.memory_space<semaphore_mem>>)
    %scan3A = arith.constant 0 : i32
    %scan3A_15 = arith.constant 0 : i32
    %scan3A_16 = arith.constant 125 : i32
    %scan3A_17 = arith.addi %scan3A_15, %scan3A_16 : i32
    %scan3A_18 = arith.constant 1 : i32
    scf.for %scan3A_29 = %scan3A_15 to %scan3A_17 step %scan3A_18  : i32 {
      %mul3A_30 = arith.constant 2 : i32
      %mul3A_31 = arith.muli %mul3A_30, %scan3A_29 : i32
      %dma_wait3A = arith.constant 0 : i32
      %dma_wait3A_32 = tpu.memref_slice %arg6[%mul3A_31, %dma_wait3A] : memref<250x80xi32, #tpu.memory_space<vmem>> -> memref<1x80xi32, #tpu.memory_space<vmem>>
      %dma_wait3A_33 = tpu.memref_squeeze %dma_wait3A_32 : memref<1x80xi32, #tpu.memory_space<vmem>> -> memref<80xi32, #tpu.memory_space<vmem>>
      %dma_wait3A_34 = arith.constant 0 : i32
      %dma_wait3A_35 = arith.constant 0 : i32
      %dma_wait3A_36 = tpu.memref_slice %arg2[%dma_wait3A_34, %dma_wait3A_35] : memref<20000x80xf32, #tpu.memory_space<hbm>> -> memref<20000x80xf32, #tpu.memory_space<hbm>>
      tpu.wait_indirect_dma semaphore(%arg11 : memref<!tpu.dma_semaphore, #tpu.memory_space<semaphore_mem>>) src(%dma_wait3A_36 : memref<20000x80xf32, #tpu.memory_space<hbm>>) dst(%arg8 : memref<80x80xf32, #tpu.memory_space<vmem>>)
      "tpu.region"() ({
        %run_scoped3A = tpu.sem_alloc : memref<!tpu.dma_semaphore, #tpu.memory_space<semaphore_mem>>
        %dma_start3A_60 = arith.constant 0 : i32
        %dma_start3A_61 = tpu.memref_slice %arg7[%mul3A_31, %dma_start3A_60] : memref<250x80xi32, #tpu.memory_space<vmem>> -> memref<1x80xi32, #tpu.memory_space<vmem>>
        %dma_start3A_62 = tpu.memref_squeeze %dma_start3A_61 : memref<1x80xi32, #tpu.memory_space<vmem>> -> memref<80xi32, #tpu.memory_space<vmem>>
        %dma_start3A_63 = arith.constant 0 : i32
        %dma_start3A_64 = arith.constant 0 : i32
        %dma_start3A_65 = tpu.memref_slice %arg10[%dma_start3A_63, %dma_start3A_64] : memref<10000x80xf32, #tpu.memory_space<vmem_shared>> -> memref<10000x80xf32, #tpu.memory_space<vmem_shared>>
        tpu.enqueue_indirect_dma source(%arg8 : memref<80x80xf32, #tpu.memory_space<vmem>>) target(%dma_start3A_65 : memref<10000x80xf32, #tpu.memory_space<vmem_shared>>) offsets(%dma_start3A_62 : memref<80xi32, #tpu.memory_space<vmem>>) semaphore(%run_scoped3A : memref<!tpu.dma_semaphore, #tpu.memory_space<semaphore_mem>>) {add = true}
        %dma_wait3A_66 = arith.constant 0 : i32
        %dma_wait3A_67 = tpu.memref_slice %arg7[%mul3A_31, %dma_wait3A_66] : memref<250x80xi32, #tpu.memory_space<vmem>> -> memref<1x80xi32, #tpu.memory_space<vmem>>
        %dma_wait3A_68 = tpu.memref_squeeze %dma_wait3A_67 : memref<1x80xi32, #tpu.memory_space<vmem>> -> memref<80xi32, #tpu.memory_space<vmem>>
        %dma_wait3A_69 = arith.constant 0 : i32
        %dma_wait3A_70 = arith.constant 0 : i32
        %dma_wait3A_71 = tpu.memref_slice %arg10[%dma_wait3A_69, %dma_wait3A_70] : memref<10000x80xf32, #tpu.memory_space<vmem_shared>> -> memref<10000x80xf32, #tpu.memory_space<vmem_shared>>
        tpu.wait_indirect_dma semaphore(%run_scoped3A : memref<!tpu.dma_semaphore, #tpu.memory_space<semaphore_mem>>) src(%arg8 : memref<80x80xf32, #tpu.memory_space<vmem>>) dst(%dma_wait3A_71 : memref<10000x80xf32, #tpu.memory_space<vmem_shared>>)
        tpu.yield
      }) : () -> ()
      %add3A_37 = arith.constant 2 : i32
      %add3A_38 = arith.addi %mul3A_31, %add3A_37 : i32
      %lt3A = arith.constant 250 : i32
      %lt3A_39 = arith.cmpi slt, %add3A_38, %lt3A : i32
      %convert_element_type3A_40 = arith.extui %lt3A_39 : i1 to i32
      %cond3A_41 = arith.constant 0 : i32
      %cond3A_42 = arith.cmpi ne, %convert_element_type3A_40, %cond3A_41 : i32
      scf.if %cond3A_42 {
        %add3A_60 = arith.constant 2 : i32
        %add3A_61 = arith.addi %mul3A_31, %add3A_60 : i32
        %dma_start3A_62 = arith.constant 0 : i32
        %dma_start3A_63 = tpu.memref_slice %arg6[%add3A_61, %dma_start3A_62] : memref<250x80xi32, #tpu.memory_space<vmem>> -> memref<1x80xi32, #tpu.memory_space<vmem>>
        %dma_start3A_64 = tpu.memref_squeeze %dma_start3A_63 : memref<1x80xi32, #tpu.memory_space<vmem>> -> memref<80xi32, #tpu.memory_space<vmem>>
        %dma_start3A_65 = arith.constant 0 : i32
        %dma_start3A_66 = arith.constant 0 : i32
        %dma_start3A_67 = tpu.memref_slice %arg2[%dma_start3A_65, %dma_start3A_66] : memref<20000x80xf32, #tpu.memory_space<hbm>> -> memref<20000x80xf32, #tpu.memory_space<hbm>>
        tpu.enqueue_indirect_dma source(%dma_start3A_67 : memref<20000x80xf32, #tpu.memory_space<hbm>>) target(%arg8 : memref<80x80xf32, #tpu.memory_space<vmem>>) offsets(%dma_start3A_64 : memref<80xi32, #tpu.memory_space<vmem>>) semaphore(%arg11 : memref<!tpu.dma_semaphore, #tpu.memory_space<semaphore_mem>>)
      } else {
      }
      %add3A_43 = arith.constant 1 : i32
      %add3A_44 = arith.addi %mul3A_31, %add3A_43 : i32
      %dma_wait3A_45 = arith.constant 0 : i32
      %dma_wait3A_46 = tpu.memref_slice %arg6[%add3A_44, %dma_wait3A_45] : memref<250x80xi32, #tpu.memory_space<vmem>> -> memref<1x80xi32, #tpu.memory_space<vmem>>
      %dma_wait3A_47 = tpu.memref_squeeze %dma_wait3A_46 : memref<1x80xi32, #tpu.memory_space<vmem>> -> memref<80xi32, #tpu.memory_space<vmem>>
      %dma_wait3A_48 = arith.constant 0 : i32
      %dma_wait3A_49 = arith.constant 0 : i32
      %dma_wait3A_50 = tpu.memref_slice %arg2[%dma_wait3A_48, %dma_wait3A_49] : memref<20000x80xf32, #tpu.memory_space<hbm>> -> memref<20000x80xf32, #tpu.memory_space<hbm>>
      tpu.wait_indirect_dma semaphore(%arg12 : memref<!tpu.dma_semaphore, #tpu.memory_space<semaphore_mem>>) src(%dma_wait3A_50 : memref<20000x80xf32, #tpu.memory_space<hbm>>) dst(%arg9 : memref<80x80xf32, #tpu.memory_space<vmem>>)
      %add3A_51 = arith.constant 1 : i32
      %add3A_52 = arith.addi %mul3A_31, %add3A_51 : i32
      "tpu.region"() ({
        %run_scoped3A = tpu.sem_alloc : memref<!tpu.dma_semaphore, #tpu.memory_space<semaphore_mem>>
        %dma_start3A_60 = arith.constant 0 : i32
        %dma_start3A_61 = tpu.memref_slice %arg7[%add3A_52, %dma_start3A_60] : memref<250x80xi32, #tpu.memory_space<vmem>> -> memref<1x80xi32, #tpu.memory_space<vmem>>
        %dma_start3A_62 = tpu.memref_squeeze %dma_start3A_61 : memref<1x80xi32, #tpu.memory_space<vmem>> -> memref<80xi32, #tpu.memory_space<vmem>>
        %dma_start3A_63 = arith.constant 0 : i32
        %dma_start3A_64 = arith.constant 0 : i32
        %dma_start3A_65 = tpu.memref_slice %arg10[%dma_start3A_63, %dma_start3A_64] : memref<10000x80xf32, #tpu.memory_space<vmem_shared>> -> memref<10000x80xf32, #tpu.memory_space<vmem_shared>>
        tpu.enqueue_indirect_dma source(%arg9 : memref<80x80xf32, #tpu.memory_space<vmem>>) target(%dma_start3A_65 : memref<10000x80xf32, #tpu.memory_space<vmem_shared>>) offsets(%dma_start3A_62 : memref<80xi32, #tpu.memory_space<vmem>>) semaphore(%run_scoped3A : memref<!tpu.dma_semaphore, #tpu.memory_space<semaphore_mem>>) {add = true}
        %dma_wait3A_66 = arith.constant 0 : i32
        %dma_wait3A_67 = tpu.memref_slice %arg7[%add3A_52, %dma_wait3A_66] : memref<250x80xi32, #tpu.memory_space<vmem>> -> memref<1x80xi32, #tpu.memory_space<vmem>>
        %dma_wait3A_68 = tpu.memref_squeeze %dma_wait3A_67 : memref<1x80xi32, #tpu.memory_space<vmem>> -> memref<80xi32, #tpu.memory_space<vmem>>
        %dma_wait3A_69 = arith.constant 0 : i32
        %dma_wait3A_70 = arith.constant 0 : i32
        %dma_wait3A_71 = tpu.memref_slice %arg10[%dma_wait3A_69, %dma_wait3A_70] : memref<10000x80xf32, #tpu.memory_space<vmem_shared>> -> memref<10000x80xf32, #tpu.memory_space<vmem_shared>>
        tpu.wait_indirect_dma semaphore(%run_scoped3A : memref<!tpu.dma_semaphore, #tpu.memory_space<semaphore_mem>>) src(%arg9 : memref<80x80xf32, #tpu.memory_space<vmem>>) dst(%dma_wait3A_71 : memref<10000x80xf32, #tpu.memory_space<vmem_shared>>)
        tpu.yield
      }) : () -> ()
      %add3A_53 = arith.constant 3 : i32
      %add3A_54 = arith.addi %mul3A_31, %add3A_53 : i32
      %lt3A_55 = arith.constant 250 : i32
      %lt3A_56 = arith.cmpi slt, %add3A_54, %lt3A_55 : i32
      %convert_element_type3A_57 = arith.extui %lt3A_56 : i1 to i32
      %cond3A_58 = arith.constant 0 : i32
      %cond3A_59 = arith.cmpi ne, %convert_element_type3A_57, %cond3A_58 : i32
      scf.if %cond3A_59 {
        %add3A_60 = arith.constant 3 : i32
        %add3A_61 = arith.addi %mul3A_31, %add3A_60 : i32
        %dma_start3A_62 = arith.constant 0 : i32
        %dma_start3A_63 = tpu.memref_slice %arg6[%add3A_61, %dma_start3A_62] : memref<250x80xi32, #tpu.memory_space<vmem>> -> memref<1x80xi32, #tpu.memory_space<vmem>>
        %dma_start3A_64 = tpu.memref_squeeze %dma_start3A_63 : memref<1x80xi32, #tpu.memory_space<vmem>> -> memref<80xi32, #tpu.memory_space<vmem>>
        %dma_start3A_65 = arith.constant 0 : i32
        %dma_start3A_66 = arith.constant 0 : i32
        %dma_start3A_67 = tpu.memref_slice %arg2[%dma_start3A_65, %dma_start3A_66] : memref<20000x80xf32, #tpu.memory_space<hbm>> -> memref<20000x80xf32, #tpu.memory_space<hbm>>
        tpu.enqueue_indirect_dma source(%dma_start3A_67 : memref<20000x80xf32, #tpu.memory_space<hbm>>) target(%arg9 : memref<80x80xf32, #tpu.memory_space<vmem>>) offsets(%dma_start3A_64 : memref<80xi32, #tpu.memory_space<vmem>>) semaphore(%arg12 : memref<!tpu.dma_semaphore, #tpu.memory_space<semaphore_mem>>)
      } else {
      }
    }
    %scan3A_19 = arith.constant 125 : i32
    %barrier3A_20 = arith.constant 0 : index
    tpu.barrier barrier_id(%barrier3A_20)
    %mul3A = arith.constant 624 : i32
    %mul3A_21 = arith.muli %arg1, %mul3A : i32
    %mul3A_22 = arith.constant 10000 : i32
    %mul3A_23 = arith.muli %arg0, %mul3A_22 : i32
    %add3A = arith.addi %mul3A_23, %mul3A_21 : i32
    "tpu.region"() ({
      %run_scoped3A = tpu.sem_alloc : memref<!tpu.dma_semaphore, #tpu.memory_space<semaphore_mem>>
      %dma_start3A_29 = arith.constant 0 : i32
      %dma_start3A_30 = tpu.memref_slice %arg5[%add3A, %dma_start3A_29] : memref<20000x80xf32, #tpu.memory_space<hbm>> -> memref<624x80xf32, #tpu.memory_space<hbm>>
      %dma_start3A_31 = arith.constant 0 : i32
      %dma_start3A_32 = tpu.memref_slice %arg10[%mul3A_21, %dma_start3A_31] : memref<10000x80xf32, #tpu.memory_space<vmem_shared>> -> memref<624x80xf32, #tpu.memory_space<vmem_shared>>
      tpu.enqueue_dma source(%dma_start3A_32 : memref<624x80xf32, #tpu.memory_space<vmem_shared>>) target(%dma_start3A_30 : memref<624x80xf32, #tpu.memory_space<hbm>>) target_semaphore(%run_scoped3A : memref<!tpu.dma_semaphore, #tpu.memory_space<semaphore_mem>>)
      %dma_wait3A = arith.constant 0 : i32
      %dma_wait3A_33 = tpu.memref_slice %arg5[%add3A, %dma_wait3A] : memref<20000x80xf32, #tpu.memory_space<hbm>> -> memref<624x80xf32, #tpu.memory_space<hbm>>
      %dma_wait3A_34 = arith.constant 0 : i32
      %dma_wait3A_35 = tpu.memref_slice %arg10[%mul3A_21, %dma_wait3A_34] : memref<10000x80xf32, #tpu.memory_space<vmem_shared>> -> memref<624x80xf32, #tpu.memory_space<vmem_shared>>
      tpu.wait_dma2 semaphore(%run_scoped3A : memref<!tpu.dma_semaphore, #tpu.memory_space<semaphore_mem>>) src(%dma_wait3A_35 : memref<624x80xf32, #tpu.memory_space<vmem_shared>>) dst(%dma_wait3A_33 : memref<624x80xf32, #tpu.memory_space<hbm>>)
      tpu.yield
    }) : () -> ()
    %eq3A_24 = arith.constant 15 : i32
    %eq3A_25 = arith.cmpi eq, %arg1, %eq3A_24 : i32
    %convert_element_type3A_26 = arith.extui %eq3A_25 : i1 to i32
    %cond3A_27 = arith.constant 0 : i32
    %cond3A_28 = arith.cmpi ne, %convert_element_type3A_26, %cond3A_27 : i32
    scf.if %cond3A_28 {
      %mul3A_29 = arith.constant 10000 : i32
      %mul3A_30 = arith.muli %arg0, %mul3A_29 : i32
      %add3A_31 = arith.constant 9984 : i32
      %add3A_32 = arith.addi %mul3A_30, %add3A_31 : i32
      "tpu.region"() ({
        %run_scoped3A = tpu.sem_alloc : memref<!tpu.dma_semaphore, #tpu.memory_space<semaphore_mem>>
        %dma_start3A_33 = arith.constant 0 : i32
        %dma_start3A_34 = tpu.memref_slice %arg5[%add3A_32, %dma_start3A_33] : memref<20000x80xf32, #tpu.memory_space<hbm>> -> memref<16x80xf32, #tpu.memory_space<hbm>>
        %dma_start3A_35 = arith.constant 9984 : i32
        %dma_start3A_36 = arith.constant 0 : i32
        %dma_start3A_37 = tpu.memref_slice %arg10[%dma_start3A_35, %dma_start3A_36] : memref<10000x80xf32, #tpu.memory_space<vmem_shared>> -> memref<16x80xf32, #tpu.memory_space<vmem_shared>>
        tpu.enqueue_dma source(%dma_start3A_37 : memref<16x80xf32, #tpu.memory_space<vmem_shared>>) target(%dma_start3A_34 : memref<16x80xf32, #tpu.memory_space<hbm>>) target_semaphore(%run_scoped3A : memref<!tpu.dma_semaphore, #tpu.memory_space<semaphore_mem>>)
        %dma_wait3A = arith.constant 0 : i32
        %dma_wait3A_38 = tpu.memref_slice %arg5[%add3A_32, %dma_wait3A] : memref<20000x80xf32, #tpu.memory_space<hbm>> -> memref<16x80xf32, #tpu.memory_space<hbm>>
        %dma_wait3A_39 = arith.constant 9984 : i32
        %dma_wait3A_40 = arith.constant 0 : i32
        %dma_wait3A_41 = tpu.memref_slice %arg10[%dma_wait3A_39, %dma_wait3A_40] : memref<10000x80xf32, #tpu.memory_space<vmem_shared>> -> memref<16x80xf32, #tpu.memory_space<vmem_shared>>
        tpu.wait_dma2 semaphore(%run_scoped3A : memref<!tpu.dma_semaphore, #tpu.memory_space<semaphore_mem>>) src(%dma_wait3A_41 : memref<16x80xf32, #tpu.memory_space<vmem_shared>>) dst(%dma_wait3A_38 : memref<16x80xf32, #tpu.memory_space<hbm>>)
        tpu.yield
      }) : () -> ()
    } else {
    }
    return
  }
}

module attributes {stable_mosaic.version = 14 : i64} {
  func.func @body(%arg0: i32, %arg1: memref<1000x80xf32, #tpu.memory_space<vmem>>, %arg2: memref<1000x80xf32, #tpu.memory_space<vmem>>, %arg3: memref<1000x80xf32, #tpu.memory_space<vmem>>, %arg4: memref<1000x80xf32, #tpu.memory_space<vmem>>, %arg5: memref<320x300xf32, #tpu.memory_space<vmem>>, %arg6: memref<1x300xf32, #tpu.memory_space<vmem>>, %arg7: memref<300x300xf32, #tpu.memory_space<vmem>>, %arg8: memref<1x300xf32, #tpu.memory_space<vmem>>, %arg9: memref<2x1000x80xf32, #tpu.memory_space<vmem>>, %arg10: memref<2x1000x80xf32, #tpu.memory_space<vmem>>) attributes {dimension_semantics = [#tpu.dimension_semantics<arbitrary>], iteration_bounds = array<i64: 10>, scalar_prefetch = 0 : i64, scratch_operands = 0 : i64, tpu.core_type = #tpu.core_type<tc>, window_params = [{transform_indices = @transform_0, window_bounds = array<i64: 1000, 80>}, {transform_indices = @transform_1, window_bounds = array<i64: 1000, 80>}, {transform_indices = @transform_2, window_bounds = array<i64: 1000, 80>}, {transform_indices = @transform_3, window_bounds = array<i64: 1000, 80>}, {pipeline_mode = #tpu.pipeline_mode<synchronous>, transform_indices = @transform_4, window_bounds = array<i64: 320, 300>}, {pipeline_mode = #tpu.pipeline_mode<synchronous>, transform_indices = @transform_5, window_bounds = array<i64: 1, 300>}, {pipeline_mode = #tpu.pipeline_mode<synchronous>, transform_indices = @transform_6, window_bounds = array<i64: 300, 300>}, {pipeline_mode = #tpu.pipeline_mode<synchronous>, transform_indices = @transform_7, window_bounds = array<i64: 1, 300>}, {transform_indices = @transform_8, window_bounds = array<i64: 2, 1000, 80>}, {transform_indices = @transform_9, window_bounds = array<i64: 2, 1000, 80>}]} {
    %get3A = arith.constant 0 : index
    %get3A_0 = arith.constant 0 : index
    %get3A_1 = vector.load %arg1[%get3A, %get3A_0] : memref<1000x80xf32, #tpu.memory_space<vmem>>, vector<1000x80xf32>
    %get3A_2 = arith.constant 0 : index
    %get3A_3 = arith.constant 0 : index
    %get3A_4 = vector.load %arg5[%get3A_2, %get3A_3] : memref<320x300xf32, #tpu.memory_space<vmem>>, vector<80x300xf32>
    %dot_general3A = arith.constant dense<0.000000e+00> : vector<1000x300xf32>
    %dot_general3A_5 = tpu.matmul %get3A_1, %get3A_4, %dot_general3A {dimension_numbers = #tpu.dot_dimension_numbers<[1], [0], [0], [1], [0, 0, 1, 1], [], []>, transpose_lhs_hint = false} : vector<1000x80xf32>, vector<80x300xf32>, vector<1000x300xf32> -> vector<1000x300xf32>
    %get3A_6 = arith.constant 0 : index
    %get3A_7 = arith.constant 0 : index
    %get3A_8 = vector.load %arg2[%get3A_6, %get3A_7] : memref<1000x80xf32, #tpu.memory_space<vmem>>, vector<1000x80xf32>
    %get3A_9 = arith.constant 80 : index
    %get3A_10 = arith.constant 0 : index
    %get3A_11 = vector.load %arg5[%get3A_9, %get3A_10] : memref<320x300xf32, #tpu.memory_space<vmem>>, vector<80x300xf32>
    %dot_general3A_12 = arith.constant dense<0.000000e+00> : vector<1000x300xf32>
    %dot_general3A_13 = tpu.matmul %get3A_8, %get3A_11, %dot_general3A_12 {dimension_numbers = #tpu.dot_dimension_numbers<[1], [0], [0], [1], [0, 0, 1, 1], [], []>, transpose_lhs_hint = false} : vector<1000x80xf32>, vector<80x300xf32>, vector<1000x300xf32> -> vector<1000x300xf32>
    %add3A = arith.addf %dot_general3A_5, %dot_general3A_13 : vector<1000x300xf32>
    %get3A_14 = arith.constant 0 : index
    %get3A_15 = arith.constant 0 : index
    %get3A_16 = vector.load %arg3[%get3A_14, %get3A_15] : memref<1000x80xf32, #tpu.memory_space<vmem>>, vector<1000x80xf32>
    %get3A_17 = arith.constant 160 : index
    %get3A_18 = arith.constant 0 : index
    %get3A_19 = vector.load %arg5[%get3A_17, %get3A_18] : memref<320x300xf32, #tpu.memory_space<vmem>>, vector<80x300xf32>
    %dot_general3A_20 = arith.constant dense<0.000000e+00> : vector<1000x300xf32>
    %dot_general3A_21 = tpu.matmul %get3A_16, %get3A_19, %dot_general3A_20 {dimension_numbers = #tpu.dot_dimension_numbers<[1], [0], [0], [1], [0, 0, 1, 1], [], []>, transpose_lhs_hint = false} : vector<1000x80xf32>, vector<80x300xf32>, vector<1000x300xf32> -> vector<1000x300xf32>
    %add3A_22 = arith.addf %add3A, %dot_general3A_21 : vector<1000x300xf32>
    %get3A_23 = arith.constant 0 : index
    %get3A_24 = arith.constant 0 : index
    %get3A_25 = vector.load %arg4[%get3A_23, %get3A_24] : memref<1000x80xf32, #tpu.memory_space<vmem>>, vector<1000x80xf32>
    %get3A_26 = arith.constant 240 : index
    %get3A_27 = arith.constant 0 : index
    %get3A_28 = vector.load %arg5[%get3A_26, %get3A_27] : memref<320x300xf32, #tpu.memory_space<vmem>>, vector<80x300xf32>
    %dot_general3A_29 = arith.constant dense<0.000000e+00> : vector<1000x300xf32>
    %dot_general3A_30 = tpu.matmul %get3A_25, %get3A_28, %dot_general3A_29 {dimension_numbers = #tpu.dot_dimension_numbers<[1], [0], [0], [1], [0, 0, 1, 1], [], []>, transpose_lhs_hint = false} : vector<1000x80xf32>, vector<80x300xf32>, vector<1000x300xf32> -> vector<1000x300xf32>
    %add3A_31 = arith.addf %add3A_22, %dot_general3A_30 : vector<1000x300xf32>
    %get3A_32 = arith.constant 0 : index
    %get3A_33 = arith.constant 0 : index
    %get3A_34 = vector.load %arg6[%get3A_32, %get3A_33] : memref<1x300xf32, #tpu.memory_space<vmem>>, vector<1x300xf32>
    %add3A_35 = vector.broadcast %get3A_34 : vector<1x300xf32> to vector<1000x300xf32>
    %add3A_36 = arith.addf %add3A_31, %add3A_35 : vector<1000x300xf32>
    %max3A = arith.constant 0.000000e+00 : f32
    %max3A_37 = vector.broadcast %max3A : f32 to vector<1000x300xf32>
    %max3A_38 = arith.maximumf %add3A_36, %max3A_37 : vector<1000x300xf32>
    %get3A_39 = arith.constant 0 : index
    %get3A_40 = arith.constant 0 : index
    %get3A_41 = vector.load %arg7[%get3A_39, %get3A_40] : memref<300x300xf32, #tpu.memory_space<vmem>>, vector<300x300xf32>
    %dot_general3A_42 = arith.constant dense<0.000000e+00> : vector<1000x300xf32>
    %dot_general3A_43 = tpu.matmul %max3A_38, %get3A_41, %dot_general3A_42 {dimension_numbers = #tpu.dot_dimension_numbers<[1], [0], [0], [1], [0, 0, 1, 1], [], []>, transpose_lhs_hint = false} : vector<1000x300xf32>, vector<300x300xf32>, vector<1000x300xf32> -> vector<1000x300xf32>
    %get3A_44 = arith.constant 0 : index
    %get3A_45 = arith.constant 0 : index
    %get3A_46 = vector.load %arg8[%get3A_44, %get3A_45] : memref<1x300xf32, #tpu.memory_space<vmem>>, vector<1x300xf32>
    %add3A_47 = vector.broadcast %get3A_46 : vector<1x300xf32> to vector<1000x300xf32>
    %add3A_48 = arith.addf %dot_general3A_43, %add3A_47 : vector<1000x300xf32>
    %max3A_49 = arith.constant 0.000000e+00 : f32
    %max3A_50 = vector.broadcast %max3A_49 : f32 to vector<1000x300xf32>
    %max3A_51 = arith.maximumf %add3A_48, %max3A_50 : vector<1000x300xf32>
    %broadcast_in_dim3A = arith.constant 0.000000e+00 : f32
    %broadcast_in_dim3A_52 = vector.broadcast %broadcast_in_dim3A : f32 to vector<1000x20xf32>
    %concatenate3A = tpu.concatenate %max3A_51, %broadcast_in_dim3A_52 in 1 : vector<1000x300xf32>, vector<1000x20xf32> -> vector<1000x320xf32>
    %slice3A = vector.extract_strided_slice %concatenate3A {offsets = [0, 0], sizes = [1000, 80], strides = [1, 1]} : vector<1000x320xf32> to vector<1000x80xf32>
    %swap3A = arith.constant 0 : index
    %swap3A_53 = arith.constant 0 : index
    %swap3A_54 = arith.constant 0 : index
    %swap3A_55 = vector.load %arg9[%swap3A, %swap3A_53, %swap3A_54] : memref<2x1000x80xf32, #tpu.memory_space<vmem>>, vector<1x1000x80xf32>
    %swap3A_56 = vector.shape_cast %swap3A_55 : vector<1x1000x80xf32> to vector<1000x80xf32>
    %swap3A_57 = vector.shape_cast %slice3A : vector<1000x80xf32> to vector<1x1000x80xf32>
    tpu.vector_store %arg9[%swap3A, %swap3A_53, %swap3A_54], %swap3A_57 {strides = array<i32>} : memref<2x1000x80xf32, #tpu.memory_space<vmem>>, vector<1x1000x80xf32>,
    %slice3A_58 = vector.extract_strided_slice %concatenate3A {offsets = [0, 80], sizes = [1000, 80], strides = [1, 1]} : vector<1000x320xf32> to vector<1000x80xf32>
    %swap3A_59 = arith.constant 1 : index
    %swap3A_60 = arith.constant 0 : index
    %swap3A_61 = arith.constant 0 : index
    %swap3A_62 = vector.load %arg9[%swap3A_59, %swap3A_60, %swap3A_61] : memref<2x1000x80xf32, #tpu.memory_space<vmem>>, vector<1x1000x80xf32>
    %swap3A_63 = vector.shape_cast %swap3A_62 : vector<1x1000x80xf32> to vector<1000x80xf32>
    %swap3A_64 = vector.shape_cast %slice3A_58 : vector<1000x80xf32> to vector<1x1000x80xf32>
    tpu.vector_store %arg9[%swap3A_59, %swap3A_60, %swap3A_61], %swap3A_64 {strides = array<i32>} : memref<2x1000x80xf32, #tpu.memory_space<vmem>>, vector<1x1000x80xf32>,
    %slice3A_65 = vector.extract_strided_slice %concatenate3A {offsets = [0, 160], sizes = [1000, 80], strides = [1, 1]} : vector<1000x320xf32> to vector<1000x80xf32>
    %swap3A_66 = arith.constant 0 : index
    %swap3A_67 = arith.constant 0 : index
    %swap3A_68 = arith.constant 0 : index
    %swap3A_69 = vector.load %arg10[%swap3A_66, %swap3A_67, %swap3A_68] : memref<2x1000x80xf32, #tpu.memory_space<vmem>>, vector<1x1000x80xf32>
    %swap3A_70 = vector.shape_cast %swap3A_69 : vector<1x1000x80xf32> to vector<1000x80xf32>
    %swap3A_71 = vector.shape_cast %slice3A_65 : vector<1000x80xf32> to vector<1x1000x80xf32>
    tpu.vector_store %arg10[%swap3A_66, %swap3A_67, %swap3A_68], %swap3A_71 {strides = array<i32>} : memref<2x1000x80xf32, #tpu.memory_space<vmem>>, vector<1x1000x80xf32>,
    %slice3A_72 = vector.extract_strided_slice %concatenate3A {offsets = [0, 240], sizes = [1000, 80], strides = [1, 1]} : vector<1000x320xf32> to vector<1000x80xf32>
    %swap3A_73 = arith.constant 1 : index
    %swap3A_74 = arith.constant 0 : index
    %swap3A_75 = arith.constant 0 : index
    %swap3A_76 = vector.load %arg10[%swap3A_73, %swap3A_74, %swap3A_75] : memref<2x1000x80xf32, #tpu.memory_space<vmem>>, vector<1x1000x80xf32>
    %swap3A_77 = vector.shape_cast %swap3A_76 : vector<1x1000x80xf32> to vector<1000x80xf32>
    %swap3A_78 = vector.shape_cast %slice3A_72 : vector<1000x80xf32> to vector<1x1000x80xf32>
    tpu.vector_store %arg10[%swap3A_73, %swap3A_74, %swap3A_75], %swap3A_78 {strides = array<i32>} : memref<2x1000x80xf32, #tpu.memory_space<vmem>>, vector<1x1000x80xf32>,
    return
  }
  func.func @transform_0(%arg0: i32) -> (i32, i32) {
    %c0_i32 = arith.constant 0 : i32
    %c0_i32_0 = arith.constant 0 : i32
    return %arg0, %c0_i32 : i32, i32
  }
  func.func @transform_1(%arg0: i32) -> (i32, i32) {
    %add3A = arith.constant 10 : i32
    %add3A_0 = arith.addi %arg0, %add3A : i32
    %c0_i32 = arith.constant 0 : i32
    %c0_i32_1 = arith.constant 0 : i32
    return %add3A_0, %c0_i32 : i32, i32
  }
  func.func @transform_2(%arg0: i32) -> (i32, i32) {
    %c0_i32 = arith.constant 0 : i32
    %c0_i32_0 = arith.constant 0 : i32
    return %arg0, %c0_i32 : i32, i32
  }
  func.func @transform_3(%arg0: i32) -> (i32, i32) {
    %add3A = arith.constant 10 : i32
    %add3A_0 = arith.addi %arg0, %add3A : i32
    %c0_i32 = arith.constant 0 : i32
    %c0_i32_1 = arith.constant 0 : i32
    return %add3A_0, %c0_i32 : i32, i32
  }
  func.func @transform_4(%arg0: i32) -> (i32, i32) {
    %c0_i32 = arith.constant 0 : i32
    %c0_i32_0 = arith.constant 0 : i32
    %c0_i32_1 = arith.constant 0 : i32
    return %c0_i32, %c0_i32_0 : i32, i32
  }
  func.func @transform_5(%arg0: i32) -> (i32, i32) {
    %c0_i32 = arith.constant 0 : i32
    %c0_i32_0 = arith.constant 0 : i32
    %c0_i32_1 = arith.constant 0 : i32
    return %c0_i32, %c0_i32_0 : i32, i32
  }
  func.func @transform_6(%arg0: i32) -> (i32, i32) {
    %c0_i32 = arith.constant 0 : i32
    %c0_i32_0 = arith.constant 0 : i32
    %c0_i32_1 = arith.constant 0 : i32
    return %c0_i32, %c0_i32_0 : i32, i32
  }
  func.func @transform_7(%arg0: i32) -> (i32, i32) {
    %c0_i32 = arith.constant 0 : i32
    %c0_i32_0 = arith.constant 0 : i32
    %c0_i32_1 = arith.constant 0 : i32
    return %c0_i32, %c0_i32_0 : i32, i32
  }
  func.func @transform_8(%arg0: i32) -> (i32, i32, i32) {
    %c0_i32 = arith.constant 0 : i32
    %c0_i32_0 = arith.constant 0 : i32
    %c0_i32_1 = arith.constant 0 : i32
    return %c0_i32, %arg0, %c0_i32_0 : i32, i32, i32
  }
  func.func @transform_9(%arg0: i32) -> (i32, i32, i32) {
    %c0_i32 = arith.constant 0 : i32
    %c0_i32_0 = arith.constant 0 : i32
    %c0_i32_1 = arith.constant 0 : i32
    return %c0_i32, %arg0, %c0_i32_0 : i32, i32, i32
  }
}

module attributes {stable_mosaic.version = 14 : i64} {
  func.func @body(%arg0: i32, %arg1: memref<1000x80xf32, #tpu.memory_space<vmem>>, %arg2: memref<1000x80xf32, #tpu.memory_space<vmem>>, %arg3: memref<1000x80xf32, #tpu.memory_space<vmem>>, %arg4: memref<1000x80xf32, #tpu.memory_space<vmem>>, %arg5: memref<320x300xf32, #tpu.memory_space<vmem>>, %arg6: memref<1x300xf32, #tpu.memory_space<vmem>>, %arg7: memref<300x300xf32, #tpu.memory_space<vmem>>, %arg8: memref<1x300xf32, #tpu.memory_space<vmem>>, %arg9: memref<1000x300xf32, #tpu.memory_space<vmem>>) attributes {dimension_semantics = [#tpu.dimension_semantics<arbitrary>], iteration_bounds = array<i64: 10>, scalar_prefetch = 0 : i64, scratch_operands = 0 : i64, tpu.core_type = #tpu.core_type<tc>, window_params = [{transform_indices = @transform_0, window_bounds = array<i64: 1000, 80>}, {transform_indices = @transform_1, window_bounds = array<i64: 1000, 80>}, {transform_indices = @transform_2, window_bounds = array<i64: 1000, 80>}, {transform_indices = @transform_3, window_bounds = array<i64: 1000, 80>}, {pipeline_mode = #tpu.pipeline_mode<synchronous>, transform_indices = @transform_4, window_bounds = array<i64: 320, 300>}, {pipeline_mode = #tpu.pipeline_mode<synchronous>, transform_indices = @transform_5, window_bounds = array<i64: 1, 300>}, {pipeline_mode = #tpu.pipeline_mode<synchronous>, transform_indices = @transform_6, window_bounds = array<i64: 300, 300>}, {pipeline_mode = #tpu.pipeline_mode<synchronous>, transform_indices = @transform_7, window_bounds = array<i64: 1, 300>}, {transform_indices = @transform_8, window_bounds = array<i64: 1000, 300>}]} {
    %get3A = arith.constant 0 : index
    %get3A_0 = arith.constant 0 : index
    %get3A_1 = vector.load %arg1[%get3A, %get3A_0] : memref<1000x80xf32, #tpu.memory_space<vmem>>, vector<1000x80xf32>
    %get3A_2 = arith.constant 0 : index
    %get3A_3 = arith.constant 0 : index
    %get3A_4 = vector.load %arg5[%get3A_2, %get3A_3] : memref<320x300xf32, #tpu.memory_space<vmem>>, vector<80x300xf32>
    %dot_general3A = arith.constant dense<0.000000e+00> : vector<1000x300xf32>
    %dot_general3A_5 = tpu.matmul %get3A_1, %get3A_4, %dot_general3A {dimension_numbers = #tpu.dot_dimension_numbers<[1], [0], [0], [1], [0, 0, 1, 1], [], []>, transpose_lhs_hint = false} : vector<1000x80xf32>, vector<80x300xf32>, vector<1000x300xf32> -> vector<1000x300xf32>
    %get3A_6 = arith.constant 0 : index
    %get3A_7 = arith.constant 0 : index
    %get3A_8 = vector.load %arg2[%get3A_6, %get3A_7] : memref<1000x80xf32, #tpu.memory_space<vmem>>, vector<1000x80xf32>
    %get3A_9 = arith.constant 80 : index
    %get3A_10 = arith.constant 0 : index
    %get3A_11 = vector.load %arg5[%get3A_9, %get3A_10] : memref<320x300xf32, #tpu.memory_space<vmem>>, vector<80x300xf32>
    %dot_general3A_12 = arith.constant dense<0.000000e+00> : vector<1000x300xf32>
    %dot_general3A_13 = tpu.matmul %get3A_8, %get3A_11, %dot_general3A_12 {dimension_numbers = #tpu.dot_dimension_numbers<[1], [0], [0], [1], [0, 0, 1, 1], [], []>, transpose_lhs_hint = false} : vector<1000x80xf32>, vector<80x300xf32>, vector<1000x300xf32> -> vector<1000x300xf32>
    %add3A = arith.addf %dot_general3A_5, %dot_general3A_13 : vector<1000x300xf32>
    %get3A_14 = arith.constant 0 : index
    %get3A_15 = arith.constant 0 : index
    %get3A_16 = vector.load %arg3[%get3A_14, %get3A_15] : memref<1000x80xf32, #tpu.memory_space<vmem>>, vector<1000x80xf32>
    %get3A_17 = arith.constant 160 : index
    %get3A_18 = arith.constant 0 : index
    %get3A_19 = vector.load %arg5[%get3A_17, %get3A_18] : memref<320x300xf32, #tpu.memory_space<vmem>>, vector<80x300xf32>
    %dot_general3A_20 = arith.constant dense<0.000000e+00> : vector<1000x300xf32>
    %dot_general3A_21 = tpu.matmul %get3A_16, %get3A_19, %dot_general3A_20 {dimension_numbers = #tpu.dot_dimension_numbers<[1], [0], [0], [1], [0, 0, 1, 1], [], []>, transpose_lhs_hint = false} : vector<1000x80xf32>, vector<80x300xf32>, vector<1000x300xf32> -> vector<1000x300xf32>
    %add3A_22 = arith.addf %add3A, %dot_general3A_21 : vector<1000x300xf32>
    %get3A_23 = arith.constant 0 : index
    %get3A_24 = arith.constant 0 : index
    %get3A_25 = vector.load %arg4[%get3A_23, %get3A_24] : memref<1000x80xf32, #tpu.memory_space<vmem>>, vector<1000x80xf32>
    %get3A_26 = arith.constant 240 : index
    %get3A_27 = arith.constant 0 : index
    %get3A_28 = vector.load %arg5[%get3A_26, %get3A_27] : memref<320x300xf32, #tpu.memory_space<vmem>>, vector<80x300xf32>
    %dot_general3A_29 = arith.constant dense<0.000000e+00> : vector<1000x300xf32>
    %dot_general3A_30 = tpu.matmul %get3A_25, %get3A_28, %dot_general3A_29 {dimension_numbers = #tpu.dot_dimension_numbers<[1], [0], [0], [1], [0, 0, 1, 1], [], []>, transpose_lhs_hint = false} : vector<1000x80xf32>, vector<80x300xf32>, vector<1000x300xf32> -> vector<1000x300xf32>
    %add3A_31 = arith.addf %add3A_22, %dot_general3A_30 : vector<1000x300xf32>
    %get3A_32 = arith.constant 0 : index
    %get3A_33 = arith.constant 0 : index
    %get3A_34 = vector.load %arg6[%get3A_32, %get3A_33] : memref<1x300xf32, #tpu.memory_space<vmem>>, vector<1x300xf32>
    %add3A_35 = vector.broadcast %get3A_34 : vector<1x300xf32> to vector<1000x300xf32>
    %add3A_36 = arith.addf %add3A_31, %add3A_35 : vector<1000x300xf32>
    %max3A = arith.constant 0.000000e+00 : f32
    %max3A_37 = vector.broadcast %max3A : f32 to vector<1000x300xf32>
    %max3A_38 = arith.maximumf %add3A_36, %max3A_37 : vector<1000x300xf32>
    %get3A_39 = arith.constant 0 : index
    %get3A_40 = arith.constant 0 : index
    %get3A_41 = vector.load %arg7[%get3A_39, %get3A_40] : memref<300x300xf32, #tpu.memory_space<vmem>>, vector<300x300xf32>
    %dot_general3A_42 = arith.constant dense<0.000000e+00> : vector<1000x300xf32>
    %dot_general3A_43 = tpu.matmul %max3A_38, %get3A_41, %dot_general3A_42 {dimension_numbers = #tpu.dot_dimension_numbers<[1], [0], [0], [1], [0, 0, 1, 1], [], []>, transpose_lhs_hint = false} : vector<1000x300xf32>, vector<300x300xf32>, vector<1000x300xf32> -> vector<1000x300xf32>
    %get3A_44 = arith.constant 0 : index
    %get3A_45 = arith.constant 0 : index
    %get3A_46 = vector.load %arg8[%get3A_44, %get3A_45] : memref<1x300xf32, #tpu.memory_space<vmem>>, vector<1x300xf32>
    %add3A_47 = vector.broadcast %get3A_46 : vector<1x300xf32> to vector<1000x300xf32>
    %add3A_48 = arith.addf %dot_general3A_43, %add3A_47 : vector<1000x300xf32>
    %max3A_49 = arith.constant 0.000000e+00 : f32
    %max3A_50 = vector.broadcast %max3A_49 : f32 to vector<1000x300xf32>
    %max3A_51 = arith.maximumf %add3A_48, %max3A_50 : vector<1000x300xf32>
    %swap3A = arith.constant 0 : index
    %swap3A_52 = arith.constant 0 : index
    %swap3A_53 = vector.load %arg9[%swap3A, %swap3A_52] : memref<1000x300xf32, #tpu.memory_space<vmem>>, vector<1000x300xf32>
    tpu.vector_store %arg9[%swap3A, %swap3A_52], %max3A_51 {strides = array<i32>} : memref<1000x300xf32, #tpu.memory_space<vmem>>, vector<1000x300xf32>,
    return
  }
  func.func @transform_0(%arg0: i32) -> (i32, i32) {
    %c0_i32 = arith.constant 0 : i32
    %c0_i32_0 = arith.constant 0 : i32
    return %arg0, %c0_i32 : i32, i32
  }
  func.func @transform_1(%arg0: i32) -> (i32, i32) {
    %add3A = arith.constant 10 : i32
    %add3A_0 = arith.addi %arg0, %add3A : i32
    %c0_i32 = arith.constant 0 : i32
    %c0_i32_1 = arith.constant 0 : i32
    return %add3A_0, %c0_i32 : i32, i32
  }
  func.func @transform_2(%arg0: i32) -> (i32, i32) {
    %c0_i32 = arith.constant 0 : i32
    %c0_i32_0 = arith.constant 0 : i32
    return %arg0, %c0_i32 : i32, i32
  }
  func.func @transform_3(%arg0: i32) -> (i32, i32) {
    %add3A = arith.constant 10 : i32
    %add3A_0 = arith.addi %arg0, %add3A : i32
    %c0_i32 = arith.constant 0 : i32
    %c0_i32_1 = arith.constant 0 : i32
    return %add3A_0, %c0_i32 : i32, i32
  }
  func.func @transform_4(%arg0: i32) -> (i32, i32) {
    %c0_i32 = arith.constant 0 : i32
    %c0_i32_0 = arith.constant 0 : i32
    %c0_i32_1 = arith.constant 0 : i32
    return %c0_i32, %c0_i32_0 : i32, i32
  }
  func.func @transform_5(%arg0: i32) -> (i32, i32) {
    %c0_i32 = arith.constant 0 : i32
    %c0_i32_0 = arith.constant 0 : i32
    %c0_i32_1 = arith.constant 0 : i32
    return %c0_i32, %c0_i32_0 : i32, i32
  }
  func.func @transform_6(%arg0: i32) -> (i32, i32) {
    %c0_i32 = arith.constant 0 : i32
    %c0_i32_0 = arith.constant 0 : i32
    %c0_i32_1 = arith.constant 0 : i32
    return %c0_i32, %c0_i32_0 : i32, i32
  }
  func.func @transform_7(%arg0: i32) -> (i32, i32) {
    %c0_i32 = arith.constant 0 : i32
    %c0_i32_0 = arith.constant 0 : i32
    %c0_i32_1 = arith.constant 0 : i32
    return %c0_i32, %c0_i32_0 : i32, i32
  }
  func.func @transform_8(%arg0: i32) -> (i32, i32) {
    %c0_i32 = arith.constant 0 : i32
    %c0_i32_0 = arith.constant 0 : i32
    return %arg0, %c0_i32 : i32, i32
  }
}

module attributes {stable_mosaic.version = 14 : i64} {
  func.func @body(%arg0: i32, %arg1: memref<1000x300xf32, #tpu.memory_space<vmem>>, %arg2: memref<1x1x1000xi32, #tpu.memory_space<vmem>>, %arg3: memref<300x300xf32, #tpu.memory_space<vmem>>, %arg4: memref<1x300xf32, #tpu.memory_space<vmem>>, %arg5: memref<1x300xf32, #tpu.memory_space<vmem>>, %arg6: memref<1x300xf32, #tpu.memory_space<vmem>>, %arg7: memref<300x10xf32, #tpu.memory_space<vmem>>, %arg8: memref<1x10xf32, #tpu.memory_space<vmem>>, %arg9: memref<64x10xf32, #tpu.memory_space<vmem>>, %arg10: memref<64x300xf32, #tpu.memory_space<vmem>>) attributes {dimension_semantics = [#tpu.dimension_semantics<arbitrary>], iteration_bounds = array<i64: 10>, scalar_prefetch = 0 : i64, scratch_operands = 1 : i64, tpu.core_type = #tpu.core_type<tc>, window_params = [{transform_indices = @transform_0, window_bounds = array<i64: 1000, 300>}, {transform_indices = @transform_1, window_bounds = array<i64: 1, 1, 1000>}, {pipeline_mode = #tpu.pipeline_mode<synchronous>, transform_indices = @transform_2, window_bounds = array<i64: 300, 300>}, {pipeline_mode = #tpu.pipeline_mode<synchronous>, transform_indices = @transform_3, window_bounds = array<i64: 1, 300>}, {pipeline_mode = #tpu.pipeline_mode<synchronous>, transform_indices = @transform_4, window_bounds = array<i64: 1, 300>}, {pipeline_mode = #tpu.pipeline_mode<synchronous>, transform_indices = @transform_5, window_bounds = array<i64: 1, 300>}, {pipeline_mode = #tpu.pipeline_mode<synchronous>, transform_indices = @transform_6, window_bounds = array<i64: 300, 10>}, {pipeline_mode = #tpu.pipeline_mode<synchronous>, transform_indices = @transform_7, window_bounds = array<i64: 1, 10>}, {pipeline_mode = #tpu.pipeline_mode<synchronous>, transform_indices = @transform_8, window_bounds = array<i64: 64, 10>}]} {
    %eq3A = arith.constant 0 : i32
    %eq3A_0 = arith.cmpi eq, %arg0, %eq3A : i32
    %convert_element_type3A = arith.extui %eq3A_0 : i1 to i32
    %cond3A = arith.constant 0 : i32
    %cond3A_1 = arith.cmpi ne, %convert_element_type3A, %cond3A : i32
    scf.if %cond3A_1 {
      %broadcast_in_dim3A_24 = arith.constant 0.000000e+00 : f32
      %broadcast_in_dim3A_25 = vector.broadcast %broadcast_in_dim3A_24 : f32 to vector<64x300xf32>
      %swap3A_26 = arith.constant 0 : index
      %swap3A_27 = arith.constant 0 : index
      %swap3A_28 = vector.load %arg10[%swap3A_26, %swap3A_27] : memref<64x300xf32, #tpu.memory_space<vmem>>, vector<64x300xf32>
      tpu.vector_store %arg10[%swap3A_26, %swap3A_27], %broadcast_in_dim3A_25 {strides = array<i32>} : memref<64x300xf32, #tpu.memory_space<vmem>>, vector<64x300xf32>,
    } else {
    }
    %get3A = arith.constant 0 : index
    %get3A_2 = arith.constant 0 : index
    %get3A_3 = arith.constant 0 : index
    %get3A_4 = vector.load %arg2[%get3A, %get3A_2, %get3A_3] : memref<1x1x1000xi32, #tpu.memory_space<vmem>>, vector<1x1x1000xi32>
    %get3A_5 = vector.shape_cast %get3A_4 : vector<1x1x1000xi32> to vector<1000xi32>
    %broadcast_in_dim3A = vector.shape_cast %get3A_5 : vector<1000xi32> to vector<1000x1xi32>
    %iota3A = tpu.iota {dimensions = array<i32: 1>} : vector<1000x64xi32>
    %eq3A_6 = vector.broadcast %broadcast_in_dim3A : vector<1000x1xi32> to vector<1000x64xi32>
    %eq3A_7 = arith.cmpi eq, %eq3A_6, %iota3A : vector<1000x64xi32>
    %convert_element_type3A_8 = arith.extui %eq3A_7 : vector<1000x64xi1> to vector<1000x64xi32>
    %convert_element_type3A_9 = arith.sitofp %convert_element_type3A_8 : vector<1000x64xi32> to vector<1000x64xf32>
    %get3A_10 = arith.constant 0 : index
    %get3A_11 = arith.constant 0 : index
    %get3A_12 = vector.load %arg10[%get3A_10, %get3A_11] : memref<64x300xf32, #tpu.memory_space<vmem>>, vector<64x300xf32>
    %get3A_13 = arith.constant 0 : index
    %get3A_14 = arith.constant 0 : index
    %get3A_15 = vector.load %arg1[%get3A_13, %get3A_14] : memref<1000x300xf32, #tpu.memory_space<vmem>>, vector<1000x300xf32>
    %dot_general3A = arith.constant dense<0.000000e+00> : vector<64x300xf32>
    %dot_general3A_16 = tpu.matmul %convert_element_type3A_9, %get3A_15, %dot_general3A {dimension_numbers = #tpu.dot_dimension_numbers<[0], [0], [1], [1], [0, 1, 1, 1], [], []>, transpose_lhs_hint = false} : vector<1000x64xf32>, vector<1000x300xf32>, vector<64x300xf32> -> vector<64x300xf32>
    %add3A = arith.addf %get3A_12, %dot_general3A_16 : vector<64x300xf32>
    %swap3A = arith.constant 0 : index
    %swap3A_17 = arith.constant 0 : index
    %swap3A_18 = vector.load %arg10[%swap3A, %swap3A_17] : memref<64x300xf32, #tpu.memory_space<vmem>>, vector<64x300xf32>
    tpu.vector_store %arg10[%swap3A, %swap3A_17], %add3A {strides = array<i32>} : memref<64x300xf32, #tpu.memory_space<vmem>>, vector<64x300xf32>,
    %eq3A_19 = arith.constant 9 : i32
    %eq3A_20 = arith.cmpi eq, %arg0, %eq3A_19 : i32
    %convert_element_type3A_21 = arith.extui %eq3A_20 : i1 to i32
    %cond3A_22 = arith.constant 0 : i32
    %cond3A_23 = arith.cmpi ne, %convert_element_type3A_21, %cond3A_22 : i32
    scf.if %cond3A_23 {
      %get3A_24 = arith.constant 0 : index
      %get3A_25 = arith.constant 0 : index
      %get3A_26 = vector.load %arg10[%get3A_24, %get3A_25] : memref<64x300xf32, #tpu.memory_space<vmem>>, vector<64x300xf32>
      %get3A_27 = arith.constant 0 : index
      %get3A_28 = arith.constant 0 : index
      %get3A_29 = vector.load %arg3[%get3A_27, %get3A_28] : memref<300x300xf32, #tpu.memory_space<vmem>>, vector<300x300xf32>
      %dot_general3A_30 = arith.constant dense<0.000000e+00> : vector<64x300xf32>
      %dot_general3A_31 = tpu.matmul %get3A_26, %get3A_29, %dot_general3A_30 {dimension_numbers = #tpu.dot_dimension_numbers<[1], [0], [0], [1], [0, 0, 1, 1], [], []>, transpose_lhs_hint = false} : vector<64x300xf32>, vector<300x300xf32>, vector<64x300xf32> -> vector<64x300xf32>
      %get3A_32 = arith.constant 0 : index
      %get3A_33 = arith.constant 0 : index
      %get3A_34 = vector.load %arg4[%get3A_32, %get3A_33] : memref<1x300xf32, #tpu.memory_space<vmem>>, vector<1x300xf32>
      %add3A_35 = vector.broadcast %get3A_34 : vector<1x300xf32> to vector<64x300xf32>
      %add3A_36 = arith.addf %dot_general3A_31, %add3A_35 : vector<64x300xf32>
      %get3A_37 = arith.constant 0 : index
      %get3A_38 = arith.constant 0 : index
      %get3A_39 = vector.load %arg5[%get3A_37, %get3A_38] : memref<1x300xf32, #tpu.memory_space<vmem>>, vector<1x300xf32>
      %sqrt3A = arith.constant 1.000010e+00 : f32
      %sqrt3A_40 = math.sqrt %sqrt3A : f32
      %div3A = vector.broadcast %sqrt3A_40 : f32 to vector<1x300xf32>
      %div3A_41 = arith.divf %get3A_39, %div3A : vector<1x300xf32>
      %mul3A = vector.broadcast %div3A_41 : vector<1x300xf32> to vector<64x300xf32>
      %mul3A_42 = arith.mulf %add3A_36, %mul3A : vector<64x300xf32>
      %get3A_43 = arith.constant 0 : index
      %get3A_44 = arith.constant 0 : index
      %get3A_45 = vector.load %arg6[%get3A_43, %get3A_44] : memref<1x300xf32, #tpu.memory_space<vmem>>, vector<1x300xf32>
      %add3A_46 = vector.broadcast %get3A_45 : vector<1x300xf32> to vector<64x300xf32>
      %add3A_47 = arith.addf %mul3A_42, %add3A_46 : vector<64x300xf32>
      %max3A = arith.constant 0.000000e+00 : f32
      %max3A_48 = vector.broadcast %max3A : f32 to vector<64x300xf32>
      %max3A_49 = arith.maximumf %add3A_47, %max3A_48 : vector<64x300xf32>
      %get3A_50 = arith.constant 0 : index
      %get3A_51 = arith.constant 0 : index
      %get3A_52 = vector.load %arg7[%get3A_50, %get3A_51] : memref<300x10xf32, #tpu.memory_space<vmem>>, vector<300x10xf32>
      %dot_general3A_53 = arith.constant dense<0.000000e+00> : vector<64x10xf32>
      %dot_general3A_54 = tpu.matmul %max3A_49, %get3A_52, %dot_general3A_53 {dimension_numbers = #tpu.dot_dimension_numbers<[1], [0], [0], [1], [0, 0, 1, 1], [], []>, transpose_lhs_hint = false} : vector<64x300xf32>, vector<300x10xf32>, vector<64x10xf32> -> vector<64x10xf32>
      %get3A_55 = arith.constant 0 : index
      %get3A_56 = arith.constant 0 : index
      %get3A_57 = vector.load %arg8[%get3A_55, %get3A_56] : memref<1x10xf32, #tpu.memory_space<vmem>>, vector<1x10xf32>
      %add3A_58 = vector.broadcast %get3A_57 : vector<1x10xf32> to vector<64x10xf32>
      %add3A_59 = arith.addf %dot_general3A_54, %add3A_58 : vector<64x10xf32>
      %swap3A_60 = arith.constant 0 : index
      %swap3A_61 = arith.constant 0 : index
      %swap3A_62 = vector.load %arg9[%swap3A_60, %swap3A_61] : memref<64x10xf32, #tpu.memory_space<vmem>>, vector<64x10xf32>
      tpu.vector_store %arg9[%swap3A_60, %swap3A_61], %add3A_59 {strides = array<i32>} : memref<64x10xf32, #tpu.memory_space<vmem>>, vector<64x10xf32>,
    } else {
    }
    return
  }
  func.func @transform_0(%arg0: i32) -> (i32, i32) {
    %c0_i32 = arith.constant 0 : i32
    %c0_i32_0 = arith.constant 0 : i32
    return %arg0, %c0_i32 : i32, i32
  }
  func.func @transform_1(%arg0: i32) -> (i32, i32, i32) {
    %c0_i32 = arith.constant 0 : i32
    %c0_i32_0 = arith.constant 0 : i32
    %c0_i32_1 = arith.constant 0 : i32
    return %arg0, %c0_i32, %c0_i32_0 : i32, i32, i32
  }
  func.func @transform_2(%arg0: i32) -> (i32, i32) {
    %c0_i32 = arith.constant 0 : i32
    %c0_i32_0 = arith.constant 0 : i32
    %c0_i32_1 = arith.constant 0 : i32
    return %c0_i32, %c0_i32_0 : i32, i32
  }
  func.func @transform_3(%arg0: i32) -> (i32, i32) {
    %c0_i32 = arith.constant 0 : i32
    %c0_i32_0 = arith.constant 0 : i32
    %c0_i32_1 = arith.constant 0 : i32
    return %c0_i32, %c0_i32_0 : i32, i32
  }
  func.func @transform_4(%arg0: i32) -> (i32, i32) {
    %c0_i32 = arith.constant 0 : i32
    %c0_i32_0 = arith.constant 0 : i32
    %c0_i32_1 = arith.constant 0 : i32
    return %c0_i32, %c0_i32_0 : i32, i32
  }
  func.func @transform_5(%arg0: i32) -> (i32, i32) {
    %c0_i32 = arith.constant 0 : i32
    %c0_i32_0 = arith.constant 0 : i32
    %c0_i32_1 = arith.constant 0 : i32
    return %c0_i32, %c0_i32_0 : i32, i32
  }
  func.func @transform_6(%arg0: i32) -> (i32, i32) {
    %c0_i32 = arith.constant 0 : i32
    %c0_i32_0 = arith.constant 0 : i32
    %c0_i32_1 = arith.constant 0 : i32
    return %c0_i32, %c0_i32_0 : i32, i32
  }
  func.func @transform_7(%arg0: i32) -> (i32, i32) {
    %c0_i32 = arith.constant 0 : i32
    %c0_i32_0 = arith.constant 0 : i32
    %c0_i32_1 = arith.constant 0 : i32
    return %c0_i32, %c0_i32_0 : i32, i32
  }
  func.func @transform_8(%arg0: i32) -> (i32, i32) {
    %c0_i32 = arith.constant 0 : i32
    %c0_i32_0 = arith.constant 0 : i32
    %c0_i32_1 = arith.constant 0 : i32
    return %c0_i32, %c0_i32_0 : i32, i32
  }
}

</mosaic_0001>

<sc_bundles>
// kernel: kernel.17.cloned.1.call-start
scs
__scs_entry_jumppad:
0x0: {  	(pc) =	sbr.rel $0x88, $3  }
0x1: {  	(tag) =	ssettag $0x0;
	lr =	simm.s32 $0x1  }
0x2: {  	[smem:$0x3F84] =	sst lr;
	_ =	strace $0xD0000000  }
0x3: {  	_ = 	snop  }
0x4: {  	_ = 	snop  }
0x5: {  	_ = 	snop  }
0x6: {  	_ = 	snop  }
0x7: {  	_ = 	snop  }
__scs_overlays_trampoline_lowered:
0x8: {  	[smem:$0x3F93] =	sst s0  }
0x9: {  	[smem:$0x3F94] =	sst s1  }
0xa: {  	[smem:$0x3F95] =	sst s2  }
0xb: {  	[smem:$0x3F96] =	sst s3  }
0xc: {  	[smem:$0x3F97] =	sst s4  }
0xd: {  	[smem:$0x3F98] =	sst s5  }
0xe: {  	[smem:$0x3F99] =	sst s6  }
0xf: {  	[smem:$0x3F9A] =	sst s7  }
0x10: {  	[smem:$0x3F9B] =	sst s8  }
0x11: {  	[smem:$0x3F9C] =	sst s9;
	s0 =	simm.s32 @!p0 $0x0  }
0x12: {  	s1 =	sld [smem:$0x3F82];
	s0 =	simm.s32 @p0 $0x1  }
0x13: {  	[smem:$0x3F9D] =	sst s0;
	s0 =	simm.s32 @!p1 $0x0  }
0x14: {  	s2 =	sld [smem:$0x3F81];
	s0 =	simm.s32 @p1 $0x1  }
0x15: {  	[smem:$0x3F9E] =	sst s0;
	s0 =	simm.s32 @!p2 $0x0  }
0x16: {  	s3 =	sld [smem:$0x3FDB];
	s0 =	simm.s32 @p2 $0x1  }
0x17: {  	s4 =	simm.s32 $0x1BF5;
	[smem:$0x3FA0] =	sst s0  }
0x18: {  	s0 =	sld [smem:$0x3F83];
	_ =	swait.ge [sflag:s4], $0x0  }
0x19: {  	s7 =	sld [smem:$0x3F84]  }
0x1a: {  	s8 =	sadd.s32 $0xFFFFE003, lr  }
0x1b: {  	s9 =	sadd.s32 $0xFFFFFEF7, lr;
	s5 =	simm.s32 $0xFFFFFFFF;
	p2 =	slt.u32 s8, $0xFFFFF086  }
0x1c: {  	p1 =	slt.u32 s9, $0xF7A;
	s5 =	simm.s32 @!p2 $0x0  }
0x1d: {  	s5 =	simm.s32 @p1 $0x1;
	p0 =	seq.s32 s7, s2  }
0x1e: {  	s7 =	smul.u32 @!p0 $0xF7A, s2;
	p2 =	seq.s32 @!p0 s5, $0x0  }
0x1f: {  	s9 =	smul.u32 $0xF7A, s1;
	s8 =	simm.s32 @!p0 $0x1BF5;
	p2 =	por !p2, p0  }
0x20: {  	[sflag:s8] =	ssyncset.s32 @!p0 $0xFFFFF086;
	s6 =	sadd.s32 @!p0 s3, s7;
	s7 =	simm.s32 @!p0 $0x108  }
0x21: {  	s3 =	sadd.s32 s3, s9;
	s6 =	sadd.s32 @!p0 $0x88, s6;
	s7 =	simm.s32 @p2 $0x1082  }
0x22: {  	[simem:s7], [sflag:s8] =	dma.local @!p0 [hbm:s6], $0xF7A  }
0x23: {  	s9 =	sor.u32 $0xD0000000, s2;
	s6 =	simm.s32 $0x108;
	_ =	swait.ge @!p0 [sflag:s8], $0x0  }
0x24: {  	s3 =	sadd.s32 $0x88, s3;
	s6 =	simm.s32 @!p1 $0x1082;
	[sflag:s4] =	ssyncset.s32 $0xFFFFF086  }
0x25: {  	[simem:s6], [sflag:s4] =	dma.local [hbm:s3], $0xF7A  }
0x26: {  	[smem:$0x3F84] =	sst s1;
	(tag) =	ssettag s2;
	_ =	strace s9  }
0x27: {  	s1 =	sld [smem:$0x3F94]  }
0x28: {  	s2 =	sld [smem:$0x3F95]  }
0x29: {  	s4 =	sld [smem:$0x3F97]  }
0x2a: {  	p0 =	seq.s32 s5, $0x0;
	s5 =	sld [smem:$0x3F98]  }
0x2b: {  	s6 =	sld [smem:$0x3F99]  }
0x2c: {  	s7 =	sld [smem:$0x3F9A]  }
0x2d: {  	s3 =	simm.s32 $0x108;
	s8 =	sld [smem:$0x3F9B]  }
0x2e: {  	s3 =	simm.s32 @!p0 $0x1082;
	s9 =	sld [smem:$0x3F9C]  }
0x2f: {  	lr =	sadd.s32 s0, s3;
	s0 =	sld [smem:$0x3F93]  }
0x30: {  	s3 =	sld [smem:$0x3F96]  }
0x31: {  	[smem:$0x3F9F] =	sst s10  }
0x32: {  	s10 =	sld [smem:$0x3F9D];
	_ =	sdelay $0x3  }
0x33: {  	p0 =	seq.s32 s10, $0x1;
	s10 =	sld [smem:$0x3F9F];
	_ =	sdelay $0x3  }
0x34: {  	[smem:$0x3F9F] =	sst s10  }
0x35: {  	s10 =	sld [smem:$0x3F9E];
	_ =	sdelay $0x3  }
0x36: {  	p1 =	seq.s32 s10, $0x1;
	s10 =	sld [smem:$0x3F9F];
	_ =	sdelay $0x3  }
0x37: {  	[smem:$0x3F9F] =	sst s10  }
0x38: {  	s10 =	sld [smem:$0x3FA0]  }
0x39: {  	_ = 	snop;
	(pc) =	sbr.ind lr, $3  }
0x3a: {  	_ = 	snop  }
0x3b: {  	_ = 	snop  }
0x3c: {  	p2 =	seq.s32 s10, $0x1;
	s10 =	sld [smem:$0x3F9F]  }
0x3d: {  	_ =	shalt  }
0x3e: {  	_ =	shalt  }
0x3f: {  	_ =	shalt  }
0x40: {  	_ =	shalt  }
0x41: {  	_ =	shalt  }
0x42: {  	_ =	shalt  }
0x43: {  	_ =	shalt  }
0x44: {  	_ =	shalt  }
0x45: {  	_ =	shalt  }
0x46: {  	_ =	shalt  }
0x47: {  	_ =	shalt  }
0x48: {  	_ =	shalt  }
0x49: {  	_ =	shalt  }
0x4a: {  	_ =	shalt  }
0x4b: {  	_ =	shalt  }
0x4c: {  	_ =	shalt  }
0x4d: {  	_ =	shalt  }
0x4e: {  	_ =	shalt  }
0x4f: {  	_ =	shalt  }
0x50: {  	_ =	shalt  }
0x51: {  	_ =	shalt  }
0x52: {  	_ =	shalt  }
0x53: {  	_ =	shalt  }
0x54: {  	_ =	shalt  }
0x55: {  	_ =	shalt  }
0x56: {  	_ =	shalt  }
0x57: {  	_ =	shalt  }
0x58: {  	_ =	shalt  }
0x59: {  	_ =	shalt  }
0x5a: {  	_ =	shalt  }
0x5b: {  	_ =	shalt  }
0x5c: {  	_ =	shalt  }
0x5d: {  	_ =	shalt  }
0x5e: {  	_ =	shalt  }
0x5f: {  	_ =	shalt  }
0x60: {  	_ =	shalt  }
0x61: {  	_ =	shalt  }
0x62: {  	_ =	shalt  }
0x63: {  	_ =	shalt  }
0x64: {  	_ =	shalt  }
0x65: {  	_ =	shalt  }
0x66: {  	_ =	shalt  }
0x67: {  	_ =	shalt  }
0x68: {  	_ =	shalt  }
0x69: {  	_ =	shalt  }
0x6a: {  	_ =	shalt  }
0x6b: {  	_ =	shalt  }
0x6c: {  	_ =	shalt  }
0x6d: {  	_ =	shalt  }
0x6e: {  	_ =	shalt  }
0x6f: {  	_ =	shalt  }
0x70: {  	_ =	shalt  }
0x71: {  	_ =	shalt  }
0x72: {  	_ =	shalt  }
0x73: {  	_ =	shalt  }
0x74: {  	_ =	shalt  }
0x75: {  	_ =	shalt  }
0x76: {  	_ =	shalt  }
0x77: {  	_ =	shalt  }
0x78: {  	_ =	shalt  }
0x79: {  	_ =	shalt  }
0x7a: {  	_ =	shalt  }
0x7b: {  	_ =	shalt  }
0x7c: {  	_ =	shalt  }
0x7d: {  	_ =	shalt  }
0x7e: {  	_ =	shalt  }
0x7f: {  	_ =	shalt  }
0x80: {  	_ =	shalt  }
0x81: {  	_ =	shalt  }
0x82: {  	_ =	shalt  }
0x83: {  	_ =	shalt  }
0x84: {  	_ =	shalt  }
0x85: {  	_ =	shalt  }
0x86: {  	_ =	shalt  }
0x87: {  	_ =	shalt  }
.Lfunc_end0:
.L_simem_size_0:
called_computation_lowered:
.L_overlay_start_0:
0x88: {  	s2 =	sld [smem:$0x3FD9]  }
0x89: {  	s3 =	sld [smem:$0x3FFE];
	_ =	sdelay $0x1  }
0x8a: {  	s1 =	srdreg.scid  }
0x8b: {  	s0 =	sand.u32 $0x1, s1  }
0x8c: {  	s16 =	sshll.u32 s0, $0xA;
	s2 =	sadd.s32 s3, s2  }
0x8d: {  	s2 =	sadd.s32 s2, s16  }
0x8e: {  	[smem:$0x3FAB] =	sst s2  }
0x8f: {  	_ = 	snop  }
0x90: {  	(tm) =	ssettm $0x1  }
0x91: {  	s17 =	sld [smem:$0x3FFB];
	_ =	sdelay $0x3  }
0x92: {  	_ =	strace s17  }
0x93: {  	s2 =	sld [smem:$0x3FFC];
	_ =	sdelay $0x3  }
0x94: {  	_ =	strace s2  }
0x95: {  	s2 =	sld [smem:$0x3FFD];
	_ =	sdelay $0x3  }
0x96: {  	_ =	strace s2  }
0x97: {  	_ =	strace $0x8FFFFFFF  }
0x98: {  	s18 =	sld [smem:$0x3FDB];
	_ =	sdelay $0x1  }
0x99: {  	s19 =	simm.s32 $_scs_section_size  }
0x9a: {  	s4 =	simm.s32 $_size__tile_overlayer_lowered;
	s5 =	simm.s32 $_tile_overlayer_lowered  }
0x9b: {  	s22 =	simm.s32 $0x1BFF;
	s21 =	sshll.u32 s5, $0x1;
	s2 =	sadd.s32 s19, s18  }
0x9c: {  	s6 =	simm.s32 $0x0;
	s20 =	sshll.u32 s4, $0x1;
	s4 =	sadd.s32 s21, s2  }
0x9d: {  	[timem:s6], [sflag:s22] =	dma.local [hbm:s4], s20  }
0x9e: {  	_ =	swait.ge [sflag:s22], s20  }
0x9f: {  	s3 =	ssub.s32 $0x0, s20;
	[sflag:s22] =	ssyncset.done $0x0  }
0xa0: {  	[sflag:s22] =	ssyncadd.s32 s3;
	_ =	sdelay $0x1  }
0xa1: {  	s23 =	simm.s32 $0x1B8B  }
0xa2: {  	_ =	swait.ge [sflag:s23], $0x1  }
0xa3: {  	[sflag:s23] =	ssyncset.done $0x0  }
0xa4: {  	s25 =	simm.s32 $0x1B8E;
	s24 =	sld [smem:$0x3FFE];
	[sflag:s23] =	ssyncadd.s32 $0xFFFFFFFF  }
0xa5: {  	s26 =	simm.s32 $execute0_lowered;
	[smem:$0x3FD2] =	sst s25  }
0xa6: {  	s4 =	sshll.u32 s26, $0x1;
	_ =	strace $0x80000046;
	[dreg:$0x1] =	wrdreg $0xFFFFFFFF  }
0xa7: {  	s28 =	simm.s32 $_size_execute0_lowered;
	s2 =	sadd.s32 s2, s4;
	[dreg:$0x0] =	wrdreg $0x0  }
0xa8: {  	s4 =	sshll.u32 s28, $0x1;
	[dreg:$0x2] =	wrdreg s2  }
0xa9: {  	[dreg:$0x3] =	wrdreg s4  }
0xaa: {  	[dreg:$0x4] =	wrdreg $0xC0  }
0xab: {  	_ =	task [dreg:s6], $0x5FFFF  }
0xac: {  	[dreg:$0x1] =	wrdreg $0xFFFFFFFF  }
0xad: {  	[dreg:$0x0] =	wrdreg $0x60  }
0xae: {  	[dreg:$0x2] =	wrdreg s24  }
0xaf: {  	[dreg:$0x3] =	wrdreg $0xCE400  }
0xb0: {  	[dreg:$0x4] =	wrdreg $0x9  }
0xb1: {  	_ =	task.clear_ibuf [dreg:s6], $0x5FFFF;
	_ =	strace $0x90000046  }
0xb2: {  	s29 =	simm.s32 $0x9;
	_ =	strace $0x80000048  }
0xb3: {  	_ =	swait.ge [sflag:s29], $0x1  }
0xb4: {  	[sflag:s29] =	ssyncadd.s32 $0xFFFFFFFF  }
0xb5: {  	_ =	strace $0x90000048  }
0xb6: {  	_ =	sfence  }
0xb7: {  	s30 =	sld [smem:$0x0];
	_ =	sdelay $0x2  }
0xb8: {  	s31 =	sshll.u32 s1, $0xD;
	s1 =	sshrl.u32 s1, $0x2  }
0xb9: {  	s3 =	sand.u32 $0x4000, s31;
	s1 =	sadd.s32 s1, s30  }
0xba: {  	s0 =	sor.u32 s3, s0;
	s1 =	sshll.u32 s1, $0x11  }
0xbb: {  	s0 =	sor.u32 s1, s0  }
0xbc: {  	s0 =	sadd.s32 $0x8F2B, s0  }
0xbd: {  	[sflag:s0] =	ssyncadd.remote.s32 $0x1  }
0xbe: {  	_ =	sfence.sel $0xFFFF  }
0xbf: {  	[dreg:$0x0] =	wrdreg $0xFFFFFFFF;
	(pc) =	sbr.abs _section_cstart, $3  }
0xc0: {  	[dreg:$0x1] =	wrdreg $0xFFFFFFFF  }
0xc1: {  	_ =	task.clear_ibuf [dreg:s6], $0x2FFFF;
	_ =	strace $0x9FFFFFFF  }
0xc2: {  	(tm) =	ssettm $0x7FFFFFFF  }
0xc3: {  	_ =	shalt  }
tec
execute0_lowered:
.L_overlay_start_1:
0x0: {  	(tag) =	ssettag $0x1  }
0x1: {  	s0 =	srdreg.scid  }
0x2: {  	s18 =	stileid.u32;
	s6 =	rddreg [dreg:$0x0]  }
0x3: {  	s1 =	rddreg [dreg:$0x1];
	s2 =	simm.s32 $0x0;
	s14 =	simm.s32 $0x9C40  }
0x4: {  	s15 =	simm.s32 $0xB540;
	s16 =	simm.s32 $0x1;
	s17 =	simm.s32 $0x2  }
0x5: {  	s19 =	simm.s32 $0x9BF0;
	s23 =	simm.s32 $0x0;
	s5 =	smul.u32 $0x4E20, s18  }
0x6: {  	s4 =	sand.u32 $0x1, s0;
	s0 =	rddreg [dreg:$0x2];
	s11 =	smul.u32 $0x1860, s18  }
0x7: {  	[smem:$0x7FF] =	sst s2;
	s12 =	sadd.s32 $0x54C00, s6;
	s13 =	smul.u32 $0x30C00, s18  }
0x8: {  	s22 =	sadd.s32 $0xC3000, s1;
	p0 =	sne.s32 s18, $0x0;
	p1 =	sne.s32 s18, $0xF  }
0x9: {  	s20 =	sshll.u32 s18, $0x6;
	s18 =	simm.s32 $0x9BA0;
	s3 =	smul.u32 $0x4E200, s4  }
0xa: {  	_ =	strace $0x80000047;
	s8 =	ssub.s32 $0x2, s4;
	s9 =	smul.u32 $0x186A0, s4  }
0xb: {  	s29 =	smul.u32 $0xC3500, s4;
	s20 =	sor.u32 $0x1C03, s20;
	s22 =	sshrl.u32 @!p1 s22, $0x3  }
0xc: {  	s10 =	sshrl.u32 s8, $0x1;
	s31 =	sshrl.u32 s13, $0x2;
	s13 =	simm.s32 $0x50  }
0xd: {  	s3 =	sadd.s32 s5, s3;
	s5 =	sshrl.u32 s5, $0x3;
	s10 =	ssub.s32 s8, s10  }
0xe: {  	s30 =	sadd.s32 s11, s9;
	s8 =	sshrl.u32 s29, $0x3;
	s21 =	sadd.s32 s31, s1  }
0xf: {  	s11 =	simm.s32 $0x4E20;
	s7 =	sshrl.u32 s3, $0x3;
	s3 =	sadd.s32 $0x23E00, s6  }
0x10: {  	s5 =	sadd.s32 s5, s6;
	s8 =	sadd.s32 s12, s8;
	s21 =	sshrl.u32 s21, $0x3  }
0x11: {  	s7 =	sadd.s32 s7, s6;
	s5 =	sadd.s32 $0x6600, s5;
	s6 =	sadd.s32 s3, s9  }
0x12: {  	s8 =	sadd.s32 $0x18600, s8;
	s9 =	smax.u32 s10, $0x1;
	s10 =	simm.s32 $0x3  }
0x13: {  	s4 =	sadd.s32 $0x10400, s7;
	s7 =	sadd.s32 s12, s30;
	s12 =	sshrl.u32 @!p0 s1, $0x3  }
.LBB2_1:
0x14: {  	[tilespmem:s2], [sflag:$0x3] =	stream.linear.gather [hbm4b:s4+s2], $0x4E20, $0x38;
	[tilespmem:$0x19190] =	vst v63  }
0x15: {  	_ =	swait.ge [sflag:s10], $0x4E20  }
0x16: {  	[sflag:s10] =	ssyncset.done $0x0  }
0x17: {  	[sflag:s10] =	ssyncadd.s32 $0xFFFFB1E0  }
0x18: {  	[tilespmem:s11], [sflag:$0x3] =	stream.linear.gather [hbm4b:s5+s2], $0x4E20, $0x38;
	[tilespmem:$0x19190] =	vst v63  }
0x19: {  	_ =	swait.ge [sflag:s10], $0x4E20  }
0x1a: {  	[sflag:s10] =	ssyncset.done $0x0  }
0x1b: {  	s24 =	simm.s32 @!p0 $0x1C03;
	[sflag:s10] =	ssyncadd.s32 $0xFFFFB1E0  }
0x1c: {  	[spmem:s12], [sflag:s24] =	dma.local @!p0 [hbm:s6], $0x186A0  }
0x1d: {  	s24 =	simm.s32 @!p0 $0x3  }
0x1e: {  	_ =	swait.ge @!p0 [sflag:s24], $0x186A0  }
0x1f: {  	[sflag:s24] =	ssyncset.done @!p0 $0x0  }
0x20: {  	[sflag:s24] =	ssyncadd.s32 @!p0 $0xFFFE7960  }
0x21: {  	[bflag:$0x0] =	sbarrier.arrive $0xFFFF  }
0x22: {  	[tilespmem:s14], [sflag:$0x1] =	stream.indirect.gather [hbm4b:s3+s13], $0x50, s2, s13, $0xb8;
	[tilespmem:$0x19190] =	vst v63  }
0x23: {  	_ = 	snop  }
0x24: {  	[tilespmem:s15], [sflag:$0x2] =	stream.indirect.gather [hbm4b:s3+s13], $0x50, s13, s13, $0xb8;
	[tilespmem:$0x19190] =	vst v63  }
0x25: {  	_ =	swait.ge [sflag:s16], $0x1900  }
0x26: {  	[sflag:s16] =	ssyncset.done $0x0  }
0x27: {  	s29 =	simm.s32 $0x4E20;
	[sflag:s16] =	ssyncadd.s32 $0xFFFFE700  }
0x28: {  	[spmem:s1] =	stream.indirect.scatter.add.f32 [tilespmem:s14], [sflag:$0x3], $0x50, s29, s13, $0xb8;
	[tilespmem:$0x19190] =	vst v63  }
0x29: {  	_ =	swait.ge [sflag:s10], $0x1900  }
0x2a: {  	[sflag:s10] =	ssyncset.done $0x0  }
0x2b: {  	s30 =	simm.s32 $0xA0;
	[sflag:s10] =	ssyncadd.s32 $0xFFFFE700  }
0x2c: {  	[tilespmem:s14], [sflag:$0x1] =	stream.indirect.gather [hbm4b:s3+s13], $0x50, s30, s13, $0xb8;
	[tilespmem:$0x19190] =	vst v63  }
0x2d: {  	_ =	swait.ge [sflag:s17], $0x1900  }
0x2e: {  	[sflag:s17] =	ssyncset.done $0x0  }
0x2f: {  	s31 =	simm.s32 $0x4E70;
	[sflag:s17] =	ssyncadd.s32 $0xFFFFE700  }
0x30: {  	[spmem:s1] =	stream.indirect.scatter.add.f32 [tilespmem:s15], [sflag:$0x3], $0x50, s31, s13, $0xb8;
	[tilespmem:$0x19190] =	vst v63  }
0x31: {  	_ =	swait.ge [sflag:s10], $0x1900  }
0x32: {  	[sflag:s10] =	ssyncset.done $0x0  }
0x33: {  	s25 =	simm.s32 $0xF0;
	s24 =	simm.s32 $0x280;
	[sflag:s10] =	ssyncadd.s32 $0xFFFFE700  }
.LBB2_2:
0x34: {  	[tilespmem:s15], [sflag:$0x2] =	stream.indirect.gather [hbm4b:s3+s13], $0x50, s25, s13, $0xb8;
	[tilespmem:$0x19190] =	vst v63  }
0x35: {  	s25 =	smov.u32 s24  }
0x36: {  	p2 =	sne.s32 s24, $0x13380;
	s24 =	sadd.s32 $0x280, s24;
	_ =	swait.ge [sflag:s16], $0x1900  }
0x37: {  	s25 =	sshra.s32 s25, $0x2;
	[sflag:s16] =	ssyncset.done $0x0  }
0x38: {  	s26 =	sadd.s32 $0x4E20, s25;
	[sflag:s16] =	ssyncadd.s32 $0xFFFFE700  }
0x39: {  	[spmem:s1] =	stream.indirect.scatter.add.f32 [tilespmem:s14], [sflag:$0x3], $0x50, s26, s13, $0xb8;
	[tilespmem:$0x19190] =	vst v63  }
0x3a: {  	_ =	swait.ge [sflag:s10], $0x1900  }
0x3b: {  	[sflag:s10] =	ssyncset.done $0x0  }
0x3c: {  	s26 =	sadd.s32 $0xA0, s25;
	[sflag:s10] =	ssyncadd.s32 $0xFFFFE700  }
0x3d: {  	[tilespmem:s14], [sflag:$0x1] =	stream.indirect.gather [hbm4b:s3+s13], $0x50, s26, s13, $0xb8;
	[tilespmem:$0x19190] =	vst v63  }
0x3e: {  	_ =	swait.ge [sflag:s17], $0x1900  }
0x3f: {  	[sflag:s17] =	ssyncset.done $0x0  }
.Ltmp0:
0x40: {  	s26 =	sadd.s32 $0x4E70, s25;
	[sflag:s17] =	ssyncadd.s32 $0xFFFFE700;
	(pc) =	sbr.rel @p2 .LBB2_2-.Ltmp0, $4  }
0x41: {  	[spmem:s1] =	stream.indirect.scatter.add.f32 [tilespmem:s15], [sflag:$0x3], $0x50, s26, s13, $0xb8;
	[tilespmem:$0x19190] =	vst v63  }
0x42: {  	_ =	swait.ge [sflag:s10], $0x1900  }
0x43: {  	[sflag:s10] =	ssyncset.done $0x0  }
0x44: {  	s25 =	sadd.s32 $0xF0, s25;
	[sflag:s10] =	ssyncadd.s32 $0xFFFFE700  }
0x45: {  	[tilespmem:s15], [sflag:$0x2] =	stream.indirect.gather [hbm4b:s3+s13], $0x50, s25, s13, $0xb8;
	[tilespmem:$0x19190] =	vst v63  }
0x46: {  	_ =	swait.ge [sflag:s16], $0x1900  }
0x47: {  	[sflag:s16] =	ssyncset.done $0x0  }
0x48: {  	[sflag:s16] =	ssyncadd.s32 $0xFFFFE700  }
0x49: {  	[spmem:s1] =	stream.indirect.scatter.add.f32 [tilespmem:s14], [sflag:$0x3], $0x50, s18, s13, $0xb8;
	[tilespmem:$0x19190] =	vst v63  }
0x4a: {  	_ =	swait.ge [sflag:s10], $0x1900  }
0x4b: {  	[sflag:s10] =	ssyncset.done $0x0  }
0x4c: {  	[sflag:s10] =	ssyncadd.s32 $0xFFFFE700  }
0x4d: {  	_ =	swait.ge [sflag:s17], $0x1900  }
0x4e: {  	[sflag:s17] =	ssyncset.done $0x0  }
0x4f: {  	[sflag:s17] =	ssyncadd.s32 $0xFFFFE700  }
0x50: {  	[spmem:s1] =	stream.indirect.scatter.add.f32 [tilespmem:s15], [sflag:$0x3], $0x50, s19, s13, $0xb8;
	[tilespmem:$0x19190] =	vst v63  }
0x51: {  	_ =	swait.ge [sflag:s10], $0x1900  }
0x52: {  	[sflag:s10] =	ssyncset.done $0x0  }
0x53: {  	[sflag:s10] =	ssyncadd.s32 $0xFFFFE700  }
0x54: {  	[bflag:$0x0] =	sbarrier.arrive $0xFFFF  }
0x55: {  	[hbm:s7], [sflag:s20] =	dma.local [spmem:s21], $0x1860  }
0x56: {  	s23 =	sadd.s32 $0x1, s23;
	_ =	swait.ge [sflag:s10], $0x1860  }
0x57: {  	p2 =	sne.s32 s23, s9;
	[sflag:s10] =	ssyncset.done $0x0  }
.Ltmp1:
0x58: {  	s24 =	simm.s32 @!p1 $0x3;
	[sflag:s10] =	ssyncadd.s32 $0xFFFFE7A0;
	(pc) =	sbr.rel @p2 .LBB2_1-.Ltmp1, $4  }
0x59: {  	[hbm:s8], [sflag:s20] =	dma.local @!p1 [spmem:s22], $0xA0  }
0x5a: {  	_ =	swait.ge @!p1 [sflag:s24], $0xA0  }
0x5b: {  	[sflag:s24] =	ssyncset.done @!p1 $0x0  }
0x5c: {  	[sflag:s24] =	ssyncadd.s32 @!p1 $0xFFFFFF60  }
0x5d: {  	_ =	sfence.sel $0x180000  }
0x5e: {  	[bflag:$0x0] =	sbarrier.arrive $0xFFFF  }
0x5f: {  	_ =	strace $0x90000047  }
0x60: {  	s0 =	sadd.s32 @!p0 $0x100000, s0;
	[bflag:$0x2] =	sbarrier.arrive $0xFFFF  }
0x61: {  	[sflag:s0] =	ssyncadd.tile.s32 @!p0 $0x1;
	_ =	shalt  }
.Lfunc_end2:
_tile_overlayer_lowered:
.L_overlay_start_2:
0x62: {  	(tag) =	ssettag $0x2  }
0x63: {  	s0 =	rddreg [dreg:$0x0];
	s2 =	stileid.u32  }
0x64: {  	s1 =	rddreg [dreg:$0x1];
	p0 =	sne.s32 s2, $0x0  }
0x65: {  	s3 =	rddreg [dreg:$0x2];
	[bflag:$0x3] =	sbarrier.arrive $0xFFFF;
	s2 =	simm.s32 @!p0 $0x1C03  }
0x66: {  	[timem:s3], [sflag:s2] =	dma.local @!p0 [hbm:s0], s1  }
0x67: {  	s0 =	simm.s32 @!p0 $0x3  }
0x68: {  	_ =	swait.ge @!p0 [sflag:s0], s1  }
0x69: {  	s1 =	ssub.s32 @!p0 $0x0, s1;
	[sflag:s0] =	ssyncset.done @!p0 $0x0  }
0x6a: {  	[sflag:s0] =	ssyncadd.s32 @!p0 s1  }
0x6b: {  	[bflag:$0x3] =	sbarrier.arrive $0xFFFF  }
0x6c: {  	_ =	shalt  }

// kernel: kernel.20.cloned.1.call-start
scs
__scs_entry_jumppad:
0x0: {  	(pc) =	sbr.rel $0x88, $3  }
0x1: {  	(tag) =	ssettag $0x0;
	lr =	simm.s32 $0x1  }
0x2: {  	[smem:$0x3F84] =	sst lr;
	_ =	strace $0xD0000000  }
0x3: {  	_ = 	snop  }
0x4: {  	_ = 	snop  }
0x5: {  	_ = 	snop  }
0x6: {  	_ = 	snop  }
0x7: {  	_ = 	snop  }
__scs_overlays_trampoline_lowered:
0x8: {  	[smem:$0x3F93] =	sst s0  }
0x9: {  	[smem:$0x3F94] =	sst s1  }
0xa: {  	[smem:$0x3F95] =	sst s2  }
0xb: {  	[smem:$0x3F96] =	sst s3  }
0xc: {  	[smem:$0x3F97] =	sst s4  }
0xd: {  	[smem:$0x3F98] =	sst s5  }
0xe: {  	[smem:$0x3F99] =	sst s6  }
0xf: {  	[smem:$0x3F9A] =	sst s7  }
0x10: {  	[smem:$0x3F9B] =	sst s8  }
0x11: {  	[smem:$0x3F9C] =	sst s9;
	s0 =	simm.s32 @!p0 $0x0  }
0x12: {  	s1 =	sld [smem:$0x3F82];
	s0 =	simm.s32 @p0 $0x1  }
0x13: {  	[smem:$0x3F9D] =	sst s0;
	s0 =	simm.s32 @!p1 $0x0  }
0x14: {  	s2 =	sld [smem:$0x3F81];
	s0 =	simm.s32 @p1 $0x1  }
0x15: {  	[smem:$0x3F9E] =	sst s0;
	s0 =	simm.s32 @!p2 $0x0  }
0x16: {  	s3 =	sld [smem:$0x3FDB];
	s0 =	simm.s32 @p2 $0x1  }
0x17: {  	s4 =	simm.s32 $0x1BF5;
	[smem:$0x3FA0] =	sst s0  }
0x18: {  	s0 =	sld [smem:$0x3F83];
	_ =	swait.ge [sflag:s4], $0x0  }
0x19: {  	s7 =	sld [smem:$0x3F84]  }
0x1a: {  	s8 =	sadd.s32 $0xFFFFE003, lr  }
0x1b: {  	s9 =	sadd.s32 $0xFFFFFEF7, lr;
	s5 =	simm.s32 $0xFFFFFFFF;
	p2 =	slt.u32 s8, $0xFFFFF086  }
0x1c: {  	p1 =	slt.u32 s9, $0xF7A;
	s5 =	simm.s32 @!p2 $0x0  }
0x1d: {  	s5 =	simm.s32 @p1 $0x1;
	p0 =	seq.s32 s7, s2  }
0x1e: {  	s7 =	smul.u32 @!p0 $0xF7A, s2;
	p2 =	seq.s32 @!p0 s5, $0x0  }
0x1f: {  	s9 =	smul.u32 $0xF7A, s1;
	s8 =	simm.s32 @!p0 $0x1BF5;
	p2 =	por !p2, p0  }
0x20: {  	[sflag:s8] =	ssyncset.s32 @!p0 $0xFFFFF086;
	s6 =	sadd.s32 @!p0 s3, s7;
	s7 =	simm.s32 @!p0 $0x108  }
0x21: {  	s3 =	sadd.s32 s3, s9;
	s6 =	sadd.s32 @!p0 $0x88, s6;
	s7 =	simm.s32 @p2 $0x1082  }
0x22: {  	[simem:s7], [sflag:s8] =	dma.local @!p0 [hbm:s6], $0xF7A  }
0x23: {  	s9 =	sor.u32 $0xD0000000, s2;
	s6 =	simm.s32 $0x108;
	_ =	swait.ge @!p0 [sflag:s8], $0x0  }
0x24: {  	s3 =	sadd.s32 $0x88, s3;
	s6 =	simm.s32 @!p1 $0x1082;
	[sflag:s4] =	ssyncset.s32 $0xFFFFF086  }
0x25: {  	[simem:s6], [sflag:s4] =	dma.local [hbm:s3], $0xF7A  }
0x26: {  	[smem:$0x3F84] =	sst s1;
	(tag) =	ssettag s2;
	_ =	strace s9  }
0x27: {  	s1 =	sld [smem:$0x3F94]  }
0x28: {  	s2 =	sld [smem:$0x3F95]  }
0x29: {  	s4 =	sld [smem:$0x3F97]  }
0x2a: {  	p0 =	seq.s32 s5, $0x0;
	s5 =	sld [smem:$0x3F98]  }
0x2b: {  	s6 =	sld [smem:$0x3F99]  }
0x2c: {  	s7 =	sld [smem:$0x3F9A]  }
0x2d: {  	s3 =	simm.s32 $0x108;
	s8 =	sld [smem:$0x3F9B]  }
0x2e: {  	s3 =	simm.s32 @!p0 $0x1082;
	s9 =	sld [smem:$0x3F9C]  }
0x2f: {  	lr =	sadd.s32 s0, s3;
	s0 =	sld [smem:$0x3F93]  }
0x30: {  	s3 =	sld [smem:$0x3F96]  }
0x31: {  	[smem:$0x3F9F] =	sst s10  }
0x32: {  	s10 =	sld [smem:$0x3F9D];
	_ =	sdelay $0x3  }
0x33: {  	p0 =	seq.s32 s10, $0x1;
	s10 =	sld [smem:$0x3F9F];
	_ =	sdelay $0x3  }
0x34: {  	[smem:$0x3F9F] =	sst s10  }
0x35: {  	s10 =	sld [smem:$0x3F9E];
	_ =	sdelay $0x3  }
0x36: {  	p1 =	seq.s32 s10, $0x1;
	s10 =	sld [smem:$0x3F9F];
	_ =	sdelay $0x3  }
0x37: {  	[smem:$0x3F9F] =	sst s10  }
0x38: {  	s10 =	sld [smem:$0x3FA0]  }
0x39: {  	_ = 	snop;
	(pc) =	sbr.ind lr, $3  }
0x3a: {  	_ = 	snop  }
0x3b: {  	_ = 	snop  }
0x3c: {  	p2 =	seq.s32 s10, $0x1;
	s10 =	sld [smem:$0x3F9F]  }
0x3d: {  	_ =	shalt  }
0x3e: {  	_ =	shalt  }
0x3f: {  	_ =	shalt  }
0x40: {  	_ =	shalt  }
0x41: {  	_ =	shalt  }
0x42: {  	_ =	shalt  }
0x43: {  	_ =	shalt  }
0x44: {  	_ =	shalt  }
0x45: {  	_ =	shalt  }
0x46: {  	_ =	shalt  }
0x47: {  	_ =	shalt  }
0x48: {  	_ =	shalt  }
0x49: {  	_ =	shalt  }
0x4a: {  	_ =	shalt  }
0x4b: {  	_ =	shalt  }
0x4c: {  	_ =	shalt  }
0x4d: {  	_ =	shalt  }
0x4e: {  	_ =	shalt  }
0x4f: {  	_ =	shalt  }
0x50: {  	_ =	shalt  }
0x51: {  	_ =	shalt  }
0x52: {  	_ =	shalt  }
0x53: {  	_ =	shalt  }
0x54: {  	_ =	shalt  }
0x55: {  	_ =	shalt  }
0x56: {  	_ =	shalt  }
0x57: {  	_ =	shalt  }
0x58: {  	_ =	shalt  }
0x59: {  	_ =	shalt  }
0x5a: {  	_ =	shalt  }
0x5b: {  	_ =	shalt  }
0x5c: {  	_ =	shalt  }
0x5d: {  	_ =	shalt  }
0x5e: {  	_ =	shalt  }
0x5f: {  	_ =	shalt  }
0x60: {  	_ =	shalt  }
0x61: {  	_ =	shalt  }
0x62: {  	_ =	shalt  }
0x63: {  	_ =	shalt  }
0x64: {  	_ =	shalt  }
0x65: {  	_ =	shalt  }
0x66: {  	_ =	shalt  }
0x67: {  	_ =	shalt  }
0x68: {  	_ =	shalt  }
0x69: {  	_ =	shalt  }
0x6a: {  	_ =	shalt  }
0x6b: {  	_ =	shalt  }
0x6c: {  	_ =	shalt  }
0x6d: {  	_ =	shalt  }
0x6e: {  	_ =	shalt  }
0x6f: {  	_ =	shalt  }
0x70: {  	_ =	shalt  }
0x71: {  	_ =	shalt  }
0x72: {  	_ =	shalt  }
0x73: {  	_ =	shalt  }
0x74: {  	_ =	shalt  }
0x75: {  	_ =	shalt  }
0x76: {  	_ =	shalt  }
0x77: {  	_ =	shalt  }
0x78: {  	_ =	shalt  }
0x79: {  	_ =	shalt  }
0x7a: {  	_ =	shalt  }
0x7b: {  	_ =	shalt  }
0x7c: {  	_ =	shalt  }
0x7d: {  	_ =	shalt  }
0x7e: {  	_ =	shalt  }
0x7f: {  	_ =	shalt  }
0x80: {  	_ =	shalt  }
0x81: {  	_ =	shalt  }
0x82: {  	_ =	shalt  }
0x83: {  	_ =	shalt  }
0x84: {  	_ =	shalt  }
0x85: {  	_ =	shalt  }
0x86: {  	_ =	shalt  }
0x87: {  	_ =	shalt  }
.Lfunc_end0:
.L_simem_size_0:
called_computation.1_lowered:
.L_overlay_start_0:
0x88: {  	s2 =	sld [smem:$0x3FD9]  }
0x89: {  	s3 =	sld [smem:$0x3FFE];
	_ =	sdelay $0x1  }
0x8a: {  	s1 =	srdreg.scid  }
0x8b: {  	s0 =	sand.u32 $0x1, s1  }
0x8c: {  	s17 =	sshll.u32 s0, $0xA;
	s2 =	sadd.s32 s3, s2  }
0x8d: {  	s2 =	sadd.s32 s2, s17  }
0x8e: {  	[smem:$0x3FAB] =	sst s2  }
0x8f: {  	_ = 	snop  }
0x90: {  	(tm) =	ssettm $0x1  }
0x91: {  	s18 =	sld [smem:$0x3FFB];
	_ =	sdelay $0x3  }
0x92: {  	_ =	strace s18  }
0x93: {  	s2 =	sld [smem:$0x3FFC];
	_ =	sdelay $0x3  }
0x94: {  	_ =	strace s2  }
0x95: {  	s2 =	sld [smem:$0x3FFD];
	_ =	sdelay $0x3  }
0x96: {  	_ =	strace s2  }
0x97: {  	_ =	strace $0x8FFFFFFF  }
0x98: {  	s19 =	sld [smem:$0x3FDB];
	_ =	sdelay $0x1  }
0x99: {  	s20 =	simm.s32 $_scs_section_size  }
0x9a: {  	s4 =	simm.s32 $_size__tile_overlayer_lowered;
	s5 =	simm.s32 $_tile_overlayer_lowered  }
0x9b: {  	s6 =	simm.s32 $0x1BFF;
	s21 =	sshll.u32 s5, $0x1;
	s3 =	sadd.s32 s20, s19  }
0x9c: {  	s22 =	simm.s32 $0x0;
	s4 =	sshll.u32 s4, $0x1;
	s5 =	sadd.s32 s21, s3  }
0x9d: {  	[timem:s22], [sflag:s6] =	dma.local [hbm:s5], s4  }
0x9e: {  	_ =	swait.ge [sflag:s6], s4  }
0x9f: {  	s4 =	ssub.s32 $0x0, s4;
	[sflag:s6] =	ssyncset.done $0x0  }
0xa0: {  	[sflag:s6] =	ssyncadd.s32 s4;
	_ =	sdelay $0x1  }
0xa1: {  	s23 =	simm.s32 $0x1B8B  }
0xa2: {  	_ =	swait.ge [sflag:s23], $0x1  }
0xa3: {  	[sflag:s23] =	ssyncset.done $0x0  }
0xa4: {  	[sflag:s23] =	ssyncadd.s32 $0xFFFFFFFF  }
0xa5: {  	s4 =	sld [smem:$0x0]  }
0xa6: {  	s5 =	sand.u32 $0xFFFFFFFE, s1  }
0xa7: {  	p0 =	sne.s32 s1, s5  }
0xa8: {  	s5 =	sshll.u32 @p0 s5, $0xE  }
0xa9: {  	s5 =	sadd.s32 @p0 $0x11B8D, s5;
	s6 =	sshll.u32 @p0 s4, $0x11  }
0xaa: {  	s5 =	sor.u32 @p0 s6, s5  }
0xab: {  	[sflag:s5] =	ssyncadd.remote.s32 @p0 $0x1;
	_ =	sdelay $0x1  }
0xac: {  	s5 =	simm.s32 @p0 $0x1B8D  }
0xad: {  	_ =	swait.eq @p0 [sflag:s5], $0x1  }
0xae: {  	[sflag:s5] =	ssyncadd.s32 @p0 $0xFFFFFFFF  }
0xaf: {  	s6 =	sshll.u32 @!p0 s1, $0xE  }
0xb0: {  	s6 =	sor.u32 @!p0 $0x4000, s6;
	s5 =	simm.s32 @!p0 $0x1B8D  }
0xb1: {  	s4 =	sshll.u32 @!p0 s4, $0x11;
	s6 =	sadd.s32 @!p0 $0x11B8D, s6;
	_ =	swait.eq @!p0 [sflag:s5], $0x1  }
0xb2: {  	s4 =	sor.u32 @!p0 s4, s6;
	[sflag:s5] =	ssyncadd.s32 @!p0 $0xFFFFFFFF  }
0xb3: {  	s25 =	simm.s32 $0x1B8E;
	s24 =	sld [smem:$0x3FFE];
	[sflag:s4] =	ssyncadd.remote.s32 @!p0 $0x1  }
0xb4: {  	s26 =	simm.s32 $execute0_lowered;
	[smem:$0x3FD2] =	sst s25  }
0xb5: {  	s5 =	sshll.u32 s26, $0x1;
	_ =	strace $0x8000004C;
	[dreg:$0x1] =	wrdreg $0xFFFFFFFF  }
0xb6: {  	s28 =	simm.s32 $_size_execute0_lowered;
	s3 =	sadd.s32 s3, s5;
	[dreg:$0x0] =	wrdreg $0x0  }
0xb7: {  	s5 =	sshll.u32 s28, $0x1;
	[dreg:$0x2] =	wrdreg s3  }
0xb8: {  	[dreg:$0x3] =	wrdreg s5  }
0xb9: {  	[dreg:$0x4] =	wrdreg $0xC0  }
0xba: {  	_ =	task [dreg:s22], $0x5FFFF  }
0xbb: {  	[dreg:$0x1] =	wrdreg $0xFFFFFFFF  }
0xbc: {  	[dreg:$0x0] =	wrdreg $0x60  }
0xbd: {  	[dreg:$0x2] =	wrdreg s24  }
0xbe: {  	[dreg:$0x3] =	wrdreg $0xCE400  }
0xbf: {  	[dreg:$0x4] =	wrdreg $0x9  }
0xc0: {  	_ =	task.clear_ibuf [dreg:s22], $0x5FFFF;
	_ =	strace $0x9000004C  }
0xc1: {  	s29 =	simm.s32 $0x9;
	_ =	strace $0x8000004E  }
0xc2: {  	_ =	swait.ge [sflag:s29], $0x1  }
0xc3: {  	[sflag:s29] =	ssyncadd.s32 $0xFFFFFFFF  }
0xc4: {  	_ =	strace $0x9000004E  }
0xc5: {  	_ =	sfence  }
0xc6: {  	s30 =	sld [smem:$0x0];
	_ =	sdelay $0x2  }
0xc7: {  	s31 =	sshll.u32 s1, $0xD;
	s1 =	sshrl.u32 s1, $0x2  }
0xc8: {  	s4 =	sand.u32 $0x4000, s31;
	s1 =	sadd.s32 s1, s30  }
0xc9: {  	s0 =	sor.u32 s4, s0;
	s1 =	sshll.u32 s1, $0x11  }
0xca: {  	s0 =	sor.u32 s1, s0  }
0xcb: {  	s0 =	sadd.s32 $0x8F2B, s0  }
0xcc: {  	[sflag:s0] =	ssyncadd.remote.s32 $0x1  }
0xcd: {  	_ =	sfence.sel $0xFFFF  }
0xce: {  	[dreg:$0x0] =	wrdreg $0xFFFFFFFF;
	(pc) =	sbr.abs _section_cstart, $3  }
0xcf: {  	[dreg:$0x1] =	wrdreg $0xFFFFFFFF  }
0xd0: {  	_ =	task.clear_ibuf [dreg:s22], $0x2FFFF;
	_ =	strace $0x9FFFFFFF  }
0xd1: {  	(tm) =	ssettm $0x7FFFFFFF  }
tec
execute0_lowered:
.L_overlay_start_1:
0x0: {  	(tag) =	ssettag $0x1  }
0x1: {  	s0 =	srdreg.scid  }
0x2: {  	s18 =	stileid.u32;
	s6 =	rddreg [dreg:$0x0]  }
0x3: {  	s1 =	rddreg [dreg:$0x1];
	s2 =	simm.s32 $0x0;
	s14 =	simm.s32 $0x9C40  }
0x4: {  	s15 =	simm.s32 $0xB540;
	s16 =	simm.s32 $0x1;
	s17 =	simm.s32 $0x2  }
0x5: {  	s19 =	simm.s32 $0x9BF0;
	s23 =	simm.s32 $0x0;
	s5 =	smul.u32 $0x4E20, s18  }
0x6: {  	s4 =	sand.u32 $0x1, s0;
	s0 =	rddreg [dreg:$0x2];
	s11 =	smul.u32 $0x1860, s18  }
0x7: {  	[smem:$0x7FF] =	sst s2;
	s12 =	sadd.s32 $0xB6800, s6;
	s13 =	smul.u32 $0x30C00, s18  }
0x8: {  	s22 =	sadd.s32 $0xC3000, s1;
	p0 =	sne.s32 s18, $0x0;
	p1 =	sne.s32 s18, $0xF  }
0x9: {  	s20 =	sshll.u32 s18, $0x6;
	s18 =	simm.s32 $0x9BA0;
	s3 =	smul.u32 $0x4E200, s4  }
0xa: {  	_ =	strace $0x8000004D;
	s8 =	ssub.s32 $0x2, s4;
	s9 =	smul.u32 $0x186A0, s4  }
0xb: {  	s29 =	smul.u32 $0xC3500, s4;
	s20 =	sor.u32 $0x1C03, s20;
	s22 =	sshrl.u32 @!p1 s22, $0x3  }
0xc: {  	s10 =	sshrl.u32 s8, $0x1;
	s31 =	sshrl.u32 s13, $0x2;
	s13 =	simm.s32 $0x50  }
0xd: {  	s3 =	sadd.s32 s5, s3;
	s5 =	sshrl.u32 s5, $0x3;
	s10 =	ssub.s32 s8, s10  }
0xe: {  	s30 =	sadd.s32 s11, s9;
	s8 =	sshrl.u32 s29, $0x3;
	s21 =	sadd.s32 s31, s1  }
0xf: {  	s11 =	simm.s32 $0x4E20;
	s7 =	sshrl.u32 s3, $0x3;
	s3 =	sadd.s32 $0x85A00, s6  }
0x10: {  	s5 =	sadd.s32 s5, s6;
	s8 =	sadd.s32 s12, s8;
	s21 =	sshrl.u32 s21, $0x3  }
0x11: {  	s7 =	sadd.s32 s7, s6;
	s5 =	sadd.s32 $0x6600, s5;
	s6 =	sadd.s32 s3, s9  }
0x12: {  	s8 =	sadd.s32 $0x18600, s8;
	s9 =	smax.u32 s10, $0x1;
	s10 =	simm.s32 $0x3  }
0x13: {  	s4 =	sadd.s32 $0x10400, s7;
	s7 =	sadd.s32 s12, s30;
	s12 =	sshrl.u32 @!p0 s1, $0x3  }
.LBB2_1:
0x14: {  	[tilespmem:s2], [sflag:$0x3] =	stream.linear.gather [hbm4b:s4+s2], $0x4E20, $0x38;
	[tilespmem:$0x19190] =	vst v63  }
0x15: {  	_ =	swait.ge [sflag:s10], $0x4E20  }
0x16: {  	[sflag:s10] =	ssyncset.done $0x0  }
0x17: {  	[sflag:s10] =	ssyncadd.s32 $0xFFFFB1E0  }
0x18: {  	[tilespmem:s11], [sflag:$0x3] =	stream.linear.gather [hbm4b:s5+s2], $0x4E20, $0x38;
	[tilespmem:$0x19190] =	vst v63  }
0x19: {  	_ =	swait.ge [sflag:s10], $0x4E20  }
0x1a: {  	[sflag:s10] =	ssyncset.done $0x0  }
0x1b: {  	s24 =	simm.s32 @!p0 $0x1C03;
	[sflag:s10] =	ssyncadd.s32 $0xFFFFB1E0  }
0x1c: {  	[spmem:s12], [sflag:s24] =	dma.local @!p0 [hbm:s6], $0x186A0  }
0x1d: {  	s24 =	simm.s32 @!p0 $0x3  }
0x1e: {  	_ =	swait.ge @!p0 [sflag:s24], $0x186A0  }
0x1f: {  	[sflag:s24] =	ssyncset.done @!p0 $0x0  }
0x20: {  	[sflag:s24] =	ssyncadd.s32 @!p0 $0xFFFE7960  }
0x21: {  	[bflag:$0x0] =	sbarrier.arrive $0xFFFF  }
0x22: {  	[tilespmem:s14], [sflag:$0x1] =	stream.indirect.gather [hbm4b:s3+s13], $0x50, s2, s13, $0xb8;
	[tilespmem:$0x19190] =	vst v63  }
0x23: {  	_ = 	snop  }
0x24: {  	[tilespmem:s15], [sflag:$0x2] =	stream.indirect.gather [hbm4b:s3+s13], $0x50, s13, s13, $0xb8;
	[tilespmem:$0x19190] =	vst v63  }
0x25: {  	_ =	swait.ge [sflag:s16], $0x1900  }
0x26: {  	[sflag:s16] =	ssyncset.done $0x0  }
0x27: {  	s29 =	simm.s32 $0x4E20;
	[sflag:s16] =	ssyncadd.s32 $0xFFFFE700  }
0x28: {  	[spmem:s1] =	stream.indirect.scatter.add.f32 [tilespmem:s14], [sflag:$0x3], $0x50, s29, s13, $0xb8;
	[tilespmem:$0x19190] =	vst v63  }
0x29: {  	_ =	swait.ge [sflag:s10], $0x1900  }
0x2a: {  	[sflag:s10] =	ssyncset.done $0x0  }
0x2b: {  	s30 =	simm.s32 $0xA0;
	[sflag:s10] =	ssyncadd.s32 $0xFFFFE700  }
0x2c: {  	[tilespmem:s14], [sflag:$0x1] =	stream.indirect.gather [hbm4b:s3+s13], $0x50, s30, s13, $0xb8;
	[tilespmem:$0x19190] =	vst v63  }
0x2d: {  	_ =	swait.ge [sflag:s17], $0x1900  }
0x2e: {  	[sflag:s17] =	ssyncset.done $0x0  }
0x2f: {  	s31 =	simm.s32 $0x4E70;
	[sflag:s17] =	ssyncadd.s32 $0xFFFFE700  }
0x30: {  	[spmem:s1] =	stream.indirect.scatter.add.f32 [tilespmem:s15], [sflag:$0x3], $0x50, s31, s13, $0xb8;
	[tilespmem:$0x19190] =	vst v63  }
0x31: {  	_ =	swait.ge [sflag:s10], $0x1900  }
0x32: {  	[sflag:s10] =	ssyncset.done $0x0  }
0x33: {  	s25 =	simm.s32 $0xF0;
	s24 =	simm.s32 $0x280;
	[sflag:s10] =	ssyncadd.s32 $0xFFFFE700  }
.LBB2_2:
0x34: {  	[tilespmem:s15], [sflag:$0x2] =	stream.indirect.gather [hbm4b:s3+s13], $0x50, s25, s13, $0xb8;
	[tilespmem:$0x19190] =	vst v63  }
0x35: {  	s25 =	smov.u32 s24  }
0x36: {  	p2 =	sne.s32 s24, $0x13380;
	s24 =	sadd.s32 $0x280, s24;
	_ =	swait.ge [sflag:s16], $0x1900  }
0x37: {  	s25 =	sshra.s32 s25, $0x2;
	[sflag:s16] =	ssyncset.done $0x0  }
0x38: {  	s26 =	sadd.s32 $0x4E20, s25;
	[sflag:s16] =	ssyncadd.s32 $0xFFFFE700  }
0x39: {  	[spmem:s1] =	stream.indirect.scatter.add.f32 [tilespmem:s14], [sflag:$0x3], $0x50, s26, s13, $0xb8;
	[tilespmem:$0x19190] =	vst v63  }
0x3a: {  	_ =	swait.ge [sflag:s10], $0x1900  }
0x3b: {  	[sflag:s10] =	ssyncset.done $0x0  }
0x3c: {  	s26 =	sadd.s32 $0xA0, s25;
	[sflag:s10] =	ssyncadd.s32 $0xFFFFE700  }
0x3d: {  	[tilespmem:s14], [sflag:$0x1] =	stream.indirect.gather [hbm4b:s3+s13], $0x50, s26, s13, $0xb8;
	[tilespmem:$0x19190] =	vst v63  }
0x3e: {  	_ =	swait.ge [sflag:s17], $0x1900  }
0x3f: {  	[sflag:s17] =	ssyncset.done $0x0  }
.Ltmp0:
0x40: {  	s26 =	sadd.s32 $0x4E70, s25;
	[sflag:s17] =	ssyncadd.s32 $0xFFFFE700;
	(pc) =	sbr.rel @p2 .LBB2_2-.Ltmp0, $4  }
0x41: {  	[spmem:s1] =	stream.indirect.scatter.add.f32 [tilespmem:s15], [sflag:$0x3], $0x50, s26, s13, $0xb8;
	[tilespmem:$0x19190] =	vst v63  }
0x42: {  	_ =	swait.ge [sflag:s10], $0x1900  }
0x43: {  	[sflag:s10] =	ssyncset.done $0x0  }
0x44: {  	s25 =	sadd.s32 $0xF0, s25;
	[sflag:s10] =	ssyncadd.s32 $0xFFFFE700  }
0x45: {  	[tilespmem:s15], [sflag:$0x2] =	stream.indirect.gather [hbm4b:s3+s13], $0x50, s25, s13, $0xb8;
	[tilespmem:$0x19190] =	vst v63  }
0x46: {  	_ =	swait.ge [sflag:s16], $0x1900  }
0x47: {  	[sflag:s16] =	ssyncset.done $0x0  }
0x48: {  	[sflag:s16] =	ssyncadd.s32 $0xFFFFE700  }
0x49: {  	[spmem:s1] =	stream.indirect.scatter.add.f32 [tilespmem:s14], [sflag:$0x3], $0x50, s18, s13, $0xb8;
	[tilespmem:$0x19190] =	vst v63  }
0x4a: {  	_ =	swait.ge [sflag:s10], $0x1900  }
0x4b: {  	[sflag:s10] =	ssyncset.done $0x0  }
0x4c: {  	[sflag:s10] =	ssyncadd.s32 $0xFFFFE700  }
0x4d: {  	_ =	swait.ge [sflag:s17], $0x1900  }
0x4e: {  	[sflag:s17] =	ssyncset.done $0x0  }
0x4f: {  	[sflag:s17] =	ssyncadd.s32 $0xFFFFE700  }
0x50: {  	[spmem:s1] =	stream.indirect.scatter.add.f32 [tilespmem:s15], [sflag:$0x3], $0x50, s19, s13, $0xb8;
	[tilespmem:$0x19190] =	vst v63  }
0x51: {  	_ =	swait.ge [sflag:s10], $0x1900  }
0x52: {  	[sflag:s10] =	ssyncset.done $0x0  }
0x53: {  	[sflag:s10] =	ssyncadd.s32 $0xFFFFE700  }
0x54: {  	[bflag:$0x0] =	sbarrier.arrive $0xFFFF  }
0x55: {  	[hbm:s7], [sflag:s20] =	dma.local [spmem:s21], $0x1860  }
0x56: {  	s23 =	sadd.s32 $0x1, s23;
	_ =	swait.ge [sflag:s10], $0x1860  }
0x57: {  	p2 =	sne.s32 s23, s9;
	[sflag:s10] =	ssyncset.done $0x0  }
.Ltmp1:
0x58: {  	s24 =	simm.s32 @!p1 $0x3;
	[sflag:s10] =	ssyncadd.s32 $0xFFFFE7A0;
	(pc) =	sbr.rel @p2 .LBB2_1-.Ltmp1, $4  }
0x59: {  	[hbm:s8], [sflag:s20] =	dma.local @!p1 [spmem:s22], $0xA0  }
0x5a: {  	_ =	swait.ge @!p1 [sflag:s24], $0xA0  }
0x5b: {  	[sflag:s24] =	ssyncset.done @!p1 $0x0  }
0x5c: {  	[sflag:s24] =	ssyncadd.s32 @!p1 $0xFFFFFF60  }
0x5d: {  	_ =	sfence.sel $0x180000  }
0x5e: {  	[bflag:$0x0] =	sbarrier.arrive $0xFFFF  }
0x5f: {  	_ =	strace $0x9000004D  }
0x60: {  	s0 =	sadd.s32 @!p0 $0x100000, s0;
	[bflag:$0x2] =	sbarrier.arrive $0xFFFF  }
0x61: {  	[sflag:s0] =	ssyncadd.tile.s32 @!p0 $0x1;
	_ =	shalt  }
.Lfunc_end2:
_tile_overlayer_lowered:
.L_overlay_start_2:
0x62: {  	(tag) =	ssettag $0x2  }
0x63: {  	s0 =	rddreg [dreg:$0x0];
	s2 =	stileid.u32  }
0x64: {  	s1 =	rddreg [dreg:$0x1];
	p0 =	sne.s32 s2, $0x0  }
0x65: {  	s3 =	rddreg [dreg:$0x2];
	[bflag:$0x3] =	sbarrier.arrive $0xFFFF;
	s2 =	simm.s32 @!p0 $0x1C03  }
0x66: {  	[timem:s3], [sflag:s2] =	dma.local @!p0 [hbm:s0], s1  }
0x67: {  	s0 =	simm.s32 @!p0 $0x3  }
0x68: {  	_ =	swait.ge @!p0 [sflag:s0], s1  }
0x69: {  	s1 =	ssub.s32 @!p0 $0x0, s1;
	[sflag:s0] =	ssyncset.done @!p0 $0x0  }
0x6a: {  	[sflag:s0] =	ssyncadd.s32 @!p0 s1  }
0x6b: {  	[bflag:$0x3] =	sbarrier.arrive $0xFFFF  }
0x6c: {  	_ =	shalt  }

// kernel: kernel.23.cloned.1.call-start
scs
__scs_entry_jumppad:
0x0: {  	(pc) =	sbr.rel $0x88, $3  }
0x1: {  	(tag) =	ssettag $0x0;
	lr =	simm.s32 $0x1  }
0x2: {  	[smem:$0x3F84] =	sst lr;
	_ =	strace $0xD0000000  }
0x3: {  	_ = 	snop  }
0x4: {  	_ = 	snop  }
0x5: {  	_ = 	snop  }
0x6: {  	_ = 	snop  }
0x7: {  	_ = 	snop  }
__scs_overlays_trampoline_lowered:
0x8: {  	[smem:$0x3F93] =	sst s0  }
0x9: {  	[smem:$0x3F94] =	sst s1  }
0xa: {  	[smem:$0x3F95] =	sst s2  }
0xb: {  	[smem:$0x3F96] =	sst s3  }
0xc: {  	[smem:$0x3F97] =	sst s4  }
0xd: {  	[smem:$0x3F98] =	sst s5  }
0xe: {  	[smem:$0x3F99] =	sst s6  }
0xf: {  	[smem:$0x3F9A] =	sst s7  }
0x10: {  	[smem:$0x3F9B] =	sst s8  }
0x11: {  	[smem:$0x3F9C] =	sst s9;
	s0 =	simm.s32 @!p0 $0x0  }
0x12: {  	s1 =	sld [smem:$0x3F82];
	s0 =	simm.s32 @p0 $0x1  }
0x13: {  	[smem:$0x3F9D] =	sst s0;
	s0 =	simm.s32 @!p1 $0x0  }
0x14: {  	s2 =	sld [smem:$0x3F81];
	s0 =	simm.s32 @p1 $0x1  }
0x15: {  	[smem:$0x3F9E] =	sst s0;
	s0 =	simm.s32 @!p2 $0x0  }
0x16: {  	s3 =	sld [smem:$0x3FDB];
	s0 =	simm.s32 @p2 $0x1  }
0x17: {  	s4 =	simm.s32 $0x1BF5;
	[smem:$0x3FA0] =	sst s0  }
0x18: {  	s0 =	sld [smem:$0x3F83];
	_ =	swait.ge [sflag:s4], $0x0  }
0x19: {  	s7 =	sld [smem:$0x3F84]  }
0x1a: {  	s8 =	sadd.s32 $0xFFFFE003, lr  }
0x1b: {  	s9 =	sadd.s32 $0xFFFFFEF7, lr;
	s5 =	simm.s32 $0xFFFFFFFF;
	p2 =	slt.u32 s8, $0xFFFFF086  }
0x1c: {  	p1 =	slt.u32 s9, $0xF7A;
	s5 =	simm.s32 @!p2 $0x0  }
0x1d: {  	s5 =	simm.s32 @p1 $0x1;
	p0 =	seq.s32 s7, s2  }
0x1e: {  	s7 =	smul.u32 @!p0 $0xF7A, s2;
	p2 =	seq.s32 @!p0 s5, $0x0  }
0x1f: {  	s9 =	smul.u32 $0xF7A, s1;
	s8 =	simm.s32 @!p0 $0x1BF5;
	p2 =	por !p2, p0  }
0x20: {  	[sflag:s8] =	ssyncset.s32 @!p0 $0xFFFFF086;
	s6 =	sadd.s32 @!p0 s3, s7;
	s7 =	simm.s32 @!p0 $0x108  }
0x21: {  	s3 =	sadd.s32 s3, s9;
	s6 =	sadd.s32 @!p0 $0x88, s6;
	s7 =	simm.s32 @p2 $0x1082  }
0x22: {  	[simem:s7], [sflag:s8] =	dma.local @!p0 [hbm:s6], $0xF7A  }
0x23: {  	s9 =	sor.u32 $0xD0000000, s2;
	s6 =	simm.s32 $0x108;
	_ =	swait.ge @!p0 [sflag:s8], $0x0  }
0x24: {  	s3 =	sadd.s32 $0x88, s3;
	s6 =	simm.s32 @!p1 $0x1082;
	[sflag:s4] =	ssyncset.s32 $0xFFFFF086  }
0x25: {  	[simem:s6], [sflag:s4] =	dma.local [hbm:s3], $0xF7A  }
0x26: {  	[smem:$0x3F84] =	sst s1;
	(tag) =	ssettag s2;
	_ =	strace s9  }
0x27: {  	s1 =	sld [smem:$0x3F94]  }
0x28: {  	s2 =	sld [smem:$0x3F95]  }
0x29: {  	s4 =	sld [smem:$0x3F97]  }
0x2a: {  	p0 =	seq.s32 s5, $0x0;
	s5 =	sld [smem:$0x3F98]  }
0x2b: {  	s6 =	sld [smem:$0x3F99]  }
0x2c: {  	s7 =	sld [smem:$0x3F9A]  }
0x2d: {  	s3 =	simm.s32 $0x108;
	s8 =	sld [smem:$0x3F9B]  }
0x2e: {  	s3 =	simm.s32 @!p0 $0x1082;
	s9 =	sld [smem:$0x3F9C]  }
0x2f: {  	lr =	sadd.s32 s0, s3;
	s0 =	sld [smem:$0x3F93]  }
0x30: {  	s3 =	sld [smem:$0x3F96]  }
0x31: {  	[smem:$0x3F9F] =	sst s10  }
0x32: {  	s10 =	sld [smem:$0x3F9D];
	_ =	sdelay $0x3  }
0x33: {  	p0 =	seq.s32 s10, $0x1;
	s10 =	sld [smem:$0x3F9F];
	_ =	sdelay $0x3  }
0x34: {  	[smem:$0x3F9F] =	sst s10  }
0x35: {  	s10 =	sld [smem:$0x3F9E];
	_ =	sdelay $0x3  }
0x36: {  	p1 =	seq.s32 s10, $0x1;
	s10 =	sld [smem:$0x3F9F];
	_ =	sdelay $0x3  }
0x37: {  	[smem:$0x3F9F] =	sst s10  }
0x38: {  	s10 =	sld [smem:$0x3FA0]  }
0x39: {  	_ = 	snop;
	(pc) =	sbr.ind lr, $3  }
0x3a: {  	_ = 	snop  }
0x3b: {  	_ = 	snop  }
0x3c: {  	p2 =	seq.s32 s10, $0x1;
	s10 =	sld [smem:$0x3F9F]  }
0x3d: {  	_ =	shalt  }
0x3e: {  	_ =	shalt  }
0x3f: {  	_ =	shalt  }
0x40: {  	_ =	shalt  }
0x41: {  	_ =	shalt  }
0x42: {  	_ =	shalt  }
0x43: {  	_ =	shalt  }
0x44: {  	_ =	shalt  }
0x45: {  	_ =	shalt  }
0x46: {  	_ =	shalt  }
0x47: {  	_ =	shalt  }
0x48: {  	_ =	shalt  }
0x49: {  	_ =	shalt  }
0x4a: {  	_ =	shalt  }
0x4b: {  	_ =	shalt  }
0x4c: {  	_ =	shalt  }
0x4d: {  	_ =	shalt  }
0x4e: {  	_ =	shalt  }
0x4f: {  	_ =	shalt  }
0x50: {  	_ =	shalt  }
0x51: {  	_ =	shalt  }
0x52: {  	_ =	shalt  }
0x53: {  	_ =	shalt  }
0x54: {  	_ =	shalt  }
0x55: {  	_ =	shalt  }
0x56: {  	_ =	shalt  }
0x57: {  	_ =	shalt  }
0x58: {  	_ =	shalt  }
0x59: {  	_ =	shalt  }
0x5a: {  	_ =	shalt  }
0x5b: {  	_ =	shalt  }
0x5c: {  	_ =	shalt  }
0x5d: {  	_ =	shalt  }
0x5e: {  	_ =	shalt  }
0x5f: {  	_ =	shalt  }
0x60: {  	_ =	shalt  }
0x61: {  	_ =	shalt  }
0x62: {  	_ =	shalt  }
0x63: {  	_ =	shalt  }
0x64: {  	_ =	shalt  }
0x65: {  	_ =	shalt  }
0x66: {  	_ =	shalt  }
0x67: {  	_ =	shalt  }
0x68: {  	_ =	shalt  }
0x69: {  	_ =	shalt  }
0x6a: {  	_ =	shalt  }
0x6b: {  	_ =	shalt  }
0x6c: {  	_ =	shalt  }
0x6d: {  	_ =	shalt  }
0x6e: {  	_ =	shalt  }
0x6f: {  	_ =	shalt  }
0x70: {  	_ =	shalt  }
0x71: {  	_ =	shalt  }
0x72: {  	_ =	shalt  }
0x73: {  	_ =	shalt  }
0x74: {  	_ =	shalt  }
0x75: {  	_ =	shalt  }
0x76: {  	_ =	shalt  }
0x77: {  	_ =	shalt  }
0x78: {  	_ =	shalt  }
0x79: {  	_ =	shalt  }
0x7a: {  	_ =	shalt  }
0x7b: {  	_ =	shalt  }
0x7c: {  	_ =	shalt  }
0x7d: {  	_ =	shalt  }
0x7e: {  	_ =	shalt  }
0x7f: {  	_ =	shalt  }
0x80: {  	_ =	shalt  }
0x81: {  	_ =	shalt  }
0x82: {  	_ =	shalt  }
0x83: {  	_ =	shalt  }
0x84: {  	_ =	shalt  }
0x85: {  	_ =	shalt  }
0x86: {  	_ =	shalt  }
0x87: {  	_ =	shalt  }
.Lfunc_end0:
.L_simem_size_0:
called_computation.2_lowered:
.L_overlay_start_0:
0x88: {  	s2 =	sld [smem:$0x3FD9]  }
0x89: {  	s3 =	sld [smem:$0x3FFE];
	_ =	sdelay $0x1  }
0x8a: {  	s1 =	srdreg.scid  }
0x8b: {  	s0 =	sand.u32 $0x1, s1  }
0x8c: {  	s16 =	sshll.u32 s0, $0xA;
	s2 =	sadd.s32 s3, s2  }
0x8d: {  	s2 =	sadd.s32 s2, s16  }
0x8e: {  	[smem:$0x3FAB] =	sst s2  }
0x8f: {  	_ = 	snop  }
0x90: {  	(tm) =	ssettm $0x1  }
0x91: {  	s17 =	sld [smem:$0x3FFB];
	_ =	sdelay $0x3  }
0x92: {  	_ =	strace s17  }
0x93: {  	s2 =	sld [smem:$0x3FFC];
	_ =	sdelay $0x3  }
0x94: {  	_ =	strace s2  }
0x95: {  	s2 =	sld [smem:$0x3FFD];
	_ =	sdelay $0x3  }
0x96: {  	_ =	strace s2  }
0x97: {  	_ =	strace $0x8FFFFFFF  }
0x98: {  	s18 =	sld [smem:$0x3FDB];
	_ =	sdelay $0x1  }
0x99: {  	s19 =	simm.s32 $_scs_section_size  }
0x9a: {  	s4 =	simm.s32 $_size__tile_overlayer_lowered;
	s5 =	simm.s32 $_tile_overlayer_lowered  }
0x9b: {  	s22 =	simm.s32 $0x1BFF;
	s21 =	sshll.u32 s5, $0x1;
	s2 =	sadd.s32 s19, s18  }
0x9c: {  	s6 =	simm.s32 $0x0;
	s20 =	sshll.u32 s4, $0x1;
	s4 =	sadd.s32 s21, s2  }
0x9d: {  	[timem:s6], [sflag:s22] =	dma.local [hbm:s4], s20  }
0x9e: {  	_ =	swait.ge [sflag:s22], s20  }
0x9f: {  	s3 =	ssub.s32 $0x0, s20;
	[sflag:s22] =	ssyncset.done $0x0  }
0xa0: {  	[sflag:s22] =	ssyncadd.s32 s3;
	_ =	sdelay $0x1  }
0xa1: {  	s23 =	simm.s32 $0x1B8B  }
0xa2: {  	_ =	swait.ge [sflag:s23], $0x1  }
0xa3: {  	[sflag:s23] =	ssyncset.done $0x0  }
0xa4: {  	s25 =	simm.s32 $0x1B8E;
	s24 =	sld [smem:$0x3FFE];
	[sflag:s23] =	ssyncadd.s32 $0xFFFFFFFF  }
0xa5: {  	s26 =	simm.s32 $execute0_lowered;
	[smem:$0x3FD2] =	sst s25  }
0xa6: {  	s4 =	sshll.u32 s26, $0x1;
	_ =	strace $0x80000049;
	[dreg:$0x1] =	wrdreg $0xFFFFFFFF  }
0xa7: {  	s28 =	simm.s32 $_size_execute0_lowered;
	s2 =	sadd.s32 s2, s4;
	[dreg:$0x0] =	wrdreg $0x0  }
0xa8: {  	s4 =	sshll.u32 s28, $0x1;
	[dreg:$0x2] =	wrdreg s2  }
0xa9: {  	[dreg:$0x3] =	wrdreg s4  }
0xaa: {  	[dreg:$0x4] =	wrdreg $0xC0  }
0xab: {  	_ =	task [dreg:s6], $0x5FFFF  }
0xac: {  	[dreg:$0x1] =	wrdreg $0xFFFFFFFF  }
0xad: {  	[dreg:$0x0] =	wrdreg $0x60  }
0xae: {  	[dreg:$0x2] =	wrdreg s24  }
0xaf: {  	[dreg:$0x3] =	wrdreg $0xCE400  }
0xb0: {  	[dreg:$0x4] =	wrdreg $0xA  }
0xb1: {  	_ =	task.clear_ibuf [dreg:s6], $0x5FFFF;
	_ =	strace $0x90000049  }
0xb2: {  	s29 =	simm.s32 $0xA;
	_ =	strace $0x8000004B  }
0xb3: {  	_ =	swait.ge [sflag:s29], $0x1  }
0xb4: {  	[sflag:s29] =	ssyncadd.s32 $0xFFFFFFFF  }
0xb5: {  	_ =	strace $0x9000004B  }
0xb6: {  	_ =	sfence  }
0xb7: {  	s30 =	sld [smem:$0x0];
	_ =	sdelay $0x2  }
0xb8: {  	s31 =	sshll.u32 s1, $0xD;
	s1 =	sshrl.u32 s1, $0x2  }
0xb9: {  	s3 =	sand.u32 $0x4000, s31;
	s1 =	sadd.s32 s1, s30  }
0xba: {  	s0 =	sor.u32 s3, s0;
	s1 =	sshll.u32 s1, $0x11  }
0xbb: {  	s0 =	sor.u32 s1, s0  }
0xbc: {  	s0 =	sadd.s32 $0x8F2B, s0  }
0xbd: {  	[sflag:s0] =	ssyncadd.remote.s32 $0x1  }
0xbe: {  	_ =	sfence.sel $0xFFFF  }
0xbf: {  	[dreg:$0x0] =	wrdreg $0xFFFFFFFF;
	(pc) =	sbr.abs _section_cstart, $3  }
0xc0: {  	[dreg:$0x1] =	wrdreg $0xFFFFFFFF  }
0xc1: {  	_ =	task.clear_ibuf [dreg:s6], $0x2FFFF;
	_ =	strace $0x9FFFFFFF  }
0xc2: {  	(tm) =	ssettm $0x7FFFFFFF  }
0xc3: {  	_ =	shalt  }
tec
execute0_lowered:
.L_overlay_start_1:
0x0: {  	(tag) =	ssettag $0x1  }
0x1: {  	s0 =	srdreg.scid  }
0x2: {  	s18 =	stileid.u32;
	s6 =	rddreg [dreg:$0x0]  }
0x3: {  	s1 =	rddreg [dreg:$0x1];
	s2 =	simm.s32 $0x0;
	s14 =	simm.s32 $0x9C40  }
0x4: {  	s15 =	simm.s32 $0xB540;
	s16 =	simm.s32 $0x1;
	s17 =	simm.s32 $0x2  }
0x5: {  	s19 =	simm.s32 $0x9BF0;
	s23 =	simm.s32 $0x0;
	s5 =	smul.u32 $0x4E20, s18  }
0x6: {  	s4 =	sand.u32 $0x1, s0;
	s0 =	rddreg [dreg:$0x2];
	s11 =	smul.u32 $0x1860, s18  }
0x7: {  	[smem:$0x7FF] =	sst s2;
	s12 =	sadd.s32 $0x54C00, s6;
	s13 =	smul.u32 $0x30C00, s18  }
0x8: {  	s22 =	sadd.s32 $0xC3000, s1;
	p0 =	sne.s32 s18, $0x0;
	p1 =	sne.s32 s18, $0xF  }
0x9: {  	s20 =	sshll.u32 s18, $0x6;
	s18 =	simm.s32 $0x9BA0;
	s3 =	smul.u32 $0x4E200, s4  }
0xa: {  	_ =	strace $0x8000004A;
	s8 =	ssub.s32 $0x2, s4;
	s9 =	smul.u32 $0x186A0, s4  }
0xb: {  	s29 =	smul.u32 $0xC3500, s4;
	s20 =	sor.u32 $0x1C03, s20;
	s22 =	sshrl.u32 @!p1 s22, $0x3  }
0xc: {  	s10 =	sshrl.u32 s8, $0x1;
	s31 =	sshrl.u32 s13, $0x2;
	s13 =	simm.s32 $0x50  }
0xd: {  	s3 =	sadd.s32 s5, s3;
	s5 =	sshrl.u32 s5, $0x3;
	s10 =	ssub.s32 s8, s10  }
0xe: {  	s30 =	sadd.s32 s11, s9;
	s8 =	sshrl.u32 s29, $0x3;
	s21 =	sadd.s32 s31, s1  }
0xf: {  	s11 =	simm.s32 $0x4E20;
	s7 =	sshrl.u32 s3, $0x3;
	s3 =	sadd.s32 $0x23E00, s6  }
0x10: {  	s5 =	sadd.s32 s5, s6;
	s8 =	sadd.s32 s12, s8;
	s21 =	sshrl.u32 s21, $0x3  }
0x11: {  	s7 =	sadd.s32 s7, s6;
	s5 =	sadd.s32 $0x6600, s5;
	s6 =	sadd.s32 s3, s9  }
0x12: {  	s8 =	sadd.s32 $0x18600, s8;
	s9 =	smax.u32 s10, $0x1;
	s10 =	simm.s32 $0x3  }
0x13: {  	s4 =	sadd.s32 $0x10400, s7;
	s7 =	sadd.s32 s12, s30;
	s12 =	sshrl.u32 @!p0 s1, $0x3  }
.LBB2_1:
0x14: {  	[tilespmem:s2], [sflag:$0x3] =	stream.linear.gather [hbm4b:s4+s2], $0x4E20, $0x38;
	[tilespmem:$0x19190] =	vst v63  }
0x15: {  	_ =	swait.ge [sflag:s10], $0x4E20  }
0x16: {  	[sflag:s10] =	ssyncset.done $0x0  }
0x17: {  	[sflag:s10] =	ssyncadd.s32 $0xFFFFB1E0  }
0x18: {  	[tilespmem:s11], [sflag:$0x3] =	stream.linear.gather [hbm4b:s5+s2], $0x4E20, $0x38;
	[tilespmem:$0x19190] =	vst v63  }
0x19: {  	_ =	swait.ge [sflag:s10], $0x4E20  }
0x1a: {  	[sflag:s10] =	ssyncset.done $0x0  }
0x1b: {  	s24 =	simm.s32 @!p0 $0x1C03;
	[sflag:s10] =	ssyncadd.s32 $0xFFFFB1E0  }
0x1c: {  	[spmem:s12], [sflag:s24] =	dma.local @!p0 [hbm:s6], $0x186A0  }
0x1d: {  	s24 =	simm.s32 @!p0 $0x3  }
0x1e: {  	_ =	swait.ge @!p0 [sflag:s24], $0x186A0  }
0x1f: {  	[sflag:s24] =	ssyncset.done @!p0 $0x0  }
0x20: {  	[sflag:s24] =	ssyncadd.s32 @!p0 $0xFFFE7960  }
0x21: {  	[bflag:$0x0] =	sbarrier.arrive $0xFFFF  }
0x22: {  	[tilespmem:s14], [sflag:$0x1] =	stream.indirect.gather [hbm4b:s3+s13], $0x50, s2, s13, $0xb8;
	[tilespmem:$0x19190] =	vst v63  }
0x23: {  	_ = 	snop  }
0x24: {  	[tilespmem:s15], [sflag:$0x2] =	stream.indirect.gather [hbm4b:s3+s13], $0x50, s13, s13, $0xb8;
	[tilespmem:$0x19190] =	vst v63  }
0x25: {  	_ =	swait.ge [sflag:s16], $0x1900  }
0x26: {  	[sflag:s16] =	ssyncset.done $0x0  }
0x27: {  	s29 =	simm.s32 $0x4E20;
	[sflag:s16] =	ssyncadd.s32 $0xFFFFE700  }
0x28: {  	[spmem:s1] =	stream.indirect.scatter.add.f32 [tilespmem:s14], [sflag:$0x3], $0x50, s29, s13, $0xb8;
	[tilespmem:$0x19190] =	vst v63  }
0x29: {  	_ =	swait.ge [sflag:s10], $0x1900  }
0x2a: {  	[sflag:s10] =	ssyncset.done $0x0  }
0x2b: {  	s30 =	simm.s32 $0xA0;
	[sflag:s10] =	ssyncadd.s32 $0xFFFFE700  }
0x2c: {  	[tilespmem:s14], [sflag:$0x1] =	stream.indirect.gather [hbm4b:s3+s13], $0x50, s30, s13, $0xb8;
	[tilespmem:$0x19190] =	vst v63  }
0x2d: {  	_ =	swait.ge [sflag:s17], $0x1900  }
0x2e: {  	[sflag:s17] =	ssyncset.done $0x0  }
0x2f: {  	s31 =	simm.s32 $0x4E70;
	[sflag:s17] =	ssyncadd.s32 $0xFFFFE700  }
0x30: {  	[spmem:s1] =	stream.indirect.scatter.add.f32 [tilespmem:s15], [sflag:$0x3], $0x50, s31, s13, $0xb8;
	[tilespmem:$0x19190] =	vst v63  }
0x31: {  	_ =	swait.ge [sflag:s10], $0x1900  }
0x32: {  	[sflag:s10] =	ssyncset.done $0x0  }
0x33: {  	s25 =	simm.s32 $0xF0;
	s24 =	simm.s32 $0x280;
	[sflag:s10] =	ssyncadd.s32 $0xFFFFE700  }
.LBB2_2:
0x34: {  	[tilespmem:s15], [sflag:$0x2] =	stream.indirect.gather [hbm4b:s3+s13], $0x50, s25, s13, $0xb8;
	[tilespmem:$0x19190] =	vst v63  }
0x35: {  	s25 =	smov.u32 s24  }
0x36: {  	p2 =	sne.s32 s24, $0x13380;
	s24 =	sadd.s32 $0x280, s24;
	_ =	swait.ge [sflag:s16], $0x1900  }
0x37: {  	s25 =	sshra.s32 s25, $0x2;
	[sflag:s16] =	ssyncset.done $0x0  }
0x38: {  	s26 =	sadd.s32 $0x4E20, s25;
	[sflag:s16] =	ssyncadd.s32 $0xFFFFE700  }
0x39: {  	[spmem:s1] =	stream.indirect.scatter.add.f32 [tilespmem:s14], [sflag:$0x3], $0x50, s26, s13, $0xb8;
	[tilespmem:$0x19190] =	vst v63  }
0x3a: {  	_ =	swait.ge [sflag:s10], $0x1900  }
0x3b: {  	[sflag:s10] =	ssyncset.done $0x0  }
0x3c: {  	s26 =	sadd.s32 $0xA0, s25;
	[sflag:s10] =	ssyncadd.s32 $0xFFFFE700  }
0x3d: {  	[tilespmem:s14], [sflag:$0x1] =	stream.indirect.gather [hbm4b:s3+s13], $0x50, s26, s13, $0xb8;
	[tilespmem:$0x19190] =	vst v63  }
0x3e: {  	_ =	swait.ge [sflag:s17], $0x1900  }
0x3f: {  	[sflag:s17] =	ssyncset.done $0x0  }
.Ltmp0:
0x40: {  	s26 =	sadd.s32 $0x4E70, s25;
	[sflag:s17] =	ssyncadd.s32 $0xFFFFE700;
	(pc) =	sbr.rel @p2 .LBB2_2-.Ltmp0, $4  }
0x41: {  	[spmem:s1] =	stream.indirect.scatter.add.f32 [tilespmem:s15], [sflag:$0x3], $0x50, s26, s13, $0xb8;
	[tilespmem:$0x19190] =	vst v63  }
0x42: {  	_ =	swait.ge [sflag:s10], $0x1900  }
0x43: {  	[sflag:s10] =	ssyncset.done $0x0  }
0x44: {  	s25 =	sadd.s32 $0xF0, s25;
	[sflag:s10] =	ssyncadd.s32 $0xFFFFE700  }
0x45: {  	[tilespmem:s15], [sflag:$0x2] =	stream.indirect.gather [hbm4b:s3+s13], $0x50, s25, s13, $0xb8;
	[tilespmem:$0x19190] =	vst v63  }
0x46: {  	_ =	swait.ge [sflag:s16], $0x1900  }
0x47: {  	[sflag:s16] =	ssyncset.done $0x0  }
0x48: {  	[sflag:s16] =	ssyncadd.s32 $0xFFFFE700  }
0x49: {  	[spmem:s1] =	stream.indirect.scatter.add.f32 [tilespmem:s14], [sflag:$0x3], $0x50, s18, s13, $0xb8;
	[tilespmem:$0x19190] =	vst v63  }
0x4a: {  	_ =	swait.ge [sflag:s10], $0x1900  }
0x4b: {  	[sflag:s10] =	ssyncset.done $0x0  }
0x4c: {  	[sflag:s10] =	ssyncadd.s32 $0xFFFFE700  }
0x4d: {  	_ =	swait.ge [sflag:s17], $0x1900  }
0x4e: {  	[sflag:s17] =	ssyncset.done $0x0  }
0x4f: {  	[sflag:s17] =	ssyncadd.s32 $0xFFFFE700  }
0x50: {  	[spmem:s1] =	stream.indirect.scatter.add.f32 [tilespmem:s15], [sflag:$0x3], $0x50, s19, s13, $0xb8;
	[tilespmem:$0x19190] =	vst v63  }
0x51: {  	_ =	swait.ge [sflag:s10], $0x1900  }
0x52: {  	[sflag:s10] =	ssyncset.done $0x0  }
0x53: {  	[sflag:s10] =	ssyncadd.s32 $0xFFFFE700  }
0x54: {  	[bflag:$0x0] =	sbarrier.arrive $0xFFFF  }
0x55: {  	[hbm:s7], [sflag:s20] =	dma.local [spmem:s21], $0x1860  }
0x56: {  	s23 =	sadd.s32 $0x1, s23;
	_ =	swait.ge [sflag:s10], $0x1860  }
0x57: {  	p2 =	sne.s32 s23, s9;
	[sflag:s10] =	ssyncset.done $0x0  }
.Ltmp1:
0x58: {  	s24 =	simm.s32 @!p1 $0x3;
	[sflag:s10] =	ssyncadd.s32 $0xFFFFE7A0;
	(pc) =	sbr.rel @p2 .LBB2_1-.Ltmp1, $4  }
0x59: {  	[hbm:s8], [sflag:s20] =	dma.local @!p1 [spmem:s22], $0xA0  }
0x5a: {  	_ =	swait.ge @!p1 [sflag:s24], $0xA0  }
0x5b: {  	[sflag:s24] =	ssyncset.done @!p1 $0x0  }
0x5c: {  	[sflag:s24] =	ssyncadd.s32 @!p1 $0xFFFFFF60  }
0x5d: {  	_ =	sfence.sel $0x180000  }
0x5e: {  	[bflag:$0x0] =	sbarrier.arrive $0xFFFF  }
0x5f: {  	_ =	strace $0x9000004A  }
0x60: {  	s0 =	sadd.s32 @!p0 $0x100000, s0;
	[bflag:$0x2] =	sbarrier.arrive $0xFFFF  }
0x61: {  	[sflag:s0] =	ssyncadd.tile.s32 @!p0 $0x1;
	_ =	shalt  }
.Lfunc_end2:
_tile_overlayer_lowered:
.L_overlay_start_2:
0x62: {  	(tag) =	ssettag $0x2  }
0x63: {  	s0 =	rddreg [dreg:$0x0];
	s2 =	stileid.u32  }
0x64: {  	s1 =	rddreg [dreg:$0x1];
	p0 =	sne.s32 s2, $0x0  }
0x65: {  	s3 =	rddreg [dreg:$0x2];
	[bflag:$0x3] =	sbarrier.arrive $0xFFFF;
	s2 =	simm.s32 @!p0 $0x1C03  }
0x66: {  	[timem:s3], [sflag:s2] =	dma.local @!p0 [hbm:s0], s1  }
0x67: {  	s0 =	simm.s32 @!p0 $0x3  }
0x68: {  	_ =	swait.ge @!p0 [sflag:s0], s1  }
0x69: {  	s1 =	ssub.s32 @!p0 $0x0, s1;
	[sflag:s0] =	ssyncset.done @!p0 $0x0  }
0x6a: {  	[sflag:s0] =	ssyncadd.s32 @!p0 s1  }
0x6b: {  	[bflag:$0x3] =	sbarrier.arrive $0xFFFF  }
0x6c: {  	_ =	shalt  }

// kernel: kernel.26.cloned.1.call-start
scs
__scs_entry_jumppad:
0x0: {  	(pc) =	sbr.rel $0x88, $3  }
0x1: {  	(tag) =	ssettag $0x0;
	lr =	simm.s32 $0x1  }
0x2: {  	[smem:$0x3F84] =	sst lr;
	_ =	strace $0xD0000000  }
0x3: {  	_ = 	snop  }
0x4: {  	_ = 	snop  }
0x5: {  	_ = 	snop  }
0x6: {  	_ = 	snop  }
0x7: {  	_ = 	snop  }
__scs_overlays_trampoline_lowered:
0x8: {  	[smem:$0x3F93] =	sst s0  }
0x9: {  	[smem:$0x3F94] =	sst s1  }
0xa: {  	[smem:$0x3F95] =	sst s2  }
0xb: {  	[smem:$0x3F96] =	sst s3  }
0xc: {  	[smem:$0x3F97] =	sst s4  }
0xd: {  	[smem:$0x3F98] =	sst s5  }
0xe: {  	[smem:$0x3F99] =	sst s6  }
0xf: {  	[smem:$0x3F9A] =	sst s7  }
0x10: {  	[smem:$0x3F9B] =	sst s8  }
0x11: {  	[smem:$0x3F9C] =	sst s9;
	s0 =	simm.s32 @!p0 $0x0  }
0x12: {  	s1 =	sld [smem:$0x3F82];
	s0 =	simm.s32 @p0 $0x1  }
0x13: {  	[smem:$0x3F9D] =	sst s0;
	s0 =	simm.s32 @!p1 $0x0  }
0x14: {  	s2 =	sld [smem:$0x3F81];
	s0 =	simm.s32 @p1 $0x1  }
0x15: {  	[smem:$0x3F9E] =	sst s0;
	s0 =	simm.s32 @!p2 $0x0  }
0x16: {  	s3 =	sld [smem:$0x3FDB];
	s0 =	simm.s32 @p2 $0x1  }
0x17: {  	s4 =	simm.s32 $0x1BF5;
	[smem:$0x3FA0] =	sst s0  }
0x18: {  	s0 =	sld [smem:$0x3F83];
	_ =	swait.ge [sflag:s4], $0x0  }
0x19: {  	s7 =	sld [smem:$0x3F84]  }
0x1a: {  	s8 =	sadd.s32 $0xFFFFE003, lr  }
0x1b: {  	s9 =	sadd.s32 $0xFFFFFEF7, lr;
	s5 =	simm.s32 $0xFFFFFFFF;
	p2 =	slt.u32 s8, $0xFFFFF086  }
0x1c: {  	p1 =	slt.u32 s9, $0xF7A;
	s5 =	simm.s32 @!p2 $0x0  }
0x1d: {  	s5 =	simm.s32 @p1 $0x1;
	p0 =	seq.s32 s7, s2  }
0x1e: {  	s7 =	smul.u32 @!p0 $0xF7A, s2;
	p2 =	seq.s32 @!p0 s5, $0x0  }
0x1f: {  	s9 =	smul.u32 $0xF7A, s1;
	s8 =	simm.s32 @!p0 $0x1BF5;
	p2 =	por !p2, p0  }
0x20: {  	[sflag:s8] =	ssyncset.s32 @!p0 $0xFFFFF086;
	s6 =	sadd.s32 @!p0 s3, s7;
	s7 =	simm.s32 @!p0 $0x108  }
0x21: {  	s3 =	sadd.s32 s3, s9;
	s6 =	sadd.s32 @!p0 $0x88, s6;
	s7 =	simm.s32 @p2 $0x1082  }
0x22: {  	[simem:s7], [sflag:s8] =	dma.local @!p0 [hbm:s6], $0xF7A  }
0x23: {  	s9 =	sor.u32 $0xD0000000, s2;
	s6 =	simm.s32 $0x108;
	_ =	swait.ge @!p0 [sflag:s8], $0x0  }
0x24: {  	s3 =	sadd.s32 $0x88, s3;
	s6 =	simm.s32 @!p1 $0x1082;
	[sflag:s4] =	ssyncset.s32 $0xFFFFF086  }
0x25: {  	[simem:s6], [sflag:s4] =	dma.local [hbm:s3], $0xF7A  }
0x26: {  	[smem:$0x3F84] =	sst s1;
	(tag) =	ssettag s2;
	_ =	strace s9  }
0x27: {  	s1 =	sld [smem:$0x3F94]  }
0x28: {  	s2 =	sld [smem:$0x3F95]  }
0x29: {  	s4 =	sld [smem:$0x3F97]  }
0x2a: {  	p0 =	seq.s32 s5, $0x0;
	s5 =	sld [smem:$0x3F98]  }
0x2b: {  	s6 =	sld [smem:$0x3F99]  }
0x2c: {  	s7 =	sld [smem:$0x3F9A]  }
0x2d: {  	s3 =	simm.s32 $0x108;
	s8 =	sld [smem:$0x3F9B]  }
0x2e: {  	s3 =	simm.s32 @!p0 $0x1082;
	s9 =	sld [smem:$0x3F9C]  }
0x2f: {  	lr =	sadd.s32 s0, s3;
	s0 =	sld [smem:$0x3F93]  }
0x30: {  	s3 =	sld [smem:$0x3F96]  }
0x31: {  	[smem:$0x3F9F] =	sst s10  }
0x32: {  	s10 =	sld [smem:$0x3F9D];
	_ =	sdelay $0x3  }
0x33: {  	p0 =	seq.s32 s10, $0x1;
	s10 =	sld [smem:$0x3F9F];
	_ =	sdelay $0x3  }
0x34: {  	[smem:$0x3F9F] =	sst s10  }
0x35: {  	s10 =	sld [smem:$0x3F9E];
	_ =	sdelay $0x3  }
0x36: {  	p1 =	seq.s32 s10, $0x1;
	s10 =	sld [smem:$0x3F9F];
	_ =	sdelay $0x3  }
0x37: {  	[smem:$0x3F9F] =	sst s10  }
0x38: {  	s10 =	sld [smem:$0x3FA0]  }
0x39: {  	_ = 	snop;
	(pc) =	sbr.ind lr, $3  }
0x3a: {  	_ = 	snop  }
0x3b: {  	_ = 	snop  }
0x3c: {  	p2 =	seq.s32 s10, $0x1;
	s10 =	sld [smem:$0x3F9F]  }
0x3d: {  	_ =	shalt  }
0x3e: {  	_ =	shalt  }
0x3f: {  	_ =	shalt  }
0x40: {  	_ =	shalt  }
0x41: {  	_ =	shalt  }
0x42: {  	_ =	shalt  }
0x43: {  	_ =	shalt  }
0x44: {  	_ =	shalt  }
0x45: {  	_ =	shalt  }
0x46: {  	_ =	shalt  }
0x47: {  	_ =	shalt  }
0x48: {  	_ =	shalt  }
0x49: {  	_ =	shalt  }
0x4a: {  	_ =	shalt  }
0x4b: {  	_ =	shalt  }
0x4c: {  	_ =	shalt  }
0x4d: {  	_ =	shalt  }
0x4e: {  	_ =	shalt  }
0x4f: {  	_ =	shalt  }
0x50: {  	_ =	shalt  }
0x51: {  	_ =	shalt  }
0x52: {  	_ =	shalt  }
0x53: {  	_ =	shalt  }
0x54: {  	_ =	shalt  }
0x55: {  	_ =	shalt  }
0x56: {  	_ =	shalt  }
0x57: {  	_ =	shalt  }
0x58: {  	_ =	shalt  }
0x59: {  	_ =	shalt  }
0x5a: {  	_ =	shalt  }
0x5b: {  	_ =	shalt  }
0x5c: {  	_ =	shalt  }
0x5d: {  	_ =	shalt  }
0x5e: {  	_ =	shalt  }
0x5f: {  	_ =	shalt  }
0x60: {  	_ =	shalt  }
0x61: {  	_ =	shalt  }
0x62: {  	_ =	shalt  }
0x63: {  	_ =	shalt  }
0x64: {  	_ =	shalt  }
0x65: {  	_ =	shalt  }
0x66: {  	_ =	shalt  }
0x67: {  	_ =	shalt  }
0x68: {  	_ =	shalt  }
0x69: {  	_ =	shalt  }
0x6a: {  	_ =	shalt  }
0x6b: {  	_ =	shalt  }
0x6c: {  	_ =	shalt  }
0x6d: {  	_ =	shalt  }
0x6e: {  	_ =	shalt  }
0x6f: {  	_ =	shalt  }
0x70: {  	_ =	shalt  }
0x71: {  	_ =	shalt  }
0x72: {  	_ =	shalt  }
0x73: {  	_ =	shalt  }
0x74: {  	_ =	shalt  }
0x75: {  	_ =	shalt  }
0x76: {  	_ =	shalt  }
0x77: {  	_ =	shalt  }
0x78: {  	_ =	shalt  }
0x79: {  	_ =	shalt  }
0x7a: {  	_ =	shalt  }
0x7b: {  	_ =	shalt  }
0x7c: {  	_ =	shalt  }
0x7d: {  	_ =	shalt  }
0x7e: {  	_ =	shalt  }
0x7f: {  	_ =	shalt  }
0x80: {  	_ =	shalt  }
0x81: {  	_ =	shalt  }
0x82: {  	_ =	shalt  }
0x83: {  	_ =	shalt  }
0x84: {  	_ =	shalt  }
0x85: {  	_ =	shalt  }
0x86: {  	_ =	shalt  }
0x87: {  	_ =	shalt  }
.Lfunc_end0:
.L_simem_size_0:
called_computation.3_lowered:
.L_overlay_start_0:
0x88: {  	s2 =	sld [smem:$0x3FD9]  }
0x89: {  	s3 =	sld [smem:$0x3FFE];
	_ =	sdelay $0x1  }
0x8a: {  	s1 =	srdreg.scid  }
0x8b: {  	s0 =	sand.u32 $0x1, s1  }
0x8c: {  	s17 =	sshll.u32 s0, $0xA;
	s2 =	sadd.s32 s3, s2  }
0x8d: {  	s2 =	sadd.s32 s2, s17  }
0x8e: {  	[smem:$0x3FAB] =	sst s2  }
0x8f: {  	_ = 	snop  }
0x90: {  	(tm) =	ssettm $0x1  }
0x91: {  	s18 =	sld [smem:$0x3FFB];
	_ =	sdelay $0x3  }
0x92: {  	_ =	strace s18  }
0x93: {  	s2 =	sld [smem:$0x3FFC];
	_ =	sdelay $0x3  }
0x94: {  	_ =	strace s2  }
0x95: {  	s2 =	sld [smem:$0x3FFD];
	_ =	sdelay $0x3  }
0x96: {  	_ =	strace s2  }
0x97: {  	_ =	strace $0x8FFFFFFF  }
0x98: {  	s19 =	sld [smem:$0x3FDB];
	_ =	sdelay $0x1  }
0x99: {  	s20 =	simm.s32 $_scs_section_size  }
0x9a: {  	s4 =	simm.s32 $_size__tile_overlayer_lowered;
	s5 =	simm.s32 $_tile_overlayer_lowered  }
0x9b: {  	s6 =	simm.s32 $0x1BFF;
	s21 =	sshll.u32 s5, $0x1;
	s3 =	sadd.s32 s20, s19  }
0x9c: {  	s22 =	simm.s32 $0x0;
	s4 =	sshll.u32 s4, $0x1;
	s5 =	sadd.s32 s21, s3  }
0x9d: {  	[timem:s22], [sflag:s6] =	dma.local [hbm:s5], s4  }
0x9e: {  	_ =	swait.ge [sflag:s6], s4  }
0x9f: {  	s4 =	ssub.s32 $0x0, s4;
	[sflag:s6] =	ssyncset.done $0x0  }
0xa0: {  	[sflag:s6] =	ssyncadd.s32 s4;
	_ =	sdelay $0x1  }
0xa1: {  	s23 =	simm.s32 $0x1B8B  }
0xa2: {  	_ =	swait.ge [sflag:s23], $0x1  }
0xa3: {  	[sflag:s23] =	ssyncset.done $0x0  }
0xa4: {  	[sflag:s23] =	ssyncadd.s32 $0xFFFFFFFF  }
0xa5: {  	s4 =	sld [smem:$0x0]  }
0xa6: {  	s5 =	sand.u32 $0xFFFFFFFE, s1  }
0xa7: {  	p0 =	sne.s32 s1, s5  }
0xa8: {  	s5 =	sshll.u32 @p0 s5, $0xE  }
0xa9: {  	s5 =	sadd.s32 @p0 $0x11B8D, s5;
	s6 =	sshll.u32 @p0 s4, $0x11  }
0xaa: {  	s5 =	sor.u32 @p0 s6, s5  }
0xab: {  	[sflag:s5] =	ssyncadd.remote.s32 @p0 $0x1;
	_ =	sdelay $0x1  }
0xac: {  	s5 =	simm.s32 @p0 $0x1B8D  }
0xad: {  	_ =	swait.eq @p0 [sflag:s5], $0x1  }
0xae: {  	[sflag:s5] =	ssyncadd.s32 @p0 $0xFFFFFFFF  }
0xaf: {  	s6 =	sshll.u32 @!p0 s1, $0xE  }
0xb0: {  	s6 =	sor.u32 @!p0 $0x4000, s6;
	s5 =	simm.s32 @!p0 $0x1B8D  }
0xb1: {  	s4 =	sshll.u32 @!p0 s4, $0x11;
	s6 =	sadd.s32 @!p0 $0x11B8D, s6;
	_ =	swait.eq @!p0 [sflag:s5], $0x1  }
0xb2: {  	s4 =	sor.u32 @!p0 s4, s6;
	[sflag:s5] =	ssyncadd.s32 @!p0 $0xFFFFFFFF  }
0xb3: {  	s25 =	simm.s32 $0x1B8E;
	s24 =	sld [smem:$0x3FFE];
	[sflag:s4] =	ssyncadd.remote.s32 @!p0 $0x1  }
0xb4: {  	s26 =	simm.s32 $execute0_lowered;
	[smem:$0x3FD2] =	sst s25  }
0xb5: {  	s5 =	sshll.u32 s26, $0x1;
	_ =	strace $0x80000052;
	[dreg:$0x1] =	wrdreg $0xFFFFFFFF  }
0xb6: {  	s28 =	simm.s32 $_size_execute0_lowered;
	s3 =	sadd.s32 s3, s5;
	[dreg:$0x0] =	wrdreg $0x0  }
0xb7: {  	s5 =	sshll.u32 s28, $0x1;
	[dreg:$0x2] =	wrdreg s3  }
0xb8: {  	[dreg:$0x3] =	wrdreg s5  }
0xb9: {  	[dreg:$0x4] =	wrdreg $0xC0  }
0xba: {  	_ =	task [dreg:s22], $0x5FFFF  }
0xbb: {  	[dreg:$0x1] =	wrdreg $0xFFFFFFFF  }
0xbc: {  	[dreg:$0x0] =	wrdreg $0x60  }
0xbd: {  	[dreg:$0x2] =	wrdreg s24  }
0xbe: {  	[dreg:$0x3] =	wrdreg $0xCE400  }
0xbf: {  	[dreg:$0x4] =	wrdreg $0x9  }
0xc0: {  	_ =	task.clear_ibuf [dreg:s22], $0x5FFFF;
	_ =	strace $0x90000052  }
0xc1: {  	s29 =	simm.s32 $0x9;
	_ =	strace $0x80000054  }
0xc2: {  	_ =	swait.ge [sflag:s29], $0x1  }
0xc3: {  	[sflag:s29] =	ssyncadd.s32 $0xFFFFFFFF  }
0xc4: {  	_ =	strace $0x90000054  }
0xc5: {  	_ =	sfence  }
0xc6: {  	s30 =	sld [smem:$0x0];
	_ =	sdelay $0x2  }
0xc7: {  	s31 =	sshll.u32 s1, $0xD;
	s1 =	sshrl.u32 s1, $0x2  }
0xc8: {  	s4 =	sand.u32 $0x4000, s31;
	s1 =	sadd.s32 s1, s30  }
0xc9: {  	s0 =	sor.u32 s4, s0;
	s1 =	sshll.u32 s1, $0x11  }
0xca: {  	s0 =	sor.u32 s1, s0  }
0xcb: {  	s0 =	sadd.s32 $0x8F2B, s0  }
0xcc: {  	[sflag:s0] =	ssyncadd.remote.s32 $0x1  }
0xcd: {  	_ =	sfence.sel $0xFFFF  }
0xce: {  	[dreg:$0x0] =	wrdreg $0xFFFFFFFF;
	(pc) =	sbr.abs _section_cstart, $3  }
0xcf: {  	[dreg:$0x1] =	wrdreg $0xFFFFFFFF  }
0xd0: {  	_ =	task.clear_ibuf [dreg:s22], $0x2FFFF;
	_ =	strace $0x9FFFFFFF  }
0xd1: {  	(tm) =	ssettm $0x7FFFFFFF  }
tec
execute0_lowered:
.L_overlay_start_1:
0x0: {  	(tag) =	ssettag $0x1  }
0x1: {  	s0 =	srdreg.scid  }
0x2: {  	s18 =	stileid.u32;
	s6 =	rddreg [dreg:$0x0]  }
0x3: {  	s1 =	rddreg [dreg:$0x1];
	s2 =	simm.s32 $0x0;
	s14 =	simm.s32 $0x9C40  }
0x4: {  	s15 =	simm.s32 $0xB540;
	s16 =	simm.s32 $0x1;
	s17 =	simm.s32 $0x2  }
0x5: {  	s19 =	simm.s32 $0x9BF0;
	s23 =	simm.s32 $0x0;
	s5 =	smul.u32 $0x4E20, s18  }
0x6: {  	s4 =	sand.u32 $0x1, s0;
	s0 =	rddreg [dreg:$0x2];
	s11 =	smul.u32 $0x1860, s18  }
0x7: {  	[smem:$0x7FF] =	sst s2;
	s12 =	sadd.s32 $0xB6800, s6;
	s13 =	smul.u32 $0x30C00, s18  }
0x8: {  	s22 =	sadd.s32 $0xC3000, s1;
	p0 =	sne.s32 s18, $0x0;
	p1 =	sne.s32 s18, $0xF  }
0x9: {  	s20 =	sshll.u32 s18, $0x6;
	s18 =	simm.s32 $0x9BA0;
	s3 =	smul.u32 $0x4E200, s4  }
0xa: {  	_ =	strace $0x80000053;
	s8 =	ssub.s32 $0x2, s4;
	s9 =	smul.u32 $0x186A0, s4  }
0xb: {  	s29 =	smul.u32 $0xC3500, s4;
	s20 =	sor.u32 $0x1C03, s20;
	s22 =	sshrl.u32 @!p1 s22, $0x3  }
0xc: {  	s10 =	sshrl.u32 s8, $0x1;
	s31 =	sshrl.u32 s13, $0x2;
	s13 =	simm.s32 $0x50  }
0xd: {  	s3 =	sadd.s32 s5, s3;
	s5 =	sshrl.u32 s5, $0x3;
	s10 =	ssub.s32 s8, s10  }
0xe: {  	s30 =	sadd.s32 s11, s9;
	s8 =	sshrl.u32 s29, $0x3;
	s21 =	sadd.s32 s31, s1  }
0xf: {  	s11 =	simm.s32 $0x4E20;
	s7 =	sshrl.u32 s3, $0x3;
	s3 =	sadd.s32 $0x85A00, s6  }
0x10: {  	s5 =	sadd.s32 s5, s6;
	s8 =	sadd.s32 s12, s8;
	s21 =	sshrl.u32 s21, $0x3  }
0x11: {  	s7 =	sadd.s32 s7, s6;
	s5 =	sadd.s32 $0x6600, s5;
	s6 =	sadd.s32 s3, s9  }
0x12: {  	s8 =	sadd.s32 $0x18600, s8;
	s9 =	smax.u32 s10, $0x1;
	s10 =	simm.s32 $0x3  }
0x13: {  	s4 =	sadd.s32 $0x10400, s7;
	s7 =	sadd.s32 s12, s30;
	s12 =	sshrl.u32 @!p0 s1, $0x3  }
.LBB2_1:
0x14: {  	[tilespmem:s2], [sflag:$0x3] =	stream.linear.gather [hbm4b:s4+s2], $0x4E20, $0x38;
	[tilespmem:$0x19190] =	vst v63  }
0x15: {  	_ =	swait.ge [sflag:s10], $0x4E20  }
0x16: {  	[sflag:s10] =	ssyncset.done $0x0  }
0x17: {  	[sflag:s10] =	ssyncadd.s32 $0xFFFFB1E0  }
0x18: {  	[tilespmem:s11], [sflag:$0x3] =	stream.linear.gather [hbm4b:s5+s2], $0x4E20, $0x38;
	[tilespmem:$0x19190] =	vst v63  }
0x19: {  	_ =	swait.ge [sflag:s10], $0x4E20  }
0x1a: {  	[sflag:s10] =	ssyncset.done $0x0  }
0x1b: {  	s24 =	simm.s32 @!p0 $0x1C03;
	[sflag:s10] =	ssyncadd.s32 $0xFFFFB1E0  }
0x1c: {  	[spmem:s12], [sflag:s24] =	dma.local @!p0 [hbm:s6], $0x186A0  }
0x1d: {  	s24 =	simm.s32 @!p0 $0x3  }
0x1e: {  	_ =	swait.ge @!p0 [sflag:s24], $0x186A0  }
0x1f: {  	[sflag:s24] =	ssyncset.done @!p0 $0x0  }
0x20: {  	[sflag:s24] =	ssyncadd.s32 @!p0 $0xFFFE7960  }
0x21: {  	[bflag:$0x0] =	sbarrier.arrive $0xFFFF  }
0x22: {  	[tilespmem:s14], [sflag:$0x1] =	stream.indirect.gather [hbm4b:s3+s13], $0x50, s2, s13, $0xb8;
	[tilespmem:$0x19190] =	vst v63  }
0x23: {  	_ = 	snop  }
0x24: {  	[tilespmem:s15], [sflag:$0x2] =	stream.indirect.gather [hbm4b:s3+s13], $0x50, s13, s13, $0xb8;
	[tilespmem:$0x19190] =	vst v63  }
0x25: {  	_ =	swait.ge [sflag:s16], $0x1900  }
0x26: {  	[sflag:s16] =	ssyncset.done $0x0  }
0x27: {  	s29 =	simm.s32 $0x4E20;
	[sflag:s16] =	ssyncadd.s32 $0xFFFFE700  }
0x28: {  	[spmem:s1] =	stream.indirect.scatter.add.f32 [tilespmem:s14], [sflag:$0x3], $0x50, s29, s13, $0xb8;
	[tilespmem:$0x19190] =	vst v63  }
0x29: {  	_ =	swait.ge [sflag:s10], $0x1900  }
0x2a: {  	[sflag:s10] =	ssyncset.done $0x0  }
0x2b: {  	s30 =	simm.s32 $0xA0;
	[sflag:s10] =	ssyncadd.s32 $0xFFFFE700  }
0x2c: {  	[tilespmem:s14], [sflag:$0x1] =	stream.indirect.gather [hbm4b:s3+s13], $0x50, s30, s13, $0xb8;
	[tilespmem:$0x19190] =	vst v63  }
0x2d: {  	_ =	swait.ge [sflag:s17], $0x1900  }
0x2e: {  	[sflag:s17] =	ssyncset.done $0x0  }
0x2f: {  	s31 =	simm.s32 $0x4E70;
	[sflag:s17] =	ssyncadd.s32 $0xFFFFE700  }
0x30: {  	[spmem:s1] =	stream.indirect.scatter.add.f32 [tilespmem:s15], [sflag:$0x3], $0x50, s31, s13, $0xb8;
	[tilespmem:$0x19190] =	vst v63  }
0x31: {  	_ =	swait.ge [sflag:s10], $0x1900  }
0x32: {  	[sflag:s10] =	ssyncset.done $0x0  }
0x33: {  	s25 =	simm.s32 $0xF0;
	s24 =	simm.s32 $0x280;
	[sflag:s10] =	ssyncadd.s32 $0xFFFFE700  }
.LBB2_2:
0x34: {  	[tilespmem:s15], [sflag:$0x2] =	stream.indirect.gather [hbm4b:s3+s13], $0x50, s25, s13, $0xb8;
	[tilespmem:$0x19190] =	vst v63  }
0x35: {  	s25 =	smov.u32 s24  }
0x36: {  	p2 =	sne.s32 s24, $0x13380;
	s24 =	sadd.s32 $0x280, s24;
	_ =	swait.ge [sflag:s16], $0x1900  }
0x37: {  	s25 =	sshra.s32 s25, $0x2;
	[sflag:s16] =	ssyncset.done $0x0  }
0x38: {  	s26 =	sadd.s32 $0x4E20, s25;
	[sflag:s16] =	ssyncadd.s32 $0xFFFFE700  }
0x39: {  	[spmem:s1] =	stream.indirect.scatter.add.f32 [tilespmem:s14], [sflag:$0x3], $0x50, s26, s13, $0xb8;
	[tilespmem:$0x19190] =	vst v63  }
0x3a: {  	_ =	swait.ge [sflag:s10], $0x1900  }
0x3b: {  	[sflag:s10] =	ssyncset.done $0x0  }
0x3c: {  	s26 =	sadd.s32 $0xA0, s25;
	[sflag:s10] =	ssyncadd.s32 $0xFFFFE700  }
0x3d: {  	[tilespmem:s14], [sflag:$0x1] =	stream.indirect.gather [hbm4b:s3+s13], $0x50, s26, s13, $0xb8;
	[tilespmem:$0x19190] =	vst v63  }
0x3e: {  	_ =	swait.ge [sflag:s17], $0x1900  }
0x3f: {  	[sflag:s17] =	ssyncset.done $0x0  }
.Ltmp0:
0x40: {  	s26 =	sadd.s32 $0x4E70, s25;
	[sflag:s17] =	ssyncadd.s32 $0xFFFFE700;
	(pc) =	sbr.rel @p2 .LBB2_2-.Ltmp0, $4  }
0x41: {  	[spmem:s1] =	stream.indirect.scatter.add.f32 [tilespmem:s15], [sflag:$0x3], $0x50, s26, s13, $0xb8;
	[tilespmem:$0x19190] =	vst v63  }
0x42: {  	_ =	swait.ge [sflag:s10], $0x1900  }
0x43: {  	[sflag:s10] =	ssyncset.done $0x0  }
0x44: {  	s25 =	sadd.s32 $0xF0, s25;
	[sflag:s10] =	ssyncadd.s32 $0xFFFFE700  }
0x45: {  	[tilespmem:s15], [sflag:$0x2] =	stream.indirect.gather [hbm4b:s3+s13], $0x50, s25, s13, $0xb8;
	[tilespmem:$0x19190] =	vst v63  }
0x46: {  	_ =	swait.ge [sflag:s16], $0x1900  }
0x47: {  	[sflag:s16] =	ssyncset.done $0x0  }
0x48: {  	[sflag:s16] =	ssyncadd.s32 $0xFFFFE700  }
0x49: {  	[spmem:s1] =	stream.indirect.scatter.add.f32 [tilespmem:s14], [sflag:$0x3], $0x50, s18, s13, $0xb8;
	[tilespmem:$0x19190] =	vst v63  }
0x4a: {  	_ =	swait.ge [sflag:s10], $0x1900  }
0x4b: {  	[sflag:s10] =	ssyncset.done $0x0  }
0x4c: {  	[sflag:s10] =	ssyncadd.s32 $0xFFFFE700  }
0x4d: {  	_ =	swait.ge [sflag:s17], $0x1900  }
0x4e: {  	[sflag:s17] =	ssyncset.done $0x0  }
0x4f: {  	[sflag:s17] =	ssyncadd.s32 $0xFFFFE700  }
0x50: {  	[spmem:s1] =	stream.indirect.scatter.add.f32 [tilespmem:s15], [sflag:$0x3], $0x50, s19, s13, $0xb8;
	[tilespmem:$0x19190] =	vst v63  }
0x51: {  	_ =	swait.ge [sflag:s10], $0x1900  }
0x52: {  	[sflag:s10] =	ssyncset.done $0x0  }
0x53: {  	[sflag:s10] =	ssyncadd.s32 $0xFFFFE700  }
0x54: {  	[bflag:$0x0] =	sbarrier.arrive $0xFFFF  }
0x55: {  	[hbm:s7], [sflag:s20] =	dma.local [spmem:s21], $0x1860  }
0x56: {  	s23 =	sadd.s32 $0x1, s23;
	_ =	swait.ge [sflag:s10], $0x1860  }
0x57: {  	p2 =	sne.s32 s23, s9;
	[sflag:s10] =	ssyncset.done $0x0  }
.Ltmp1:
0x58: {  	s24 =	simm.s32 @!p1 $0x3;
	[sflag:s10] =	ssyncadd.s32 $0xFFFFE7A0;
	(pc) =	sbr.rel @p2 .LBB2_1-.Ltmp1, $4  }
0x59: {  	[hbm:s8], [sflag:s20] =	dma.local @!p1 [spmem:s22], $0xA0  }
0x5a: {  	_ =	swait.ge @!p1 [sflag:s24], $0xA0  }
0x5b: {  	[sflag:s24] =	ssyncset.done @!p1 $0x0  }
0x5c: {  	[sflag:s24] =	ssyncadd.s32 @!p1 $0xFFFFFF60  }
0x5d: {  	_ =	sfence.sel $0x180000  }
0x5e: {  	[bflag:$0x0] =	sbarrier.arrive $0xFFFF  }
0x5f: {  	_ =	strace $0x90000053  }
0x60: {  	s0 =	sadd.s32 @!p0 $0x100000, s0;
	[bflag:$0x2] =	sbarrier.arrive $0xFFFF  }
0x61: {  	[sflag:s0] =	ssyncadd.tile.s32 @!p0 $0x1;
	_ =	shalt  }
.Lfunc_end2:
_tile_overlayer_lowered:
.L_overlay_start_2:
0x62: {  	(tag) =	ssettag $0x2  }
0x63: {  	s0 =	rddreg [dreg:$0x0];
	s2 =	stileid.u32  }
0x64: {  	s1 =	rddreg [dreg:$0x1];
	p0 =	sne.s32 s2, $0x0  }
0x65: {  	s3 =	rddreg [dreg:$0x2];
	[bflag:$0x3] =	sbarrier.arrive $0xFFFF;
	s2 =	simm.s32 @!p0 $0x1C03  }
0x66: {  	[timem:s3], [sflag:s2] =	dma.local @!p0 [hbm:s0], s1  }
0x67: {  	s0 =	simm.s32 @!p0 $0x3  }
0x68: {  	_ =	swait.ge @!p0 [sflag:s0], s1  }
0x69: {  	s1 =	ssub.s32 @!p0 $0x0, s1;
	[sflag:s0] =	ssyncset.done @!p0 $0x0  }
0x6a: {  	[sflag:s0] =	ssyncadd.s32 @!p0 s1  }
0x6b: {  	[bflag:$0x3] =	sbarrier.arrive $0xFFFF  }
0x6c: {  	_ =	shalt  }

// kernel: kernel.29.cloned.1.call-start
scs
__scs_entry_jumppad:
0x0: {  	(pc) =	sbr.rel $0x88, $3  }
0x1: {  	(tag) =	ssettag $0x0;
	lr =	simm.s32 $0x1  }
0x2: {  	[smem:$0x3F84] =	sst lr;
	_ =	strace $0xD0000000  }
0x3: {  	_ = 	snop  }
0x4: {  	_ = 	snop  }
0x5: {  	_ = 	snop  }
0x6: {  	_ = 	snop  }
0x7: {  	_ = 	snop  }
__scs_overlays_trampoline_lowered:
0x8: {  	[smem:$0x3F93] =	sst s0  }
0x9: {  	[smem:$0x3F94] =	sst s1  }
0xa: {  	[smem:$0x3F95] =	sst s2  }
0xb: {  	[smem:$0x3F96] =	sst s3  }
0xc: {  	[smem:$0x3F97] =	sst s4  }
0xd: {  	[smem:$0x3F98] =	sst s5  }
0xe: {  	[smem:$0x3F99] =	sst s6  }
0xf: {  	[smem:$0x3F9A] =	sst s7  }
0x10: {  	[smem:$0x3F9B] =	sst s8  }
0x11: {  	[smem:$0x3F9C] =	sst s9;
	s0 =	simm.s32 @!p0 $0x0  }
0x12: {  	s1 =	sld [smem:$0x3F82];
	s0 =	simm.s32 @p0 $0x1  }
0x13: {  	[smem:$0x3F9D] =	sst s0;
	s0 =	simm.s32 @!p1 $0x0  }
0x14: {  	s2 =	sld [smem:$0x3F81];
	s0 =	simm.s32 @p1 $0x1  }
0x15: {  	[smem:$0x3F9E] =	sst s0;
	s0 =	simm.s32 @!p2 $0x0  }
0x16: {  	s3 =	sld [smem:$0x3FDB];
	s0 =	simm.s32 @p2 $0x1  }
0x17: {  	s4 =	simm.s32 $0x1BF5;
	[smem:$0x3FA0] =	sst s0  }
0x18: {  	s0 =	sld [smem:$0x3F83];
	_ =	swait.ge [sflag:s4], $0x0  }
0x19: {  	s7 =	sld [smem:$0x3F84]  }
0x1a: {  	s8 =	sadd.s32 $0xFFFFE003, lr  }
0x1b: {  	s9 =	sadd.s32 $0xFFFFFEF7, lr;
	s5 =	simm.s32 $0xFFFFFFFF;
	p2 =	slt.u32 s8, $0xFFFFF086  }
0x1c: {  	p1 =	slt.u32 s9, $0xF7A;
	s5 =	simm.s32 @!p2 $0x0  }
0x1d: {  	s5 =	simm.s32 @p1 $0x1;
	p0 =	seq.s32 s7, s2  }
0x1e: {  	s7 =	smul.u32 @!p0 $0xF7A, s2;
	p2 =	seq.s32 @!p0 s5, $0x0  }
0x1f: {  	s9 =	smul.u32 $0xF7A, s1;
	s8 =	simm.s32 @!p0 $0x1BF5;
	p2 =	por !p2, p0  }
0x20: {  	[sflag:s8] =	ssyncset.s32 @!p0 $0xFFFFF086;
	s6 =	sadd.s32 @!p0 s3, s7;
	s7 =	simm.s32 @!p0 $0x108  }
0x21: {  	s3 =	sadd.s32 s3, s9;
	s6 =	sadd.s32 @!p0 $0x88, s6;
	s7 =	simm.s32 @p2 $0x1082  }
0x22: {  	[simem:s7], [sflag:s8] =	dma.local @!p0 [hbm:s6], $0xF7A  }
0x23: {  	s9 =	sor.u32 $0xD0000000, s2;
	s6 =	simm.s32 $0x108;
	_ =	swait.ge @!p0 [sflag:s8], $0x0  }
0x24: {  	s3 =	sadd.s32 $0x88, s3;
	s6 =	simm.s32 @!p1 $0x1082;
	[sflag:s4] =	ssyncset.s32 $0xFFFFF086  }
0x25: {  	[simem:s6], [sflag:s4] =	dma.local [hbm:s3], $0xF7A  }
0x26: {  	[smem:$0x3F84] =	sst s1;
	(tag) =	ssettag s2;
	_ =	strace s9  }
0x27: {  	s1 =	sld [smem:$0x3F94]  }
0x28: {  	s2 =	sld [smem:$0x3F95]  }
0x29: {  	s4 =	sld [smem:$0x3F97]  }
0x2a: {  	p0 =	seq.s32 s5, $0x0;
	s5 =	sld [smem:$0x3F98]  }
0x2b: {  	s6 =	sld [smem:$0x3F99]  }
0x2c: {  	s7 =	sld [smem:$0x3F9A]  }
0x2d: {  	s3 =	simm.s32 $0x108;
	s8 =	sld [smem:$0x3F9B]  }
0x2e: {  	s3 =	simm.s32 @!p0 $0x1082;
	s9 =	sld [smem:$0x3F9C]  }
0x2f: {  	lr =	sadd.s32 s0, s3;
	s0 =	sld [smem:$0x3F93]  }
0x30: {  	s3 =	sld [smem:$0x3F96]  }
0x31: {  	[smem:$0x3F9F] =	sst s10  }
0x32: {  	s10 =	sld [smem:$0x3F9D];
	_ =	sdelay $0x3  }
0x33: {  	p0 =	seq.s32 s10, $0x1;
	s10 =	sld [smem:$0x3F9F];
	_ =	sdelay $0x3  }
0x34: {  	[smem:$0x3F9F] =	sst s10  }
0x35: {  	s10 =	sld [smem:$0x3F9E];
	_ =	sdelay $0x3  }
0x36: {  	p1 =	seq.s32 s10, $0x1;
	s10 =	sld [smem:$0x3F9F];
	_ =	sdelay $0x3  }
0x37: {  	[smem:$0x3F9F] =	sst s10  }
0x38: {  	s10 =	sld [smem:$0x3FA0]  }
0x39: {  	_ = 	snop;
	(pc) =	sbr.ind lr, $3  }
0x3a: {  	_ = 	snop  }
0x3b: {  	_ = 	snop  }
0x3c: {  	p2 =	seq.s32 s10, $0x1;
	s10 =	sld [smem:$0x3F9F]  }
0x3d: {  	_ =	shalt  }
0x3e: {  	_ =	shalt  }
0x3f: {  	_ =	shalt  }
0x40: {  	_ =	shalt  }
0x41: {  	_ =	shalt  }
0x42: {  	_ =	shalt  }
0x43: {  	_ =	shalt  }
0x44: {  	_ =	shalt  }
0x45: {  	_ =	shalt  }
0x46: {  	_ =	shalt  }
0x47: {  	_ =	shalt  }
0x48: {  	_ =	shalt  }
0x49: {  	_ =	shalt  }
0x4a: {  	_ =	shalt  }
0x4b: {  	_ =	shalt  }
0x4c: {  	_ =	shalt  }
0x4d: {  	_ =	shalt  }
0x4e: {  	_ =	shalt  }
0x4f: {  	_ =	shalt  }
0x50: {  	_ =	shalt  }
0x51: {  	_ =	shalt  }
0x52: {  	_ =	shalt  }
0x53: {  	_ =	shalt  }
0x54: {  	_ =	shalt  }
0x55: {  	_ =	shalt  }
0x56: {  	_ =	shalt  }
0x57: {  	_ =	shalt  }
0x58: {  	_ =	shalt  }
0x59: {  	_ =	shalt  }
0x5a: {  	_ =	shalt  }
0x5b: {  	_ =	shalt  }
0x5c: {  	_ =	shalt  }
0x5d: {  	_ =	shalt  }
0x5e: {  	_ =	shalt  }
0x5f: {  	_ =	shalt  }
0x60: {  	_ =	shalt  }
0x61: {  	_ =	shalt  }
0x62: {  	_ =	shalt  }
0x63: {  	_ =	shalt  }
0x64: {  	_ =	shalt  }
0x65: {  	_ =	shalt  }
0x66: {  	_ =	shalt  }
0x67: {  	_ =	shalt  }
0x68: {  	_ =	shalt  }
0x69: {  	_ =	shalt  }
0x6a: {  	_ =	shalt  }
0x6b: {  	_ =	shalt  }
0x6c: {  	_ =	shalt  }
0x6d: {  	_ =	shalt  }
0x6e: {  	_ =	shalt  }
0x6f: {  	_ =	shalt  }
0x70: {  	_ =	shalt  }
0x71: {  	_ =	shalt  }
0x72: {  	_ =	shalt  }
0x73: {  	_ =	shalt  }
0x74: {  	_ =	shalt  }
0x75: {  	_ =	shalt  }
0x76: {  	_ =	shalt  }
0x77: {  	_ =	shalt  }
0x78: {  	_ =	shalt  }
0x79: {  	_ =	shalt  }
0x7a: {  	_ =	shalt  }
0x7b: {  	_ =	shalt  }
0x7c: {  	_ =	shalt  }
0x7d: {  	_ =	shalt  }
0x7e: {  	_ =	shalt  }
0x7f: {  	_ =	shalt  }
0x80: {  	_ =	shalt  }
0x81: {  	_ =	shalt  }
0x82: {  	_ =	shalt  }
0x83: {  	_ =	shalt  }
0x84: {  	_ =	shalt  }
0x85: {  	_ =	shalt  }
0x86: {  	_ =	shalt  }
0x87: {  	_ =	shalt  }
.Lfunc_end0:
.L_simem_size_0:
called_computation.4_lowered:
.L_overlay_start_0:
0x88: {  	s2 =	sld [smem:$0x3FD9]  }
0x89: {  	s3 =	sld [smem:$0x3FFE];
	_ =	sdelay $0x1  }
0x8a: {  	s1 =	srdreg.scid  }
0x8b: {  	s0 =	sand.u32 $0x1, s1  }
0x8c: {  	s16 =	sshll.u32 s0, $0xA;
	s2 =	sadd.s32 s3, s2  }
0x8d: {  	s2 =	sadd.s32 s2, s16  }
0x8e: {  	[smem:$0x3FAB] =	sst s2  }
0x8f: {  	_ = 	snop  }
0x90: {  	(tm) =	ssettm $0x1  }
0x91: {  	s17 =	sld [smem:$0x3FFB];
	_ =	sdelay $0x3  }
0x92: {  	_ =	strace s17  }
0x93: {  	s2 =	sld [smem:$0x3FFC];
	_ =	sdelay $0x3  }
0x94: {  	_ =	strace s2  }
0x95: {  	s2 =	sld [smem:$0x3FFD];
	_ =	sdelay $0x3  }
0x96: {  	_ =	strace s2  }
0x97: {  	_ =	strace $0x8FFFFFFF  }
0x98: {  	s18 =	sld [smem:$0x3FDB];
	_ =	sdelay $0x1  }
0x99: {  	s19 =	simm.s32 $_scs_section_size  }
0x9a: {  	s4 =	simm.s32 $_size__tile_overlayer_lowered;
	s5 =	simm.s32 $_tile_overlayer_lowered  }
0x9b: {  	s22 =	simm.s32 $0x1BFF;
	s21 =	sshll.u32 s5, $0x1;
	s2 =	sadd.s32 s19, s18  }
0x9c: {  	s6 =	simm.s32 $0x0;
	s20 =	sshll.u32 s4, $0x1;
	s4 =	sadd.s32 s21, s2  }
0x9d: {  	[timem:s6], [sflag:s22] =	dma.local [hbm:s4], s20  }
0x9e: {  	_ =	swait.ge [sflag:s22], s20  }
0x9f: {  	s3 =	ssub.s32 $0x0, s20;
	[sflag:s22] =	ssyncset.done $0x0  }
0xa0: {  	[sflag:s22] =	ssyncadd.s32 s3;
	_ =	sdelay $0x1  }
0xa1: {  	s23 =	simm.s32 $0x1B8B  }
0xa2: {  	_ =	swait.ge [sflag:s23], $0x1  }
0xa3: {  	[sflag:s23] =	ssyncset.done $0x0  }
0xa4: {  	s25 =	simm.s32 $0x1B8E;
	s24 =	sld [smem:$0x3FFE];
	[sflag:s23] =	ssyncadd.s32 $0xFFFFFFFF  }
0xa5: {  	s26 =	simm.s32 $execute0_lowered;
	[smem:$0x3FD2] =	sst s25  }
0xa6: {  	s4 =	sshll.u32 s26, $0x1;
	_ =	strace $0x8000004F;
	[dreg:$0x1] =	wrdreg $0xFFFFFFFF  }
0xa7: {  	s28 =	simm.s32 $_size_execute0_lowered;
	s2 =	sadd.s32 s2, s4;
	[dreg:$0x0] =	wrdreg $0x0  }
0xa8: {  	s4 =	sshll.u32 s28, $0x1;
	[dreg:$0x2] =	wrdreg s2  }
0xa9: {  	[dreg:$0x3] =	wrdreg s4  }
0xaa: {  	[dreg:$0x4] =	wrdreg $0xC0  }
0xab: {  	_ =	task [dreg:s6], $0x5FFFF  }
0xac: {  	[dreg:$0x1] =	wrdreg $0xFFFFFFFF  }
0xad: {  	[dreg:$0x0] =	wrdreg $0x60  }
0xae: {  	[dreg:$0x2] =	wrdreg s24  }
0xaf: {  	[dreg:$0x3] =	wrdreg $0xCE400  }
0xb0: {  	[dreg:$0x4] =	wrdreg $0xA  }
0xb1: {  	_ =	task.clear_ibuf [dreg:s6], $0x5FFFF;
	_ =	strace $0x9000004F  }
0xb2: {  	s29 =	simm.s32 $0xA;
	_ =	strace $0x80000051  }
0xb3: {  	_ =	swait.ge [sflag:s29], $0x1  }
0xb4: {  	[sflag:s29] =	ssyncadd.s32 $0xFFFFFFFF  }
0xb5: {  	_ =	strace $0x90000051  }
0xb6: {  	_ =	sfence  }
0xb7: {  	s30 =	sld [smem:$0x0];
	_ =	sdelay $0x2  }
0xb8: {  	s31 =	sshll.u32 s1, $0xD;
	s1 =	sshrl.u32 s1, $0x2  }
0xb9: {  	s3 =	sand.u32 $0x4000, s31;
	s1 =	sadd.s32 s1, s30  }
0xba: {  	s0 =	sor.u32 s3, s0;
	s1 =	sshll.u32 s1, $0x11  }
0xbb: {  	s0 =	sor.u32 s1, s0  }
0xbc: {  	s0 =	sadd.s32 $0x8F2B, s0  }
0xbd: {  	[sflag:s0] =	ssyncadd.remote.s32 $0x1  }
0xbe: {  	_ =	sfence.sel $0xFFFF  }
0xbf: {  	[dreg:$0x0] =	wrdreg $0xFFFFFFFF;
	(pc) =	sbr.abs _section_cstart, $3  }
0xc0: {  	[dreg:$0x1] =	wrdreg $0xFFFFFFFF  }
0xc1: {  	_ =	task.clear_ibuf [dreg:s6], $0x2FFFF;
	_ =	strace $0x9FFFFFFF  }
0xc2: {  	(tm) =	ssettm $0x7FFFFFFF  }
0xc3: {  	_ =	shalt  }
tec
execute0_lowered:
.L_overlay_start_1:
0x0: {  	(tag) =	ssettag $0x1  }
0x1: {  	s0 =	srdreg.scid  }
0x2: {  	s18 =	stileid.u32;
	s6 =	rddreg [dreg:$0x0]  }
0x3: {  	s1 =	rddreg [dreg:$0x1];
	s2 =	simm.s32 $0x0;
	s14 =	simm.s32 $0x9C40  }
0x4: {  	s15 =	simm.s32 $0xB540;
	s16 =	simm.s32 $0x1;
	s17 =	simm.s32 $0x2  }
0x5: {  	s19 =	simm.s32 $0x9BF0;
	s23 =	simm.s32 $0x0;
	s5 =	smul.u32 $0x4E20, s18  }
0x6: {  	s4 =	sand.u32 $0x1, s0;
	s0 =	rddreg [dreg:$0x2];
	s11 =	smul.u32 $0x1860, s18  }
0x7: {  	[smem:$0x7FF] =	sst s2;
	s12 =	sadd.s32 $0x54C00, s6;
	s13 =	smul.u32 $0x30C00, s18  }
0x8: {  	s22 =	sadd.s32 $0xC3000, s1;
	p0 =	sne.s32 s18, $0x0;
	p1 =	sne.s32 s18, $0xF  }
0x9: {  	s20 =	sshll.u32 s18, $0x6;
	s18 =	simm.s32 $0x9BA0;
	s3 =	smul.u32 $0x4E200, s4  }
0xa: {  	_ =	strace $0x80000050;
	s8 =	ssub.s32 $0x2, s4;
	s9 =	smul.u32 $0x186A0, s4  }
0xb: {  	s29 =	smul.u32 $0xC3500, s4;
	s20 =	sor.u32 $0x1C03, s20;
	s22 =	sshrl.u32 @!p1 s22, $0x3  }
0xc: {  	s10 =	sshrl.u32 s8, $0x1;
	s31 =	sshrl.u32 s13, $0x2;
	s13 =	simm.s32 $0x50  }
0xd: {  	s3 =	sadd.s32 s5, s3;
	s5 =	sshrl.u32 s5, $0x3;
	s10 =	ssub.s32 s8, s10  }
0xe: {  	s30 =	sadd.s32 s11, s9;
	s8 =	sshrl.u32 s29, $0x3;
	s21 =	sadd.s32 s31, s1  }
0xf: {  	s11 =	simm.s32 $0x4E20;
	s7 =	sshrl.u32 s3, $0x3;
	s3 =	sadd.s32 $0x23E00, s6  }
0x10: {  	s5 =	sadd.s32 s5, s6;
	s8 =	sadd.s32 s12, s8;
	s21 =	sshrl.u32 s21, $0x3  }
0x11: {  	s7 =	sadd.s32 s7, s6;
	s5 =	sadd.s32 $0x6600, s5;
	s6 =	sadd.s32 s3, s9  }
0x12: {  	s8 =	sadd.s32 $0x18600, s8;
	s9 =	smax.u32 s10, $0x1;
	s10 =	simm.s32 $0x3  }
0x13: {  	s4 =	sadd.s32 $0x10400, s7;
	s7 =	sadd.s32 s12, s30;
	s12 =	sshrl.u32 @!p0 s1, $0x3  }
.LBB2_1:
0x14: {  	[tilespmem:s2], [sflag:$0x3] =	stream.linear.gather [hbm4b:s4+s2], $0x4E20, $0x38;
	[tilespmem:$0x19190] =	vst v63  }
0x15: {  	_ =	swait.ge [sflag:s10], $0x4E20  }
0x16: {  	[sflag:s10] =	ssyncset.done $0x0  }
0x17: {  	[sflag:s10] =	ssyncadd.s32 $0xFFFFB1E0  }
0x18: {  	[tilespmem:s11], [sflag:$0x3] =	stream.linear.gather [hbm4b:s5+s2], $0x4E20, $0x38;
	[tilespmem:$0x19190] =	vst v63  }
0x19: {  	_ =	swait.ge [sflag:s10], $0x4E20  }
0x1a: {  	[sflag:s10] =	ssyncset.done $0x0  }
0x1b: {  	s24 =	simm.s32 @!p0 $0x1C03;
	[sflag:s10] =	ssyncadd.s32 $0xFFFFB1E0  }
0x1c: {  	[spmem:s12], [sflag:s24] =	dma.local @!p0 [hbm:s6], $0x186A0  }
0x1d: {  	s24 =	simm.s32 @!p0 $0x3  }
0x1e: {  	_ =	swait.ge @!p0 [sflag:s24], $0x186A0  }
0x1f: {  	[sflag:s24] =	ssyncset.done @!p0 $0x0  }
0x20: {  	[sflag:s24] =	ssyncadd.s32 @!p0 $0xFFFE7960  }
0x21: {  	[bflag:$0x0] =	sbarrier.arrive $0xFFFF  }
0x22: {  	[tilespmem:s14], [sflag:$0x1] =	stream.indirect.gather [hbm4b:s3+s13], $0x50, s2, s13, $0xb8;
	[tilespmem:$0x19190] =	vst v63  }
0x23: {  	_ = 	snop  }
0x24: {  	[tilespmem:s15], [sflag:$0x2] =	stream.indirect.gather [hbm4b:s3+s13], $0x50, s13, s13, $0xb8;
	[tilespmem:$0x19190] =	vst v63  }
0x25: {  	_ =	swait.ge [sflag:s16], $0x1900  }
0x26: {  	[sflag:s16] =	ssyncset.done $0x0  }
0x27: {  	s29 =	simm.s32 $0x4E20;
	[sflag:s16] =	ssyncadd.s32 $0xFFFFE700  }
0x28: {  	[spmem:s1] =	stream.indirect.scatter.add.f32 [tilespmem:s14], [sflag:$0x3], $0x50, s29, s13, $0xb8;
	[tilespmem:$0x19190] =	vst v63  }
0x29: {  	_ =	swait.ge [sflag:s10], $0x1900  }
0x2a: {  	[sflag:s10] =	ssyncset.done $0x0  }
0x2b: {  	s30 =	simm.s32 $0xA0;
	[sflag:s10] =	ssyncadd.s32 $0xFFFFE700  }
0x2c: {  	[tilespmem:s14], [sflag:$0x1] =	stream.indirect.gather [hbm4b:s3+s13], $0x50, s30, s13, $0xb8;
	[tilespmem:$0x19190] =	vst v63  }
0x2d: {  	_ =	swait.ge [sflag:s17], $0x1900  }
0x2e: {  	[sflag:s17] =	ssyncset.done $0x0  }
0x2f: {  	s31 =	simm.s32 $0x4E70;
	[sflag:s17] =	ssyncadd.s32 $0xFFFFE700  }
0x30: {  	[spmem:s1] =	stream.indirect.scatter.add.f32 [tilespmem:s15], [sflag:$0x3], $0x50, s31, s13, $0xb8;
	[tilespmem:$0x19190] =	vst v63  }
0x31: {  	_ =	swait.ge [sflag:s10], $0x1900  }
0x32: {  	[sflag:s10] =	ssyncset.done $0x0  }
0x33: {  	s25 =	simm.s32 $0xF0;
	s24 =	simm.s32 $0x280;
	[sflag:s10] =	ssyncadd.s32 $0xFFFFE700  }
.LBB2_2:
0x34: {  	[tilespmem:s15], [sflag:$0x2] =	stream.indirect.gather [hbm4b:s3+s13], $0x50, s25, s13, $0xb8;
	[tilespmem:$0x19190] =	vst v63  }
0x35: {  	s25 =	smov.u32 s24  }
0x36: {  	p2 =	sne.s32 s24, $0x13380;
	s24 =	sadd.s32 $0x280, s24;
	_ =	swait.ge [sflag:s16], $0x1900  }
0x37: {  	s25 =	sshra.s32 s25, $0x2;
	[sflag:s16] =	ssyncset.done $0x0  }
0x38: {  	s26 =	sadd.s32 $0x4E20, s25;
	[sflag:s16] =	ssyncadd.s32 $0xFFFFE700  }
0x39: {  	[spmem:s1] =	stream.indirect.scatter.add.f32 [tilespmem:s14], [sflag:$0x3], $0x50, s26, s13, $0xb8;
	[tilespmem:$0x19190] =	vst v63  }
0x3a: {  	_ =	swait.ge [sflag:s10], $0x1900  }
0x3b: {  	[sflag:s10] =	ssyncset.done $0x0  }
0x3c: {  	s26 =	sadd.s32 $0xA0, s25;
	[sflag:s10] =	ssyncadd.s32 $0xFFFFE700  }
0x3d: {  	[tilespmem:s14], [sflag:$0x1] =	stream.indirect.gather [hbm4b:s3+s13], $0x50, s26, s13, $0xb8;
	[tilespmem:$0x19190] =	vst v63  }
0x3e: {  	_ =	swait.ge [sflag:s17], $0x1900  }
0x3f: {  	[sflag:s17] =	ssyncset.done $0x0  }
.Ltmp0:
0x40: {  	s26 =	sadd.s32 $0x4E70, s25;
	[sflag:s17] =	ssyncadd.s32 $0xFFFFE700;
	(pc) =	sbr.rel @p2 .LBB2_2-.Ltmp0, $4  }
0x41: {  	[spmem:s1] =	stream.indirect.scatter.add.f32 [tilespmem:s15], [sflag:$0x3], $0x50, s26, s13, $0xb8;
	[tilespmem:$0x19190] =	vst v63  }
0x42: {  	_ =	swait.ge [sflag:s10], $0x1900  }
0x43: {  	[sflag:s10] =	ssyncset.done $0x0  }
0x44: {  	s25 =	sadd.s32 $0xF0, s25;
	[sflag:s10] =	ssyncadd.s32 $0xFFFFE700  }
0x45: {  	[tilespmem:s15], [sflag:$0x2] =	stream.indirect.gather [hbm4b:s3+s13], $0x50, s25, s13, $0xb8;
	[tilespmem:$0x19190] =	vst v63  }
0x46: {  	_ =	swait.ge [sflag:s16], $0x1900  }
0x47: {  	[sflag:s16] =	ssyncset.done $0x0  }
0x48: {  	[sflag:s16] =	ssyncadd.s32 $0xFFFFE700  }
0x49: {  	[spmem:s1] =	stream.indirect.scatter.add.f32 [tilespmem:s14], [sflag:$0x3], $0x50, s18, s13, $0xb8;
	[tilespmem:$0x19190] =	vst v63  }
0x4a: {  	_ =	swait.ge [sflag:s10], $0x1900  }
0x4b: {  	[sflag:s10] =	ssyncset.done $0x0  }
0x4c: {  	[sflag:s10] =	ssyncadd.s32 $0xFFFFE700  }
0x4d: {  	_ =	swait.ge [sflag:s17], $0x1900  }
0x4e: {  	[sflag:s17] =	ssyncset.done $0x0  }
0x4f: {  	[sflag:s17] =	ssyncadd.s32 $0xFFFFE700  }
0x50: {  	[spmem:s1] =	stream.indirect.scatter.add.f32 [tilespmem:s15], [sflag:$0x3], $0x50, s19, s13, $0xb8;
	[tilespmem:$0x19190] =	vst v63  }
0x51: {  	_ =	swait.ge [sflag:s10], $0x1900  }
0x52: {  	[sflag:s10] =	ssyncset.done $0x0  }
0x53: {  	[sflag:s10] =	ssyncadd.s32 $0xFFFFE700  }
0x54: {  	[bflag:$0x0] =	sbarrier.arrive $0xFFFF  }
0x55: {  	[hbm:s7], [sflag:s20] =	dma.local [spmem:s21], $0x1860  }
0x56: {  	s23 =	sadd.s32 $0x1, s23;
	_ =	swait.ge [sflag:s10], $0x1860  }
0x57: {  	p2 =	sne.s32 s23, s9;
	[sflag:s10] =	ssyncset.done $0x0  }
.Ltmp1:
0x58: {  	s24 =	simm.s32 @!p1 $0x3;
	[sflag:s10] =	ssyncadd.s32 $0xFFFFE7A0;
	(pc) =	sbr.rel @p2 .LBB2_1-.Ltmp1, $4  }
0x59: {  	[hbm:s8], [sflag:s20] =	dma.local @!p1 [spmem:s22], $0xA0  }
0x5a: {  	_ =	swait.ge @!p1 [sflag:s24], $0xA0  }
0x5b: {  	[sflag:s24] =	ssyncset.done @!p1 $0x0  }
0x5c: {  	[sflag:s24] =	ssyncadd.s32 @!p1 $0xFFFFFF60  }
0x5d: {  	_ =	sfence.sel $0x180000  }
0x5e: {  	[bflag:$0x0] =	sbarrier.arrive $0xFFFF  }
0x5f: {  	_ =	strace $0x90000050  }
0x60: {  	s0 =	sadd.s32 @!p0 $0x100000, s0;
	[bflag:$0x2] =	sbarrier.arrive $0xFFFF  }
0x61: {  	[sflag:s0] =	ssyncadd.tile.s32 @!p0 $0x1;
	_ =	shalt  }
.Lfunc_end2:
_tile_overlayer_lowered:
.L_overlay_start_2:
0x62: {  	(tag) =	ssettag $0x2  }
0x63: {  	s0 =	rddreg [dreg:$0x0];
	s2 =	stileid.u32  }
0x64: {  	s1 =	rddreg [dreg:$0x1];
	p0 =	sne.s32 s2, $0x0  }
0x65: {  	s3 =	rddreg [dreg:$0x2];
	[bflag:$0x3] =	sbarrier.arrive $0xFFFF;
	s2 =	simm.s32 @!p0 $0x1C03  }
0x66: {  	[timem:s3], [sflag:s2] =	dma.local @!p0 [hbm:s0], s1  }
0x67: {  	s0 =	simm.s32 @!p0 $0x3  }
0x68: {  	_ =	swait.ge @!p0 [sflag:s0], s1  }
0x69: {  	s1 =	ssub.s32 @!p0 $0x0, s1;
	[sflag:s0] =	ssyncset.done @!p0 $0x0  }
0x6a: {  	[sflag:s0] =	ssyncadd.s32 @!p0 s1  }
0x6b: {  	[bflag:$0x3] =	sbarrier.arrive $0xFFFF  }
0x6c: {  	_ =	shalt  }

// kernel: kernel.32.cloned.1.call-start
scs
__scs_entry_jumppad:
0x0: {  	(pc) =	sbr.rel $0x88, $3  }
0x1: {  	(tag) =	ssettag $0x0;
	lr =	simm.s32 $0x1  }
0x2: {  	[smem:$0x3F84] =	sst lr;
	_ =	strace $0xD0000000  }
0x3: {  	_ = 	snop  }
0x4: {  	_ = 	snop  }
0x5: {  	_ = 	snop  }
0x6: {  	_ = 	snop  }
0x7: {  	_ = 	snop  }
__scs_overlays_trampoline_lowered:
0x8: {  	[smem:$0x3F93] =	sst s0  }
0x9: {  	[smem:$0x3F94] =	sst s1  }
0xa: {  	[smem:$0x3F95] =	sst s2  }
0xb: {  	[smem:$0x3F96] =	sst s3  }
0xc: {  	[smem:$0x3F97] =	sst s4  }
0xd: {  	[smem:$0x3F98] =	sst s5  }
0xe: {  	[smem:$0x3F99] =	sst s6  }
0xf: {  	[smem:$0x3F9A] =	sst s7  }
0x10: {  	[smem:$0x3F9B] =	sst s8  }
0x11: {  	[smem:$0x3F9C] =	sst s9;
	s0 =	simm.s32 @!p0 $0x0  }
0x12: {  	s1 =	sld [smem:$0x3F82];
	s0 =	simm.s32 @p0 $0x1  }
0x13: {  	[smem:$0x3F9D] =	sst s0;
	s0 =	simm.s32 @!p1 $0x0  }
0x14: {  	s2 =	sld [smem:$0x3F81];
	s0 =	simm.s32 @p1 $0x1  }
0x15: {  	[smem:$0x3F9E] =	sst s0;
	s0 =	simm.s32 @!p2 $0x0  }
0x16: {  	s3 =	sld [smem:$0x3FDB];
	s0 =	simm.s32 @p2 $0x1  }
0x17: {  	s4 =	simm.s32 $0x1BF5;
	[smem:$0x3FA0] =	sst s0  }
0x18: {  	s0 =	sld [smem:$0x3F83];
	_ =	swait.ge [sflag:s4], $0x0  }
0x19: {  	s7 =	sld [smem:$0x3F84]  }
0x1a: {  	s8 =	sadd.s32 $0xFFFFE003, lr  }
0x1b: {  	s9 =	sadd.s32 $0xFFFFFEF7, lr;
	s5 =	simm.s32 $0xFFFFFFFF;
	p2 =	slt.u32 s8, $0xFFFFF086  }
0x1c: {  	p1 =	slt.u32 s9, $0xF7A;
	s5 =	simm.s32 @!p2 $0x0  }
0x1d: {  	s5 =	simm.s32 @p1 $0x1;
	p0 =	seq.s32 s7, s2  }
0x1e: {  	s7 =	smul.u32 @!p0 $0xF7A, s2;
	p2 =	seq.s32 @!p0 s5, $0x0  }
0x1f: {  	s9 =	smul.u32 $0xF7A, s1;
	s8 =	simm.s32 @!p0 $0x1BF5;
	p2 =	por !p2, p0  }
0x20: {  	[sflag:s8] =	ssyncset.s32 @!p0 $0xFFFFF086;
	s6 =	sadd.s32 @!p0 s3, s7;
	s7 =	simm.s32 @!p0 $0x108  }
0x21: {  	s3 =	sadd.s32 s3, s9;
	s6 =	sadd.s32 @!p0 $0x88, s6;
	s7 =	simm.s32 @p2 $0x1082  }
0x22: {  	[simem:s7], [sflag:s8] =	dma.local @!p0 [hbm:s6], $0xF7A  }
0x23: {  	s9 =	sor.u32 $0xD0000000, s2;
	s6 =	simm.s32 $0x108;
	_ =	swait.ge @!p0 [sflag:s8], $0x0  }
0x24: {  	s3 =	sadd.s32 $0x88, s3;
	s6 =	simm.s32 @!p1 $0x1082;
	[sflag:s4] =	ssyncset.s32 $0xFFFFF086  }
0x25: {  	[simem:s6], [sflag:s4] =	dma.local [hbm:s3], $0xF7A  }
0x26: {  	[smem:$0x3F84] =	sst s1;
	(tag) =	ssettag s2;
	_ =	strace s9  }
0x27: {  	s1 =	sld [smem:$0x3F94]  }
0x28: {  	s2 =	sld [smem:$0x3F95]  }
0x29: {  	s4 =	sld [smem:$0x3F97]  }
0x2a: {  	p0 =	seq.s32 s5, $0x0;
	s5 =	sld [smem:$0x3F98]  }
0x2b: {  	s6 =	sld [smem:$0x3F99]  }
0x2c: {  	s7 =	sld [smem:$0x3F9A]  }
0x2d: {  	s3 =	simm.s32 $0x108;
	s8 =	sld [smem:$0x3F9B]  }
0x2e: {  	s3 =	simm.s32 @!p0 $0x1082;
	s9 =	sld [smem:$0x3F9C]  }
0x2f: {  	lr =	sadd.s32 s0, s3;
	s0 =	sld [smem:$0x3F93]  }
0x30: {  	s3 =	sld [smem:$0x3F96]  }
0x31: {  	[smem:$0x3F9F] =	sst s10  }
0x32: {  	s10 =	sld [smem:$0x3F9D];
	_ =	sdelay $0x3  }
0x33: {  	p0 =	seq.s32 s10, $0x1;
	s10 =	sld [smem:$0x3F9F];
	_ =	sdelay $0x3  }
0x34: {  	[smem:$0x3F9F] =	sst s10  }
0x35: {  	s10 =	sld [smem:$0x3F9E];
	_ =	sdelay $0x3  }
0x36: {  	p1 =	seq.s32 s10, $0x1;
	s10 =	sld [smem:$0x3F9F];
	_ =	sdelay $0x3  }
0x37: {  	[smem:$0x3F9F] =	sst s10  }
0x38: {  	s10 =	sld [smem:$0x3FA0]  }
0x39: {  	_ = 	snop;
	(pc) =	sbr.ind lr, $3  }
0x3a: {  	_ = 	snop  }
0x3b: {  	_ = 	snop  }
0x3c: {  	p2 =	seq.s32 s10, $0x1;
	s10 =	sld [smem:$0x3F9F]  }
0x3d: {  	_ =	shalt  }
0x3e: {  	_ =	shalt  }
0x3f: {  	_ =	shalt  }
0x40: {  	_ =	shalt  }
0x41: {  	_ =	shalt  }
0x42: {  	_ =	shalt  }
0x43: {  	_ =	shalt  }
0x44: {  	_ =	shalt  }
0x45: {  	_ =	shalt  }
0x46: {  	_ =	shalt  }
0x47: {  	_ =	shalt  }
0x48: {  	_ =	shalt  }
0x49: {  	_ =	shalt  }
0x4a: {  	_ =	shalt  }
0x4b: {  	_ =	shalt  }
0x4c: {  	_ =	shalt  }
0x4d: {  	_ =	shalt  }
0x4e: {  	_ =	shalt  }
0x4f: {  	_ =	shalt  }
0x50: {  	_ =	shalt  }
0x51: {  	_ =	shalt  }
0x52: {  	_ =	shalt  }
0x53: {  	_ =	shalt  }
0x54: {  	_ =	shalt  }
0x55: {  	_ =	shalt  }
0x56: {  	_ =	shalt  }
0x57: {  	_ =	shalt  }
0x58: {  	_ =	shalt  }
0x59: {  	_ =	shalt  }
0x5a: {  	_ =	shalt  }
0x5b: {  	_ =	shalt  }
0x5c: {  	_ =	shalt  }
0x5d: {  	_ =	shalt  }
0x5e: {  	_ =	shalt  }
0x5f: {  	_ =	shalt  }
0x60: {  	_ =	shalt  }
0x61: {  	_ =	shalt  }
0x62: {  	_ =	shalt  }
0x63: {  	_ =	shalt  }
0x64: {  	_ =	shalt  }
0x65: {  	_ =	shalt  }
0x66: {  	_ =	shalt  }
0x67: {  	_ =	shalt  }
0x68: {  	_ =	shalt  }
0x69: {  	_ =	shalt  }
0x6a: {  	_ =	shalt  }
0x6b: {  	_ =	shalt  }
0x6c: {  	_ =	shalt  }
0x6d: {  	_ =	shalt  }
0x6e: {  	_ =	shalt  }
0x6f: {  	_ =	shalt  }
0x70: {  	_ =	shalt  }
0x71: {  	_ =	shalt  }
0x72: {  	_ =	shalt  }
0x73: {  	_ =	shalt  }
0x74: {  	_ =	shalt  }
0x75: {  	_ =	shalt  }
0x76: {  	_ =	shalt  }
0x77: {  	_ =	shalt  }
0x78: {  	_ =	shalt  }
0x79: {  	_ =	shalt  }
0x7a: {  	_ =	shalt  }
0x7b: {  	_ =	shalt  }
0x7c: {  	_ =	shalt  }
0x7d: {  	_ =	shalt  }
0x7e: {  	_ =	shalt  }
0x7f: {  	_ =	shalt  }
0x80: {  	_ =	shalt  }
0x81: {  	_ =	shalt  }
0x82: {  	_ =	shalt  }
0x83: {  	_ =	shalt  }
0x84: {  	_ =	shalt  }
0x85: {  	_ =	shalt  }
0x86: {  	_ =	shalt  }
0x87: {  	_ =	shalt  }
.Lfunc_end0:
.L_simem_size_0:
called_computation.5_lowered:
.L_overlay_start_0:
0x88: {  	s2 =	sld [smem:$0x3FD9]  }
0x89: {  	s3 =	sld [smem:$0x3FFE];
	_ =	sdelay $0x1  }
0x8a: {  	s1 =	srdreg.scid  }
0x8b: {  	s0 =	sand.u32 $0x1, s1  }
0x8c: {  	s17 =	sshll.u32 s0, $0xA;
	s2 =	sadd.s32 s3, s2  }
0x8d: {  	s2 =	sadd.s32 s2, s17  }
0x8e: {  	[smem:$0x3FAB] =	sst s2  }
0x8f: {  	_ = 	snop  }
0x90: {  	(tm) =	ssettm $0x1  }
0x91: {  	s18 =	sld [smem:$0x3FFB];
	_ =	sdelay $0x3  }
0x92: {  	_ =	strace s18  }
0x93: {  	s2 =	sld [smem:$0x3FFC];
	_ =	sdelay $0x3  }
0x94: {  	_ =	strace s2  }
0x95: {  	s2 =	sld [smem:$0x3FFD];
	_ =	sdelay $0x3  }
0x96: {  	_ =	strace s2  }
0x97: {  	_ =	strace $0x8FFFFFFF  }
0x98: {  	s19 =	sld [smem:$0x3FDB];
	_ =	sdelay $0x1  }
0x99: {  	s20 =	simm.s32 $_scs_section_size  }
0x9a: {  	s4 =	simm.s32 $_size__tile_overlayer_lowered;
	s5 =	simm.s32 $_tile_overlayer_lowered  }
0x9b: {  	s6 =	simm.s32 $0x1BFF;
	s21 =	sshll.u32 s5, $0x1;
	s3 =	sadd.s32 s20, s19  }
0x9c: {  	s22 =	simm.s32 $0x0;
	s4 =	sshll.u32 s4, $0x1;
	s5 =	sadd.s32 s21, s3  }
0x9d: {  	[timem:s22], [sflag:s6] =	dma.local [hbm:s5], s4  }
0x9e: {  	_ =	swait.ge [sflag:s6], s4  }
0x9f: {  	s4 =	ssub.s32 $0x0, s4;
	[sflag:s6] =	ssyncset.done $0x0  }
0xa0: {  	[sflag:s6] =	ssyncadd.s32 s4;
	_ =	sdelay $0x1  }
0xa1: {  	s23 =	simm.s32 $0x1B8B  }
0xa2: {  	_ =	swait.ge [sflag:s23], $0x1  }
0xa3: {  	[sflag:s23] =	ssyncset.done $0x0  }
0xa4: {  	[sflag:s23] =	ssyncadd.s32 $0xFFFFFFFF  }
0xa5: {  	s4 =	sld [smem:$0x0]  }
0xa6: {  	s5 =	sand.u32 $0xFFFFFFFE, s1  }
0xa7: {  	p0 =	sne.s32 s1, s5  }
0xa8: {  	s5 =	sshll.u32 @p0 s5, $0xE  }
0xa9: {  	s5 =	sadd.s32 @p0 $0x11B8D, s5;
	s6 =	sshll.u32 @p0 s4, $0x11  }
0xaa: {  	s5 =	sor.u32 @p0 s6, s5  }
0xab: {  	[sflag:s5] =	ssyncadd.remote.s32 @p0 $0x1;
	_ =	sdelay $0x1  }
0xac: {  	s5 =	simm.s32 @p0 $0x1B8D  }
0xad: {  	_ =	swait.eq @p0 [sflag:s5], $0x1  }
0xae: {  	[sflag:s5] =	ssyncadd.s32 @p0 $0xFFFFFFFF  }
0xaf: {  	s6 =	sshll.u32 @!p0 s1, $0xE  }
0xb0: {  	s6 =	sor.u32 @!p0 $0x4000, s6;
	s5 =	simm.s32 @!p0 $0x1B8D  }
0xb1: {  	s4 =	sshll.u32 @!p0 s4, $0x11;
	s6 =	sadd.s32 @!p0 $0x11B8D, s6;
	_ =	swait.eq @!p0 [sflag:s5], $0x1  }
0xb2: {  	s4 =	sor.u32 @!p0 s4, s6;
	[sflag:s5] =	ssyncadd.s32 @!p0 $0xFFFFFFFF  }
0xb3: {  	s25 =	simm.s32 $0x1B8E;
	s24 =	sld [smem:$0x3FFE];
	[sflag:s4] =	ssyncadd.remote.s32 @!p0 $0x1  }
0xb4: {  	s26 =	simm.s32 $execute0_lowered;
	[smem:$0x3FD2] =	sst s25  }
0xb5: {  	s5 =	sshll.u32 s26, $0x1;
	_ =	strace $0x80000058;
	[dreg:$0x1] =	wrdreg $0xFFFFFFFF  }
0xb6: {  	s28 =	simm.s32 $_size_execute0_lowered;
	s3 =	sadd.s32 s3, s5;
	[dreg:$0x0] =	wrdreg $0x0  }
0xb7: {  	s5 =	sshll.u32 s28, $0x1;
	[dreg:$0x2] =	wrdreg s3  }
0xb8: {  	[dreg:$0x3] =	wrdreg s5  }
0xb9: {  	[dreg:$0x4] =	wrdreg $0xC0  }
0xba: {  	_ =	task [dreg:s22], $0x5FFFF  }
0xbb: {  	[dreg:$0x1] =	wrdreg $0xFFFFFFFF  }
0xbc: {  	[dreg:$0x0] =	wrdreg $0x60  }
0xbd: {  	[dreg:$0x2] =	wrdreg s24  }
0xbe: {  	[dreg:$0x3] =	wrdreg $0xCE400  }
0xbf: {  	[dreg:$0x4] =	wrdreg $0x9  }
0xc0: {  	_ =	task.clear_ibuf [dreg:s22], $0x5FFFF;
	_ =	strace $0x90000058  }
0xc1: {  	s29 =	simm.s32 $0x9;
	_ =	strace $0x8000005A  }
0xc2: {  	_ =	swait.ge [sflag:s29], $0x1  }
0xc3: {  	[sflag:s29] =	ssyncadd.s32 $0xFFFFFFFF  }
0xc4: {  	_ =	strace $0x9000005A  }
0xc5: {  	_ =	sfence  }
0xc6: {  	s30 =	sld [smem:$0x0];
	_ =	sdelay $0x2  }
0xc7: {  	s31 =	sshll.u32 s1, $0xD;
	s1 =	sshrl.u32 s1, $0x2  }
0xc8: {  	s4 =	sand.u32 $0x4000, s31;
	s1 =	sadd.s32 s1, s30  }
0xc9: {  	s0 =	sor.u32 s4, s0;
	s1 =	sshll.u32 s1, $0x11  }
0xca: {  	s0 =	sor.u32 s1, s0  }
0xcb: {  	s0 =	sadd.s32 $0x8F2B, s0  }
0xcc: {  	[sflag:s0] =	ssyncadd.remote.s32 $0x1  }
0xcd: {  	_ =	sfence.sel $0xFFFF  }
0xce: {  	[dreg:$0x0] =	wrdreg $0xFFFFFFFF;
	(pc) =	sbr.abs _section_cstart, $3  }
0xcf: {  	[dreg:$0x1] =	wrdreg $0xFFFFFFFF  }
0xd0: {  	_ =	task.clear_ibuf [dreg:s22], $0x2FFFF;
	_ =	strace $0x9FFFFFFF  }
0xd1: {  	(tm) =	ssettm $0x7FFFFFFF  }
tec
execute0_lowered:
.L_overlay_start_1:
0x0: {  	(tag) =	ssettag $0x1  }
0x1: {  	s0 =	srdreg.scid  }
0x2: {  	s18 =	stileid.u32;
	s6 =	rddreg [dreg:$0x0]  }
0x3: {  	s1 =	rddreg [dreg:$0x1];
	s2 =	simm.s32 $0x0;
	s14 =	simm.s32 $0x9C40  }
0x4: {  	s15 =	simm.s32 $0xB540;
	s16 =	simm.s32 $0x1;
	s17 =	simm.s32 $0x2  }
0x5: {  	s19 =	simm.s32 $0x9BF0;
	s23 =	simm.s32 $0x0;
	s5 =	smul.u32 $0x4E20, s18  }
0x6: {  	s4 =	sand.u32 $0x1, s0;
	s0 =	rddreg [dreg:$0x2];
	s11 =	smul.u32 $0x1860, s18  }
0x7: {  	[smem:$0x7FF] =	sst s2;
	s12 =	sadd.s32 $0xB6800, s6;
	s13 =	smul.u32 $0x30C00, s18  }
0x8: {  	s22 =	sadd.s32 $0xC3000, s1;
	p0 =	sne.s32 s18, $0x0;
	p1 =	sne.s32 s18, $0xF  }
0x9: {  	s20 =	sshll.u32 s18, $0x6;
	s18 =	simm.s32 $0x9BA0;
	s3 =	smul.u32 $0x4E200, s4  }
0xa: {  	_ =	strace $0x80000059;
	s8 =	ssub.s32 $0x2, s4;
	s9 =	smul.u32 $0x186A0, s4  }
0xb: {  	s29 =	smul.u32 $0xC3500, s4;
	s20 =	sor.u32 $0x1C03, s20;
	s22 =	sshrl.u32 @!p1 s22, $0x3  }
0xc: {  	s10 =	sshrl.u32 s8, $0x1;
	s31 =	sshrl.u32 s13, $0x2;
	s13 =	simm.s32 $0x50  }
0xd: {  	s3 =	sadd.s32 s5, s3;
	s5 =	sshrl.u32 s5, $0x3;
	s10 =	ssub.s32 s8, s10  }
0xe: {  	s30 =	sadd.s32 s11, s9;
	s8 =	sshrl.u32 s29, $0x3;
	s21 =	sadd.s32 s31, s1  }
0xf: {  	s11 =	simm.s32 $0x4E20;
	s7 =	sshrl.u32 s3, $0x3;
	s3 =	sadd.s32 $0x85A00, s6  }
0x10: {  	s5 =	sadd.s32 s5, s6;
	s8 =	sadd.s32 s12, s8;
	s21 =	sshrl.u32 s21, $0x3  }
0x11: {  	s7 =	sadd.s32 s7, s6;
	s5 =	sadd.s32 $0x6600, s5;
	s6 =	sadd.s32 s3, s9  }
0x12: {  	s8 =	sadd.s32 $0x18600, s8;
	s9 =	smax.u32 s10, $0x1;
	s10 =	simm.s32 $0x3  }
0x13: {  	s4 =	sadd.s32 $0x10400, s7;
	s7 =	sadd.s32 s12, s30;
	s12 =	sshrl.u32 @!p0 s1, $0x3  }
.LBB2_1:
0x14: {  	[tilespmem:s2], [sflag:$0x3] =	stream.linear.gather [hbm4b:s4+s2], $0x4E20, $0x38;
	[tilespmem:$0x19190] =	vst v63  }
0x15: {  	_ =	swait.ge [sflag:s10], $0x4E20  }
0x16: {  	[sflag:s10] =	ssyncset.done $0x0  }
0x17: {  	[sflag:s10] =	ssyncadd.s32 $0xFFFFB1E0  }
0x18: {  	[tilespmem:s11], [sflag:$0x3] =	stream.linear.gather [hbm4b:s5+s2], $0x4E20, $0x38;
	[tilespmem:$0x19190] =	vst v63  }
0x19: {  	_ =	swait.ge [sflag:s10], $0x4E20  }
0x1a: {  	[sflag:s10] =	ssyncset.done $0x0  }
0x1b: {  	s24 =	simm.s32 @!p0 $0x1C03;
	[sflag:s10] =	ssyncadd.s32 $0xFFFFB1E0  }
0x1c: {  	[spmem:s12], [sflag:s24] =	dma.local @!p0 [hbm:s6], $0x186A0  }
0x1d: {  	s24 =	simm.s32 @!p0 $0x3  }
0x1e: {  	_ =	swait.ge @!p0 [sflag:s24], $0x186A0  }
0x1f: {  	[sflag:s24] =	ssyncset.done @!p0 $0x0  }
0x20: {  	[sflag:s24] =	ssyncadd.s32 @!p0 $0xFFFE7960  }
0x21: {  	[bflag:$0x0] =	sbarrier.arrive $0xFFFF  }
0x22: {  	[tilespmem:s14], [sflag:$0x1] =	stream.indirect.gather [hbm4b:s3+s13], $0x50, s2, s13, $0xb8;
	[tilespmem:$0x19190] =	vst v63  }
0x23: {  	_ = 	snop  }
0x24: {  	[tilespmem:s15], [sflag:$0x2] =	stream.indirect.gather [hbm4b:s3+s13], $0x50, s13, s13, $0xb8;
	[tilespmem:$0x19190] =	vst v63  }
0x25: {  	_ =	swait.ge [sflag:s16], $0x1900  }
0x26: {  	[sflag:s16] =	ssyncset.done $0x0  }
0x27: {  	s29 =	simm.s32 $0x4E20;
	[sflag:s16] =	ssyncadd.s32 $0xFFFFE700  }
0x28: {  	[spmem:s1] =	stream.indirect.scatter.add.f32 [tilespmem:s14], [sflag:$0x3], $0x50, s29, s13, $0xb8;
	[tilespmem:$0x19190] =	vst v63  }
0x29: {  	_ =	swait.ge [sflag:s10], $0x1900  }
0x2a: {  	[sflag:s10] =	ssyncset.done $0x0  }
0x2b: {  	s30 =	simm.s32 $0xA0;
	[sflag:s10] =	ssyncadd.s32 $0xFFFFE700  }
0x2c: {  	[tilespmem:s14], [sflag:$0x1] =	stream.indirect.gather [hbm4b:s3+s13], $0x50, s30, s13, $0xb8;
	[tilespmem:$0x19190] =	vst v63  }
0x2d: {  	_ =	swait.ge [sflag:s17], $0x1900  }
0x2e: {  	[sflag:s17] =	ssyncset.done $0x0  }
0x2f: {  	s31 =	simm.s32 $0x4E70;
	[sflag:s17] =	ssyncadd.s32 $0xFFFFE700  }
0x30: {  	[spmem:s1] =	stream.indirect.scatter.add.f32 [tilespmem:s15], [sflag:$0x3], $0x50, s31, s13, $0xb8;
	[tilespmem:$0x19190] =	vst v63  }
0x31: {  	_ =	swait.ge [sflag:s10], $0x1900  }
0x32: {  	[sflag:s10] =	ssyncset.done $0x0  }
0x33: {  	s25 =	simm.s32 $0xF0;
	s24 =	simm.s32 $0x280;
	[sflag:s10] =	ssyncadd.s32 $0xFFFFE700  }
.LBB2_2:
0x34: {  	[tilespmem:s15], [sflag:$0x2] =	stream.indirect.gather [hbm4b:s3+s13], $0x50, s25, s13, $0xb8;
	[tilespmem:$0x19190] =	vst v63  }
0x35: {  	s25 =	smov.u32 s24  }
0x36: {  	p2 =	sne.s32 s24, $0x13380;
	s24 =	sadd.s32 $0x280, s24;
	_ =	swait.ge [sflag:s16], $0x1900  }
0x37: {  	s25 =	sshra.s32 s25, $0x2;
	[sflag:s16] =	ssyncset.done $0x0  }
0x38: {  	s26 =	sadd.s32 $0x4E20, s25;
	[sflag:s16] =	ssyncadd.s32 $0xFFFFE700  }
0x39: {  	[spmem:s1] =	stream.indirect.scatter.add.f32 [tilespmem:s14], [sflag:$0x3], $0x50, s26, s13, $0xb8;
	[tilespmem:$0x19190] =	vst v63  }
0x3a: {  	_ =	swait.ge [sflag:s10], $0x1900  }
0x3b: {  	[sflag:s10] =	ssyncset.done $0x0  }
0x3c: {  	s26 =	sadd.s32 $0xA0, s25;
	[sflag:s10] =	ssyncadd.s32 $0xFFFFE700  }
0x3d: {  	[tilespmem:s14], [sflag:$0x1] =	stream.indirect.gather [hbm4b:s3+s13], $0x50, s26, s13, $0xb8;
	[tilespmem:$0x19190] =	vst v63  }
0x3e: {  	_ =	swait.ge [sflag:s17], $0x1900  }
0x3f: {  	[sflag:s17] =	ssyncset.done $0x0  }
.Ltmp0:
0x40: {  	s26 =	sadd.s32 $0x4E70, s25;
	[sflag:s17] =	ssyncadd.s32 $0xFFFFE700;
	(pc) =	sbr.rel @p2 .LBB2_2-.Ltmp0, $4  }
0x41: {  	[spmem:s1] =	stream.indirect.scatter.add.f32 [tilespmem:s15], [sflag:$0x3], $0x50, s26, s13, $0xb8;
	[tilespmem:$0x19190] =	vst v63  }
0x42: {  	_ =	swait.ge [sflag:s10], $0x1900  }
0x43: {  	[sflag:s10] =	ssyncset.done $0x0  }
0x44: {  	s25 =	sadd.s32 $0xF0, s25;
	[sflag:s10] =	ssyncadd.s32 $0xFFFFE700  }
0x45: {  	[tilespmem:s15], [sflag:$0x2] =	stream.indirect.gather [hbm4b:s3+s13], $0x50, s25, s13, $0xb8;
	[tilespmem:$0x19190] =	vst v63  }
0x46: {  	_ =	swait.ge [sflag:s16], $0x1900  }
0x47: {  	[sflag:s16] =	ssyncset.done $0x0  }
0x48: {  	[sflag:s16] =	ssyncadd.s32 $0xFFFFE700  }
0x49: {  	[spmem:s1] =	stream.indirect.scatter.add.f32 [tilespmem:s14], [sflag:$0x3], $0x50, s18, s13, $0xb8;
	[tilespmem:$0x19190] =	vst v63  }
0x4a: {  	_ =	swait.ge [sflag:s10], $0x1900  }
0x4b: {  	[sflag:s10] =	ssyncset.done $0x0  }
0x4c: {  	[sflag:s10] =	ssyncadd.s32 $0xFFFFE700  }
0x4d: {  	_ =	swait.ge [sflag:s17], $0x1900  }
0x4e: {  	[sflag:s17] =	ssyncset.done $0x0  }
0x4f: {  	[sflag:s17] =	ssyncadd.s32 $0xFFFFE700  }
0x50: {  	[spmem:s1] =	stream.indirect.scatter.add.f32 [tilespmem:s15], [sflag:$0x3], $0x50, s19, s13, $0xb8;
	[tilespmem:$0x19190] =	vst v63  }
0x51: {  	_ =	swait.ge [sflag:s10], $0x1900  }
0x52: {  	[sflag:s10] =	ssyncset.done $0x0  }
0x53: {  	[sflag:s10] =	ssyncadd.s32 $0xFFFFE700  }
0x54: {  	[bflag:$0x0] =	sbarrier.arrive $0xFFFF  }
0x55: {  	[hbm:s7], [sflag:s20] =	dma.local [spmem:s21], $0x1860  }
0x56: {  	s23 =	sadd.s32 $0x1, s23;
	_ =	swait.ge [sflag:s10], $0x1860  }
0x57: {  	p2 =	sne.s32 s23, s9;
	[sflag:s10] =	ssyncset.done $0x0  }
.Ltmp1:
0x58: {  	s24 =	simm.s32 @!p1 $0x3;
	[sflag:s10] =	ssyncadd.s32 $0xFFFFE7A0;
	(pc) =	sbr.rel @p2 .LBB2_1-.Ltmp1, $4  }
0x59: {  	[hbm:s8], [sflag:s20] =	dma.local @!p1 [spmem:s22], $0xA0  }
0x5a: {  	_ =	swait.ge @!p1 [sflag:s24], $0xA0  }
0x5b: {  	[sflag:s24] =	ssyncset.done @!p1 $0x0  }
0x5c: {  	[sflag:s24] =	ssyncadd.s32 @!p1 $0xFFFFFF60  }
0x5d: {  	_ =	sfence.sel $0x180000  }
0x5e: {  	[bflag:$0x0] =	sbarrier.arrive $0xFFFF  }
0x5f: {  	_ =	strace $0x90000059  }
0x60: {  	s0 =	sadd.s32 @!p0 $0x100000, s0;
	[bflag:$0x2] =	sbarrier.arrive $0xFFFF  }
0x61: {  	[sflag:s0] =	ssyncadd.tile.s32 @!p0 $0x1;
	_ =	shalt  }
.Lfunc_end2:
_tile_overlayer_lowered:
.L_overlay_start_2:
0x62: {  	(tag) =	ssettag $0x2  }
0x63: {  	s0 =	rddreg [dreg:$0x0];
	s2 =	stileid.u32  }
0x64: {  	s1 =	rddreg [dreg:$0x1];
	p0 =	sne.s32 s2, $0x0  }
0x65: {  	s3 =	rddreg [dreg:$0x2];
	[bflag:$0x3] =	sbarrier.arrive $0xFFFF;
	s2 =	simm.s32 @!p0 $0x1C03  }
0x66: {  	[timem:s3], [sflag:s2] =	dma.local @!p0 [hbm:s0], s1  }
0x67: {  	s0 =	simm.s32 @!p0 $0x3  }
0x68: {  	_ =	swait.ge @!p0 [sflag:s0], s1  }
0x69: {  	s1 =	ssub.s32 @!p0 $0x0, s1;
	[sflag:s0] =	ssyncset.done @!p0 $0x0  }
0x6a: {  	[sflag:s0] =	ssyncadd.s32 @!p0 s1  }
0x6b: {  	[bflag:$0x3] =	sbarrier.arrive $0xFFFF  }
0x6c: {  	_ =	shalt  }

// kernel: kernel.35.cloned.1.call-start
scs
__scs_entry_jumppad:
0x0: {  	(pc) =	sbr.rel $0x88, $3  }
0x1: {  	(tag) =	ssettag $0x0;
	lr =	simm.s32 $0x1  }
0x2: {  	[smem:$0x3F84] =	sst lr;
	_ =	strace $0xD0000000  }
0x3: {  	_ = 	snop  }
0x4: {  	_ = 	snop  }
0x5: {  	_ = 	snop  }
0x6: {  	_ = 	snop  }
0x7: {  	_ = 	snop  }
__scs_overlays_trampoline_lowered:
0x8: {  	[smem:$0x3F93] =	sst s0  }
0x9: {  	[smem:$0x3F94] =	sst s1  }
0xa: {  	[smem:$0x3F95] =	sst s2  }
0xb: {  	[smem:$0x3F96] =	sst s3  }
0xc: {  	[smem:$0x3F97] =	sst s4  }
0xd: {  	[smem:$0x3F98] =	sst s5  }
0xe: {  	[smem:$0x3F99] =	sst s6  }
0xf: {  	[smem:$0x3F9A] =	sst s7  }
0x10: {  	[smem:$0x3F9B] =	sst s8  }
0x11: {  	[smem:$0x3F9C] =	sst s9;
	s0 =	simm.s32 @!p0 $0x0  }
0x12: {  	s1 =	sld [smem:$0x3F82];
	s0 =	simm.s32 @p0 $0x1  }
0x13: {  	[smem:$0x3F9D] =	sst s0;
	s0 =	simm.s32 @!p1 $0x0  }
0x14: {  	s2 =	sld [smem:$0x3F81];
	s0 =	simm.s32 @p1 $0x1  }
0x15: {  	[smem:$0x3F9E] =	sst s0;
	s0 =	simm.s32 @!p2 $0x0  }
0x16: {  	s3 =	sld [smem:$0x3FDB];
	s0 =	simm.s32 @p2 $0x1  }
0x17: {  	s4 =	simm.s32 $0x1BF5;
	[smem:$0x3FA0] =	sst s0  }
0x18: {  	s0 =	sld [smem:$0x3F83];
	_ =	swait.ge [sflag:s4], $0x0  }
0x19: {  	s7 =	sld [smem:$0x3F84]  }
0x1a: {  	s8 =	sadd.s32 $0xFFFFE003, lr  }
0x1b: {  	s9 =	sadd.s32 $0xFFFFFEF7, lr;
	s5 =	simm.s32 $0xFFFFFFFF;
	p2 =	slt.u32 s8, $0xFFFFF086  }
0x1c: {  	p1 =	slt.u32 s9, $0xF7A;
	s5 =	simm.s32 @!p2 $0x0  }
0x1d: {  	s5 =	simm.s32 @p1 $0x1;
	p0 =	seq.s32 s7, s2  }
0x1e: {  	s7 =	smul.u32 @!p0 $0xF7A, s2;
	p2 =	seq.s32 @!p0 s5, $0x0  }
0x1f: {  	s9 =	smul.u32 $0xF7A, s1;
	s8 =	simm.s32 @!p0 $0x1BF5;
	p2 =	por !p2, p0  }
0x20: {  	[sflag:s8] =	ssyncset.s32 @!p0 $0xFFFFF086;
	s6 =	sadd.s32 @!p0 s3, s7;
	s7 =	simm.s32 @!p0 $0x108  }
0x21: {  	s3 =	sadd.s32 s3, s9;
	s6 =	sadd.s32 @!p0 $0x88, s6;
	s7 =	simm.s32 @p2 $0x1082  }
0x22: {  	[simem:s7], [sflag:s8] =	dma.local @!p0 [hbm:s6], $0xF7A  }
0x23: {  	s9 =	sor.u32 $0xD0000000, s2;
	s6 =	simm.s32 $0x108;
	_ =	swait.ge @!p0 [sflag:s8], $0x0  }
0x24: {  	s3 =	sadd.s32 $0x88, s3;
	s6 =	simm.s32 @!p1 $0x1082;
	[sflag:s4] =	ssyncset.s32 $0xFFFFF086  }
0x25: {  	[simem:s6], [sflag:s4] =	dma.local [hbm:s3], $0xF7A  }
0x26: {  	[smem:$0x3F84] =	sst s1;
	(tag) =	ssettag s2;
	_ =	strace s9  }
0x27: {  	s1 =	sld [smem:$0x3F94]  }
0x28: {  	s2 =	sld [smem:$0x3F95]  }
0x29: {  	s4 =	sld [smem:$0x3F97]  }
0x2a: {  	p0 =	seq.s32 s5, $0x0;
	s5 =	sld [smem:$0x3F98]  }
0x2b: {  	s6 =	sld [smem:$0x3F99]  }
0x2c: {  	s7 =	sld [smem:$0x3F9A]  }
0x2d: {  	s3 =	simm.s32 $0x108;
	s8 =	sld [smem:$0x3F9B]  }
0x2e: {  	s3 =	simm.s32 @!p0 $0x1082;
	s9 =	sld [smem:$0x3F9C]  }
0x2f: {  	lr =	sadd.s32 s0, s3;
	s0 =	sld [smem:$0x3F93]  }
0x30: {  	s3 =	sld [smem:$0x3F96]  }
0x31: {  	[smem:$0x3F9F] =	sst s10  }
0x32: {  	s10 =	sld [smem:$0x3F9D];
	_ =	sdelay $0x3  }
0x33: {  	p0 =	seq.s32 s10, $0x1;
	s10 =	sld [smem:$0x3F9F];
	_ =	sdelay $0x3  }
0x34: {  	[smem:$0x3F9F] =	sst s10  }
0x35: {  	s10 =	sld [smem:$0x3F9E];
	_ =	sdelay $0x3  }
0x36: {  	p1 =	seq.s32 s10, $0x1;
	s10 =	sld [smem:$0x3F9F];
	_ =	sdelay $0x3  }
0x37: {  	[smem:$0x3F9F] =	sst s10  }
0x38: {  	s10 =	sld [smem:$0x3FA0]  }
0x39: {  	_ = 	snop;
	(pc) =	sbr.ind lr, $3  }
0x3a: {  	_ = 	snop  }
0x3b: {  	_ = 	snop  }
0x3c: {  	p2 =	seq.s32 s10, $0x1;
	s10 =	sld [smem:$0x3F9F]  }
0x3d: {  	_ =	shalt  }
0x3e: {  	_ =	shalt  }
0x3f: {  	_ =	shalt  }
0x40: {  	_ =	shalt  }
0x41: {  	_ =	shalt  }
0x42: {  	_ =	shalt  }
0x43: {  	_ =	shalt  }
0x44: {  	_ =	shalt  }
0x45: {  	_ =	shalt  }
0x46: {  	_ =	shalt  }
0x47: {  	_ =	shalt  }
0x48: {  	_ =	shalt  }
0x49: {  	_ =	shalt  }
0x4a: {  	_ =	shalt  }
0x4b: {  	_ =	shalt  }
0x4c: {  	_ =	shalt  }
0x4d: {  	_ =	shalt  }
0x4e: {  	_ =	shalt  }
0x4f: {  	_ =	shalt  }
0x50: {  	_ =	shalt  }
0x51: {  	_ =	shalt  }
0x52: {  	_ =	shalt  }
0x53: {  	_ =	shalt  }
0x54: {  	_ =	shalt  }
0x55: {  	_ =	shalt  }
0x56: {  	_ =	shalt  }
0x57: {  	_ =	shalt  }
0x58: {  	_ =	shalt  }
0x59: {  	_ =	shalt  }
0x5a: {  	_ =	shalt  }
0x5b: {  	_ =	shalt  }
0x5c: {  	_ =	shalt  }
0x5d: {  	_ =	shalt  }
0x5e: {  	_ =	shalt  }
0x5f: {  	_ =	shalt  }
0x60: {  	_ =	shalt  }
0x61: {  	_ =	shalt  }
0x62: {  	_ =	shalt  }
0x63: {  	_ =	shalt  }
0x64: {  	_ =	shalt  }
0x65: {  	_ =	shalt  }
0x66: {  	_ =	shalt  }
0x67: {  	_ =	shalt  }
0x68: {  	_ =	shalt  }
0x69: {  	_ =	shalt  }
0x6a: {  	_ =	shalt  }
0x6b: {  	_ =	shalt  }
0x6c: {  	_ =	shalt  }
0x6d: {  	_ =	shalt  }
0x6e: {  	_ =	shalt  }
0x6f: {  	_ =	shalt  }
0x70: {  	_ =	shalt  }
0x71: {  	_ =	shalt  }
0x72: {  	_ =	shalt  }
0x73: {  	_ =	shalt  }
0x74: {  	_ =	shalt  }
0x75: {  	_ =	shalt  }
0x76: {  	_ =	shalt  }
0x77: {  	_ =	shalt  }
0x78: {  	_ =	shalt  }
0x79: {  	_ =	shalt  }
0x7a: {  	_ =	shalt  }
0x7b: {  	_ =	shalt  }
0x7c: {  	_ =	shalt  }
0x7d: {  	_ =	shalt  }
0x7e: {  	_ =	shalt  }
0x7f: {  	_ =	shalt  }
0x80: {  	_ =	shalt  }
0x81: {  	_ =	shalt  }
0x82: {  	_ =	shalt  }
0x83: {  	_ =	shalt  }
0x84: {  	_ =	shalt  }
0x85: {  	_ =	shalt  }
0x86: {  	_ =	shalt  }
0x87: {  	_ =	shalt  }
.Lfunc_end0:
.L_simem_size_0:
called_computation.6_lowered:
.L_overlay_start_0:
0x88: {  	s2 =	sld [smem:$0x3FD9]  }
0x89: {  	s3 =	sld [smem:$0x3FFE];
	_ =	sdelay $0x1  }
0x8a: {  	s1 =	srdreg.scid  }
0x8b: {  	s0 =	sand.u32 $0x1, s1  }
0x8c: {  	s16 =	sshll.u32 s0, $0xA;
	s2 =	sadd.s32 s3, s2  }
0x8d: {  	s2 =	sadd.s32 s2, s16  }
0x8e: {  	[smem:$0x3FAB] =	sst s2  }
0x8f: {  	_ = 	snop  }
0x90: {  	(tm) =	ssettm $0x1  }
0x91: {  	s17 =	sld [smem:$0x3FFB];
	_ =	sdelay $0x3  }
0x92: {  	_ =	strace s17  }
0x93: {  	s2 =	sld [smem:$0x3FFC];
	_ =	sdelay $0x3  }
0x94: {  	_ =	strace s2  }
0x95: {  	s2 =	sld [smem:$0x3FFD];
	_ =	sdelay $0x3  }
0x96: {  	_ =	strace s2  }
0x97: {  	_ =	strace $0x8FFFFFFF  }
0x98: {  	s18 =	sld [smem:$0x3FDB];
	_ =	sdelay $0x1  }
0x99: {  	s19 =	simm.s32 $_scs_section_size  }
0x9a: {  	s4 =	simm.s32 $_size__tile_overlayer_lowered;
	s5 =	simm.s32 $_tile_overlayer_lowered  }
0x9b: {  	s22 =	simm.s32 $0x1BFF;
	s21 =	sshll.u32 s5, $0x1;
	s2 =	sadd.s32 s19, s18  }
0x9c: {  	s6 =	simm.s32 $0x0;
	s20 =	sshll.u32 s4, $0x1;
	s4 =	sadd.s32 s21, s2  }
0x9d: {  	[timem:s6], [sflag:s22] =	dma.local [hbm:s4], s20  }
0x9e: {  	_ =	swait.ge [sflag:s22], s20  }
0x9f: {  	s3 =	ssub.s32 $0x0, s20;
	[sflag:s22] =	ssyncset.done $0x0  }
0xa0: {  	[sflag:s22] =	ssyncadd.s32 s3;
	_ =	sdelay $0x1  }
0xa1: {  	s23 =	simm.s32 $0x1B8B  }
0xa2: {  	_ =	swait.ge [sflag:s23], $0x1  }
0xa3: {  	[sflag:s23] =	ssyncset.done $0x0  }
0xa4: {  	s25 =	simm.s32 $0x1B8E;
	s24 =	sld [smem:$0x3FFE];
	[sflag:s23] =	ssyncadd.s32 $0xFFFFFFFF  }
0xa5: {  	s26 =	simm.s32 $execute0_lowered;
	[smem:$0x3FD2] =	sst s25  }
0xa6: {  	s4 =	sshll.u32 s26, $0x1;
	_ =	strace $0x80000055;
	[dreg:$0x1] =	wrdreg $0xFFFFFFFF  }
0xa7: {  	s28 =	simm.s32 $_size_execute0_lowered;
	s2 =	sadd.s32 s2, s4;
	[dreg:$0x0] =	wrdreg $0x0  }
0xa8: {  	s4 =	sshll.u32 s28, $0x1;
	[dreg:$0x2] =	wrdreg s2  }
0xa9: {  	[dreg:$0x3] =	wrdreg s4  }
0xaa: {  	[dreg:$0x4] =	wrdreg $0xC0  }
0xab: {  	_ =	task [dreg:s6], $0x5FFFF  }
0xac: {  	[dreg:$0x1] =	wrdreg $0xFFFFFFFF  }
0xad: {  	[dreg:$0x0] =	wrdreg $0x60  }
0xae: {  	[dreg:$0x2] =	wrdreg s24  }
0xaf: {  	[dreg:$0x3] =	wrdreg $0xCE400  }
0xb0: {  	[dreg:$0x4] =	wrdreg $0xA  }
0xb1: {  	_ =	task.clear_ibuf [dreg:s6], $0x5FFFF;
	_ =	strace $0x90000055  }
0xb2: {  	s29 =	simm.s32 $0xA;
	_ =	strace $0x80000057  }
0xb3: {  	_ =	swait.ge [sflag:s29], $0x1  }
0xb4: {  	[sflag:s29] =	ssyncadd.s32 $0xFFFFFFFF  }
0xb5: {  	_ =	strace $0x90000057  }
0xb6: {  	_ =	sfence  }
0xb7: {  	s30 =	sld [smem:$0x0];
	_ =	sdelay $0x2  }
0xb8: {  	s31 =	sshll.u32 s1, $0xD;
	s1 =	sshrl.u32 s1, $0x2  }
0xb9: {  	s3 =	sand.u32 $0x4000, s31;
	s1 =	sadd.s32 s1, s30  }
0xba: {  	s0 =	sor.u32 s3, s0;
	s1 =	sshll.u32 s1, $0x11  }
0xbb: {  	s0 =	sor.u32 s1, s0  }
0xbc: {  	s0 =	sadd.s32 $0x8F2B, s0  }
0xbd: {  	[sflag:s0] =	ssyncadd.remote.s32 $0x1  }
0xbe: {  	_ =	sfence.sel $0xFFFF  }
0xbf: {  	[dreg:$0x0] =	wrdreg $0xFFFFFFFF;
	(pc) =	sbr.abs _section_cstart, $3  }
0xc0: {  	[dreg:$0x1] =	wrdreg $0xFFFFFFFF  }
0xc1: {  	_ =	task.clear_ibuf [dreg:s6], $0x2FFFF;
	_ =	strace $0x9FFFFFFF  }
0xc2: {  	(tm) =	ssettm $0x7FFFFFFF  }
0xc3: {  	_ =	shalt  }
tec
execute0_lowered:
.L_overlay_start_1:
0x0: {  	(tag) =	ssettag $0x1  }
0x1: {  	s0 =	srdreg.scid  }
0x2: {  	s18 =	stileid.u32;
	s6 =	rddreg [dreg:$0x0]  }
0x3: {  	s1 =	rddreg [dreg:$0x1];
	s2 =	simm.s32 $0x0;
	s14 =	simm.s32 $0x9C40  }
0x4: {  	s15 =	simm.s32 $0xB540;
	s16 =	simm.s32 $0x1;
	s17 =	simm.s32 $0x2  }
0x5: {  	s19 =	simm.s32 $0x9BF0;
	s23 =	simm.s32 $0x0;
	s5 =	smul.u32 $0x4E20, s18  }
0x6: {  	s4 =	sand.u32 $0x1, s0;
	s0 =	rddreg [dreg:$0x2];
	s11 =	smul.u32 $0x1860, s18  }
0x7: {  	[smem:$0x7FF] =	sst s2;
	s12 =	sadd.s32 $0x54C00, s6;
	s13 =	smul.u32 $0x30C00, s18  }
0x8: {  	s22 =	sadd.s32 $0xC3000, s1;
	p0 =	sne.s32 s18, $0x0;
	p1 =	sne.s32 s18, $0xF  }
0x9: {  	s20 =	sshll.u32 s18, $0x6;
	s18 =	simm.s32 $0x9BA0;
	s3 =	smul.u32 $0x4E200, s4  }
0xa: {  	_ =	strace $0x80000056;
	s8 =	ssub.s32 $0x2, s4;
	s9 =	smul.u32 $0x186A0, s4  }
0xb: {  	s29 =	smul.u32 $0xC3500, s4;
	s20 =	sor.u32 $0x1C03, s20;
	s22 =	sshrl.u32 @!p1 s22, $0x3  }
0xc: {  	s10 =	sshrl.u32 s8, $0x1;
	s31 =	sshrl.u32 s13, $0x2;
	s13 =	simm.s32 $0x50  }
0xd: {  	s3 =	sadd.s32 s5, s3;
	s5 =	sshrl.u32 s5, $0x3;
	s10 =	ssub.s32 s8, s10  }
0xe: {  	s30 =	sadd.s32 s11, s9;
	s8 =	sshrl.u32 s29, $0x3;
	s21 =	sadd.s32 s31, s1  }
0xf: {  	s11 =	simm.s32 $0x4E20;
	s7 =	sshrl.u32 s3, $0x3;
	s3 =	sadd.s32 $0x23E00, s6  }
0x10: {  	s5 =	sadd.s32 s5, s6;
	s8 =	sadd.s32 s12, s8;
	s21 =	sshrl.u32 s21, $0x3  }
0x11: {  	s7 =	sadd.s32 s7, s6;
	s5 =	sadd.s32 $0x6600, s5;
	s6 =	sadd.s32 s3, s9  }
0x12: {  	s8 =	sadd.s32 $0x18600, s8;
	s9 =	smax.u32 s10, $0x1;
	s10 =	simm.s32 $0x3  }
0x13: {  	s4 =	sadd.s32 $0x10400, s7;
	s7 =	sadd.s32 s12, s30;
	s12 =	sshrl.u32 @!p0 s1, $0x3  }
.LBB2_1:
0x14: {  	[tilespmem:s2], [sflag:$0x3] =	stream.linear.gather [hbm4b:s4+s2], $0x4E20, $0x38;
	[tilespmem:$0x19190] =	vst v63  }
0x15: {  	_ =	swait.ge [sflag:s10], $0x4E20  }
0x16: {  	[sflag:s10] =	ssyncset.done $0x0  }
0x17: {  	[sflag:s10] =	ssyncadd.s32 $0xFFFFB1E0  }
0x18: {  	[tilespmem:s11], [sflag:$0x3] =	stream.linear.gather [hbm4b:s5+s2], $0x4E20, $0x38;
	[tilespmem:$0x19190] =	vst v63  }
0x19: {  	_ =	swait.ge [sflag:s10], $0x4E20  }
0x1a: {  	[sflag:s10] =	ssyncset.done $0x0  }
0x1b: {  	s24 =	simm.s32 @!p0 $0x1C03;
	[sflag:s10] =	ssyncadd.s32 $0xFFFFB1E0  }
0x1c: {  	[spmem:s12], [sflag:s24] =	dma.local @!p0 [hbm:s6], $0x186A0  }
0x1d: {  	s24 =	simm.s32 @!p0 $0x3  }
0x1e: {  	_ =	swait.ge @!p0 [sflag:s24], $0x186A0  }
0x1f: {  	[sflag:s24] =	ssyncset.done @!p0 $0x0  }
0x20: {  	[sflag:s24] =	ssyncadd.s32 @!p0 $0xFFFE7960  }
0x21: {  	[bflag:$0x0] =	sbarrier.arrive $0xFFFF  }
0x22: {  	[tilespmem:s14], [sflag:$0x1] =	stream.indirect.gather [hbm4b:s3+s13], $0x50, s2, s13, $0xb8;
	[tilespmem:$0x19190] =	vst v63  }
0x23: {  	_ = 	snop  }
0x24: {  	[tilespmem:s15], [sflag:$0x2] =	stream.indirect.gather [hbm4b:s3+s13], $0x50, s13, s13, $0xb8;
	[tilespmem:$0x19190] =	vst v63  }
0x25: {  	_ =	swait.ge [sflag:s16], $0x1900  }
0x26: {  	[sflag:s16] =	ssyncset.done $0x0  }
0x27: {  	s29 =	simm.s32 $0x4E20;
	[sflag:s16] =	ssyncadd.s32 $0xFFFFE700  }
0x28: {  	[spmem:s1] =	stream.indirect.scatter.add.f32 [tilespmem:s14], [sflag:$0x3], $0x50, s29, s13, $0xb8;
	[tilespmem:$0x19190] =	vst v63  }
0x29: {  	_ =	swait.ge [sflag:s10], $0x1900  }
0x2a: {  	[sflag:s10] =	ssyncset.done $0x0  }
0x2b: {  	s30 =	simm.s32 $0xA0;
	[sflag:s10] =	ssyncadd.s32 $0xFFFFE700  }
0x2c: {  	[tilespmem:s14], [sflag:$0x1] =	stream.indirect.gather [hbm4b:s3+s13], $0x50, s30, s13, $0xb8;
	[tilespmem:$0x19190] =	vst v63  }
0x2d: {  	_ =	swait.ge [sflag:s17], $0x1900  }
0x2e: {  	[sflag:s17] =	ssyncset.done $0x0  }
0x2f: {  	s31 =	simm.s32 $0x4E70;
	[sflag:s17] =	ssyncadd.s32 $0xFFFFE700  }
0x30: {  	[spmem:s1] =	stream.indirect.scatter.add.f32 [tilespmem:s15], [sflag:$0x3], $0x50, s31, s13, $0xb8;
	[tilespmem:$0x19190] =	vst v63  }
0x31: {  	_ =	swait.ge [sflag:s10], $0x1900  }
0x32: {  	[sflag:s10] =	ssyncset.done $0x0  }
0x33: {  	s25 =	simm.s32 $0xF0;
	s24 =	simm.s32 $0x280;
	[sflag:s10] =	ssyncadd.s32 $0xFFFFE700  }
.LBB2_2:
0x34: {  	[tilespmem:s15], [sflag:$0x2] =	stream.indirect.gather [hbm4b:s3+s13], $0x50, s25, s13, $0xb8;
	[tilespmem:$0x19190] =	vst v63  }
0x35: {  	s25 =	smov.u32 s24  }
0x36: {  	p2 =	sne.s32 s24, $0x13380;
	s24 =	sadd.s32 $0x280, s24;
	_ =	swait.ge [sflag:s16], $0x1900  }
0x37: {  	s25 =	sshra.s32 s25, $0x2;
	[sflag:s16] =	ssyncset.done $0x0  }
0x38: {  	s26 =	sadd.s32 $0x4E20, s25;
	[sflag:s16] =	ssyncadd.s32 $0xFFFFE700  }
0x39: {  	[spmem:s1] =	stream.indirect.scatter.add.f32 [tilespmem:s14], [sflag:$0x3], $0x50, s26, s13, $0xb8;
	[tilespmem:$0x19190] =	vst v63  }
0x3a: {  	_ =	swait.ge [sflag:s10], $0x1900  }
0x3b: {  	[sflag:s10] =	ssyncset.done $0x0  }
0x3c: {  	s26 =	sadd.s32 $0xA0, s25;
	[sflag:s10] =	ssyncadd.s32 $0xFFFFE700  }
0x3d: {  	[tilespmem:s14], [sflag:$0x1] =	stream.indirect.gather [hbm4b:s3+s13], $0x50, s26, s13, $0xb8;
	[tilespmem:$0x19190] =	vst v63  }
0x3e: {  	_ =	swait.ge [sflag:s17], $0x1900  }
0x3f: {  	[sflag:s17] =	ssyncset.done $0x0  }
.Ltmp0:
0x40: {  	s26 =	sadd.s32 $0x4E70, s25;
	[sflag:s17] =	ssyncadd.s32 $0xFFFFE700;
	(pc) =	sbr.rel @p2 .LBB2_2-.Ltmp0, $4  }
0x41: {  	[spmem:s1] =	stream.indirect.scatter.add.f32 [tilespmem:s15], [sflag:$0x3], $0x50, s26, s13, $0xb8;
	[tilespmem:$0x19190] =	vst v63  }
0x42: {  	_ =	swait.ge [sflag:s10], $0x1900  }
0x43: {  	[sflag:s10] =	ssyncset.done $0x0  }
0x44: {  	s25 =	sadd.s32 $0xF0, s25;
	[sflag:s10] =	ssyncadd.s32 $0xFFFFE700  }
0x45: {  	[tilespmem:s15], [sflag:$0x2] =	stream.indirect.gather [hbm4b:s3+s13], $0x50, s25, s13, $0xb8;
	[tilespmem:$0x19190] =	vst v63  }
0x46: {  	_ =	swait.ge [sflag:s16], $0x1900  }
0x47: {  	[sflag:s16] =	ssyncset.done $0x0  }
0x48: {  	[sflag:s16] =	ssyncadd.s32 $0xFFFFE700  }
0x49: {  	[spmem:s1] =	stream.indirect.scatter.add.f32 [tilespmem:s14], [sflag:$0x3], $0x50, s18, s13, $0xb8;
	[tilespmem:$0x19190] =	vst v63  }
0x4a: {  	_ =	swait.ge [sflag:s10], $0x1900  }
0x4b: {  	[sflag:s10] =	ssyncset.done $0x0  }
0x4c: {  	[sflag:s10] =	ssyncadd.s32 $0xFFFFE700  }
0x4d: {  	_ =	swait.ge [sflag:s17], $0x1900  }
0x4e: {  	[sflag:s17] =	ssyncset.done $0x0  }
0x4f: {  	[sflag:s17] =	ssyncadd.s32 $0xFFFFE700  }
0x50: {  	[spmem:s1] =	stream.indirect.scatter.add.f32 [tilespmem:s15], [sflag:$0x3], $0x50, s19, s13, $0xb8;
	[tilespmem:$0x19190] =	vst v63  }
0x51: {  	_ =	swait.ge [sflag:s10], $0x1900  }
0x52: {  	[sflag:s10] =	ssyncset.done $0x0  }
0x53: {  	[sflag:s10] =	ssyncadd.s32 $0xFFFFE700  }
0x54: {  	[bflag:$0x0] =	sbarrier.arrive $0xFFFF  }
0x55: {  	[hbm:s7], [sflag:s20] =	dma.local [spmem:s21], $0x1860  }
0x56: {  	s23 =	sadd.s32 $0x1, s23;
	_ =	swait.ge [sflag:s10], $0x1860  }
0x57: {  	p2 =	sne.s32 s23, s9;
	[sflag:s10] =	ssyncset.done $0x0  }
.Ltmp1:
0x58: {  	s24 =	simm.s32 @!p1 $0x3;
	[sflag:s10] =	ssyncadd.s32 $0xFFFFE7A0;
	(pc) =	sbr.rel @p2 .LBB2_1-.Ltmp1, $4  }
0x59: {  	[hbm:s8], [sflag:s20] =	dma.local @!p1 [spmem:s22], $0xA0  }
0x5a: {  	_ =	swait.ge @!p1 [sflag:s24], $0xA0  }
0x5b: {  	[sflag:s24] =	ssyncset.done @!p1 $0x0  }
0x5c: {  	[sflag:s24] =	ssyncadd.s32 @!p1 $0xFFFFFF60  }
0x5d: {  	_ =	sfence.sel $0x180000  }
0x5e: {  	[bflag:$0x0] =	sbarrier.arrive $0xFFFF  }
0x5f: {  	_ =	strace $0x90000056  }
0x60: {  	s0 =	sadd.s32 @!p0 $0x100000, s0;
	[bflag:$0x2] =	sbarrier.arrive $0xFFFF  }
0x61: {  	[sflag:s0] =	ssyncadd.tile.s32 @!p0 $0x1;
	_ =	shalt  }
.Lfunc_end2:
_tile_overlayer_lowered:
.L_overlay_start_2:
0x62: {  	(tag) =	ssettag $0x2  }
0x63: {  	s0 =	rddreg [dreg:$0x0];
	s2 =	stileid.u32  }
0x64: {  	s1 =	rddreg [dreg:$0x1];
	p0 =	sne.s32 s2, $0x0  }
0x65: {  	s3 =	rddreg [dreg:$0x2];
	[bflag:$0x3] =	sbarrier.arrive $0xFFFF;
	s2 =	simm.s32 @!p0 $0x1C03  }
0x66: {  	[timem:s3], [sflag:s2] =	dma.local @!p0 [hbm:s0], s1  }
0x67: {  	s0 =	simm.s32 @!p0 $0x3  }
0x68: {  	_ =	swait.ge @!p0 [sflag:s0], s1  }
0x69: {  	s1 =	ssub.s32 @!p0 $0x0, s1;
	[sflag:s0] =	ssyncset.done @!p0 $0x0  }
0x6a: {  	[sflag:s0] =	ssyncadd.s32 @!p0 s1  }
0x6b: {  	[bflag:$0x3] =	sbarrier.arrive $0xFFFF  }
0x6c: {  	_ =	shalt  }

// kernel: kernel.38.cloned.1.call-start
scs
__scs_entry_jumppad:
0x0: {  	(pc) =	sbr.rel $0x88, $3  }
0x1: {  	(tag) =	ssettag $0x0;
	lr =	simm.s32 $0x1  }
0x2: {  	[smem:$0x3F84] =	sst lr;
	_ =	strace $0xD0000000  }
0x3: {  	_ = 	snop  }
0x4: {  	_ = 	snop  }
0x5: {  	_ = 	snop  }
0x6: {  	_ = 	snop  }
0x7: {  	_ = 	snop  }
__scs_overlays_trampoline_lowered:
0x8: {  	[smem:$0x3F93] =	sst s0  }
0x9: {  	[smem:$0x3F94] =	sst s1  }
0xa: {  	[smem:$0x3F95] =	sst s2  }
0xb: {  	[smem:$0x3F96] =	sst s3  }
0xc: {  	[smem:$0x3F97] =	sst s4  }
0xd: {  	[smem:$0x3F98] =	sst s5  }
0xe: {  	[smem:$0x3F99] =	sst s6  }
0xf: {  	[smem:$0x3F9A] =	sst s7  }
0x10: {  	[smem:$0x3F9B] =	sst s8  }
0x11: {  	[smem:$0x3F9C] =	sst s9;
	s0 =	simm.s32 @!p0 $0x0  }
0x12: {  	s1 =	sld [smem:$0x3F82];
	s0 =	simm.s32 @p0 $0x1  }
0x13: {  	[smem:$0x3F9D] =	sst s0;
	s0 =	simm.s32 @!p1 $0x0  }
0x14: {  	s2 =	sld [smem:$0x3F81];
	s0 =	simm.s32 @p1 $0x1  }
0x15: {  	[smem:$0x3F9E] =	sst s0;
	s0 =	simm.s32 @!p2 $0x0  }
0x16: {  	s3 =	sld [smem:$0x3FDB];
	s0 =	simm.s32 @p2 $0x1  }
0x17: {  	s4 =	simm.s32 $0x1BF5;
	[smem:$0x3FA0] =	sst s0  }
0x18: {  	s0 =	sld [smem:$0x3F83];
	_ =	swait.ge [sflag:s4], $0x0  }
0x19: {  	s7 =	sld [smem:$0x3F84]  }
0x1a: {  	s8 =	sadd.s32 $0xFFFFE003, lr  }
0x1b: {  	s9 =	sadd.s32 $0xFFFFFEF7, lr;
	s5 =	simm.s32 $0xFFFFFFFF;
	p2 =	slt.u32 s8, $0xFFFFF086  }
0x1c: {  	p1 =	slt.u32 s9, $0xF7A;
	s5 =	simm.s32 @!p2 $0x0  }
0x1d: {  	s5 =	simm.s32 @p1 $0x1;
	p0 =	seq.s32 s7, s2  }
0x1e: {  	s7 =	smul.u32 @!p0 $0xF7A, s2;
	p2 =	seq.s32 @!p0 s5, $0x0  }
0x1f: {  	s9 =	smul.u32 $0xF7A, s1;
	s8 =	simm.s32 @!p0 $0x1BF5;
	p2 =	por !p2, p0  }
0x20: {  	[sflag:s8] =	ssyncset.s32 @!p0 $0xFFFFF086;
	s6 =	sadd.s32 @!p0 s3, s7;
	s7 =	simm.s32 @!p0 $0x108  }
0x21: {  	s3 =	sadd.s32 s3, s9;
	s6 =	sadd.s32 @!p0 $0x88, s6;
	s7 =	simm.s32 @p2 $0x1082  }
0x22: {  	[simem:s7], [sflag:s8] =	dma.local @!p0 [hbm:s6], $0xF7A  }
0x23: {  	s9 =	sor.u32 $0xD0000000, s2;
	s6 =	simm.s32 $0x108;
	_ =	swait.ge @!p0 [sflag:s8], $0x0  }
0x24: {  	s3 =	sadd.s32 $0x88, s3;
	s6 =	simm.s32 @!p1 $0x1082;
	[sflag:s4] =	ssyncset.s32 $0xFFFFF086  }
0x25: {  	[simem:s6], [sflag:s4] =	dma.local [hbm:s3], $0xF7A  }
0x26: {  	[smem:$0x3F84] =	sst s1;
	(tag) =	ssettag s2;
	_ =	strace s9  }
0x27: {  	s1 =	sld [smem:$0x3F94]  }
0x28: {  	s2 =	sld [smem:$0x3F95]  }
0x29: {  	s4 =	sld [smem:$0x3F97]  }
0x2a: {  	p0 =	seq.s32 s5, $0x0;
	s5 =	sld [smem:$0x3F98]  }
0x2b: {  	s6 =	sld [smem:$0x3F99]  }
0x2c: {  	s7 =	sld [smem:$0x3F9A]  }
0x2d: {  	s3 =	simm.s32 $0x108;
	s8 =	sld [smem:$0x3F9B]  }
0x2e: {  	s3 =	simm.s32 @!p0 $0x1082;
	s9 =	sld [smem:$0x3F9C]  }
0x2f: {  	lr =	sadd.s32 s0, s3;
	s0 =	sld [smem:$0x3F93]  }
0x30: {  	s3 =	sld [smem:$0x3F96]  }
0x31: {  	[smem:$0x3F9F] =	sst s10  }
0x32: {  	s10 =	sld [smem:$0x3F9D];
	_ =	sdelay $0x3  }
0x33: {  	p0 =	seq.s32 s10, $0x1;
	s10 =	sld [smem:$0x3F9F];
	_ =	sdelay $0x3  }
0x34: {  	[smem:$0x3F9F] =	sst s10  }
0x35: {  	s10 =	sld [smem:$0x3F9E];
	_ =	sdelay $0x3  }
0x36: {  	p1 =	seq.s32 s10, $0x1;
	s10 =	sld [smem:$0x3F9F];
	_ =	sdelay $0x3  }
0x37: {  	[smem:$0x3F9F] =	sst s10  }
0x38: {  	s10 =	sld [smem:$0x3FA0]  }
0x39: {  	_ = 	snop;
	(pc) =	sbr.ind lr, $3  }
0x3a: {  	_ = 	snop  }
0x3b: {  	_ = 	snop  }
0x3c: {  	p2 =	seq.s32 s10, $0x1;
	s10 =	sld [smem:$0x3F9F]  }
0x3d: {  	_ =	shalt  }
0x3e: {  	_ =	shalt  }
0x3f: {  	_ =	shalt  }
0x40: {  	_ =	shalt  }
0x41: {  	_ =	shalt  }
0x42: {  	_ =	shalt  }
0x43: {  	_ =	shalt  }
0x44: {  	_ =	shalt  }
0x45: {  	_ =	shalt  }
0x46: {  	_ =	shalt  }
0x47: {  	_ =	shalt  }
0x48: {  	_ =	shalt  }
0x49: {  	_ =	shalt  }
0x4a: {  	_ =	shalt  }
0x4b: {  	_ =	shalt  }
0x4c: {  	_ =	shalt  }
0x4d: {  	_ =	shalt  }
0x4e: {  	_ =	shalt  }
0x4f: {  	_ =	shalt  }
0x50: {  	_ =	shalt  }
0x51: {  	_ =	shalt  }
0x52: {  	_ =	shalt  }
0x53: {  	_ =	shalt  }
0x54: {  	_ =	shalt  }
0x55: {  	_ =	shalt  }
0x56: {  	_ =	shalt  }
0x57: {  	_ =	shalt  }
0x58: {  	_ =	shalt  }
0x59: {  	_ =	shalt  }
0x5a: {  	_ =	shalt  }
0x5b: {  	_ =	shalt  }
0x5c: {  	_ =	shalt  }
0x5d: {  	_ =	shalt  }
0x5e: {  	_ =	shalt  }
0x5f: {  	_ =	shalt  }
0x60: {  	_ =	shalt  }
0x61: {  	_ =	shalt  }
0x62: {  	_ =	shalt  }
0x63: {  	_ =	shalt  }
0x64: {  	_ =	shalt  }
0x65: {  	_ =	shalt  }
0x66: {  	_ =	shalt  }
0x67: {  	_ =	shalt  }
0x68: {  	_ =	shalt  }
0x69: {  	_ =	shalt  }
0x6a: {  	_ =	shalt  }
0x6b: {  	_ =	shalt  }
0x6c: {  	_ =	shalt  }
0x6d: {  	_ =	shalt  }
0x6e: {  	_ =	shalt  }
0x6f: {  	_ =	shalt  }
0x70: {  	_ =	shalt  }
0x71: {  	_ =	shalt  }
0x72: {  	_ =	shalt  }
0x73: {  	_ =	shalt  }
0x74: {  	_ =	shalt  }
0x75: {  	_ =	shalt  }
0x76: {  	_ =	shalt  }
0x77: {  	_ =	shalt  }
0x78: {  	_ =	shalt  }
0x79: {  	_ =	shalt  }
0x7a: {  	_ =	shalt  }
0x7b: {  	_ =	shalt  }
0x7c: {  	_ =	shalt  }
0x7d: {  	_ =	shalt  }
0x7e: {  	_ =	shalt  }
0x7f: {  	_ =	shalt  }
0x80: {  	_ =	shalt  }
0x81: {  	_ =	shalt  }
0x82: {  	_ =	shalt  }
0x83: {  	_ =	shalt  }
0x84: {  	_ =	shalt  }
0x85: {  	_ =	shalt  }
0x86: {  	_ =	shalt  }
0x87: {  	_ =	shalt  }
.Lfunc_end0:
.L_simem_size_0:
called_computation.7_lowered:
.L_overlay_start_0:
0x88: {  	s2 =	sld [smem:$0x3FD9]  }
0x89: {  	s3 =	sld [smem:$0x3FFE];
	_ =	sdelay $0x1  }
0x8a: {  	s1 =	srdreg.scid  }
0x8b: {  	s0 =	sand.u32 $0x1, s1  }
0x8c: {  	s17 =	sshll.u32 s0, $0xA;
	s2 =	sadd.s32 s3, s2  }
0x8d: {  	s2 =	sadd.s32 s2, s17  }
0x8e: {  	[smem:$0x3FAB] =	sst s2  }
0x8f: {  	_ = 	snop  }
0x90: {  	(tm) =	ssettm $0x1  }
0x91: {  	s18 =	sld [smem:$0x3FFB];
	_ =	sdelay $0x3  }
0x92: {  	_ =	strace s18  }
0x93: {  	s2 =	sld [smem:$0x3FFC];
	_ =	sdelay $0x3  }
0x94: {  	_ =	strace s2  }
0x95: {  	s2 =	sld [smem:$0x3FFD];
	_ =	sdelay $0x3  }
0x96: {  	_ =	strace s2  }
0x97: {  	_ =	strace $0x8FFFFFFF  }
0x98: {  	s19 =	sld [smem:$0x3FDB];
	_ =	sdelay $0x1  }
0x99: {  	s20 =	simm.s32 $_scs_section_size  }
0x9a: {  	s4 =	simm.s32 $_size__tile_overlayer_lowered;
	s5 =	simm.s32 $_tile_overlayer_lowered  }
0x9b: {  	s6 =	simm.s32 $0x1BFF;
	s21 =	sshll.u32 s5, $0x1;
	s3 =	sadd.s32 s20, s19  }
0x9c: {  	s22 =	simm.s32 $0x0;
	s4 =	sshll.u32 s4, $0x1;
	s5 =	sadd.s32 s21, s3  }
0x9d: {  	[timem:s22], [sflag:s6] =	dma.local [hbm:s5], s4  }
0x9e: {  	_ =	swait.ge [sflag:s6], s4  }
0x9f: {  	s4 =	ssub.s32 $0x0, s4;
	[sflag:s6] =	ssyncset.done $0x0  }
0xa0: {  	[sflag:s6] =	ssyncadd.s32 s4;
	_ =	sdelay $0x1  }
0xa1: {  	s23 =	simm.s32 $0x1B8B  }
0xa2: {  	_ =	swait.ge [sflag:s23], $0x1  }
0xa3: {  	[sflag:s23] =	ssyncset.done $0x0  }
0xa4: {  	[sflag:s23] =	ssyncadd.s32 $0xFFFFFFFF  }
0xa5: {  	s4 =	sld [smem:$0x0]  }
0xa6: {  	s5 =	sand.u32 $0xFFFFFFFE, s1  }
0xa7: {  	p0 =	sne.s32 s1, s5  }
0xa8: {  	s5 =	sshll.u32 @p0 s5, $0xE  }
0xa9: {  	s5 =	sadd.s32 @p0 $0x11B8D, s5;
	s6 =	sshll.u32 @p0 s4, $0x11  }
0xaa: {  	s5 =	sor.u32 @p0 s6, s5  }
0xab: {  	[sflag:s5] =	ssyncadd.remote.s32 @p0 $0x1;
	_ =	sdelay $0x1  }
0xac: {  	s5 =	simm.s32 @p0 $0x1B8D  }
0xad: {  	_ =	swait.eq @p0 [sflag:s5], $0x1  }
0xae: {  	[sflag:s5] =	ssyncadd.s32 @p0 $0xFFFFFFFF  }
0xaf: {  	s6 =	sshll.u32 @!p0 s1, $0xE  }
0xb0: {  	s6 =	sor.u32 @!p0 $0x4000, s6;
	s5 =	simm.s32 @!p0 $0x1B8D  }
0xb1: {  	s4 =	sshll.u32 @!p0 s4, $0x11;
	s6 =	sadd.s32 @!p0 $0x11B8D, s6;
	_ =	swait.eq @!p0 [sflag:s5], $0x1  }
0xb2: {  	s4 =	sor.u32 @!p0 s4, s6;
	[sflag:s5] =	ssyncadd.s32 @!p0 $0xFFFFFFFF  }
0xb3: {  	s25 =	simm.s32 $0x1B8E;
	s24 =	sld [smem:$0x3FFE];
	[sflag:s4] =	ssyncadd.remote.s32 @!p0 $0x1  }
0xb4: {  	s26 =	simm.s32 $execute0_lowered;
	[smem:$0x3FD2] =	sst s25  }
0xb5: {  	s5 =	sshll.u32 s26, $0x1;
	_ =	strace $0x8000005E;
	[dreg:$0x1] =	wrdreg $0xFFFFFFFF  }
0xb6: {  	s28 =	simm.s32 $_size_execute0_lowered;
	s3 =	sadd.s32 s3, s5;
	[dreg:$0x0] =	wrdreg $0x0  }
0xb7: {  	s5 =	sshll.u32 s28, $0x1;
	[dreg:$0x2] =	wrdreg s3  }
0xb8: {  	[dreg:$0x3] =	wrdreg s5  }
0xb9: {  	[dreg:$0x4] =	wrdreg $0xC0  }
0xba: {  	_ =	task [dreg:s22], $0x5FFFF  }
0xbb: {  	[dreg:$0x1] =	wrdreg $0xFFFFFFFF  }
0xbc: {  	[dreg:$0x0] =	wrdreg $0x60  }
0xbd: {  	[dreg:$0x2] =	wrdreg s24  }
0xbe: {  	[dreg:$0x3] =	wrdreg $0xCE400  }
0xbf: {  	[dreg:$0x4] =	wrdreg $0x9  }
0xc0: {  	_ =	task.clear_ibuf [dreg:s22], $0x5FFFF;
	_ =	strace $0x9000005E  }
0xc1: {  	s29 =	simm.s32 $0x9;
	_ =	strace $0x80000060  }
0xc2: {  	_ =	swait.ge [sflag:s29], $0x1  }
0xc3: {  	[sflag:s29] =	ssyncadd.s32 $0xFFFFFFFF  }
0xc4: {  	_ =	strace $0x90000060  }
0xc5: {  	_ =	sfence  }
0xc6: {  	s30 =	sld [smem:$0x0];
	_ =	sdelay $0x2  }
0xc7: {  	s31 =	sshll.u32 s1, $0xD;
	s1 =	sshrl.u32 s1, $0x2  }
0xc8: {  	s4 =	sand.u32 $0x4000, s31;
	s1 =	sadd.s32 s1, s30  }
0xc9: {  	s0 =	sor.u32 s4, s0;
	s1 =	sshll.u32 s1, $0x11  }
0xca: {  	s0 =	sor.u32 s1, s0  }
0xcb: {  	s0 =	sadd.s32 $0x8F2B, s0  }
0xcc: {  	[sflag:s0] =	ssyncadd.remote.s32 $0x1  }
0xcd: {  	_ =	sfence.sel $0xFFFF  }
0xce: {  	[dreg:$0x0] =	wrdreg $0xFFFFFFFF;
	(pc) =	sbr.abs _section_cstart, $3  }
0xcf: {  	[dreg:$0x1] =	wrdreg $0xFFFFFFFF  }
0xd0: {  	_ =	task.clear_ibuf [dreg:s22], $0x2FFFF;
	_ =	strace $0x9FFFFFFF  }
0xd1: {  	(tm) =	ssettm $0x7FFFFFFF  }
tec
execute0_lowered:
.L_overlay_start_1:
0x0: {  	(tag) =	ssettag $0x1  }
0x1: {  	s0 =	srdreg.scid  }
0x2: {  	s18 =	stileid.u32;
	s6 =	rddreg [dreg:$0x0]  }
0x3: {  	s1 =	rddreg [dreg:$0x1];
	s2 =	simm.s32 $0x0;
	s14 =	simm.s32 $0x9C40  }
0x4: {  	s15 =	simm.s32 $0xB540;
	s16 =	simm.s32 $0x1;
	s17 =	simm.s32 $0x2  }
0x5: {  	s19 =	simm.s32 $0x9BF0;
	s23 =	simm.s32 $0x0;
	s5 =	smul.u32 $0x4E20, s18  }
0x6: {  	s4 =	sand.u32 $0x1, s0;
	s0 =	rddreg [dreg:$0x2];
	s11 =	smul.u32 $0x1860, s18  }
0x7: {  	[smem:$0x7FF] =	sst s2;
	s12 =	sadd.s32 $0xB6800, s6;
	s13 =	smul.u32 $0x30C00, s18  }
0x8: {  	s22 =	sadd.s32 $0xC3000, s1;
	p0 =	sne.s32 s18, $0x0;
	p1 =	sne.s32 s18, $0xF  }
0x9: {  	s20 =	sshll.u32 s18, $0x6;
	s18 =	simm.s32 $0x9BA0;
	s3 =	smul.u32 $0x4E200, s4  }
0xa: {  	_ =	strace $0x8000005F;
	s8 =	ssub.s32 $0x2, s4;
	s9 =	smul.u32 $0x186A0, s4  }
0xb: {  	s29 =	smul.u32 $0xC3500, s4;
	s20 =	sor.u32 $0x1C03, s20;
	s22 =	sshrl.u32 @!p1 s22, $0x3  }
0xc: {  	s10 =	sshrl.u32 s8, $0x1;
	s31 =	sshrl.u32 s13, $0x2;
	s13 =	simm.s32 $0x50  }
0xd: {  	s3 =	sadd.s32 s5, s3;
	s5 =	sshrl.u32 s5, $0x3;
	s10 =	ssub.s32 s8, s10  }
0xe: {  	s30 =	sadd.s32 s11, s9;
	s8 =	sshrl.u32 s29, $0x3;
	s21 =	sadd.s32 s31, s1  }
0xf: {  	s11 =	simm.s32 $0x4E20;
	s7 =	sshrl.u32 s3, $0x3;
	s3 =	sadd.s32 $0x85A00, s6  }
0x10: {  	s5 =	sadd.s32 s5, s6;
	s8 =	sadd.s32 s12, s8;
	s21 =	sshrl.u32 s21, $0x3  }
0x11: {  	s7 =	sadd.s32 s7, s6;
	s5 =	sadd.s32 $0x6600, s5;
	s6 =	sadd.s32 s3, s9  }
0x12: {  	s8 =	sadd.s32 $0x18600, s8;
	s9 =	smax.u32 s10, $0x1;
	s10 =	simm.s32 $0x3  }
0x13: {  	s4 =	sadd.s32 $0x10400, s7;
	s7 =	sadd.s32 s12, s30;
	s12 =	sshrl.u32 @!p0 s1, $0x3  }
.LBB2_1:
0x14: {  	[tilespmem:s2], [sflag:$0x3] =	stream.linear.gather [hbm4b:s4+s2], $0x4E20, $0x38;
	[tilespmem:$0x19190] =	vst v63  }
0x15: {  	_ =	swait.ge [sflag:s10], $0x4E20  }
0x16: {  	[sflag:s10] =	ssyncset.done $0x0  }
0x17: {  	[sflag:s10] =	ssyncadd.s32 $0xFFFFB1E0  }
0x18: {  	[tilespmem:s11], [sflag:$0x3] =	stream.linear.gather [hbm4b:s5+s2], $0x4E20, $0x38;
	[tilespmem:$0x19190] =	vst v63  }
0x19: {  	_ =	swait.ge [sflag:s10], $0x4E20  }
0x1a: {  	[sflag:s10] =	ssyncset.done $0x0  }
0x1b: {  	s24 =	simm.s32 @!p0 $0x1C03;
	[sflag:s10] =	ssyncadd.s32 $0xFFFFB1E0  }
0x1c: {  	[spmem:s12], [sflag:s24] =	dma.local @!p0 [hbm:s6], $0x186A0  }
0x1d: {  	s24 =	simm.s32 @!p0 $0x3  }
0x1e: {  	_ =	swait.ge @!p0 [sflag:s24], $0x186A0  }
0x1f: {  	[sflag:s24] =	ssyncset.done @!p0 $0x0  }
0x20: {  	[sflag:s24] =	ssyncadd.s32 @!p0 $0xFFFE7960  }
0x21: {  	[bflag:$0x0] =	sbarrier.arrive $0xFFFF  }
0x22: {  	[tilespmem:s14], [sflag:$0x1] =	stream.indirect.gather [hbm4b:s3+s13], $0x50, s2, s13, $0xb8;
	[tilespmem:$0x19190] =	vst v63  }
0x23: {  	_ = 	snop  }
0x24: {  	[tilespmem:s15], [sflag:$0x2] =	stream.indirect.gather [hbm4b:s3+s13], $0x50, s13, s13, $0xb8;
	[tilespmem:$0x19190] =	vst v63  }
0x25: {  	_ =	swait.ge [sflag:s16], $0x1900  }
0x26: {  	[sflag:s16] =	ssyncset.done $0x0  }
0x27: {  	s29 =	simm.s32 $0x4E20;
	[sflag:s16] =	ssyncadd.s32 $0xFFFFE700  }
0x28: {  	[spmem:s1] =	stream.indirect.scatter.add.f32 [tilespmem:s14], [sflag:$0x3], $0x50, s29, s13, $0xb8;
	[tilespmem:$0x19190] =	vst v63  }
0x29: {  	_ =	swait.ge [sflag:s10], $0x1900  }
0x2a: {  	[sflag:s10] =	ssyncset.done $0x0  }
0x2b: {  	s30 =	simm.s32 $0xA0;
	[sflag:s10] =	ssyncadd.s32 $0xFFFFE700  }
0x2c: {  	[tilespmem:s14], [sflag:$0x1] =	stream.indirect.gather [hbm4b:s3+s13], $0x50, s30, s13, $0xb8;
	[tilespmem:$0x19190] =	vst v63  }
0x2d: {  	_ =	swait.ge [sflag:s17], $0x1900  }
0x2e: {  	[sflag:s17] =	ssyncset.done $0x0  }
0x2f: {  	s31 =	simm.s32 $0x4E70;
	[sflag:s17] =	ssyncadd.s32 $0xFFFFE700  }
0x30: {  	[spmem:s1] =	stream.indirect.scatter.add.f32 [tilespmem:s15], [sflag:$0x3], $0x50, s31, s13, $0xb8;
	[tilespmem:$0x19190] =	vst v63  }
0x31: {  	_ =	swait.ge [sflag:s10], $0x1900  }
0x32: {  	[sflag:s10] =	ssyncset.done $0x0  }
0x33: {  	s25 =	simm.s32 $0xF0;
	s24 =	simm.s32 $0x280;
	[sflag:s10] =	ssyncadd.s32 $0xFFFFE700  }
.LBB2_2:
0x34: {  	[tilespmem:s15], [sflag:$0x2] =	stream.indirect.gather [hbm4b:s3+s13], $0x50, s25, s13, $0xb8;
	[tilespmem:$0x19190] =	vst v63  }
0x35: {  	s25 =	smov.u32 s24  }
0x36: {  	p2 =	sne.s32 s24, $0x13380;
	s24 =	sadd.s32 $0x280, s24;
	_ =	swait.ge [sflag:s16], $0x1900  }
0x37: {  	s25 =	sshra.s32 s25, $0x2;
	[sflag:s16] =	ssyncset.done $0x0  }
0x38: {  	s26 =	sadd.s32 $0x4E20, s25;
	[sflag:s16] =	ssyncadd.s32 $0xFFFFE700  }
0x39: {  	[spmem:s1] =	stream.indirect.scatter.add.f32 [tilespmem:s14], [sflag:$0x3], $0x50, s26, s13, $0xb8;
	[tilespmem:$0x19190] =	vst v63  }
0x3a: {  	_ =	swait.ge [sflag:s10], $0x1900  }
0x3b: {  	[sflag:s10] =	ssyncset.done $0x0  }
0x3c: {  	s26 =	sadd.s32 $0xA0, s25;
	[sflag:s10] =	ssyncadd.s32 $0xFFFFE700  }
0x3d: {  	[tilespmem:s14], [sflag:$0x1] =	stream.indirect.gather [hbm4b:s3+s13], $0x50, s26, s13, $0xb8;
	[tilespmem:$0x19190] =	vst v63  }
0x3e: {  	_ =	swait.ge [sflag:s17], $0x1900  }
0x3f: {  	[sflag:s17] =	ssyncset.done $0x0  }
.Ltmp0:
0x40: {  	s26 =	sadd.s32 $0x4E70, s25;
	[sflag:s17] =	ssyncadd.s32 $0xFFFFE700;
	(pc) =	sbr.rel @p2 .LBB2_2-.Ltmp0, $4  }
0x41: {  	[spmem:s1] =	stream.indirect.scatter.add.f32 [tilespmem:s15], [sflag:$0x3], $0x50, s26, s13, $0xb8;
	[tilespmem:$0x19190] =	vst v63  }
0x42: {  	_ =	swait.ge [sflag:s10], $0x1900  }
0x43: {  	[sflag:s10] =	ssyncset.done $0x0  }
0x44: {  	s25 =	sadd.s32 $0xF0, s25;
	[sflag:s10] =	ssyncadd.s32 $0xFFFFE700  }
0x45: {  	[tilespmem:s15], [sflag:$0x2] =	stream.indirect.gather [hbm4b:s3+s13], $0x50, s25, s13, $0xb8;
	[tilespmem:$0x19190] =	vst v63  }
0x46: {  	_ =	swait.ge [sflag:s16], $0x1900  }
0x47: {  	[sflag:s16] =	ssyncset.done $0x0  }
0x48: {  	[sflag:s16] =	ssyncadd.s32 $0xFFFFE700  }
0x49: {  	[spmem:s1] =	stream.indirect.scatter.add.f32 [tilespmem:s14], [sflag:$0x3], $0x50, s18, s13, $0xb8;
	[tilespmem:$0x19190] =	vst v63  }
0x4a: {  	_ =	swait.ge [sflag:s10], $0x1900  }
0x4b: {  	[sflag:s10] =	ssyncset.done $0x0  }
0x4c: {  	[sflag:s10] =	ssyncadd.s32 $0xFFFFE700  }
0x4d: {  	_ =	swait.ge [sflag:s17], $0x1900  }
0x4e: {  	[sflag:s17] =	ssyncset.done $0x0  }
0x4f: {  	[sflag:s17] =	ssyncadd.s32 $0xFFFFE700  }
0x50: {  	[spmem:s1] =	stream.indirect.scatter.add.f32 [tilespmem:s15], [sflag:$0x3], $0x50, s19, s13, $0xb8;
	[tilespmem:$0x19190] =	vst v63  }
0x51: {  	_ =	swait.ge [sflag:s10], $0x1900  }
0x52: {  	[sflag:s10] =	ssyncset.done $0x0  }
0x53: {  	[sflag:s10] =	ssyncadd.s32 $0xFFFFE700  }
0x54: {  	[bflag:$0x0] =	sbarrier.arrive $0xFFFF  }
0x55: {  	[hbm:s7], [sflag:s20] =	dma.local [spmem:s21], $0x1860  }
0x56: {  	s23 =	sadd.s32 $0x1, s23;
	_ =	swait.ge [sflag:s10], $0x1860  }
0x57: {  	p2 =	sne.s32 s23, s9;
	[sflag:s10] =	ssyncset.done $0x0  }
.Ltmp1:
0x58: {  	s24 =	simm.s32 @!p1 $0x3;
	[sflag:s10] =	ssyncadd.s32 $0xFFFFE7A0;
	(pc) =	sbr.rel @p2 .LBB2_1-.Ltmp1, $4  }
0x59: {  	[hbm:s8], [sflag:s20] =	dma.local @!p1 [spmem:s22], $0xA0  }
0x5a: {  	_ =	swait.ge @!p1 [sflag:s24], $0xA0  }
0x5b: {  	[sflag:s24] =	ssyncset.done @!p1 $0x0  }
0x5c: {  	[sflag:s24] =	ssyncadd.s32 @!p1 $0xFFFFFF60  }
0x5d: {  	_ =	sfence.sel $0x180000  }
0x5e: {  	[bflag:$0x0] =	sbarrier.arrive $0xFFFF  }
0x5f: {  	_ =	strace $0x9000005F  }
0x60: {  	s0 =	sadd.s32 @!p0 $0x100000, s0;
	[bflag:$0x2] =	sbarrier.arrive $0xFFFF  }
0x61: {  	[sflag:s0] =	ssyncadd.tile.s32 @!p0 $0x1;
	_ =	shalt  }
.Lfunc_end2:
_tile_overlayer_lowered:
.L_overlay_start_2:
0x62: {  	(tag) =	ssettag $0x2  }
0x63: {  	s0 =	rddreg [dreg:$0x0];
	s2 =	stileid.u32  }
0x64: {  	s1 =	rddreg [dreg:$0x1];
	p0 =	sne.s32 s2, $0x0  }
0x65: {  	s3 =	rddreg [dreg:$0x2];
	[bflag:$0x3] =	sbarrier.arrive $0xFFFF;
	s2 =	simm.s32 @!p0 $0x1C03  }
0x66: {  	[timem:s3], [sflag:s2] =	dma.local @!p0 [hbm:s0], s1  }
0x67: {  	s0 =	simm.s32 @!p0 $0x3  }
0x68: {  	_ =	swait.ge @!p0 [sflag:s0], s1  }
0x69: {  	s1 =	ssub.s32 @!p0 $0x0, s1;
	[sflag:s0] =	ssyncset.done @!p0 $0x0  }
0x6a: {  	[sflag:s0] =	ssyncadd.s32 @!p0 s1  }
0x6b: {  	[bflag:$0x3] =	sbarrier.arrive $0xFFFF  }
0x6c: {  	_ =	shalt  }

// kernel: kernel.41.cloned.1.call-start
scs
__scs_entry_jumppad:
0x0: {  	(pc) =	sbr.rel $0x88, $3  }
0x1: {  	(tag) =	ssettag $0x0;
	lr =	simm.s32 $0x1  }
0x2: {  	[smem:$0x3F84] =	sst lr;
	_ =	strace $0xD0000000  }
0x3: {  	_ = 	snop  }
0x4: {  	_ = 	snop  }
0x5: {  	_ = 	snop  }
0x6: {  	_ = 	snop  }
0x7: {  	_ = 	snop  }
__scs_overlays_trampoline_lowered:
0x8: {  	[smem:$0x3F93] =	sst s0  }
0x9: {  	[smem:$0x3F94] =	sst s1  }
0xa: {  	[smem:$0x3F95] =	sst s2  }
0xb: {  	[smem:$0x3F96] =	sst s3  }
0xc: {  	[smem:$0x3F97] =	sst s4  }
0xd: {  	[smem:$0x3F98] =	sst s5  }
0xe: {  	[smem:$0x3F99] =	sst s6  }
0xf: {  	[smem:$0x3F9A] =	sst s7  }
0x10: {  	[smem:$0x3F9B] =	sst s8  }
0x11: {  	[smem:$0x3F9C] =	sst s9;
	s0 =	simm.s32 @!p0 $0x0  }
0x12: {  	s1 =	sld [smem:$0x3F82];
	s0 =	simm.s32 @p0 $0x1  }
0x13: {  	[smem:$0x3F9D] =	sst s0;
	s0 =	simm.s32 @!p1 $0x0  }
0x14: {  	s2 =	sld [smem:$0x3F81];
	s0 =	simm.s32 @p1 $0x1  }
0x15: {  	[smem:$0x3F9E] =	sst s0;
	s0 =	simm.s32 @!p2 $0x0  }
0x16: {  	s3 =	sld [smem:$0x3FDB];
	s0 =	simm.s32 @p2 $0x1  }
0x17: {  	s4 =	simm.s32 $0x1BF5;
	[smem:$0x3FA0] =	sst s0  }
0x18: {  	s0 =	sld [smem:$0x3F83];
	_ =	swait.ge [sflag:s4], $0x0  }
0x19: {  	s7 =	sld [smem:$0x3F84]  }
0x1a: {  	s8 =	sadd.s32 $0xFFFFE003, lr  }
0x1b: {  	s9 =	sadd.s32 $0xFFFFFEF7, lr;
	s5 =	simm.s32 $0xFFFFFFFF;
	p2 =	slt.u32 s8, $0xFFFFF086  }
0x1c: {  	p1 =	slt.u32 s9, $0xF7A;
	s5 =	simm.s32 @!p2 $0x0  }
0x1d: {  	s5 =	simm.s32 @p1 $0x1;
	p0 =	seq.s32 s7, s2  }
0x1e: {  	s7 =	smul.u32 @!p0 $0xF7A, s2;
	p2 =	seq.s32 @!p0 s5, $0x0  }
0x1f: {  	s9 =	smul.u32 $0xF7A, s1;
	s8 =	simm.s32 @!p0 $0x1BF5;
	p2 =	por !p2, p0  }
0x20: {  	[sflag:s8] =	ssyncset.s32 @!p0 $0xFFFFF086;
	s6 =	sadd.s32 @!p0 s3, s7;
	s7 =	simm.s32 @!p0 $0x108  }
0x21: {  	s3 =	sadd.s32 s3, s9;
	s6 =	sadd.s32 @!p0 $0x88, s6;
	s7 =	simm.s32 @p2 $0x1082  }
0x22: {  	[simem:s7], [sflag:s8] =	dma.local @!p0 [hbm:s6], $0xF7A  }
0x23: {  	s9 =	sor.u32 $0xD0000000, s2;
	s6 =	simm.s32 $0x108;
	_ =	swait.ge @!p0 [sflag:s8], $0x0  }
0x24: {  	s3 =	sadd.s32 $0x88, s3;
	s6 =	simm.s32 @!p1 $0x1082;
	[sflag:s4] =	ssyncset.s32 $0xFFFFF086  }
0x25: {  	[simem:s6], [sflag:s4] =	dma.local [hbm:s3], $0xF7A  }
0x26: {  	[smem:$0x3F84] =	sst s1;
	(tag) =	ssettag s2;
	_ =	strace s9  }
0x27: {  	s1 =	sld [smem:$0x3F94]  }
0x28: {  	s2 =	sld [smem:$0x3F95]  }
0x29: {  	s4 =	sld [smem:$0x3F97]  }
0x2a: {  	p0 =	seq.s32 s5, $0x0;
	s5 =	sld [smem:$0x3F98]  }
0x2b: {  	s6 =	sld [smem:$0x3F99]  }
0x2c: {  	s7 =	sld [smem:$0x3F9A]  }
0x2d: {  	s3 =	simm.s32 $0x108;
	s8 =	sld [smem:$0x3F9B]  }
0x2e: {  	s3 =	simm.s32 @!p0 $0x1082;
	s9 =	sld [smem:$0x3F9C]  }
0x2f: {  	lr =	sadd.s32 s0, s3;
	s0 =	sld [smem:$0x3F93]  }
0x30: {  	s3 =	sld [smem:$0x3F96]  }
0x31: {  	[smem:$0x3F9F] =	sst s10  }
0x32: {  	s10 =	sld [smem:$0x3F9D];
	_ =	sdelay $0x3  }
0x33: {  	p0 =	seq.s32 s10, $0x1;
	s10 =	sld [smem:$0x3F9F];
	_ =	sdelay $0x3  }
0x34: {  	[smem:$0x3F9F] =	sst s10  }
0x35: {  	s10 =	sld [smem:$0x3F9E];
	_ =	sdelay $0x3  }
0x36: {  	p1 =	seq.s32 s10, $0x1;
	s10 =	sld [smem:$0x3F9F];
	_ =	sdelay $0x3  }
0x37: {  	[smem:$0x3F9F] =	sst s10  }
0x38: {  	s10 =	sld [smem:$0x3FA0]  }
0x39: {  	_ = 	snop;
	(pc) =	sbr.ind lr, $3  }
0x3a: {  	_ = 	snop  }
0x3b: {  	_ = 	snop  }
0x3c: {  	p2 =	seq.s32 s10, $0x1;
	s10 =	sld [smem:$0x3F9F]  }
0x3d: {  	_ =	shalt  }
0x3e: {  	_ =	shalt  }
0x3f: {  	_ =	shalt  }
0x40: {  	_ =	shalt  }
0x41: {  	_ =	shalt  }
0x42: {  	_ =	shalt  }
0x43: {  	_ =	shalt  }
0x44: {  	_ =	shalt  }
0x45: {  	_ =	shalt  }
0x46: {  	_ =	shalt  }
0x47: {  	_ =	shalt  }
0x48: {  	_ =	shalt  }
0x49: {  	_ =	shalt  }
0x4a: {  	_ =	shalt  }
0x4b: {  	_ =	shalt  }
0x4c: {  	_ =	shalt  }
0x4d: {  	_ =	shalt  }
0x4e: {  	_ =	shalt  }
0x4f: {  	_ =	shalt  }
0x50: {  	_ =	shalt  }
0x51: {  	_ =	shalt  }
0x52: {  	_ =	shalt  }
0x53: {  	_ =	shalt  }
0x54: {  	_ =	shalt  }
0x55: {  	_ =	shalt  }
0x56: {  	_ =	shalt  }
0x57: {  	_ =	shalt  }
0x58: {  	_ =	shalt  }
0x59: {  	_ =	shalt  }
0x5a: {  	_ =	shalt  }
0x5b: {  	_ =	shalt  }
0x5c: {  	_ =	shalt  }
0x5d: {  	_ =	shalt  }
0x5e: {  	_ =	shalt  }
0x5f: {  	_ =	shalt  }
0x60: {  	_ =	shalt  }
0x61: {  	_ =	shalt  }
0x62: {  	_ =	shalt  }
0x63: {  	_ =	shalt  }
0x64: {  	_ =	shalt  }
0x65: {  	_ =	shalt  }
0x66: {  	_ =	shalt  }
0x67: {  	_ =	shalt  }
0x68: {  	_ =	shalt  }
0x69: {  	_ =	shalt  }
0x6a: {  	_ =	shalt  }
0x6b: {  	_ =	shalt  }
0x6c: {  	_ =	shalt  }
0x6d: {  	_ =	shalt  }
0x6e: {  	_ =	shalt  }
0x6f: {  	_ =	shalt  }
0x70: {  	_ =	shalt  }
0x71: {  	_ =	shalt  }
0x72: {  	_ =	shalt  }
0x73: {  	_ =	shalt  }
0x74: {  	_ =	shalt  }
0x75: {  	_ =	shalt  }
0x76: {  	_ =	shalt  }
0x77: {  	_ =	shalt  }
0x78: {  	_ =	shalt  }
0x79: {  	_ =	shalt  }
0x7a: {  	_ =	shalt  }
0x7b: {  	_ =	shalt  }
0x7c: {  	_ =	shalt  }
0x7d: {  	_ =	shalt  }
0x7e: {  	_ =	shalt  }
0x7f: {  	_ =	shalt  }
0x80: {  	_ =	shalt  }
0x81: {  	_ =	shalt  }
0x82: {  	_ =	shalt  }
0x83: {  	_ =	shalt  }
0x84: {  	_ =	shalt  }
0x85: {  	_ =	shalt  }
0x86: {  	_ =	shalt  }
0x87: {  	_ =	shalt  }
.Lfunc_end0:
.L_simem_size_0:
called_computation.8_lowered:
.L_overlay_start_0:
0x88: {  	s2 =	sld [smem:$0x3FD9]  }
0x89: {  	s3 =	sld [smem:$0x3FFE];
	_ =	sdelay $0x1  }
0x8a: {  	s1 =	srdreg.scid  }
0x8b: {  	s0 =	sand.u32 $0x1, s1  }
0x8c: {  	s16 =	sshll.u32 s0, $0xA;
	s2 =	sadd.s32 s3, s2  }
0x8d: {  	s2 =	sadd.s32 s2, s16  }
0x8e: {  	[smem:$0x3FAB] =	sst s2  }
0x8f: {  	_ = 	snop  }
0x90: {  	(tm) =	ssettm $0x1  }
0x91: {  	s17 =	sld [smem:$0x3FFB];
	_ =	sdelay $0x3  }
0x92: {  	_ =	strace s17  }
0x93: {  	s2 =	sld [smem:$0x3FFC];
	_ =	sdelay $0x3  }
0x94: {  	_ =	strace s2  }
0x95: {  	s2 =	sld [smem:$0x3FFD];
	_ =	sdelay $0x3  }
0x96: {  	_ =	strace s2  }
0x97: {  	_ =	strace $0x8FFFFFFF  }
0x98: {  	s18 =	sld [smem:$0x3FDB];
	_ =	sdelay $0x1  }
0x99: {  	s19 =	simm.s32 $_scs_section_size  }
0x9a: {  	s4 =	simm.s32 $_size__tile_overlayer_lowered;
	s5 =	simm.s32 $_tile_overlayer_lowered  }
0x9b: {  	s22 =	simm.s32 $0x1BFF;
	s21 =	sshll.u32 s5, $0x1;
	s2 =	sadd.s32 s19, s18  }
0x9c: {  	s6 =	simm.s32 $0x0;
	s20 =	sshll.u32 s4, $0x1;
	s4 =	sadd.s32 s21, s2  }
0x9d: {  	[timem:s6], [sflag:s22] =	dma.local [hbm:s4], s20  }
0x9e: {  	_ =	swait.ge [sflag:s22], s20  }
0x9f: {  	s3 =	ssub.s32 $0x0, s20;
	[sflag:s22] =	ssyncset.done $0x0  }
0xa0: {  	[sflag:s22] =	ssyncadd.s32 s3;
	_ =	sdelay $0x1  }
0xa1: {  	s23 =	simm.s32 $0x1B8B  }
0xa2: {  	_ =	swait.ge [sflag:s23], $0x1  }
0xa3: {  	[sflag:s23] =	ssyncset.done $0x0  }
0xa4: {  	s25 =	simm.s32 $0x1B8E;
	s24 =	sld [smem:$0x3FFE];
	[sflag:s23] =	ssyncadd.s32 $0xFFFFFFFF  }
0xa5: {  	s26 =	simm.s32 $execute0_lowered;
	[smem:$0x3FD2] =	sst s25  }
0xa6: {  	s4 =	sshll.u32 s26, $0x1;
	_ =	strace $0x8000005B;
	[dreg:$0x1] =	wrdreg $0xFFFFFFFF  }
0xa7: {  	s28 =	simm.s32 $_size_execute0_lowered;
	s2 =	sadd.s32 s2, s4;
	[dreg:$0x0] =	wrdreg $0x0  }
0xa8: {  	s4 =	sshll.u32 s28, $0x1;
	[dreg:$0x2] =	wrdreg s2  }
0xa9: {  	[dreg:$0x3] =	wrdreg s4  }
0xaa: {  	[dreg:$0x4] =	wrdreg $0xC0  }
0xab: {  	_ =	task [dreg:s6], $0x5FFFF  }
0xac: {  	[dreg:$0x1] =	wrdreg $0xFFFFFFFF  }
0xad: {  	[dreg:$0x0] =	wrdreg $0x60  }
0xae: {  	[dreg:$0x2] =	wrdreg s24  }
0xaf: {  	[dreg:$0x3] =	wrdreg $0xCE400  }
0xb0: {  	[dreg:$0x4] =	wrdreg $0xA  }
0xb1: {  	_ =	task.clear_ibuf [dreg:s6], $0x5FFFF;
	_ =	strace $0x9000005B  }
0xb2: {  	s29 =	simm.s32 $0xA;
	_ =	strace $0x8000005D  }
0xb3: {  	_ =	swait.ge [sflag:s29], $0x1  }
0xb4: {  	[sflag:s29] =	ssyncadd.s32 $0xFFFFFFFF  }
0xb5: {  	_ =	strace $0x9000005D  }
0xb6: {  	_ =	sfence  }
0xb7: {  	s30 =	sld [smem:$0x0];
	_ =	sdelay $0x2  }
0xb8: {  	s31 =	sshll.u32 s1, $0xD;
	s1 =	sshrl.u32 s1, $0x2  }
0xb9: {  	s3 =	sand.u32 $0x4000, s31;
	s1 =	sadd.s32 s1, s30  }
0xba: {  	s0 =	sor.u32 s3, s0;
	s1 =	sshll.u32 s1, $0x11  }
0xbb: {  	s0 =	sor.u32 s1, s0  }
0xbc: {  	s0 =	sadd.s32 $0x8F2B, s0  }
0xbd: {  	[sflag:s0] =	ssyncadd.remote.s32 $0x1  }
0xbe: {  	_ =	sfence.sel $0xFFFF  }
0xbf: {  	[dreg:$0x0] =	wrdreg $0xFFFFFFFF;
	(pc) =	sbr.abs _section_cstart, $3  }
0xc0: {  	[dreg:$0x1] =	wrdreg $0xFFFFFFFF  }
0xc1: {  	_ =	task.clear_ibuf [dreg:s6], $0x2FFFF;
	_ =	strace $0x9FFFFFFF  }
0xc2: {  	(tm) =	ssettm $0x7FFFFFFF  }
0xc3: {  	_ =	shalt  }
tec
execute0_lowered:
.L_overlay_start_1:
0x0: {  	(tag) =	ssettag $0x1  }
0x1: {  	s0 =	srdreg.scid  }
0x2: {  	s18 =	stileid.u32;
	s6 =	rddreg [dreg:$0x0]  }
0x3: {  	s1 =	rddreg [dreg:$0x1];
	s2 =	simm.s32 $0x0;
	s14 =	simm.s32 $0x9C40  }
0x4: {  	s15 =	simm.s32 $0xB540;
	s16 =	simm.s32 $0x1;
	s17 =	simm.s32 $0x2  }
0x5: {  	s19 =	simm.s32 $0x9BF0;
	s23 =	simm.s32 $0x0;
	s5 =	smul.u32 $0x4E20, s18  }
0x6: {  	s4 =	sand.u32 $0x1, s0;
	s0 =	rddreg [dreg:$0x2];
	s11 =	smul.u32 $0x1860, s18  }
0x7: {  	[smem:$0x7FF] =	sst s2;
	s12 =	sadd.s32 $0x54C00, s6;
	s13 =	smul.u32 $0x30C00, s18  }
0x8: {  	s22 =	sadd.s32 $0xC3000, s1;
	p0 =	sne.s32 s18, $0x0;
	p1 =	sne.s32 s18, $0xF  }
0x9: {  	s20 =	sshll.u32 s18, $0x6;
	s18 =	simm.s32 $0x9BA0;
	s3 =	smul.u32 $0x4E200, s4  }
0xa: {  	_ =	strace $0x8000005C;
	s8 =	ssub.s32 $0x2, s4;
	s9 =	smul.u32 $0x186A0, s4  }
0xb: {  	s29 =	smul.u32 $0xC3500, s4;
	s20 =	sor.u32 $0x1C03, s20;
	s22 =	sshrl.u32 @!p1 s22, $0x3  }
0xc: {  	s10 =	sshrl.u32 s8, $0x1;
	s31 =	sshrl.u32 s13, $0x2;
	s13 =	simm.s32 $0x50  }
0xd: {  	s3 =	sadd.s32 s5, s3;
	s5 =	sshrl.u32 s5, $0x3;
	s10 =	ssub.s32 s8, s10  }
0xe: {  	s30 =	sadd.s32 s11, s9;
	s8 =	sshrl.u32 s29, $0x3;
	s21 =	sadd.s32 s31, s1  }
0xf: {  	s11 =	simm.s32 $0x4E20;
	s7 =	sshrl.u32 s3, $0x3;
	s3 =	sadd.s32 $0x23E00, s6  }
0x10: {  	s5 =	sadd.s32 s5, s6;
	s8 =	sadd.s32 s12, s8;
	s21 =	sshrl.u32 s21, $0x3  }
0x11: {  	s7 =	sadd.s32 s7, s6;
	s5 =	sadd.s32 $0x6600, s5;
	s6 =	sadd.s32 s3, s9  }
0x12: {  	s8 =	sadd.s32 $0x18600, s8;
	s9 =	smax.u32 s10, $0x1;
	s10 =	simm.s32 $0x3  }
0x13: {  	s4 =	sadd.s32 $0x10400, s7;
	s7 =	sadd.s32 s12, s30;
	s12 =	sshrl.u32 @!p0 s1, $0x3  }
.LBB2_1:
0x14: {  	[tilespmem:s2], [sflag:$0x3] =	stream.linear.gather [hbm4b:s4+s2], $0x4E20, $0x38;
	[tilespmem:$0x19190] =	vst v63  }
0x15: {  	_ =	swait.ge [sflag:s10], $0x4E20  }
0x16: {  	[sflag:s10] =	ssyncset.done $0x0  }
0x17: {  	[sflag:s10] =	ssyncadd.s32 $0xFFFFB1E0  }
0x18: {  	[tilespmem:s11], [sflag:$0x3] =	stream.linear.gather [hbm4b:s5+s2], $0x4E20, $0x38;
	[tilespmem:$0x19190] =	vst v63  }
0x19: {  	_ =	swait.ge [sflag:s10], $0x4E20  }
0x1a: {  	[sflag:s10] =	ssyncset.done $0x0  }
0x1b: {  	s24 =	simm.s32 @!p0 $0x1C03;
	[sflag:s10] =	ssyncadd.s32 $0xFFFFB1E0  }
0x1c: {  	[spmem:s12], [sflag:s24] =	dma.local @!p0 [hbm:s6], $0x186A0  }
0x1d: {  	s24 =	simm.s32 @!p0 $0x3  }
0x1e: {  	_ =	swait.ge @!p0 [sflag:s24], $0x186A0  }
0x1f: {  	[sflag:s24] =	ssyncset.done @!p0 $0x0  }
0x20: {  	[sflag:s24] =	ssyncadd.s32 @!p0 $0xFFFE7960  }
0x21: {  	[bflag:$0x0] =	sbarrier.arrive $0xFFFF  }
0x22: {  	[tilespmem:s14], [sflag:$0x1] =	stream.indirect.gather [hbm4b:s3+s13], $0x50, s2, s13, $0xb8;
	[tilespmem:$0x19190] =	vst v63  }
0x23: {  	_ = 	snop  }
0x24: {  	[tilespmem:s15], [sflag:$0x2] =	stream.indirect.gather [hbm4b:s3+s13], $0x50, s13, s13, $0xb8;
	[tilespmem:$0x19190] =	vst v63  }
0x25: {  	_ =	swait.ge [sflag:s16], $0x1900  }
0x26: {  	[sflag:s16] =	ssyncset.done $0x0  }
0x27: {  	s29 =	simm.s32 $0x4E20;
	[sflag:s16] =	ssyncadd.s32 $0xFFFFE700  }
0x28: {  	[spmem:s1] =	stream.indirect.scatter.add.f32 [tilespmem:s14], [sflag:$0x3], $0x50, s29, s13, $0xb8;
	[tilespmem:$0x19190] =	vst v63  }
0x29: {  	_ =	swait.ge [sflag:s10], $0x1900  }
0x2a: {  	[sflag:s10] =	ssyncset.done $0x0  }
0x2b: {  	s30 =	simm.s32 $0xA0;
	[sflag:s10] =	ssyncadd.s32 $0xFFFFE700  }
0x2c: {  	[tilespmem:s14], [sflag:$0x1] =	stream.indirect.gather [hbm4b:s3+s13], $0x50, s30, s13, $0xb8;
	[tilespmem:$0x19190] =	vst v63  }
0x2d: {  	_ =	swait.ge [sflag:s17], $0x1900  }
0x2e: {  	[sflag:s17] =	ssyncset.done $0x0  }
0x2f: {  	s31 =	simm.s32 $0x4E70;
	[sflag:s17] =	ssyncadd.s32 $0xFFFFE700  }
0x30: {  	[spmem:s1] =	stream.indirect.scatter.add.f32 [tilespmem:s15], [sflag:$0x3], $0x50, s31, s13, $0xb8;
	[tilespmem:$0x19190] =	vst v63  }
0x31: {  	_ =	swait.ge [sflag:s10], $0x1900  }
0x32: {  	[sflag:s10] =	ssyncset.done $0x0  }
0x33: {  	s25 =	simm.s32 $0xF0;
	s24 =	simm.s32 $0x280;
	[sflag:s10] =	ssyncadd.s32 $0xFFFFE700  }
.LBB2_2:
0x34: {  	[tilespmem:s15], [sflag:$0x2] =	stream.indirect.gather [hbm4b:s3+s13], $0x50, s25, s13, $0xb8;
	[tilespmem:$0x19190] =	vst v63  }
0x35: {  	s25 =	smov.u32 s24  }
0x36: {  	p2 =	sne.s32 s24, $0x13380;
	s24 =	sadd.s32 $0x280, s24;
	_ =	swait.ge [sflag:s16], $0x1900  }
0x37: {  	s25 =	sshra.s32 s25, $0x2;
	[sflag:s16] =	ssyncset.done $0x0  }
0x38: {  	s26 =	sadd.s32 $0x4E20, s25;
	[sflag:s16] =	ssyncadd.s32 $0xFFFFE700  }
0x39: {  	[spmem:s1] =	stream.indirect.scatter.add.f32 [tilespmem:s14], [sflag:$0x3], $0x50, s26, s13, $0xb8;
	[tilespmem:$0x19190] =	vst v63  }
0x3a: {  	_ =	swait.ge [sflag:s10], $0x1900  }
0x3b: {  	[sflag:s10] =	ssyncset.done $0x0  }
0x3c: {  	s26 =	sadd.s32 $0xA0, s25;
	[sflag:s10] =	ssyncadd.s32 $0xFFFFE700  }
0x3d: {  	[tilespmem:s14], [sflag:$0x1] =	stream.indirect.gather [hbm4b:s3+s13], $0x50, s26, s13, $0xb8;
	[tilespmem:$0x19190] =	vst v63  }
0x3e: {  	_ =	swait.ge [sflag:s17], $0x1900  }
0x3f: {  	[sflag:s17] =	ssyncset.done $0x0  }
.Ltmp0:
0x40: {  	s26 =	sadd.s32 $0x4E70, s25;
	[sflag:s17] =	ssyncadd.s32 $0xFFFFE700;
	(pc) =	sbr.rel @p2 .LBB2_2-.Ltmp0, $4  }
0x41: {  	[spmem:s1] =	stream.indirect.scatter.add.f32 [tilespmem:s15], [sflag:$0x3], $0x50, s26, s13, $0xb8;
	[tilespmem:$0x19190] =	vst v63  }
0x42: {  	_ =	swait.ge [sflag:s10], $0x1900  }
0x43: {  	[sflag:s10] =	ssyncset.done $0x0  }
0x44: {  	s25 =	sadd.s32 $0xF0, s25;
	[sflag:s10] =	ssyncadd.s32 $0xFFFFE700  }
0x45: {  	[tilespmem:s15], [sflag:$0x2] =	stream.indirect.gather [hbm4b:s3+s13], $0x50, s25, s13, $0xb8;
	[tilespmem:$0x19190] =	vst v63  }
0x46: {  	_ =	swait.ge [sflag:s16], $0x1900  }
0x47: {  	[sflag:s16] =	ssyncset.done $0x0  }
0x48: {  	[sflag:s16] =	ssyncadd.s32 $0xFFFFE700  }
0x49: {  	[spmem:s1] =	stream.indirect.scatter.add.f32 [tilespmem:s14], [sflag:$0x3], $0x50, s18, s13, $0xb8;
	[tilespmem:$0x19190] =	vst v63  }
0x4a: {  	_ =	swait.ge [sflag:s10], $0x1900  }
0x4b: {  	[sflag:s10] =	ssyncset.done $0x0  }
0x4c: {  	[sflag:s10] =	ssyncadd.s32 $0xFFFFE700  }
0x4d: {  	_ =	swait.ge [sflag:s17], $0x1900  }
0x4e: {  	[sflag:s17] =	ssyncset.done $0x0  }
0x4f: {  	[sflag:s17] =	ssyncadd.s32 $0xFFFFE700  }
0x50: {  	[spmem:s1] =	stream.indirect.scatter.add.f32 [tilespmem:s15], [sflag:$0x3], $0x50, s19, s13, $0xb8;
	[tilespmem:$0x19190] =	vst v63  }
0x51: {  	_ =	swait.ge [sflag:s10], $0x1900  }
0x52: {  	[sflag:s10] =	ssyncset.done $0x0  }
0x53: {  	[sflag:s10] =	ssyncadd.s32 $0xFFFFE700  }
0x54: {  	[bflag:$0x0] =	sbarrier.arrive $0xFFFF  }
0x55: {  	[hbm:s7], [sflag:s20] =	dma.local [spmem:s21], $0x1860  }
0x56: {  	s23 =	sadd.s32 $0x1, s23;
	_ =	swait.ge [sflag:s10], $0x1860  }
0x57: {  	p2 =	sne.s32 s23, s9;
	[sflag:s10] =	ssyncset.done $0x0  }
.Ltmp1:
0x58: {  	s24 =	simm.s32 @!p1 $0x3;
	[sflag:s10] =	ssyncadd.s32 $0xFFFFE7A0;
	(pc) =	sbr.rel @p2 .LBB2_1-.Ltmp1, $4  }
0x59: {  	[hbm:s8], [sflag:s20] =	dma.local @!p1 [spmem:s22], $0xA0  }
0x5a: {  	_ =	swait.ge @!p1 [sflag:s24], $0xA0  }
0x5b: {  	[sflag:s24] =	ssyncset.done @!p1 $0x0  }
0x5c: {  	[sflag:s24] =	ssyncadd.s32 @!p1 $0xFFFFFF60  }
0x5d: {  	_ =	sfence.sel $0x180000  }
0x5e: {  	[bflag:$0x0] =	sbarrier.arrive $0xFFFF  }
0x5f: {  	_ =	strace $0x9000005C  }
0x60: {  	s0 =	sadd.s32 @!p0 $0x100000, s0;
	[bflag:$0x2] =	sbarrier.arrive $0xFFFF  }
0x61: {  	[sflag:s0] =	ssyncadd.tile.s32 @!p0 $0x1;
	_ =	shalt  }
.Lfunc_end2:
_tile_overlayer_lowered:
.L_overlay_start_2:
0x62: {  	(tag) =	ssettag $0x2  }
0x63: {  	s0 =	rddreg [dreg:$0x0];
	s2 =	stileid.u32  }
0x64: {  	s1 =	rddreg [dreg:$0x1];
	p0 =	sne.s32 s2, $0x0  }
0x65: {  	s3 =	rddreg [dreg:$0x2];
	[bflag:$0x3] =	sbarrier.arrive $0xFFFF;
	s2 =	simm.s32 @!p0 $0x1C03  }
0x66: {  	[timem:s3], [sflag:s2] =	dma.local @!p0 [hbm:s0], s1  }
0x67: {  	s0 =	simm.s32 @!p0 $0x3  }
0x68: {  	_ =	swait.ge @!p0 [sflag:s0], s1  }
0x69: {  	s1 =	ssub.s32 @!p0 $0x0, s1;
	[sflag:s0] =	ssyncset.done @!p0 $0x0  }
0x6a: {  	[sflag:s0] =	ssyncadd.s32 @!p0 s1  }
0x6b: {  	[bflag:$0x3] =	sbarrier.arrive $0xFFFF  }
0x6c: {  	_ =	shalt  }

</sc_bundles>
